<compile_context>
chip_gen: v7x
topology: tpu7x:2x2x1
jax: 0.10.2.dev20260603
libtpu: 0.0.44.dev20260713+nightly
codegen_flags: <defaults>
</compile_context>

<pallas_src>
import functools

import jax
import jax.numpy as jnp
from jax import lax
from jax.experimental import pallas as pl
from jax.experimental.pallas import tpu as pltpu, tpu_sc as plsc

N_NODE = 10000
NPAD = 10240
T_HIS = 12
ST = 32
NPASS = 3
W = 4 * ST
E_TOT = 160000
NC, NS = 2, 16
HALF = NPAD // NC
ACC_ROWS = HALF + 8
CHUNK = 128
NCHUNK = 80
EPT = CHUNK * NCHUNK
E_PAD = EPT * NS
RPT = HALF // NS
BN = 512


def _stage1_call(xT, w1fl, b1, a1T, relT, gselfT):
    cin = xT.shape[2]
    with_self = gselfT is not None
    grid = NPAD // BN

    def body(*refs):
        if with_self:
            x_ref, w_ref, b_ref, a_ref, r_ref, g_ref, m_ref, s_ref = refs
        else:
            x_ref, w_ref, b_ref, a_ref, r_ref, m_ref = refs
        x = x_ref[...]
        w = w_ref[...]
        b = b_ref[...]
        aT = a_ref[...]
        rT = r_ref[...]
        z = jnp.zeros((BN, ST), jnp.float32)
        ms, ss = [], []
        for t in range(10):
            xw = jnp.concatenate([x[:, t, :], x[:, t + 1, :], x[:, t + 2, :]],
                                 axis=-1)
            y = jnp.dot(xw, w, preferred_element_type=jnp.float32) + b
            p, q = y[:, :ST], y[:, ST:]
            xa = jnp.dot(x[:, t + 2, :], aT, preferred_element_type=jnp.float32)
            h = (p + xa) * jax.nn.sigmoid(q)
            ms.append(jnp.dot(h, rT, preferred_element_type=jnp.float32))
            if with_self:
                ss.append(jnp.dot(h, g_ref[...],
                                  preferred_element_type=jnp.float32))
        ms += [z, z]
        ss += [z, z]
        for pp in range(NPASS):
            m_ref[:, pp, :] = jnp.concatenate(ms[4 * pp:4 * pp + 4], axis=-1)
            if with_self:
                s_ref[pp, :, :] = jnp.concatenate(ss[4 * pp:4 * pp + 4],
                                                  axis=-1)

    full = lambda *s: pl.BlockSpec(s, lambda i: (0,) * len(s))
    in_specs = [
        pl.BlockSpec((BN, T_HIS, cin), lambda i: (i, 0, 0)),
        full(3 * cin, 2 * ST),
        full(1, 2 * ST),
        full(cin, ST),
        full(ST, ST),
    ]
    out_specs = [pl.BlockSpec((BN, NPASS, W), lambda i: (i, 0, 0))]
    out_shape = [jax.ShapeDtypeStruct((NPAD, NPASS, W), jnp.float32)]
    args = [xT, w1fl, b1, a1T, relT]
    if with_self:
        in_specs.append(full(ST, ST))
        out_specs.append(pl.BlockSpec((NPASS, BN, W), lambda i: (0, i, 0)))
        out_shape.append(jax.ShapeDtypeStruct((NPASS, NPAD, W), jnp.float32))
        args.append(gselfT)
    out = pl.pallas_call(
        body, grid=(grid,), in_specs=in_specs, out_specs=out_specs,
        out_shape=out_shape)(*args)
    return out if with_self else (out[0], None)


def _sc_aggregate(mm3, ma3, ss, src_sr, dst_sr, src_rr, dst_rr):
    mesh = plsc.VectorSubcoreMesh(core_axis_name="c", subcore_axis_name="s",
                                  num_cores=NC, num_subcores=NS)

    @functools.partial(
        pl.kernel,
        out_type=jax.ShapeDtypeStruct((NPASS, NPAD, W), jnp.float32),
        mesh=mesh,
        scratch_types=[
            pltpu.VMEM((2, NCHUNK + 1, CHUNK), jnp.int32),
            pltpu.VMEM((2, NCHUNK, CHUNK), jnp.int32),
            pltpu.VMEM((CHUNK, W), jnp.float32),
            pltpu.VMEM((CHUNK, W), jnp.float32),
            pltpu.VMEM_SHARED((ACC_ROWS, W), jnp.float32),
            pltpu.SemaphoreType.DMA,
            pltpu.SemaphoreType.DMA,
            pltpu.SemaphoreType.DMA,
            pltpu.SemaphoreType.DMA,
        ],
    )
    def k(mm_hbm, ma_hbm, ss_hbm, ssr_hbm, dsr_hbm, srr_hbm, drr_hbm, out_hbm,
          gi, dloc, rows0, rows1, acc, semg0, semg1, sems0, sems1):
        cid = lax.axis_index("c")
        sid = lax.axis_index("s")
        base = sid * RPT
        zed = jnp.zeros((16,), jnp.int32)

        for r, (s_hbm, d_hbm) in enumerate(((ssr_hbm, dsr_hbm),
                                            (srr_hbm, drr_hbm))):
            pltpu.sync_copy(s_hbm.at[sid], gi.at[r, pl.ds(0, NCHUNK)])
            pltpu.sync_copy(d_hbm.at[sid], dloc.at[r])

            def prep(i, _, r=r):
                for g in range(CHUNK // 16):
                    sl = pl.ds(g * 16, 16)
                    gi[r, i, sl] = gi[r, i, sl] * 3
                    dl = dloc[r, i, sl] - cid * HALF
                    ok = (dl >= 0) & (dl < HALF)
                    dloc[r, i, sl] = jnp.where(ok, dl, HALF)
                return 0

            lax.fori_loop(0, NCHUNK, prep, 0)
            for g in range(CHUNK // 16):
                gi[r, NCHUNK, pl.ds(g * 16, 16)] = zed

        for p in range(NPASS):
            if p > 0:
                def bump(i, _):
                    for r in range(2):
                        for g in range(CHUNK // 16):
                            sl = pl.ds(g * 16, 16)
                            gi[r, i, sl] = gi[r, i, sl] + 1
                    return 0

                lax.fori_loop(0, NCHUNK, bump, 0)
            pltpu.sync_copy(ss_hbm.at[p, pl.ds(cid * HALF + base, RPT)],
                            acc.at[pl.ds(base, RPT)])
            plsc.subcore_barrier()
            for r, tab in enumerate((mm_hbm, ma_hbm)):
                pltpu.async_copy(tab.at[gi.at[r, 0]], rows0, semg0)

                def body2(j, _, r=r, tab=tab):
                    i0 = 2 * j
                    pltpu.async_copy(tab.at[gi.at[r, i0 + 1]], rows1, semg1)
                    pltpu.make_async_copy(tab.at[gi.at[r, i0]], rows0,
                                          semg0).wait()
                    pltpu.async_copy(rows0, acc.at[dloc.at[r, i0]], sems0,
                                     add=True).wait()
                    pltpu.async_copy(tab.at[gi.at[r, i0 + 2]], rows0, semg0)
                    pltpu.make_async_copy(tab.at[gi.at[r, i0 + 1]], rows1,
                                          semg1).wait()
                    pltpu.async_copy(rows1, acc.at[dloc.at[r, i0 + 1]], sems1,
                                     add=True).wait()
                    return 0

                lax.fori_loop(0, NCHUNK // 2, body2, 0)
                pltpu.make_async_copy(tab.at[gi.at[r, NCHUNK]], rows0,
                                      semg0).wait()
            plsc.subcore_barrier()
            pltpu.sync_copy(acc.at[pl.ds(base, RPT)],
                            out_hbm.at[p, pl.ds(cid * HALF + base, RPT)])
            if p + 1 < NPASS:
                plsc.subcore_barrier()

    return k(mm3, ma3, ss, src_sr, dst_sr, src_rr, dst_rr)


def _stage2_call(agg3, w2fl, b2, a2T, lng, lnb, twT, tb, taT, lng2, lnb2,
                 f1T, f1b, f2T, f2b):
    grid = NPAD // BN

    def body(ag_ref, w2_ref, b2_ref, a2_ref, g_ref, bt_ref, tw_ref, tb_ref,
             ta_ref, g2_ref, bt2_ref, f1_ref, f1b_ref, f2_ref, f2b_ref, o_ref):
        ags = []
        for pp in range(NPASS):
            blkp = jnp.maximum(ag_ref[pp], 0.0)
            for j in range(4):
                ags.append(blkp[:, j * ST:(j + 1) * ST])
        w2 = w2_ref[...]
        hs = []
        for t in range(8):
            xw = jnp.concatenate([ags[t], ags[t + 1], ags[t + 2]], axis=-1)
            y = jnp.dot(xw, w2, preferred_element_type=jnp.float32) + b2_ref[...]
            p, q = y[:, :ST], y[:, ST:]
            xa = jnp.dot(ags[t + 2], a2_ref[...],
                         preferred_element_type=jnp.float32)
            h = (p + xa) * jax.nn.sigmoid(q)
            mu = jnp.mean(h, axis=-1, keepdims=True)
            var = jnp.mean((h - mu) ** 2, axis=-1, keepdims=True)
            hs.append((h - mu) * lax.rsqrt(var + 1e-5) * g_ref[...]
                      + bt_ref[...])
        acc = tb_ref[...] + jnp.zeros((BN, 256), jnp.float32)
        for t in range(8):
            acc = acc + jnp.dot(hs[t], tw_ref[t],
                                preferred_element_type=jnp.float32)
        p, q = acc[:, :128], acc[:, 128:]
        xa = jnp.dot(hs[7], ta_ref[...], preferred_element_type=jnp.float32)
        z = (p + xa) * jax.nn.sigmoid(q)
        mu = jnp.mean(z, axis=-1, keepdims=True)
        var = jnp.mean((z - mu) ** 2, axis=-1, keepdims=True)
        z = (z - mu) * lax.rsqrt(var + 1e-5) * g2_ref[...] + bt2_ref[...]
        z = jnp.maximum(
            jnp.dot(z, f1_ref[...], preferred_element_type=jnp.float32)
            + f1b_ref[...], 0.0)
        o_ref[...] = (jnp.dot(z, f2_ref[...], preferred_element_type=jnp.float32)
                      + f2b_ref[...])

    full = lambda *s: pl.BlockSpec(s, lambda i: (0,) * len(s))
    return pl.pallas_call(
        body,
        grid=(grid,),
        in_specs=[
            pl.BlockSpec((NPASS, BN, W), lambda i: (0, i, 0)),
            full(3 * ST, 2 * ST), full(1, 2 * ST), full(ST, ST),
            full(1, ST), full(1, ST),
            full(8, ST, 256), full(1, 256), full(ST, 128),
            full(1, 128), full(1, 128),
            full(128, 128), full(1, 128), full(128, 8), full(1, 8),
        ],
        out_specs=pl.BlockSpec((BN, 8), lambda i: (i, 0)),
        out_shape=jax.ShapeDtypeStruct((NPAD, 8), jnp.float32),
    )(agg3, w2fl, b2, a2T, lng, lnb, twT, tb, taT, lng2, lnb2, f1T, f1b,
      f2T, f2b)


def _node_major(x, npad):
    xt = jnp.transpose(x[0], (2, 1, 0))
    return jnp.pad(xt, ((0, npad - xt.shape[0]), (0, 0), (0, 0)))


def _conv_flat(w):
    return jnp.transpose(w[..., 0], (2, 1, 0)).reshape(-1, w.shape[0])


def _pad_edges(ei):
    src = jnp.pad(ei[0], (0, E_PAD - E_TOT), constant_values=0)
    dst = jnp.pad(ei[1], (0, E_PAD - E_TOT), constant_values=1 << 20)
    return (src.reshape(NS, NCHUNK, CHUNK), dst.reshape(NS, NCHUNK, CHUNK))


def kernel(x_room, x_sensor, edge_index_sr, edge_index_rr, params):
    blk = params["blocks"][0]
    po = params["out"]
    br, bs = blk["room"], blk["sensor"]

    xr = _node_major(x_room, NPAD)
    xs = _node_major(x_sensor, NPAD)

    m_adj, s_self = _stage1_call(
        xr, _conv_flat(br["t1_w"]), br["t1_b"].reshape(1, -1),
        br["t1_align"].T, blk["rel"]["adjacent"].T, br["g_self"].T)
    m_meas, _ = _stage1_call(
        xs, _conv_flat(bs["t1_w"]), bs["t1_b"].reshape(1, -1),
        bs["t1_align"].T, blk["rel"]["measures"].T, None)

    ssr, dsr = _pad_edges(edge_index_sr)
    srr, drr = _pad_edges(edge_index_rr)
    agg3 = _sc_aggregate(
        m_meas.reshape(NPASS * NPAD, W), m_adj.reshape(NPASS * NPAD, W),
        s_self, ssr, dsr, srr, drr)

    f2T = jnp.zeros((128, 8), jnp.float32).at[:, :3].set(po["fc2_w"].T)
    f2b = jnp.zeros((1, 8), jnp.float32).at[:, :3].set(po["fc2_b"][None, :])
    out = _stage2_call(
        agg3,
        _conv_flat(br["t2_w"]), br["t2_b"].reshape(1, -1), br["t2_align"].T,
        br["ln_g"].reshape(1, -1), br["ln_b"].reshape(1, -1),
        jnp.transpose(po["t_w"][..., 0], (2, 1, 0)),
        po["t_b"].reshape(1, -1), po["t_align"].T,
        po["ln_g"].reshape(1, -1), po["ln_b"].reshape(1, -1),
        po["fc1_w"].T, po["fc1_b"].reshape(1, -1), f2T, f2b)

    y = out[:N_NODE, :3]
    return jnp.transpose(y, (1, 0))[None, :, :]

# --- scband reference (transcript-rebuilt; emitter-appended) ---
"""Pipeline reference for scband-heterogeneous-stgcn-71451075936968 (READ-ONLY COPY).

The authoritative reference and input builder live on the scoring server;
editing this copy changes nothing except your own understanding.
"""

import jax, jax.numpy as jnp
import numpy as np

B = 1
N_ROOM = 10000
N_SENSOR = 10000
E = 160000
N_HIS = 12
KT = 3
ST_MAIN = 32
OUT_CH = 128
H_OUT = 3
FEAT = {"room": 8, "sensor": 4}
KO = N_HIS - (KT - 1) * 2 * 1


def _p(key, shape):
    return jax.random.normal(key, shape, dtype=jnp.float32) * 0.05


def setup_inputs(seed: int = 0):
    key = jax.random.key(seed)
    k = iter(list(jax.random.split(key, 64)))
    x_room = jax.random.normal(next(k), (B, FEAT["room"], N_HIS, N_ROOM), dtype=jnp.float32)
    x_sensor = jax.random.normal(next(k), (B, FEAT["sensor"], N_HIS, N_SENSOR), dtype=jnp.float32)
    ei_sr = jnp.stack([jax.random.randint(next(k), (E,), 0, N_SENSOR, dtype=jnp.int32),
                       jax.random.randint(next(k), (E,), 0, N_ROOM, dtype=jnp.int32)])
    ei_rr = jax.random.randint(next(k), (2, E), 0, N_ROOM, dtype=jnp.int32)
    blk = {}
    cin = dict(FEAT)
    for nt in ("room", "sensor"):
        blk[nt] = {
            "t1_w": _p(next(k), (2 * ST_MAIN, cin[nt], KT, 1)),
            "t1_b": jnp.zeros((2 * ST_MAIN,), jnp.float32),
            "t1_align": _p(next(k), (ST_MAIN, cin[nt])),
            "g_self": _p(next(k), (ST_MAIN, ST_MAIN)),
            "t2_w": _p(next(k), (2 * ST_MAIN, ST_MAIN, KT, 1)),
            "t2_b": jnp.zeros((2 * ST_MAIN,), jnp.float32),
            "t2_align": _p(next(k), (ST_MAIN, ST_MAIN)),
            "ln_g": jnp.ones((ST_MAIN,), jnp.float32),
            "ln_b": jnp.zeros((ST_MAIN,), jnp.float32),
        }
    blk["rel"] = {"measures": _p(next(k), (ST_MAIN, ST_MAIN)),
                  "adjacent": _p(next(k), (ST_MAIN, ST_MAIN))}
    out = {"t_w": _p(next(k), (2 * OUT_CH, ST_MAIN, KO, 1)),
           "t_b": jnp.zeros((2 * OUT_CH,), jnp.float32),
           "t_align": _p(next(k), (OUT_CH, ST_MAIN)),
           "ln_g": jnp.ones((OUT_CH,), jnp.float32),
           "ln_b": jnp.zeros((OUT_CH,), jnp.float32),
           "fc1_w": _p(next(k), (OUT_CH, OUT_CH)),
           "fc1_b": jnp.zeros((OUT_CH,), jnp.float32),
           "fc2_w": _p(next(k), (H_OUT, OUT_CH)),
           "fc2_b": jnp.zeros((H_OUT,), jnp.float32)}
    params = {"blocks": [blk], "out": out}
    return {"x_room": x_room, "x_sensor": x_sensor,
            "edge_index_sr": ei_sr, "edge_index_rr": ei_rr, "params": params}


def _tconv_glu(x, w, b, align):
    c_out = w.shape[0] // 2
    kt = w.shape[2]
    y = jax.lax.conv_general_dilated(x, w, (1, 1), "VALID",
                                     dimension_numbers=("NCHW", "OIHW", "NCHW"))
    y = y + b[None, :, None, None]
    xa = jnp.einsum("oc,bctn->botn", align, x)[:, :, kt - 1:, :]
    p, q = y[:, :c_out], y[:, c_out:]
    return (p + xa) * jax.nn.sigmoid(q)


def _layernorm_c(x, g, bt):
    mu = jnp.mean(x, axis=1, keepdims=True)
    var = jnp.var(x, axis=1, keepdims=True)
    return (x - mu) / jnp.sqrt(var + 1e-5) * g[None, :, None, None] + bt[None, :, None, None]


def _forward(x_room, x_sensor, params, ei_sr, ei_rr):
    x = {"room": x_room, "sensor": x_sensor}
    rels = {"measures": ("sensor", "room", ei_sr), "adjacent": ("room", "room", ei_rr)}
    for blk in params["blocks"]:
        h = {nt: _tconv_glu(x[nt], blk[nt]["t1_w"], blk[nt]["t1_b"], blk[nt]["t1_align"]) for nt in x}
        agg = {nt: jnp.einsum("oc,bctn->botn", blk[nt]["g_self"], h[nt]) for nt in h}
        for rel in ("measures", "adjacent"):
            src, dst, ei = rels[rel]
            m = jnp.einsum("oc,bctn->botn", blk["rel"][rel], h[src])
            agg[dst] = agg[dst].at[:, :, :, ei[1]].add(m[:, :, :, ei[0]])
        h = {nt: jax.nn.relu(agg[nt]) for nt in agg}
        h = {nt: _tconv_glu(h[nt], blk[nt]["t2_w"], blk[nt]["t2_b"], blk[nt]["t2_align"]) for nt in h}
        x = {nt: _layernorm_c(h[nt], blk[nt]["ln_g"], blk[nt]["ln_b"]) for nt in h}
    xr = x["room"]
    b, c, t, n = xr.shape
    xr = jnp.transpose(xr, (0, 3, 1, 2)).reshape(b * n, c, t, 1)
    po = params["out"]
    y = _tconv_glu(xr, po["t_w"], po["t_b"], po["t_align"])
    y = _layernorm_c(y, po["ln_g"], po["ln_b"])
    y = jnp.einsum("oc,bctn->botn", po["fc1_w"], y) + po["fc1_b"][None, :, None, None]
    y = jax.nn.relu(y)
    y = jnp.einsum("oc,bctn->botn", po["fc2_w"], y) + po["fc2_b"][None, :, None, None]
    return jnp.transpose(y[:, :, 0, 0].reshape(b, n, y.shape[1]), (0, 2, 1))


def reference(x_room, x_sensor, edge_index_sr, edge_index_rr, params):
    return _forward(x_room, x_sensor, params, edge_index_sr, edge_index_rr)

if __name__ == "__main__":
    import jax
    _d = setup_inputs()
    print(jax.jit(kernel)(*tuple(_d.values())))

</pallas_src>

<mosaic_0001>
#map = affine_map<(d0, d1) -> (0, 0)>
#map1 = affine_map<(d0, d1) -> (0, 0, 0)>
module attributes {stable_mosaic.version = 14 : i64} {
  func.func @k(%arg0: i32, %arg1: i32, %arg2: memref<30720x128xf32, #tpu.memory_space<hbm>>, %arg3: memref<30720x128xf32, #tpu.memory_space<hbm>>, %arg4: memref<3x10240x128xf32, #tpu.memory_space<hbm>>, %arg5: memref<16x80x128xi32, #tpu.memory_space<hbm>>, %arg6: memref<16x80x128xi32, #tpu.memory_space<hbm>>, %arg7: memref<16x80x128xi32, #tpu.memory_space<hbm>>, %arg8: memref<16x80x128xi32, #tpu.memory_space<hbm>>, %arg9: memref<3x10240x128xf32, #tpu.memory_space<hbm>>, %arg10: memref<2x81x128xi32, #tpu.memory_space<vmem>>, %arg11: memref<2x80x128xi32, #tpu.memory_space<vmem>>, %arg12: memref<128x128xf32, #tpu.memory_space<vmem>>, %arg13: memref<128x128xf32, #tpu.memory_space<vmem>>, %arg14: memref<5128x128xf32, #tpu.memory_space<vmem_shared>>, %arg15: memref<!tpu.dma_semaphore, #tpu.memory_space<semaphore_mem>>, %arg16: memref<!tpu.dma_semaphore, #tpu.memory_space<semaphore_mem>>, %arg17: memref<!tpu.dma_semaphore, #tpu.memory_space<semaphore_mem>>, %arg18: memref<!tpu.dma_semaphore, #tpu.memory_space<semaphore_mem>>) attributes {dimension_semantics = [#tpu.dimension_semantics<core_parallel>, #tpu.dimension_semantics<subcore_parallel>], iteration_bounds = array<i64: 2, 16>, scalar_prefetch = 0 : i64, scratch_operands = 9 : i64, tpu.core_type = #tpu.core_type<sc_vector_subcore>, window_params = [{transform_indices = #map}, {transform_indices = #map}, {transform_indices = #map1}, {transform_indices = #map1}, {transform_indices = #map1}, {transform_indices = #map1}, {transform_indices = #map1}, {transform_indices = #map1}]} {
    %mul3A = arith.constant 320 : i32
    %mul3A_0 = arith.muli %arg1, %mul3A : i32
    %broadcast_in_dim3A = arith.constant 0 : i32
    %broadcast_in_dim3A_1 = vector.broadcast %broadcast_in_dim3A : i32 to vector<16xi32>
    %run_scoped3A = arith.constant 0 : i32
    "tpu.region"() ({
      %run_scoped3A_325 = tpu.sem_alloc : memref<!tpu.dma_semaphore, #tpu.memory_space<semaphore_mem>>
      %dma_start3A_326 = arith.constant 0 : i32
      %dma_start3A_327 = arith.constant 0 : i32
      %dma_start3A_328 = tpu.memref_slice %arg10[%run_scoped3A, %dma_start3A_326, %dma_start3A_327] : memref<2x81x128xi32, #tpu.memory_space<vmem>> -> memref<1x80x128xi32, #tpu.memory_space<vmem>>
      %dma_start3A_329 = tpu.memref_squeeze %dma_start3A_328 : memref<1x80x128xi32, #tpu.memory_space<vmem>> -> memref<80x128xi32, #tpu.memory_space<vmem>>
      %dma_start3A_330 = arith.constant 0 : i32
      %dma_start3A_331 = arith.constant 0 : i32
      %dma_start3A_332 = tpu.memref_slice %arg5[%arg1, %dma_start3A_330, %dma_start3A_331] : memref<16x80x128xi32, #tpu.memory_space<hbm>> -> memref<1x80x128xi32, #tpu.memory_space<hbm>>
      %dma_start3A_333 = tpu.memref_squeeze %dma_start3A_332 : memref<1x80x128xi32, #tpu.memory_space<hbm>> -> memref<80x128xi32, #tpu.memory_space<hbm>>
      %dma_start3A_334 = arith.constant 0 : i32
      %dma_start3A_335 = arith.constant 0 : i32
      %dma_start3A_336 = tpu.memref_slice %arg10[%run_scoped3A, %dma_start3A_334, %dma_start3A_335] : memref<2x81x128xi32, #tpu.memory_space<vmem>> -> memref<1x80x128xi32, #tpu.memory_space<vmem>>
      %dma_start3A_337 = tpu.memref_squeeze %dma_start3A_336 : memref<1x80x128xi32, #tpu.memory_space<vmem>> -> memref<80x128xi32, #tpu.memory_space<vmem>>
      %dma_start3A_338 = arith.constant 0 : i32
      %dma_start3A_339 = arith.constant 0 : i32
      %dma_start3A_340 = tpu.memref_slice %arg5[%arg1, %dma_start3A_338, %dma_start3A_339] : memref<16x80x128xi32, #tpu.memory_space<hbm>> -> memref<1x80x128xi32, #tpu.memory_space<hbm>>
      %dma_start3A_341 = tpu.memref_squeeze %dma_start3A_340 : memref<1x80x128xi32, #tpu.memory_space<hbm>> -> memref<80x128xi32, #tpu.memory_space<hbm>>
      tpu.enqueue_dma source(%dma_start3A_341 : memref<80x128xi32, #tpu.memory_space<hbm>>) target(%dma_start3A_337 : memref<80x128xi32, #tpu.memory_space<vmem>>) target_semaphore(%run_scoped3A_325 : memref<!tpu.dma_semaphore, #tpu.memory_space<semaphore_mem>>)
      %dma_wait3A_342 = arith.constant 0 : i32
      %dma_wait3A_343 = arith.constant 0 : i32
      %dma_wait3A_344 = tpu.memref_slice %arg10[%run_scoped3A, %dma_wait3A_342, %dma_wait3A_343] : memref<2x81x128xi32, #tpu.memory_space<vmem>> -> memref<1x80x128xi32, #tpu.memory_space<vmem>>
      %dma_wait3A_345 = tpu.memref_squeeze %dma_wait3A_344 : memref<1x80x128xi32, #tpu.memory_space<vmem>> -> memref<80x128xi32, #tpu.memory_space<vmem>>
      %dma_wait3A_346 = arith.constant 0 : i32
      %dma_wait3A_347 = arith.constant 0 : i32
      %dma_wait3A_348 = tpu.memref_slice %arg5[%arg1, %dma_wait3A_346, %dma_wait3A_347] : memref<16x80x128xi32, #tpu.memory_space<hbm>> -> memref<1x80x128xi32, #tpu.memory_space<hbm>>
      %dma_wait3A_349 = tpu.memref_squeeze %dma_wait3A_348 : memref<1x80x128xi32, #tpu.memory_space<hbm>> -> memref<80x128xi32, #tpu.memory_space<hbm>>
      %dma_wait3A_350 = arith.constant 0 : i32
      %dma_wait3A_351 = arith.constant 0 : i32
      %dma_wait3A_352 = tpu.memref_slice %arg10[%run_scoped3A, %dma_wait3A_350, %dma_wait3A_351] : memref<2x81x128xi32, #tpu.memory_space<vmem>> -> memref<1x80x128xi32, #tpu.memory_space<vmem>>
      %dma_wait3A_353 = tpu.memref_squeeze %dma_wait3A_352 : memref<1x80x128xi32, #tpu.memory_space<vmem>> -> memref<80x128xi32, #tpu.memory_space<vmem>>
      %dma_wait3A_354 = arith.constant 0 : i32
      %dma_wait3A_355 = arith.constant 0 : i32
      %dma_wait3A_356 = tpu.memref_slice %arg5[%arg1, %dma_wait3A_354, %dma_wait3A_355] : memref<16x80x128xi32, #tpu.memory_space<hbm>> -> memref<1x80x128xi32, #tpu.memory_space<hbm>>
      %dma_wait3A_357 = tpu.memref_squeeze %dma_wait3A_356 : memref<1x80x128xi32, #tpu.memory_space<hbm>> -> memref<80x128xi32, #tpu.memory_space<hbm>>
      tpu.wait_dma2 semaphore(%run_scoped3A_325 : memref<!tpu.dma_semaphore, #tpu.memory_space<semaphore_mem>>) src(%dma_wait3A_357 : memref<80x128xi32, #tpu.memory_space<hbm>>) dst(%dma_wait3A_353 : memref<80x128xi32, #tpu.memory_space<vmem>>)
      tpu.yield
    }) : () -> ()
    %run_scoped3A_2 = arith.constant 0 : i32
    "tpu.region"() ({
      %run_scoped3A_325 = tpu.sem_alloc : memref<!tpu.dma_semaphore, #tpu.memory_space<semaphore_mem>>
      %dma_start3A_326 = arith.constant 0 : i32
      %dma_start3A_327 = arith.constant 0 : i32
      %dma_start3A_328 = tpu.memref_slice %arg11[%run_scoped3A_2, %dma_start3A_326, %dma_start3A_327] : memref<2x80x128xi32, #tpu.memory_space<vmem>> -> memref<1x80x128xi32, #tpu.memory_space<vmem>>
      %dma_start3A_329 = tpu.memref_squeeze %dma_start3A_328 : memref<1x80x128xi32, #tpu.memory_space<vmem>> -> memref<80x128xi32, #tpu.memory_space<vmem>>
      %dma_start3A_330 = arith.constant 0 : i32
      %dma_start3A_331 = arith.constant 0 : i32
      %dma_start3A_332 = tpu.memref_slice %arg6[%arg1, %dma_start3A_330, %dma_start3A_331] : memref<16x80x128xi32, #tpu.memory_space<hbm>> -> memref<1x80x128xi32, #tpu.memory_space<hbm>>
      %dma_start3A_333 = tpu.memref_squeeze %dma_start3A_332 : memref<1x80x128xi32, #tpu.memory_space<hbm>> -> memref<80x128xi32, #tpu.memory_space<hbm>>
      %dma_start3A_334 = arith.constant 0 : i32
      %dma_start3A_335 = arith.constant 0 : i32
      %dma_start3A_336 = tpu.memref_slice %arg11[%run_scoped3A_2, %dma_start3A_334, %dma_start3A_335] : memref<2x80x128xi32, #tpu.memory_space<vmem>> -> memref<1x80x128xi32, #tpu.memory_space<vmem>>
      %dma_start3A_337 = tpu.memref_squeeze %dma_start3A_336 : memref<1x80x128xi32, #tpu.memory_space<vmem>> -> memref<80x128xi32, #tpu.memory_space<vmem>>
      %dma_start3A_338 = arith.constant 0 : i32
      %dma_start3A_339 = arith.constant 0 : i32
      %dma_start3A_340 = tpu.memref_slice %arg6[%arg1, %dma_start3A_338, %dma_start3A_339] : memref<16x80x128xi32, #tpu.memory_space<hbm>> -> memref<1x80x128xi32, #tpu.memory_space<hbm>>
      %dma_start3A_341 = tpu.memref_squeeze %dma_start3A_340 : memref<1x80x128xi32, #tpu.memory_space<hbm>> -> memref<80x128xi32, #tpu.memory_space<hbm>>
      tpu.enqueue_dma source(%dma_start3A_341 : memref<80x128xi32, #tpu.memory_space<hbm>>) target(%dma_start3A_337 : memref<80x128xi32, #tpu.memory_space<vmem>>) target_semaphore(%run_scoped3A_325 : memref<!tpu.dma_semaphore, #tpu.memory_space<semaphore_mem>>)
      %dma_wait3A_342 = arith.constant 0 : i32
      %dma_wait3A_343 = arith.constant 0 : i32
      %dma_wait3A_344 = tpu.memref_slice %arg11[%run_scoped3A_2, %dma_wait3A_342, %dma_wait3A_343] : memref<2x80x128xi32, #tpu.memory_space<vmem>> -> memref<1x80x128xi32, #tpu.memory_space<vmem>>
      %dma_wait3A_345 = tpu.memref_squeeze %dma_wait3A_344 : memref<1x80x128xi32, #tpu.memory_space<vmem>> -> memref<80x128xi32, #tpu.memory_space<vmem>>
      %dma_wait3A_346 = arith.constant 0 : i32
      %dma_wait3A_347 = arith.constant 0 : i32
      %dma_wait3A_348 = tpu.memref_slice %arg6[%arg1, %dma_wait3A_346, %dma_wait3A_347] : memref<16x80x128xi32, #tpu.memory_space<hbm>> -> memref<1x80x128xi32, #tpu.memory_space<hbm>>
      %dma_wait3A_349 = tpu.memref_squeeze %dma_wait3A_348 : memref<1x80x128xi32, #tpu.memory_space<hbm>> -> memref<80x128xi32, #tpu.memory_space<hbm>>
      %dma_wait3A_350 = arith.constant 0 : i32
      %dma_wait3A_351 = arith.constant 0 : i32
      %dma_wait3A_352 = tpu.memref_slice %arg11[%run_scoped3A_2, %dma_wait3A_350, %dma_wait3A_351] : memref<2x80x128xi32, #tpu.memory_space<vmem>> -> memref<1x80x128xi32, #tpu.memory_space<vmem>>
      %dma_wait3A_353 = tpu.memref_squeeze %dma_wait3A_352 : memref<1x80x128xi32, #tpu.memory_space<vmem>> -> memref<80x128xi32, #tpu.memory_space<vmem>>
      %dma_wait3A_354 = arith.constant 0 : i32
      %dma_wait3A_355 = arith.constant 0 : i32
      %dma_wait3A_356 = tpu.memref_slice %arg6[%arg1, %dma_wait3A_354, %dma_wait3A_355] : memref<16x80x128xi32, #tpu.memory_space<hbm>> -> memref<1x80x128xi32, #tpu.memory_space<hbm>>
      %dma_wait3A_357 = tpu.memref_squeeze %dma_wait3A_356 : memref<1x80x128xi32, #tpu.memory_space<hbm>> -> memref<80x128xi32, #tpu.memory_space<hbm>>
      tpu.wait_dma2 semaphore(%run_scoped3A_325 : memref<!tpu.dma_semaphore, #tpu.memory_space<semaphore_mem>>) src(%dma_wait3A_357 : memref<80x128xi32, #tpu.memory_space<hbm>>) dst(%dma_wait3A_353 : memref<80x128xi32, #tpu.memory_space<vmem>>)
      tpu.yield
    }) : () -> ()
    %scan3A = arith.constant 0 : i32
    %scan3A_3 = arith.constant 0 : i32
    %scan3A_4 = arith.constant 80 : i32
    %scan3A_5 = arith.addi %scan3A_3, %scan3A_4 : i32
    %scan3A_6 = arith.constant 1 : i32
    %scan3A_7 = scf.for %scan3A_325 = %scan3A_3 to %scan3A_5 step %scan3A_6 iter_args(%scan3A_326 = %scan3A) -> (i32)  : i32 {
      %get3A = arith.constant 0 : i32
      %get3A_327 = arith.index_cast %get3A : i32 to index
      %get3A_328 = arith.index_cast %scan3A_325 : i32 to index
      %get3A_329 = arith.constant 0 : index
      %get3A_330 = tpu.vector_load %arg10[%get3A_327, %get3A_328, %get3A_329] {strides = array<i32>} : memref<2x81x128xi32, #tpu.memory_space<vmem>>, vector<1x1x16xi32>,
      %get3A_331 = vector.shape_cast %get3A_330 : vector<1x1x16xi32> to vector<16xi32>
      %mul3A_332 = arith.constant 3 : i32
      %mul3A_333 = vector.broadcast %mul3A_332 : i32 to vector<16xi32>
      %mul3A_334 = arith.muli %get3A_331, %mul3A_333 : vector<16xi32>
      %swap3A_335 = arith.constant 0 : i32
      %swap3A_336 = arith.index_cast %swap3A_335 : i32 to index
      %swap3A_337 = arith.index_cast %scan3A_325 : i32 to index
      %swap3A_338 = arith.constant 0 : index
      %swap3A_339 = tpu.vector_load %arg10[%swap3A_336, %swap3A_337, %swap3A_338] {strides = array<i32>} : memref<2x81x128xi32, #tpu.memory_space<vmem>>, vector<1x1x16xi32>,
      %swap3A_340 = vector.shape_cast %swap3A_339 : vector<1x1x16xi32> to vector<16xi32>
      %swap3A_341 = vector.shape_cast %mul3A_334 : vector<16xi32> to vector<1x1x16xi32>
      tpu.vector_store %arg10[%swap3A_336, %swap3A_337, %swap3A_338], %swap3A_341 {strides = array<i32>} : memref<2x81x128xi32, #tpu.memory_space<vmem>>, vector<1x1x16xi32>,
      %get3A_342 = arith.constant 0 : i32
      %get3A_343 = arith.index_cast %get3A_342 : i32 to index
      %get3A_344 = arith.index_cast %scan3A_325 : i32 to index
      %get3A_345 = arith.constant 0 : index
      %get3A_346 = tpu.vector_load %arg11[%get3A_343, %get3A_344, %get3A_345] {strides = array<i32>} : memref<2x80x128xi32, #tpu.memory_space<vmem>>, vector<1x1x16xi32>,
      %get3A_347 = vector.shape_cast %get3A_346 : vector<1x1x16xi32> to vector<16xi32>
      %mul3A_348 = arith.constant 5120 : i32
      %mul3A_349 = arith.muli %arg0, %mul3A_348 : i32
      %sub3A = vector.broadcast %mul3A_349 : i32 to vector<16xi32>
      %sub3A_350 = arith.subi %get3A_347, %sub3A : vector<16xi32>
      %ge3A = arith.constant 0 : i32
      %ge3A_351 = vector.broadcast %ge3A : i32 to vector<16xi32>
      %ge3A_352 = arith.cmpi sge, %sub3A_350, %ge3A_351 : vector<16xi32>
      %lt3A = arith.constant 5120 : i32
      %lt3A_353 = vector.broadcast %lt3A : i32 to vector<16xi32>
      %lt3A_354 = arith.cmpi slt, %sub3A_350, %lt3A_353 : vector<16xi32>
      %and3A = arith.andi %ge3A_352, %lt3A_354 : vector<16xi1>
      %jit3A = arith.constant 5120 : i32
      %broadcast_in_dim3A_355 = vector.broadcast %jit3A : i32 to vector<16xi32>
      %select_n3A = arith.select %and3A, %sub3A_350, %broadcast_in_dim3A_355 : vector<16xi1>, vector<16xi32>
      %swap3A_356 = arith.constant 0 : i32
      %swap3A_357 = arith.index_cast %swap3A_356 : i32 to index
      %swap3A_358 = arith.index_cast %scan3A_325 : i32 to index
      %swap3A_359 = arith.constant 0 : index
      %swap3A_360 = tpu.vector_load %arg11[%swap3A_357, %swap3A_358, %swap3A_359] {strides = array<i32>} : memref<2x80x128xi32, #tpu.memory_space<vmem>>, vector<1x1x16xi32>,
      %swap3A_361 = vector.shape_cast %swap3A_360 : vector<1x1x16xi32> to vector<16xi32>
      %swap3A_362 = vector.shape_cast %select_n3A : vector<16xi32> to vector<1x1x16xi32>
      tpu.vector_store %arg11[%swap3A_357, %swap3A_358, %swap3A_359], %swap3A_362 {strides = array<i32>} : memref<2x80x128xi32, #tpu.memory_space<vmem>>, vector<1x1x16xi32>,
      %get3A_363 = arith.constant 0 : i32
      %get3A_364 = arith.index_cast %get3A_363 : i32 to index
      %get3A_365 = arith.index_cast %scan3A_325 : i32 to index
      %get3A_366 = arith.constant 16 : index
      %get3A_367 = tpu.vector_load %arg10[%get3A_364, %get3A_365, %get3A_366] {strides = array<i32>} : memref<2x81x128xi32, #tpu.memory_space<vmem>>, vector<1x1x16xi32>,
      %get3A_368 = vector.shape_cast %get3A_367 : vector<1x1x16xi32> to vector<16xi32>
      %mul3A_369 = arith.constant 3 : i32
      %mul3A_370 = vector.broadcast %mul3A_369 : i32 to vector<16xi32>
      %mul3A_371 = arith.muli %get3A_368, %mul3A_370 : vector<16xi32>
      %swap3A_372 = arith.constant 0 : i32
      %swap3A_373 = arith.index_cast %swap3A_372 : i32 to index
      %swap3A_374 = arith.index_cast %scan3A_325 : i32 to index
      %swap3A_375 = arith.constant 16 : index
      %swap3A_376 = tpu.vector_load %arg10[%swap3A_373, %swap3A_374, %swap3A_375] {strides = array<i32>} : memref<2x81x128xi32, #tpu.memory_space<vmem>>, vector<1x1x16xi32>,
      %swap3A_377 = vector.shape_cast %swap3A_376 : vector<1x1x16xi32> to vector<16xi32>
      %swap3A_378 = vector.shape_cast %mul3A_371 : vector<16xi32> to vector<1x1x16xi32>
      tpu.vector_store %arg10[%swap3A_373, %swap3A_374, %swap3A_375], %swap3A_378 {strides = array<i32>} : memref<2x81x128xi32, #tpu.memory_space<vmem>>, vector<1x1x16xi32>,
      %get3A_379 = arith.constant 0 : i32
      %get3A_380 = arith.index_cast %get3A_379 : i32 to index
      %get3A_381 = arith.index_cast %scan3A_325 : i32 to index
      %get3A_382 = arith.constant 16 : index
      %get3A_383 = tpu.vector_load %arg11[%get3A_380, %get3A_381, %get3A_382] {strides = array<i32>} : memref<2x80x128xi32, #tpu.memory_space<vmem>>, vector<1x1x16xi32>,
      %get3A_384 = vector.shape_cast %get3A_383 : vector<1x1x16xi32> to vector<16xi32>
      %mul3A_385 = arith.constant 5120 : i32
      %mul3A_386 = arith.muli %arg0, %mul3A_385 : i32
      %sub3A_387 = vector.broadcast %mul3A_386 : i32 to vector<16xi32>
      %sub3A_388 = arith.subi %get3A_384, %sub3A_387 : vector<16xi32>
      %ge3A_389 = arith.constant 0 : i32
      %ge3A_390 = vector.broadcast %ge3A_389 : i32 to vector<16xi32>
      %ge3A_391 = arith.cmpi sge, %sub3A_388, %ge3A_390 : vector<16xi32>
      %lt3A_392 = arith.constant 5120 : i32
      %lt3A_393 = vector.broadcast %lt3A_392 : i32 to vector<16xi32>
      %lt3A_394 = arith.cmpi slt, %sub3A_388, %lt3A_393 : vector<16xi32>
      %and3A_395 = arith.andi %ge3A_391, %lt3A_394 : vector<16xi1>
      %jit3A_396 = arith.constant 5120 : i32
      %broadcast_in_dim3A_397 = vector.broadcast %jit3A_396 : i32 to vector<16xi32>
      %select_n3A_398 = arith.select %and3A_395, %sub3A_388, %broadcast_in_dim3A_397 : vector<16xi1>, vector<16xi32>
      %swap3A_399 = arith.constant 0 : i32
      %swap3A_400 = arith.index_cast %swap3A_399 : i32 to index
      %swap3A_401 = arith.index_cast %scan3A_325 : i32 to index
      %swap3A_402 = arith.constant 16 : index
      %swap3A_403 = tpu.vector_load %arg11[%swap3A_400, %swap3A_401, %swap3A_402] {strides = array<i32>} : memref<2x80x128xi32, #tpu.memory_space<vmem>>, vector<1x1x16xi32>,
      %swap3A_404 = vector.shape_cast %swap3A_403 : vector<1x1x16xi32> to vector<16xi32>
      %swap3A_405 = vector.shape_cast %select_n3A_398 : vector<16xi32> to vector<1x1x16xi32>
      tpu.vector_store %arg11[%swap3A_400, %swap3A_401, %swap3A_402], %swap3A_405 {strides = array<i32>} : memref<2x80x128xi32, #tpu.memory_space<vmem>>, vector<1x1x16xi32>,
      %get3A_406 = arith.constant 0 : i32
      %get3A_407 = arith.index_cast %get3A_406 : i32 to index
      %get3A_408 = arith.index_cast %scan3A_325 : i32 to index
      %get3A_409 = arith.constant 32 : index
      %get3A_410 = tpu.vector_load %arg10[%get3A_407, %get3A_408, %get3A_409] {strides = array<i32>} : memref<2x81x128xi32, #tpu.memory_space<vmem>>, vector<1x1x16xi32>,
      %get3A_411 = vector.shape_cast %get3A_410 : vector<1x1x16xi32> to vector<16xi32>
      %mul3A_412 = arith.constant 3 : i32
      %mul3A_413 = vector.broadcast %mul3A_412 : i32 to vector<16xi32>
      %mul3A_414 = arith.muli %get3A_411, %mul3A_413 : vector<16xi32>
      %swap3A_415 = arith.constant 0 : i32
      %swap3A_416 = arith.index_cast %swap3A_415 : i32 to index
      %swap3A_417 = arith.index_cast %scan3A_325 : i32 to index
      %swap3A_418 = arith.constant 32 : index
      %swap3A_419 = tpu.vector_load %arg10[%swap3A_416, %swap3A_417, %swap3A_418] {strides = array<i32>} : memref<2x81x128xi32, #tpu.memory_space<vmem>>, vector<1x1x16xi32>,
      %swap3A_420 = vector.shape_cast %swap3A_419 : vector<1x1x16xi32> to vector<16xi32>
      %swap3A_421 = vector.shape_cast %mul3A_414 : vector<16xi32> to vector<1x1x16xi32>
      tpu.vector_store %arg10[%swap3A_416, %swap3A_417, %swap3A_418], %swap3A_421 {strides = array<i32>} : memref<2x81x128xi32, #tpu.memory_space<vmem>>, vector<1x1x16xi32>,
      %get3A_422 = arith.constant 0 : i32
      %get3A_423 = arith.index_cast %get3A_422 : i32 to index
      %get3A_424 = arith.index_cast %scan3A_325 : i32 to index
      %get3A_425 = arith.constant 32 : index
      %get3A_426 = tpu.vector_load %arg11[%get3A_423, %get3A_424, %get3A_425] {strides = array<i32>} : memref<2x80x128xi32, #tpu.memory_space<vmem>>, vector<1x1x16xi32>,
      %get3A_427 = vector.shape_cast %get3A_426 : vector<1x1x16xi32> to vector<16xi32>
      %mul3A_428 = arith.constant 5120 : i32
      %mul3A_429 = arith.muli %arg0, %mul3A_428 : i32
      %sub3A_430 = vector.broadcast %mul3A_429 : i32 to vector<16xi32>
      %sub3A_431 = arith.subi %get3A_427, %sub3A_430 : vector<16xi32>
      %ge3A_432 = arith.constant 0 : i32
      %ge3A_433 = vector.broadcast %ge3A_432 : i32 to vector<16xi32>
      %ge3A_434 = arith.cmpi sge, %sub3A_431, %ge3A_433 : vector<16xi32>
      %lt3A_435 = arith.constant 5120 : i32
      %lt3A_436 = vector.broadcast %lt3A_435 : i32 to vector<16xi32>
      %lt3A_437 = arith.cmpi slt, %sub3A_431, %lt3A_436 : vector<16xi32>
      %and3A_438 = arith.andi %ge3A_434, %lt3A_437 : vector<16xi1>
      %jit3A_439 = arith.constant 5120 : i32
      %broadcast_in_dim3A_440 = vector.broadcast %jit3A_439 : i32 to vector<16xi32>
      %select_n3A_441 = arith.select %and3A_438, %sub3A_431, %broadcast_in_dim3A_440 : vector<16xi1>, vector<16xi32>
      %swap3A_442 = arith.constant 0 : i32
      %swap3A_443 = arith.index_cast %swap3A_442 : i32 to index
      %swap3A_444 = arith.index_cast %scan3A_325 : i32 to index
      %swap3A_445 = arith.constant 32 : index
      %swap3A_446 = tpu.vector_load %arg11[%swap3A_443, %swap3A_444, %swap3A_445] {strides = array<i32>} : memref<2x80x128xi32, #tpu.memory_space<vmem>>, vector<1x1x16xi32>,
      %swap3A_447 = vector.shape_cast %swap3A_446 : vector<1x1x16xi32> to vector<16xi32>
      %swap3A_448 = vector.shape_cast %select_n3A_441 : vector<16xi32> to vector<1x1x16xi32>
      tpu.vector_store %arg11[%swap3A_443, %swap3A_444, %swap3A_445], %swap3A_448 {strides = array<i32>} : memref<2x80x128xi32, #tpu.memory_space<vmem>>, vector<1x1x16xi32>,
      %get3A_449 = arith.constant 0 : i32
      %get3A_450 = arith.index_cast %get3A_449 : i32 to index
      %get3A_451 = arith.index_cast %scan3A_325 : i32 to index
      %get3A_452 = arith.constant 48 : index
      %get3A_453 = tpu.vector_load %arg10[%get3A_450, %get3A_451, %get3A_452] {strides = array<i32>} : memref<2x81x128xi32, #tpu.memory_space<vmem>>, vector<1x1x16xi32>,
      %get3A_454 = vector.shape_cast %get3A_453 : vector<1x1x16xi32> to vector<16xi32>
      %mul3A_455 = arith.constant 3 : i32
      %mul3A_456 = vector.broadcast %mul3A_455 : i32 to vector<16xi32>
      %mul3A_457 = arith.muli %get3A_454, %mul3A_456 : vector<16xi32>
      %swap3A_458 = arith.constant 0 : i32
      %swap3A_459 = arith.index_cast %swap3A_458 : i32 to index
      %swap3A_460 = arith.index_cast %scan3A_325 : i32 to index
      %swap3A_461 = arith.constant 48 : index
      %swap3A_462 = tpu.vector_load %arg10[%swap3A_459, %swap3A_460, %swap3A_461] {strides = array<i32>} : memref<2x81x128xi32, #tpu.memory_space<vmem>>, vector<1x1x16xi32>,
      %swap3A_463 = vector.shape_cast %swap3A_462 : vector<1x1x16xi32> to vector<16xi32>
      %swap3A_464 = vector.shape_cast %mul3A_457 : vector<16xi32> to vector<1x1x16xi32>
      tpu.vector_store %arg10[%swap3A_459, %swap3A_460, %swap3A_461], %swap3A_464 {strides = array<i32>} : memref<2x81x128xi32, #tpu.memory_space<vmem>>, vector<1x1x16xi32>,
      %get3A_465 = arith.constant 0 : i32
      %get3A_466 = arith.index_cast %get3A_465 : i32 to index
      %get3A_467 = arith.index_cast %scan3A_325 : i32 to index
      %get3A_468 = arith.constant 48 : index
      %get3A_469 = tpu.vector_load %arg11[%get3A_466, %get3A_467, %get3A_468] {strides = array<i32>} : memref<2x80x128xi32, #tpu.memory_space<vmem>>, vector<1x1x16xi32>,
      %get3A_470 = vector.shape_cast %get3A_469 : vector<1x1x16xi32> to vector<16xi32>
      %mul3A_471 = arith.constant 5120 : i32
      %mul3A_472 = arith.muli %arg0, %mul3A_471 : i32
      %sub3A_473 = vector.broadcast %mul3A_472 : i32 to vector<16xi32>
      %sub3A_474 = arith.subi %get3A_470, %sub3A_473 : vector<16xi32>
      %ge3A_475 = arith.constant 0 : i32
      %ge3A_476 = vector.broadcast %ge3A_475 : i32 to vector<16xi32>
      %ge3A_477 = arith.cmpi sge, %sub3A_474, %ge3A_476 : vector<16xi32>
      %lt3A_478 = arith.constant 5120 : i32
      %lt3A_479 = vector.broadcast %lt3A_478 : i32 to vector<16xi32>
      %lt3A_480 = arith.cmpi slt, %sub3A_474, %lt3A_479 : vector<16xi32>
      %and3A_481 = arith.andi %ge3A_477, %lt3A_480 : vector<16xi1>
      %jit3A_482 = arith.constant 5120 : i32
      %broadcast_in_dim3A_483 = vector.broadcast %jit3A_482 : i32 to vector<16xi32>
      %select_n3A_484 = arith.select %and3A_481, %sub3A_474, %broadcast_in_dim3A_483 : vector<16xi1>, vector<16xi32>
      %swap3A_485 = arith.constant 0 : i32
      %swap3A_486 = arith.index_cast %swap3A_485 : i32 to index
      %swap3A_487 = arith.index_cast %scan3A_325 : i32 to index
      %swap3A_488 = arith.constant 48 : index
      %swap3A_489 = tpu.vector_load %arg11[%swap3A_486, %swap3A_487, %swap3A_488] {strides = array<i32>} : memref<2x80x128xi32, #tpu.memory_space<vmem>>, vector<1x1x16xi32>,
      %swap3A_490 = vector.shape_cast %swap3A_489 : vector<1x1x16xi32> to vector<16xi32>
      %swap3A_491 = vector.shape_cast %select_n3A_484 : vector<16xi32> to vector<1x1x16xi32>
      tpu.vector_store %arg11[%swap3A_486, %swap3A_487, %swap3A_488], %swap3A_491 {strides = array<i32>} : memref<2x80x128xi32, #tpu.memory_space<vmem>>, vector<1x1x16xi32>,
      %get3A_492 = arith.constant 0 : i32
      %get3A_493 = arith.index_cast %get3A_492 : i32 to index
      %get3A_494 = arith.index_cast %scan3A_325 : i32 to index
      %get3A_495 = arith.constant 64 : index
      %get3A_496 = tpu.vector_load %arg10[%get3A_493, %get3A_494, %get3A_495] {strides = array<i32>} : memref<2x81x128xi32, #tpu.memory_space<vmem>>, vector<1x1x16xi32>,
      %get3A_497 = vector.shape_cast %get3A_496 : vector<1x1x16xi32> to vector<16xi32>
      %mul3A_498 = arith.constant 3 : i32
      %mul3A_499 = vector.broadcast %mul3A_498 : i32 to vector<16xi32>
      %mul3A_500 = arith.muli %get3A_497, %mul3A_499 : vector<16xi32>
      %swap3A_501 = arith.constant 0 : i32
      %swap3A_502 = arith.index_cast %swap3A_501 : i32 to index
      %swap3A_503 = arith.index_cast %scan3A_325 : i32 to index
      %swap3A_504 = arith.constant 64 : index
      %swap3A_505 = tpu.vector_load %arg10[%swap3A_502, %swap3A_503, %swap3A_504] {strides = array<i32>} : memref<2x81x128xi32, #tpu.memory_space<vmem>>, vector<1x1x16xi32>,
      %swap3A_506 = vector.shape_cast %swap3A_505 : vector<1x1x16xi32> to vector<16xi32>
      %swap3A_507 = vector.shape_cast %mul3A_500 : vector<16xi32> to vector<1x1x16xi32>
      tpu.vector_store %arg10[%swap3A_502, %swap3A_503, %swap3A_504], %swap3A_507 {strides = array<i32>} : memref<2x81x128xi32, #tpu.memory_space<vmem>>, vector<1x1x16xi32>,
      %get3A_508 = arith.constant 0 : i32
      %get3A_509 = arith.index_cast %get3A_508 : i32 to index
      %get3A_510 = arith.index_cast %scan3A_325 : i32 to index
      %get3A_511 = arith.constant 64 : index
      %get3A_512 = tpu.vector_load %arg11[%get3A_509, %get3A_510, %get3A_511] {strides = array<i32>} : memref<2x80x128xi32, #tpu.memory_space<vmem>>, vector<1x1x16xi32>,
      %get3A_513 = vector.shape_cast %get3A_512 : vector<1x1x16xi32> to vector<16xi32>
      %mul3A_514 = arith.constant 5120 : i32
      %mul3A_515 = arith.muli %arg0, %mul3A_514 : i32
      %sub3A_516 = vector.broadcast %mul3A_515 : i32 to vector<16xi32>
      %sub3A_517 = arith.subi %get3A_513, %sub3A_516 : vector<16xi32>
      %ge3A_518 = arith.constant 0 : i32
      %ge3A_519 = vector.broadcast %ge3A_518 : i32 to vector<16xi32>
      %ge3A_520 = arith.cmpi sge, %sub3A_517, %ge3A_519 : vector<16xi32>
      %lt3A_521 = arith.constant 5120 : i32
      %lt3A_522 = vector.broadcast %lt3A_521 : i32 to vector<16xi32>
      %lt3A_523 = arith.cmpi slt, %sub3A_517, %lt3A_522 : vector<16xi32>
      %and3A_524 = arith.andi %ge3A_520, %lt3A_523 : vector<16xi1>
      %jit3A_525 = arith.constant 5120 : i32
      %broadcast_in_dim3A_526 = vector.broadcast %jit3A_525 : i32 to vector<16xi32>
      %select_n3A_527 = arith.select %and3A_524, %sub3A_517, %broadcast_in_dim3A_526 : vector<16xi1>, vector<16xi32>
      %swap3A_528 = arith.constant 0 : i32
      %swap3A_529 = arith.index_cast %swap3A_528 : i32 to index
      %swap3A_530 = arith.index_cast %scan3A_325 : i32 to index
      %swap3A_531 = arith.constant 64 : index
      %swap3A_532 = tpu.vector_load %arg11[%swap3A_529, %swap3A_530, %swap3A_531] {strides = array<i32>} : memref<2x80x128xi32, #tpu.memory_space<vmem>>, vector<1x1x16xi32>,
      %swap3A_533 = vector.shape_cast %swap3A_532 : vector<1x1x16xi32> to vector<16xi32>
      %swap3A_534 = vector.shape_cast %select_n3A_527 : vector<16xi32> to vector<1x1x16xi32>
      tpu.vector_store %arg11[%swap3A_529, %swap3A_530, %swap3A_531], %swap3A_534 {strides = array<i32>} : memref<2x80x128xi32, #tpu.memory_space<vmem>>, vector<1x1x16xi32>,
      %get3A_535 = arith.constant 0 : i32
      %get3A_536 = arith.index_cast %get3A_535 : i32 to index
      %get3A_537 = arith.index_cast %scan3A_325 : i32 to index
      %get3A_538 = arith.constant 80 : index
      %get3A_539 = tpu.vector_load %arg10[%get3A_536, %get3A_537, %get3A_538] {strides = array<i32>} : memref<2x81x128xi32, #tpu.memory_space<vmem>>, vector<1x1x16xi32>,
      %get3A_540 = vector.shape_cast %get3A_539 : vector<1x1x16xi32> to vector<16xi32>
      %mul3A_541 = arith.constant 3 : i32
      %mul3A_542 = vector.broadcast %mul3A_541 : i32 to vector<16xi32>
      %mul3A_543 = arith.muli %get3A_540, %mul3A_542 : vector<16xi32>
      %swap3A_544 = arith.constant 0 : i32
      %swap3A_545 = arith.index_cast %swap3A_544 : i32 to index
      %swap3A_546 = arith.index_cast %scan3A_325 : i32 to index
      %swap3A_547 = arith.constant 80 : index
      %swap3A_548 = tpu.vector_load %arg10[%swap3A_545, %swap3A_546, %swap3A_547] {strides = array<i32>} : memref<2x81x128xi32, #tpu.memory_space<vmem>>, vector<1x1x16xi32>,
      %swap3A_549 = vector.shape_cast %swap3A_548 : vector<1x1x16xi32> to vector<16xi32>
      %swap3A_550 = vector.shape_cast %mul3A_543 : vector<16xi32> to vector<1x1x16xi32>
      tpu.vector_store %arg10[%swap3A_545, %swap3A_546, %swap3A_547], %swap3A_550 {strides = array<i32>} : memref<2x81x128xi32, #tpu.memory_space<vmem>>, vector<1x1x16xi32>,
      %get3A_551 = arith.constant 0 : i32
      %get3A_552 = arith.index_cast %get3A_551 : i32 to index
      %get3A_553 = arith.index_cast %scan3A_325 : i32 to index
      %get3A_554 = arith.constant 80 : index
      %get3A_555 = tpu.vector_load %arg11[%get3A_552, %get3A_553, %get3A_554] {strides = array<i32>} : memref<2x80x128xi32, #tpu.memory_space<vmem>>, vector<1x1x16xi32>,
      %get3A_556 = vector.shape_cast %get3A_555 : vector<1x1x16xi32> to vector<16xi32>
      %mul3A_557 = arith.constant 5120 : i32
      %mul3A_558 = arith.muli %arg0, %mul3A_557 : i32
      %sub3A_559 = vector.broadcast %mul3A_558 : i32 to vector<16xi32>
      %sub3A_560 = arith.subi %get3A_556, %sub3A_559 : vector<16xi32>
      %ge3A_561 = arith.constant 0 : i32
      %ge3A_562 = vector.broadcast %ge3A_561 : i32 to vector<16xi32>
      %ge3A_563 = arith.cmpi sge, %sub3A_560, %ge3A_562 : vector<16xi32>
      %lt3A_564 = arith.constant 5120 : i32
      %lt3A_565 = vector.broadcast %lt3A_564 : i32 to vector<16xi32>
      %lt3A_566 = arith.cmpi slt, %sub3A_560, %lt3A_565 : vector<16xi32>
      %and3A_567 = arith.andi %ge3A_563, %lt3A_566 : vector<16xi1>
      %jit3A_568 = arith.constant 5120 : i32
      %broadcast_in_dim3A_569 = vector.broadcast %jit3A_568 : i32 to vector<16xi32>
      %select_n3A_570 = arith.select %and3A_567, %sub3A_560, %broadcast_in_dim3A_569 : vector<16xi1>, vector<16xi32>
      %swap3A_571 = arith.constant 0 : i32
      %swap3A_572 = arith.index_cast %swap3A_571 : i32 to index
      %swap3A_573 = arith.index_cast %scan3A_325 : i32 to index
      %swap3A_574 = arith.constant 80 : index
      %swap3A_575 = tpu.vector_load %arg11[%swap3A_572, %swap3A_573, %swap3A_574] {strides = array<i32>} : memref<2x80x128xi32, #tpu.memory_space<vmem>>, vector<1x1x16xi32>,
      %swap3A_576 = vector.shape_cast %swap3A_575 : vector<1x1x16xi32> to vector<16xi32>
      %swap3A_577 = vector.shape_cast %select_n3A_570 : vector<16xi32> to vector<1x1x16xi32>
      tpu.vector_store %arg11[%swap3A_572, %swap3A_573, %swap3A_574], %swap3A_577 {strides = array<i32>} : memref<2x80x128xi32, #tpu.memory_space<vmem>>, vector<1x1x16xi32>,
      %get3A_578 = arith.constant 0 : i32
      %get3A_579 = arith.index_cast %get3A_578 : i32 to index
      %get3A_580 = arith.index_cast %scan3A_325 : i32 to index
      %get3A_581 = arith.constant 96 : index
      %get3A_582 = tpu.vector_load %arg10[%get3A_579, %get3A_580, %get3A_581] {strides = array<i32>} : memref<2x81x128xi32, #tpu.memory_space<vmem>>, vector<1x1x16xi32>,
      %get3A_583 = vector.shape_cast %get3A_582 : vector<1x1x16xi32> to vector<16xi32>
      %mul3A_584 = arith.constant 3 : i32
      %mul3A_585 = vector.broadcast %mul3A_584 : i32 to vector<16xi32>
      %mul3A_586 = arith.muli %get3A_583, %mul3A_585 : vector<16xi32>
      %swap3A_587 = arith.constant 0 : i32
      %swap3A_588 = arith.index_cast %swap3A_587 : i32 to index
      %swap3A_589 = arith.index_cast %scan3A_325 : i32 to index
      %swap3A_590 = arith.constant 96 : index
      %swap3A_591 = tpu.vector_load %arg10[%swap3A_588, %swap3A_589, %swap3A_590] {strides = array<i32>} : memref<2x81x128xi32, #tpu.memory_space<vmem>>, vector<1x1x16xi32>,
      %swap3A_592 = vector.shape_cast %swap3A_591 : vector<1x1x16xi32> to vector<16xi32>
      %swap3A_593 = vector.shape_cast %mul3A_586 : vector<16xi32> to vector<1x1x16xi32>
      tpu.vector_store %arg10[%swap3A_588, %swap3A_589, %swap3A_590], %swap3A_593 {strides = array<i32>} : memref<2x81x128xi32, #tpu.memory_space<vmem>>, vector<1x1x16xi32>,
      %get3A_594 = arith.constant 0 : i32
      %get3A_595 = arith.index_cast %get3A_594 : i32 to index
      %get3A_596 = arith.index_cast %scan3A_325 : i32 to index
      %get3A_597 = arith.constant 96 : index
      %get3A_598 = tpu.vector_load %arg11[%get3A_595, %get3A_596, %get3A_597] {strides = array<i32>} : memref<2x80x128xi32, #tpu.memory_space<vmem>>, vector<1x1x16xi32>,
      %get3A_599 = vector.shape_cast %get3A_598 : vector<1x1x16xi32> to vector<16xi32>
      %mul3A_600 = arith.constant 5120 : i32
      %mul3A_601 = arith.muli %arg0, %mul3A_600 : i32
      %sub3A_602 = vector.broadcast %mul3A_601 : i32 to vector<16xi32>
      %sub3A_603 = arith.subi %get3A_599, %sub3A_602 : vector<16xi32>
      %ge3A_604 = arith.constant 0 : i32
      %ge3A_605 = vector.broadcast %ge3A_604 : i32 to vector<16xi32>
      %ge3A_606 = arith.cmpi sge, %sub3A_603, %ge3A_605 : vector<16xi32>
      %lt3A_607 = arith.constant 5120 : i32
      %lt3A_608 = vector.broadcast %lt3A_607 : i32 to vector<16xi32>
      %lt3A_609 = arith.cmpi slt, %sub3A_603, %lt3A_608 : vector<16xi32>
      %and3A_610 = arith.andi %ge3A_606, %lt3A_609 : vector<16xi1>
      %jit3A_611 = arith.constant 5120 : i32
      %broadcast_in_dim3A_612 = vector.broadcast %jit3A_611 : i32 to vector<16xi32>
      %select_n3A_613 = arith.select %and3A_610, %sub3A_603, %broadcast_in_dim3A_612 : vector<16xi1>, vector<16xi32>
      %swap3A_614 = arith.constant 0 : i32
      %swap3A_615 = arith.index_cast %swap3A_614 : i32 to index
      %swap3A_616 = arith.index_cast %scan3A_325 : i32 to index
      %swap3A_617 = arith.constant 96 : index
      %swap3A_618 = tpu.vector_load %arg11[%swap3A_615, %swap3A_616, %swap3A_617] {strides = array<i32>} : memref<2x80x128xi32, #tpu.memory_space<vmem>>, vector<1x1x16xi32>,
      %swap3A_619 = vector.shape_cast %swap3A_618 : vector<1x1x16xi32> to vector<16xi32>
      %swap3A_620 = vector.shape_cast %select_n3A_613 : vector<16xi32> to vector<1x1x16xi32>
      tpu.vector_store %arg11[%swap3A_615, %swap3A_616, %swap3A_617], %swap3A_620 {strides = array<i32>} : memref<2x80x128xi32, #tpu.memory_space<vmem>>, vector<1x1x16xi32>,
      %get3A_621 = arith.constant 0 : i32
      %get3A_622 = arith.index_cast %get3A_621 : i32 to index
      %get3A_623 = arith.index_cast %scan3A_325 : i32 to index
      %get3A_624 = arith.constant 112 : index
      %get3A_625 = tpu.vector_load %arg10[%get3A_622, %get3A_623, %get3A_624] {strides = array<i32>} : memref<2x81x128xi32, #tpu.memory_space<vmem>>, vector<1x1x16xi32>,
      %get3A_626 = vector.shape_cast %get3A_625 : vector<1x1x16xi32> to vector<16xi32>
      %mul3A_627 = arith.constant 3 : i32
      %mul3A_628 = vector.broadcast %mul3A_627 : i32 to vector<16xi32>
      %mul3A_629 = arith.muli %get3A_626, %mul3A_628 : vector<16xi32>
      %swap3A_630 = arith.constant 0 : i32
      %swap3A_631 = arith.index_cast %swap3A_630 : i32 to index
      %swap3A_632 = arith.index_cast %scan3A_325 : i32 to index
      %swap3A_633 = arith.constant 112 : index
      %swap3A_634 = tpu.vector_load %arg10[%swap3A_631, %swap3A_632, %swap3A_633] {strides = array<i32>} : memref<2x81x128xi32, #tpu.memory_space<vmem>>, vector<1x1x16xi32>,
      %swap3A_635 = vector.shape_cast %swap3A_634 : vector<1x1x16xi32> to vector<16xi32>
      %swap3A_636 = vector.shape_cast %mul3A_629 : vector<16xi32> to vector<1x1x16xi32>
      tpu.vector_store %arg10[%swap3A_631, %swap3A_632, %swap3A_633], %swap3A_636 {strides = array<i32>} : memref<2x81x128xi32, #tpu.memory_space<vmem>>, vector<1x1x16xi32>,
      %get3A_637 = arith.constant 0 : i32
      %get3A_638 = arith.index_cast %get3A_637 : i32 to index
      %get3A_639 = arith.index_cast %scan3A_325 : i32 to index
      %get3A_640 = arith.constant 112 : index
      %get3A_641 = tpu.vector_load %arg11[%get3A_638, %get3A_639, %get3A_640] {strides = array<i32>} : memref<2x80x128xi32, #tpu.memory_space<vmem>>, vector<1x1x16xi32>,
      %get3A_642 = vector.shape_cast %get3A_641 : vector<1x1x16xi32> to vector<16xi32>
      %mul3A_643 = arith.constant 5120 : i32
      %mul3A_644 = arith.muli %arg0, %mul3A_643 : i32
      %sub3A_645 = vector.broadcast %mul3A_644 : i32 to vector<16xi32>
      %sub3A_646 = arith.subi %get3A_642, %sub3A_645 : vector<16xi32>
      %ge3A_647 = arith.constant 0 : i32
      %ge3A_648 = vector.broadcast %ge3A_647 : i32 to vector<16xi32>
      %ge3A_649 = arith.cmpi sge, %sub3A_646, %ge3A_648 : vector<16xi32>
      %lt3A_650 = arith.constant 5120 : i32
      %lt3A_651 = vector.broadcast %lt3A_650 : i32 to vector<16xi32>
      %lt3A_652 = arith.cmpi slt, %sub3A_646, %lt3A_651 : vector<16xi32>
      %and3A_653 = arith.andi %ge3A_649, %lt3A_652 : vector<16xi1>
      %jit3A_654 = arith.constant 5120 : i32
      %broadcast_in_dim3A_655 = vector.broadcast %jit3A_654 : i32 to vector<16xi32>
      %select_n3A_656 = arith.select %and3A_653, %sub3A_646, %broadcast_in_dim3A_655 : vector<16xi1>, vector<16xi32>
      %swap3A_657 = arith.constant 0 : i32
      %swap3A_658 = arith.index_cast %swap3A_657 : i32 to index
      %swap3A_659 = arith.index_cast %scan3A_325 : i32 to index
      %swap3A_660 = arith.constant 112 : index
      %swap3A_661 = tpu.vector_load %arg11[%swap3A_658, %swap3A_659, %swap3A_660] {strides = array<i32>} : memref<2x80x128xi32, #tpu.memory_space<vmem>>, vector<1x1x16xi32>,
      %swap3A_662 = vector.shape_cast %swap3A_661 : vector<1x1x16xi32> to vector<16xi32>
      %swap3A_663 = vector.shape_cast %select_n3A_656 : vector<16xi32> to vector<1x1x16xi32>
      tpu.vector_store %arg11[%swap3A_658, %swap3A_659, %swap3A_660], %swap3A_663 {strides = array<i32>} : memref<2x80x128xi32, #tpu.memory_space<vmem>>, vector<1x1x16xi32>,
      %scan3A_664 = arith.constant 0 : i32
      scf.yield %scan3A_664 : i32
    }
    %scan3A_8 = arith.constant 80 : i32
    %swap3A = arith.constant 0 : i32
    %swap3A_9 = arith.constant 80 : i32
    %swap3A_10 = arith.index_cast %swap3A : i32 to index
    %swap3A_11 = arith.index_cast %swap3A_9 : i32 to index
    %swap3A_12 = arith.constant 0 : index
    %swap3A_13 = tpu.vector_load %arg10[%swap3A_10, %swap3A_11, %swap3A_12] {strides = array<i32>} : memref<2x81x128xi32, #tpu.memory_space<vmem>>, vector<1x1x16xi32>,
    %swap3A_14 = vector.shape_cast %swap3A_13 : vector<1x1x16xi32> to vector<16xi32>
    %swap3A_15 = vector.shape_cast %broadcast_in_dim3A_1 : vector<16xi32> to vector<1x1x16xi32>
    tpu.vector_store %arg10[%swap3A_10, %swap3A_11, %swap3A_12], %swap3A_15 {strides = array<i32>} : memref<2x81x128xi32, #tpu.memory_space<vmem>>, vector<1x1x16xi32>,
    %swap3A_16 = arith.constant 0 : i32
    %swap3A_17 = arith.constant 80 : i32
    %swap3A_18 = arith.index_cast %swap3A_16 : i32 to index
    %swap3A_19 = arith.index_cast %swap3A_17 : i32 to index
    %swap3A_20 = arith.constant 16 : index
    %swap3A_21 = tpu.vector_load %arg10[%swap3A_18, %swap3A_19, %swap3A_20] {strides = array<i32>} : memref<2x81x128xi32, #tpu.memory_space<vmem>>, vector<1x1x16xi32>,
    %swap3A_22 = vector.shape_cast %swap3A_21 : vector<1x1x16xi32> to vector<16xi32>
    %swap3A_23 = vector.shape_cast %broadcast_in_dim3A_1 : vector<16xi32> to vector<1x1x16xi32>
    tpu.vector_store %arg10[%swap3A_18, %swap3A_19, %swap3A_20], %swap3A_23 {strides = array<i32>} : memref<2x81x128xi32, #tpu.memory_space<vmem>>, vector<1x1x16xi32>,
    %swap3A_24 = arith.constant 0 : i32
    %swap3A_25 = arith.constant 80 : i32
    %swap3A_26 = arith.index_cast %swap3A_24 : i32 to index
    %swap3A_27 = arith.index_cast %swap3A_25 : i32 to index
    %swap3A_28 = arith.constant 32 : index
    %swap3A_29 = tpu.vector_load %arg10[%swap3A_26, %swap3A_27, %swap3A_28] {strides = array<i32>} : memref<2x81x128xi32, #tpu.memory_space<vmem>>, vector<1x1x16xi32>,
    %swap3A_30 = vector.shape_cast %swap3A_29 : vector<1x1x16xi32> to vector<16xi32>
    %swap3A_31 = vector.shape_cast %broadcast_in_dim3A_1 : vector<16xi32> to vector<1x1x16xi32>
    tpu.vector_store %arg10[%swap3A_26, %swap3A_27, %swap3A_28], %swap3A_31 {strides = array<i32>} : memref<2x81x128xi32, #tpu.memory_space<vmem>>, vector<1x1x16xi32>,
    %swap3A_32 = arith.constant 0 : i32
    %swap3A_33 = arith.constant 80 : i32
    %swap3A_34 = arith.index_cast %swap3A_32 : i32 to index
    %swap3A_35 = arith.index_cast %swap3A_33 : i32 to index
    %swap3A_36 = arith.constant 48 : index
    %swap3A_37 = tpu.vector_load %arg10[%swap3A_34, %swap3A_35, %swap3A_36] {strides = array<i32>} : memref<2x81x128xi32, #tpu.memory_space<vmem>>, vector<1x1x16xi32>,
    %swap3A_38 = vector.shape_cast %swap3A_37 : vector<1x1x16xi32> to vector<16xi32>
    %swap3A_39 = vector.shape_cast %broadcast_in_dim3A_1 : vector<16xi32> to vector<1x1x16xi32>
    tpu.vector_store %arg10[%swap3A_34, %swap3A_35, %swap3A_36], %swap3A_39 {strides = array<i32>} : memref<2x81x128xi32, #tpu.memory_space<vmem>>, vector<1x1x16xi32>,
    %swap3A_40 = arith.constant 0 : i32
    %swap3A_41 = arith.constant 80 : i32
    %swap3A_42 = arith.index_cast %swap3A_40 : i32 to index
    %swap3A_43 = arith.index_cast %swap3A_41 : i32 to index
    %swap3A_44 = arith.constant 64 : index
    %swap3A_45 = tpu.vector_load %arg10[%swap3A_42, %swap3A_43, %swap3A_44] {strides = array<i32>} : memref<2x81x128xi32, #tpu.memory_space<vmem>>, vector<1x1x16xi32>,
    %swap3A_46 = vector.shape_cast %swap3A_45 : vector<1x1x16xi32> to vector<16xi32>
    %swap3A_47 = vector.shape_cast %broadcast_in_dim3A_1 : vector<16xi32> to vector<1x1x16xi32>
    tpu.vector_store %arg10[%swap3A_42, %swap3A_43, %swap3A_44], %swap3A_47 {strides = array<i32>} : memref<2x81x128xi32, #tpu.memory_space<vmem>>, vector<1x1x16xi32>,
    %swap3A_48 = arith.constant 0 : i32
    %swap3A_49 = arith.constant 80 : i32
    %swap3A_50 = arith.index_cast %swap3A_48 : i32 to index
    %swap3A_51 = arith.index_cast %swap3A_49 : i32 to index
    %swap3A_52 = arith.constant 80 : index
    %swap3A_53 = tpu.vector_load %arg10[%swap3A_50, %swap3A_51, %swap3A_52] {strides = array<i32>} : memref<2x81x128xi32, #tpu.memory_space<vmem>>, vector<1x1x16xi32>,
    %swap3A_54 = vector.shape_cast %swap3A_53 : vector<1x1x16xi32> to vector<16xi32>
    %swap3A_55 = vector.shape_cast %broadcast_in_dim3A_1 : vector<16xi32> to vector<1x1x16xi32>
    tpu.vector_store %arg10[%swap3A_50, %swap3A_51, %swap3A_52], %swap3A_55 {strides = array<i32>} : memref<2x81x128xi32, #tpu.memory_space<vmem>>, vector<1x1x16xi32>,
    %swap3A_56 = arith.constant 0 : i32
    %swap3A_57 = arith.constant 80 : i32
    %swap3A_58 = arith.index_cast %swap3A_56 : i32 to index
    %swap3A_59 = arith.index_cast %swap3A_57 : i32 to index
    %swap3A_60 = arith.constant 96 : index
    %swap3A_61 = tpu.vector_load %arg10[%swap3A_58, %swap3A_59, %swap3A_60] {strides = array<i32>} : memref<2x81x128xi32, #tpu.memory_space<vmem>>, vector<1x1x16xi32>,
    %swap3A_62 = vector.shape_cast %swap3A_61 : vector<1x1x16xi32> to vector<16xi32>
    %swap3A_63 = vector.shape_cast %broadcast_in_dim3A_1 : vector<16xi32> to vector<1x1x16xi32>
    tpu.vector_store %arg10[%swap3A_58, %swap3A_59, %swap3A_60], %swap3A_63 {strides = array<i32>} : memref<2x81x128xi32, #tpu.memory_space<vmem>>, vector<1x1x16xi32>,
    %swap3A_64 = arith.constant 0 : i32
    %swap3A_65 = arith.constant 80 : i32
    %swap3A_66 = arith.index_cast %swap3A_64 : i32 to index
    %swap3A_67 = arith.index_cast %swap3A_65 : i32 to index
    %swap3A_68 = arith.constant 112 : index
    %swap3A_69 = tpu.vector_load %arg10[%swap3A_66, %swap3A_67, %swap3A_68] {strides = array<i32>} : memref<2x81x128xi32, #tpu.memory_space<vmem>>, vector<1x1x16xi32>,
    %swap3A_70 = vector.shape_cast %swap3A_69 : vector<1x1x16xi32> to vector<16xi32>
    %swap3A_71 = vector.shape_cast %broadcast_in_dim3A_1 : vector<16xi32> to vector<1x1x16xi32>
    tpu.vector_store %arg10[%swap3A_66, %swap3A_67, %swap3A_68], %swap3A_71 {strides = array<i32>} : memref<2x81x128xi32, #tpu.memory_space<vmem>>, vector<1x1x16xi32>,
    %run_scoped3A_72 = arith.constant 1 : i32
    "tpu.region"() ({
      %run_scoped3A_325 = tpu.sem_alloc : memref<!tpu.dma_semaphore, #tpu.memory_space<semaphore_mem>>
      %dma_start3A_326 = arith.constant 0 : i32
      %dma_start3A_327 = arith.constant 0 : i32
      %dma_start3A_328 = tpu.memref_slice %arg10[%run_scoped3A_72, %dma_start3A_326, %dma_start3A_327] : memref<2x81x128xi32, #tpu.memory_space<vmem>> -> memref<1x80x128xi32, #tpu.memory_space<vmem>>
      %dma_start3A_329 = tpu.memref_squeeze %dma_start3A_328 : memref<1x80x128xi32, #tpu.memory_space<vmem>> -> memref<80x128xi32, #tpu.memory_space<vmem>>
      %dma_start3A_330 = arith.constant 0 : i32
      %dma_start3A_331 = arith.constant 0 : i32
      %dma_start3A_332 = tpu.memref_slice %arg7[%arg1, %dma_start3A_330, %dma_start3A_331] : memref<16x80x128xi32, #tpu.memory_space<hbm>> -> memref<1x80x128xi32, #tpu.memory_space<hbm>>
      %dma_start3A_333 = tpu.memref_squeeze %dma_start3A_332 : memref<1x80x128xi32, #tpu.memory_space<hbm>> -> memref<80x128xi32, #tpu.memory_space<hbm>>
      %dma_start3A_334 = arith.constant 0 : i32
      %dma_start3A_335 = arith.constant 0 : i32
      %dma_start3A_336 = tpu.memref_slice %arg10[%run_scoped3A_72, %dma_start3A_334, %dma_start3A_335] : memref<2x81x128xi32, #tpu.memory_space<vmem>> -> memref<1x80x128xi32, #tpu.memory_space<vmem>>
      %dma_start3A_337 = tpu.memref_squeeze %dma_start3A_336 : memref<1x80x128xi32, #tpu.memory_space<vmem>> -> memref<80x128xi32, #tpu.memory_space<vmem>>
      %dma_start3A_338 = arith.constant 0 : i32
      %dma_start3A_339 = arith.constant 0 : i32
      %dma_start3A_340 = tpu.memref_slice %arg7[%arg1, %dma_start3A_338, %dma_start3A_339] : memref<16x80x128xi32, #tpu.memory_space<hbm>> -> memref<1x80x128xi32, #tpu.memory_space<hbm>>
      %dma_start3A_341 = tpu.memref_squeeze %dma_start3A_340 : memref<1x80x128xi32, #tpu.memory_space<hbm>> -> memref<80x128xi32, #tpu.memory_space<hbm>>
      tpu.enqueue_dma source(%dma_start3A_341 : memref<80x128xi32, #tpu.memory_space<hbm>>) target(%dma_start3A_337 : memref<80x128xi32, #tpu.memory_space<vmem>>) target_semaphore(%run_scoped3A_325 : memref<!tpu.dma_semaphore, #tpu.memory_space<semaphore_mem>>)
      %dma_wait3A_342 = arith.constant 0 : i32
      %dma_wait3A_343 = arith.constant 0 : i32
      %dma_wait3A_344 = tpu.memref_slice %arg10[%run_scoped3A_72, %dma_wait3A_342, %dma_wait3A_343] : memref<2x81x128xi32, #tpu.memory_space<vmem>> -> memref<1x80x128xi32, #tpu.memory_space<vmem>>
      %dma_wait3A_345 = tpu.memref_squeeze %dma_wait3A_344 : memref<1x80x128xi32, #tpu.memory_space<vmem>> -> memref<80x128xi32, #tpu.memory_space<vmem>>
      %dma_wait3A_346 = arith.constant 0 : i32
      %dma_wait3A_347 = arith.constant 0 : i32
      %dma_wait3A_348 = tpu.memref_slice %arg7[%arg1, %dma_wait3A_346, %dma_wait3A_347] : memref<16x80x128xi32, #tpu.memory_space<hbm>> -> memref<1x80x128xi32, #tpu.memory_space<hbm>>
      %dma_wait3A_349 = tpu.memref_squeeze %dma_wait3A_348 : memref<1x80x128xi32, #tpu.memory_space<hbm>> -> memref<80x128xi32, #tpu.memory_space<hbm>>
      %dma_wait3A_350 = arith.constant 0 : i32
      %dma_wait3A_351 = arith.constant 0 : i32
      %dma_wait3A_352 = tpu.memref_slice %arg10[%run_scoped3A_72, %dma_wait3A_350, %dma_wait3A_351] : memref<2x81x128xi32, #tpu.memory_space<vmem>> -> memref<1x80x128xi32, #tpu.memory_space<vmem>>
      %dma_wait3A_353 = tpu.memref_squeeze %dma_wait3A_352 : memref<1x80x128xi32, #tpu.memory_space<vmem>> -> memref<80x128xi32, #tpu.memory_space<vmem>>
      %dma_wait3A_354 = arith.constant 0 : i32
      %dma_wait3A_355 = arith.constant 0 : i32
      %dma_wait3A_356 = tpu.memref_slice %arg7[%arg1, %dma_wait3A_354, %dma_wait3A_355] : memref<16x80x128xi32, #tpu.memory_space<hbm>> -> memref<1x80x128xi32, #tpu.memory_space<hbm>>
      %dma_wait3A_357 = tpu.memref_squeeze %dma_wait3A_356 : memref<1x80x128xi32, #tpu.memory_space<hbm>> -> memref<80x128xi32, #tpu.memory_space<hbm>>
      tpu.wait_dma2 semaphore(%run_scoped3A_325 : memref<!tpu.dma_semaphore, #tpu.memory_space<semaphore_mem>>) src(%dma_wait3A_357 : memref<80x128xi32, #tpu.memory_space<hbm>>) dst(%dma_wait3A_353 : memref<80x128xi32, #tpu.memory_space<vmem>>)
      tpu.yield
    }) : () -> ()
    %run_scoped3A_73 = arith.constant 1 : i32
    "tpu.region"() ({
      %run_scoped3A_325 = tpu.sem_alloc : memref<!tpu.dma_semaphore, #tpu.memory_space<semaphore_mem>>
      %dma_start3A_326 = arith.constant 0 : i32
      %dma_start3A_327 = arith.constant 0 : i32
      %dma_start3A_328 = tpu.memref_slice %arg11[%run_scoped3A_73, %dma_start3A_326, %dma_start3A_327] : memref<2x80x128xi32, #tpu.memory_space<vmem>> -> memref<1x80x128xi32, #tpu.memory_space<vmem>>
      %dma_start3A_329 = tpu.memref_squeeze %dma_start3A_328 : memref<1x80x128xi32, #tpu.memory_space<vmem>> -> memref<80x128xi32, #tpu.memory_space<vmem>>
      %dma_start3A_330 = arith.constant 0 : i32
      %dma_start3A_331 = arith.constant 0 : i32
      %dma_start3A_332 = tpu.memref_slice %arg8[%arg1, %dma_start3A_330, %dma_start3A_331] : memref<16x80x128xi32, #tpu.memory_space<hbm>> -> memref<1x80x128xi32, #tpu.memory_space<hbm>>
      %dma_start3A_333 = tpu.memref_squeeze %dma_start3A_332 : memref<1x80x128xi32, #tpu.memory_space<hbm>> -> memref<80x128xi32, #tpu.memory_space<hbm>>
      %dma_start3A_334 = arith.constant 0 : i32
      %dma_start3A_335 = arith.constant 0 : i32
      %dma_start3A_336 = tpu.memref_slice %arg11[%run_scoped3A_73, %dma_start3A_334, %dma_start3A_335] : memref<2x80x128xi32, #tpu.memory_space<vmem>> -> memref<1x80x128xi32, #tpu.memory_space<vmem>>
      %dma_start3A_337 = tpu.memref_squeeze %dma_start3A_336 : memref<1x80x128xi32, #tpu.memory_space<vmem>> -> memref<80x128xi32, #tpu.memory_space<vmem>>
      %dma_start3A_338 = arith.constant 0 : i32
      %dma_start3A_339 = arith.constant 0 : i32
      %dma_start3A_340 = tpu.memref_slice %arg8[%arg1, %dma_start3A_338, %dma_start3A_339] : memref<16x80x128xi32, #tpu.memory_space<hbm>> -> memref<1x80x128xi32, #tpu.memory_space<hbm>>
      %dma_start3A_341 = tpu.memref_squeeze %dma_start3A_340 : memref<1x80x128xi32, #tpu.memory_space<hbm>> -> memref<80x128xi32, #tpu.memory_space<hbm>>
      tpu.enqueue_dma source(%dma_start3A_341 : memref<80x128xi32, #tpu.memory_space<hbm>>) target(%dma_start3A_337 : memref<80x128xi32, #tpu.memory_space<vmem>>) target_semaphore(%run_scoped3A_325 : memref<!tpu.dma_semaphore, #tpu.memory_space<semaphore_mem>>)
      %dma_wait3A_342 = arith.constant 0 : i32
      %dma_wait3A_343 = arith.constant 0 : i32
      %dma_wait3A_344 = tpu.memref_slice %arg11[%run_scoped3A_73, %dma_wait3A_342, %dma_wait3A_343] : memref<2x80x128xi32, #tpu.memory_space<vmem>> -> memref<1x80x128xi32, #tpu.memory_space<vmem>>
      %dma_wait3A_345 = tpu.memref_squeeze %dma_wait3A_344 : memref<1x80x128xi32, #tpu.memory_space<vmem>> -> memref<80x128xi32, #tpu.memory_space<vmem>>
      %dma_wait3A_346 = arith.constant 0 : i32
      %dma_wait3A_347 = arith.constant 0 : i32
      %dma_wait3A_348 = tpu.memref_slice %arg8[%arg1, %dma_wait3A_346, %dma_wait3A_347] : memref<16x80x128xi32, #tpu.memory_space<hbm>> -> memref<1x80x128xi32, #tpu.memory_space<hbm>>
      %dma_wait3A_349 = tpu.memref_squeeze %dma_wait3A_348 : memref<1x80x128xi32, #tpu.memory_space<hbm>> -> memref<80x128xi32, #tpu.memory_space<hbm>>
      %dma_wait3A_350 = arith.constant 0 : i32
      %dma_wait3A_351 = arith.constant 0 : i32
      %dma_wait3A_352 = tpu.memref_slice %arg11[%run_scoped3A_73, %dma_wait3A_350, %dma_wait3A_351] : memref<2x80x128xi32, #tpu.memory_space<vmem>> -> memref<1x80x128xi32, #tpu.memory_space<vmem>>
      %dma_wait3A_353 = tpu.memref_squeeze %dma_wait3A_352 : memref<1x80x128xi32, #tpu.memory_space<vmem>> -> memref<80x128xi32, #tpu.memory_space<vmem>>
      %dma_wait3A_354 = arith.constant 0 : i32
      %dma_wait3A_355 = arith.constant 0 : i32
      %dma_wait3A_356 = tpu.memref_slice %arg8[%arg1, %dma_wait3A_354, %dma_wait3A_355] : memref<16x80x128xi32, #tpu.memory_space<hbm>> -> memref<1x80x128xi32, #tpu.memory_space<hbm>>
      %dma_wait3A_357 = tpu.memref_squeeze %dma_wait3A_356 : memref<1x80x128xi32, #tpu.memory_space<hbm>> -> memref<80x128xi32, #tpu.memory_space<hbm>>
      tpu.wait_dma2 semaphore(%run_scoped3A_325 : memref<!tpu.dma_semaphore, #tpu.memory_space<semaphore_mem>>) src(%dma_wait3A_357 : memref<80x128xi32, #tpu.memory_space<hbm>>) dst(%dma_wait3A_353 : memref<80x128xi32, #tpu.memory_space<vmem>>)
      tpu.yield
    }) : () -> ()
    %scan3A_74 = arith.constant 0 : i32
    %scan3A_75 = arith.constant 0 : i32
    %scan3A_76 = arith.constant 80 : i32
    %scan3A_77 = arith.addi %scan3A_75, %scan3A_76 : i32
    %scan3A_78 = arith.constant 1 : i32
    %scan3A_79 = scf.for %scan3A_325 = %scan3A_75 to %scan3A_77 step %scan3A_78 iter_args(%scan3A_326 = %scan3A_74) -> (i32)  : i32 {
      %get3A = arith.constant 1 : i32
      %get3A_327 = arith.index_cast %get3A : i32 to index
      %get3A_328 = arith.index_cast %scan3A_325 : i32 to index
      %get3A_329 = arith.constant 0 : index
      %get3A_330 = tpu.vector_load %arg10[%get3A_327, %get3A_328, %get3A_329] {strides = array<i32>} : memref<2x81x128xi32, #tpu.memory_space<vmem>>, vector<1x1x16xi32>,
      %get3A_331 = vector.shape_cast %get3A_330 : vector<1x1x16xi32> to vector<16xi32>
      %mul3A_332 = arith.constant 3 : i32
      %mul3A_333 = vector.broadcast %mul3A_332 : i32 to vector<16xi32>
      %mul3A_334 = arith.muli %get3A_331, %mul3A_333 : vector<16xi32>
      %swap3A_335 = arith.constant 1 : i32
      %swap3A_336 = arith.index_cast %swap3A_335 : i32 to index
      %swap3A_337 = arith.index_cast %scan3A_325 : i32 to index
      %swap3A_338 = arith.constant 0 : index
      %swap3A_339 = tpu.vector_load %arg10[%swap3A_336, %swap3A_337, %swap3A_338] {strides = array<i32>} : memref<2x81x128xi32, #tpu.memory_space<vmem>>, vector<1x1x16xi32>,
      %swap3A_340 = vector.shape_cast %swap3A_339 : vector<1x1x16xi32> to vector<16xi32>
      %swap3A_341 = vector.shape_cast %mul3A_334 : vector<16xi32> to vector<1x1x16xi32>
      tpu.vector_store %arg10[%swap3A_336, %swap3A_337, %swap3A_338], %swap3A_341 {strides = array<i32>} : memref<2x81x128xi32, #tpu.memory_space<vmem>>, vector<1x1x16xi32>,
      %get3A_342 = arith.constant 1 : i32
      %get3A_343 = arith.index_cast %get3A_342 : i32 to index
      %get3A_344 = arith.index_cast %scan3A_325 : i32 to index
      %get3A_345 = arith.constant 0 : index
      %get3A_346 = tpu.vector_load %arg11[%get3A_343, %get3A_344, %get3A_345] {strides = array<i32>} : memref<2x80x128xi32, #tpu.memory_space<vmem>>, vector<1x1x16xi32>,
      %get3A_347 = vector.shape_cast %get3A_346 : vector<1x1x16xi32> to vector<16xi32>
      %mul3A_348 = arith.constant 5120 : i32
      %mul3A_349 = arith.muli %arg0, %mul3A_348 : i32
      %sub3A = vector.broadcast %mul3A_349 : i32 to vector<16xi32>
      %sub3A_350 = arith.subi %get3A_347, %sub3A : vector<16xi32>
      %ge3A = arith.constant 0 : i32
      %ge3A_351 = vector.broadcast %ge3A : i32 to vector<16xi32>
      %ge3A_352 = arith.cmpi sge, %sub3A_350, %ge3A_351 : vector<16xi32>
      %lt3A = arith.constant 5120 : i32
      %lt3A_353 = vector.broadcast %lt3A : i32 to vector<16xi32>
      %lt3A_354 = arith.cmpi slt, %sub3A_350, %lt3A_353 : vector<16xi32>
      %and3A = arith.andi %ge3A_352, %lt3A_354 : vector<16xi1>
      %jit3A = arith.constant 5120 : i32
      %broadcast_in_dim3A_355 = vector.broadcast %jit3A : i32 to vector<16xi32>
      %select_n3A = arith.select %and3A, %sub3A_350, %broadcast_in_dim3A_355 : vector<16xi1>, vector<16xi32>
      %swap3A_356 = arith.constant 1 : i32
      %swap3A_357 = arith.index_cast %swap3A_356 : i32 to index
      %swap3A_358 = arith.index_cast %scan3A_325 : i32 to index
      %swap3A_359 = arith.constant 0 : index
      %swap3A_360 = tpu.vector_load %arg11[%swap3A_357, %swap3A_358, %swap3A_359] {strides = array<i32>} : memref<2x80x128xi32, #tpu.memory_space<vmem>>, vector<1x1x16xi32>,
      %swap3A_361 = vector.shape_cast %swap3A_360 : vector<1x1x16xi32> to vector<16xi32>
      %swap3A_362 = vector.shape_cast %select_n3A : vector<16xi32> to vector<1x1x16xi32>
      tpu.vector_store %arg11[%swap3A_357, %swap3A_358, %swap3A_359], %swap3A_362 {strides = array<i32>} : memref<2x80x128xi32, #tpu.memory_space<vmem>>, vector<1x1x16xi32>,
      %get3A_363 = arith.constant 1 : i32
      %get3A_364 = arith.index_cast %get3A_363 : i32 to index
      %get3A_365 = arith.index_cast %scan3A_325 : i32 to index
      %get3A_366 = arith.constant 16 : index
      %get3A_367 = tpu.vector_load %arg10[%get3A_364, %get3A_365, %get3A_366] {strides = array<i32>} : memref<2x81x128xi32, #tpu.memory_space<vmem>>, vector<1x1x16xi32>,
      %get3A_368 = vector.shape_cast %get3A_367 : vector<1x1x16xi32> to vector<16xi32>
      %mul3A_369 = arith.constant 3 : i32
      %mul3A_370 = vector.broadcast %mul3A_369 : i32 to vector<16xi32>
      %mul3A_371 = arith.muli %get3A_368, %mul3A_370 : vector<16xi32>
      %swap3A_372 = arith.constant 1 : i32
      %swap3A_373 = arith.index_cast %swap3A_372 : i32 to index
      %swap3A_374 = arith.index_cast %scan3A_325 : i32 to index
      %swap3A_375 = arith.constant 16 : index
      %swap3A_376 = tpu.vector_load %arg10[%swap3A_373, %swap3A_374, %swap3A_375] {strides = array<i32>} : memref<2x81x128xi32, #tpu.memory_space<vmem>>, vector<1x1x16xi32>,
      %swap3A_377 = vector.shape_cast %swap3A_376 : vector<1x1x16xi32> to vector<16xi32>
      %swap3A_378 = vector.shape_cast %mul3A_371 : vector<16xi32> to vector<1x1x16xi32>
      tpu.vector_store %arg10[%swap3A_373, %swap3A_374, %swap3A_375], %swap3A_378 {strides = array<i32>} : memref<2x81x128xi32, #tpu.memory_space<vmem>>, vector<1x1x16xi32>,
      %get3A_379 = arith.constant 1 : i32
      %get3A_380 = arith.index_cast %get3A_379 : i32 to index
      %get3A_381 = arith.index_cast %scan3A_325 : i32 to index
      %get3A_382 = arith.constant 16 : index
      %get3A_383 = tpu.vector_load %arg11[%get3A_380, %get3A_381, %get3A_382] {strides = array<i32>} : memref<2x80x128xi32, #tpu.memory_space<vmem>>, vector<1x1x16xi32>,
      %get3A_384 = vector.shape_cast %get3A_383 : vector<1x1x16xi32> to vector<16xi32>
      %mul3A_385 = arith.constant 5120 : i32
      %mul3A_386 = arith.muli %arg0, %mul3A_385 : i32
      %sub3A_387 = vector.broadcast %mul3A_386 : i32 to vector<16xi32>
      %sub3A_388 = arith.subi %get3A_384, %sub3A_387 : vector<16xi32>
      %ge3A_389 = arith.constant 0 : i32
      %ge3A_390 = vector.broadcast %ge3A_389 : i32 to vector<16xi32>
      %ge3A_391 = arith.cmpi sge, %sub3A_388, %ge3A_390 : vector<16xi32>
      %lt3A_392 = arith.constant 5120 : i32
      %lt3A_393 = vector.broadcast %lt3A_392 : i32 to vector<16xi32>
      %lt3A_394 = arith.cmpi slt, %sub3A_388, %lt3A_393 : vector<16xi32>
      %and3A_395 = arith.andi %ge3A_391, %lt3A_394 : vector<16xi1>
      %jit3A_396 = arith.constant 5120 : i32
      %broadcast_in_dim3A_397 = vector.broadcast %jit3A_396 : i32 to vector<16xi32>
      %select_n3A_398 = arith.select %and3A_395, %sub3A_388, %broadcast_in_dim3A_397 : vector<16xi1>, vector<16xi32>
      %swap3A_399 = arith.constant 1 : i32
      %swap3A_400 = arith.index_cast %swap3A_399 : i32 to index
      %swap3A_401 = arith.index_cast %scan3A_325 : i32 to index
      %swap3A_402 = arith.constant 16 : index
      %swap3A_403 = tpu.vector_load %arg11[%swap3A_400, %swap3A_401, %swap3A_402] {strides = array<i32>} : memref<2x80x128xi32, #tpu.memory_space<vmem>>, vector<1x1x16xi32>,
      %swap3A_404 = vector.shape_cast %swap3A_403 : vector<1x1x16xi32> to vector<16xi32>
      %swap3A_405 = vector.shape_cast %select_n3A_398 : vector<16xi32> to vector<1x1x16xi32>
      tpu.vector_store %arg11[%swap3A_400, %swap3A_401, %swap3A_402], %swap3A_405 {strides = array<i32>} : memref<2x80x128xi32, #tpu.memory_space<vmem>>, vector<1x1x16xi32>,
      %get3A_406 = arith.constant 1 : i32
      %get3A_407 = arith.index_cast %get3A_406 : i32 to index
      %get3A_408 = arith.index_cast %scan3A_325 : i32 to index
      %get3A_409 = arith.constant 32 : index
      %get3A_410 = tpu.vector_load %arg10[%get3A_407, %get3A_408, %get3A_409] {strides = array<i32>} : memref<2x81x128xi32, #tpu.memory_space<vmem>>, vector<1x1x16xi32>,
      %get3A_411 = vector.shape_cast %get3A_410 : vector<1x1x16xi32> to vector<16xi32>
      %mul3A_412 = arith.constant 3 : i32
      %mul3A_413 = vector.broadcast %mul3A_412 : i32 to vector<16xi32>
      %mul3A_414 = arith.muli %get3A_411, %mul3A_413 : vector<16xi32>
      %swap3A_415 = arith.constant 1 : i32
      %swap3A_416 = arith.index_cast %swap3A_415 : i32 to index
      %swap3A_417 = arith.index_cast %scan3A_325 : i32 to index
      %swap3A_418 = arith.constant 32 : index
      %swap3A_419 = tpu.vector_load %arg10[%swap3A_416, %swap3A_417, %swap3A_418] {strides = array<i32>} : memref<2x81x128xi32, #tpu.memory_space<vmem>>, vector<1x1x16xi32>,
      %swap3A_420 = vector.shape_cast %swap3A_419 : vector<1x1x16xi32> to vector<16xi32>
      %swap3A_421 = vector.shape_cast %mul3A_414 : vector<16xi32> to vector<1x1x16xi32>
      tpu.vector_store %arg10[%swap3A_416, %swap3A_417, %swap3A_418], %swap3A_421 {strides = array<i32>} : memref<2x81x128xi32, #tpu.memory_space<vmem>>, vector<1x1x16xi32>,
      %get3A_422 = arith.constant 1 : i32
      %get3A_423 = arith.index_cast %get3A_422 : i32 to index
      %get3A_424 = arith.index_cast %scan3A_325 : i32 to index
      %get3A_425 = arith.constant 32 : index
      %get3A_426 = tpu.vector_load %arg11[%get3A_423, %get3A_424, %get3A_425] {strides = array<i32>} : memref<2x80x128xi32, #tpu.memory_space<vmem>>, vector<1x1x16xi32>,
      %get3A_427 = vector.shape_cast %get3A_426 : vector<1x1x16xi32> to vector<16xi32>
      %mul3A_428 = arith.constant 5120 : i32
      %mul3A_429 = arith.muli %arg0, %mul3A_428 : i32
      %sub3A_430 = vector.broadcast %mul3A_429 : i32 to vector<16xi32>
      %sub3A_431 = arith.subi %get3A_427, %sub3A_430 : vector<16xi32>
      %ge3A_432 = arith.constant 0 : i32
      %ge3A_433 = vector.broadcast %ge3A_432 : i32 to vector<16xi32>
      %ge3A_434 = arith.cmpi sge, %sub3A_431, %ge3A_433 : vector<16xi32>
      %lt3A_435 = arith.constant 5120 : i32
      %lt3A_436 = vector.broadcast %lt3A_435 : i32 to vector<16xi32>
      %lt3A_437 = arith.cmpi slt, %sub3A_431, %lt3A_436 : vector<16xi32>
      %and3A_438 = arith.andi %ge3A_434, %lt3A_437 : vector<16xi1>
      %jit3A_439 = arith.constant 5120 : i32
      %broadcast_in_dim3A_440 = vector.broadcast %jit3A_439 : i32 to vector<16xi32>
      %select_n3A_441 = arith.select %and3A_438, %sub3A_431, %broadcast_in_dim3A_440 : vector<16xi1>, vector<16xi32>
      %swap3A_442 = arith.constant 1 : i32
      %swap3A_443 = arith.index_cast %swap3A_442 : i32 to index
      %swap3A_444 = arith.index_cast %scan3A_325 : i32 to index
      %swap3A_445 = arith.constant 32 : index
      %swap3A_446 = tpu.vector_load %arg11[%swap3A_443, %swap3A_444, %swap3A_445] {strides = array<i32>} : memref<2x80x128xi32, #tpu.memory_space<vmem>>, vector<1x1x16xi32>,
      %swap3A_447 = vector.shape_cast %swap3A_446 : vector<1x1x16xi32> to vector<16xi32>
      %swap3A_448 = vector.shape_cast %select_n3A_441 : vector<16xi32> to vector<1x1x16xi32>
      tpu.vector_store %arg11[%swap3A_443, %swap3A_444, %swap3A_445], %swap3A_448 {strides = array<i32>} : memref<2x80x128xi32, #tpu.memory_space<vmem>>, vector<1x1x16xi32>,
      %get3A_449 = arith.constant 1 : i32
      %get3A_450 = arith.index_cast %get3A_449 : i32 to index
      %get3A_451 = arith.index_cast %scan3A_325 : i32 to index
      %get3A_452 = arith.constant 48 : index
      %get3A_453 = tpu.vector_load %arg10[%get3A_450, %get3A_451, %get3A_452] {strides = array<i32>} : memref<2x81x128xi32, #tpu.memory_space<vmem>>, vector<1x1x16xi32>,
      %get3A_454 = vector.shape_cast %get3A_453 : vector<1x1x16xi32> to vector<16xi32>
      %mul3A_455 = arith.constant 3 : i32
      %mul3A_456 = vector.broadcast %mul3A_455 : i32 to vector<16xi32>
      %mul3A_457 = arith.muli %get3A_454, %mul3A_456 : vector<16xi32>
      %swap3A_458 = arith.constant 1 : i32
      %swap3A_459 = arith.index_cast %swap3A_458 : i32 to index
      %swap3A_460 = arith.index_cast %scan3A_325 : i32 to index
      %swap3A_461 = arith.constant 48 : index
      %swap3A_462 = tpu.vector_load %arg10[%swap3A_459, %swap3A_460, %swap3A_461] {strides = array<i32>} : memref<2x81x128xi32, #tpu.memory_space<vmem>>, vector<1x1x16xi32>,
      %swap3A_463 = vector.shape_cast %swap3A_462 : vector<1x1x16xi32> to vector<16xi32>
      %swap3A_464 = vector.shape_cast %mul3A_457 : vector<16xi32> to vector<1x1x16xi32>
      tpu.vector_store %arg10[%swap3A_459, %swap3A_460, %swap3A_461], %swap3A_464 {strides = array<i32>} : memref<2x81x128xi32, #tpu.memory_space<vmem>>, vector<1x1x16xi32>,
      %get3A_465 = arith.constant 1 : i32
      %get3A_466 = arith.index_cast %get3A_465 : i32 to index
      %get3A_467 = arith.index_cast %scan3A_325 : i32 to index
      %get3A_468 = arith.constant 48 : index
      %get3A_469 = tpu.vector_load %arg11[%get3A_466, %get3A_467, %get3A_468] {strides = array<i32>} : memref<2x80x128xi32, #tpu.memory_space<vmem>>, vector<1x1x16xi32>,
      %get3A_470 = vector.shape_cast %get3A_469 : vector<1x1x16xi32> to vector<16xi32>
      %mul3A_471 = arith.constant 5120 : i32
      %mul3A_472 = arith.muli %arg0, %mul3A_471 : i32
      %sub3A_473 = vector.broadcast %mul3A_472 : i32 to vector<16xi32>
      %sub3A_474 = arith.subi %get3A_470, %sub3A_473 : vector<16xi32>
      %ge3A_475 = arith.constant 0 : i32
      %ge3A_476 = vector.broadcast %ge3A_475 : i32 to vector<16xi32>
      %ge3A_477 = arith.cmpi sge, %sub3A_474, %ge3A_476 : vector<16xi32>
      %lt3A_478 = arith.constant 5120 : i32
      %lt3A_479 = vector.broadcast %lt3A_478 : i32 to vector<16xi32>
      %lt3A_480 = arith.cmpi slt, %sub3A_474, %lt3A_479 : vector<16xi32>
      %and3A_481 = arith.andi %ge3A_477, %lt3A_480 : vector<16xi1>
      %jit3A_482 = arith.constant 5120 : i32
      %broadcast_in_dim3A_483 = vector.broadcast %jit3A_482 : i32 to vector<16xi32>
      %select_n3A_484 = arith.select %and3A_481, %sub3A_474, %broadcast_in_dim3A_483 : vector<16xi1>, vector<16xi32>
      %swap3A_485 = arith.constant 1 : i32
      %swap3A_486 = arith.index_cast %swap3A_485 : i32 to index
      %swap3A_487 = arith.index_cast %scan3A_325 : i32 to index
      %swap3A_488 = arith.constant 48 : index
      %swap3A_489 = tpu.vector_load %arg11[%swap3A_486, %swap3A_487, %swap3A_488] {strides = array<i32>} : memref<2x80x128xi32, #tpu.memory_space<vmem>>, vector<1x1x16xi32>,
      %swap3A_490 = vector.shape_cast %swap3A_489 : vector<1x1x16xi32> to vector<16xi32>
      %swap3A_491 = vector.shape_cast %select_n3A_484 : vector<16xi32> to vector<1x1x16xi32>
      tpu.vector_store %arg11[%swap3A_486, %swap3A_487, %swap3A_488], %swap3A_491 {strides = array<i32>} : memref<2x80x128xi32, #tpu.memory_space<vmem>>, vector<1x1x16xi32>,
      %get3A_492 = arith.constant 1 : i32
      %get3A_493 = arith.index_cast %get3A_492 : i32 to index
      %get3A_494 = arith.index_cast %scan3A_325 : i32 to index
      %get3A_495 = arith.constant 64 : index
      %get3A_496 = tpu.vector_load %arg10[%get3A_493, %get3A_494, %get3A_495] {strides = array<i32>} : memref<2x81x128xi32, #tpu.memory_space<vmem>>, vector<1x1x16xi32>,
      %get3A_497 = vector.shape_cast %get3A_496 : vector<1x1x16xi32> to vector<16xi32>
      %mul3A_498 = arith.constant 3 : i32
      %mul3A_499 = vector.broadcast %mul3A_498 : i32 to vector<16xi32>
      %mul3A_500 = arith.muli %get3A_497, %mul3A_499 : vector<16xi32>
      %swap3A_501 = arith.constant 1 : i32
      %swap3A_502 = arith.index_cast %swap3A_501 : i32 to index
      %swap3A_503 = arith.index_cast %scan3A_325 : i32 to index
      %swap3A_504 = arith.constant 64 : index
      %swap3A_505 = tpu.vector_load %arg10[%swap3A_502, %swap3A_503, %swap3A_504] {strides = array<i32>} : memref<2x81x128xi32, #tpu.memory_space<vmem>>, vector<1x1x16xi32>,
      %swap3A_506 = vector.shape_cast %swap3A_505 : vector<1x1x16xi32> to vector<16xi32>
      %swap3A_507 = vector.shape_cast %mul3A_500 : vector<16xi32> to vector<1x1x16xi32>
      tpu.vector_store %arg10[%swap3A_502, %swap3A_503, %swap3A_504], %swap3A_507 {strides = array<i32>} : memref<2x81x128xi32, #tpu.memory_space<vmem>>, vector<1x1x16xi32>,
      %get3A_508 = arith.constant 1 : i32
      %get3A_509 = arith.index_cast %get3A_508 : i32 to index
      %get3A_510 = arith.index_cast %scan3A_325 : i32 to index
      %get3A_511 = arith.constant 64 : index
      %get3A_512 = tpu.vector_load %arg11[%get3A_509, %get3A_510, %get3A_511] {strides = array<i32>} : memref<2x80x128xi32, #tpu.memory_space<vmem>>, vector<1x1x16xi32>,
      %get3A_513 = vector.shape_cast %get3A_512 : vector<1x1x16xi32> to vector<16xi32>
      %mul3A_514 = arith.constant 5120 : i32
      %mul3A_515 = arith.muli %arg0, %mul3A_514 : i32
      %sub3A_516 = vector.broadcast %mul3A_515 : i32 to vector<16xi32>
      %sub3A_517 = arith.subi %get3A_513, %sub3A_516 : vector<16xi32>
      %ge3A_518 = arith.constant 0 : i32
      %ge3A_519 = vector.broadcast %ge3A_518 : i32 to vector<16xi32>
      %ge3A_520 = arith.cmpi sge, %sub3A_517, %ge3A_519 : vector<16xi32>
      %lt3A_521 = arith.constant 5120 : i32
      %lt3A_522 = vector.broadcast %lt3A_521 : i32 to vector<16xi32>
      %lt3A_523 = arith.cmpi slt, %sub3A_517, %lt3A_522 : vector<16xi32>
      %and3A_524 = arith.andi %ge3A_520, %lt3A_523 : vector<16xi1>
      %jit3A_525 = arith.constant 5120 : i32
      %broadcast_in_dim3A_526 = vector.broadcast %jit3A_525 : i32 to vector<16xi32>
      %select_n3A_527 = arith.select %and3A_524, %sub3A_517, %broadcast_in_dim3A_526 : vector<16xi1>, vector<16xi32>
      %swap3A_528 = arith.constant 1 : i32
      %swap3A_529 = arith.index_cast %swap3A_528 : i32 to index
      %swap3A_530 = arith.index_cast %scan3A_325 : i32 to index
      %swap3A_531 = arith.constant 64 : index
      %swap3A_532 = tpu.vector_load %arg11[%swap3A_529, %swap3A_530, %swap3A_531] {strides = array<i32>} : memref<2x80x128xi32, #tpu.memory_space<vmem>>, vector<1x1x16xi32>,
      %swap3A_533 = vector.shape_cast %swap3A_532 : vector<1x1x16xi32> to vector<16xi32>
      %swap3A_534 = vector.shape_cast %select_n3A_527 : vector<16xi32> to vector<1x1x16xi32>
      tpu.vector_store %arg11[%swap3A_529, %swap3A_530, %swap3A_531], %swap3A_534 {strides = array<i32>} : memref<2x80x128xi32, #tpu.memory_space<vmem>>, vector<1x1x16xi32>,
      %get3A_535 = arith.constant 1 : i32
      %get3A_536 = arith.index_cast %get3A_535 : i32 to index
      %get3A_537 = arith.index_cast %scan3A_325 : i32 to index
      %get3A_538 = arith.constant 80 : index
      %get3A_539 = tpu.vector_load %arg10[%get3A_536, %get3A_537, %get3A_538] {strides = array<i32>} : memref<2x81x128xi32, #tpu.memory_space<vmem>>, vector<1x1x16xi32>,
      %get3A_540 = vector.shape_cast %get3A_539 : vector<1x1x16xi32> to vector<16xi32>
      %mul3A_541 = arith.constant 3 : i32
      %mul3A_542 = vector.broadcast %mul3A_541 : i32 to vector<16xi32>
      %mul3A_543 = arith.muli %get3A_540, %mul3A_542 : vector<16xi32>
      %swap3A_544 = arith.constant 1 : i32
      %swap3A_545 = arith.index_cast %swap3A_544 : i32 to index
      %swap3A_546 = arith.index_cast %scan3A_325 : i32 to index
      %swap3A_547 = arith.constant 80 : index
      %swap3A_548 = tpu.vector_load %arg10[%swap3A_545, %swap3A_546, %swap3A_547] {strides = array<i32>} : memref<2x81x128xi32, #tpu.memory_space<vmem>>, vector<1x1x16xi32>,
      %swap3A_549 = vector.shape_cast %swap3A_548 : vector<1x1x16xi32> to vector<16xi32>
      %swap3A_550 = vector.shape_cast %mul3A_543 : vector<16xi32> to vector<1x1x16xi32>
      tpu.vector_store %arg10[%swap3A_545, %swap3A_546, %swap3A_547], %swap3A_550 {strides = array<i32>} : memref<2x81x128xi32, #tpu.memory_space<vmem>>, vector<1x1x16xi32>,
      %get3A_551 = arith.constant 1 : i32
      %get3A_552 = arith.index_cast %get3A_551 : i32 to index
      %get3A_553 = arith.index_cast %scan3A_325 : i32 to index
      %get3A_554 = arith.constant 80 : index
      %get3A_555 = tpu.vector_load %arg11[%get3A_552, %get3A_553, %get3A_554] {strides = array<i32>} : memref<2x80x128xi32, #tpu.memory_space<vmem>>, vector<1x1x16xi32>,
      %get3A_556 = vector.shape_cast %get3A_555 : vector<1x1x16xi32> to vector<16xi32>
      %mul3A_557 = arith.constant 5120 : i32
      %mul3A_558 = arith.muli %arg0, %mul3A_557 : i32
      %sub3A_559 = vector.broadcast %mul3A_558 : i32 to vector<16xi32>
      %sub3A_560 = arith.subi %get3A_556, %sub3A_559 : vector<16xi32>
      %ge3A_561 = arith.constant 0 : i32
      %ge3A_562 = vector.broadcast %ge3A_561 : i32 to vector<16xi32>
      %ge3A_563 = arith.cmpi sge, %sub3A_560, %ge3A_562 : vector<16xi32>
      %lt3A_564 = arith.constant 5120 : i32
      %lt3A_565 = vector.broadcast %lt3A_564 : i32 to vector<16xi32>
      %lt3A_566 = arith.cmpi slt, %sub3A_560, %lt3A_565 : vector<16xi32>
      %and3A_567 = arith.andi %ge3A_563, %lt3A_566 : vector<16xi1>
      %jit3A_568 = arith.constant 5120 : i32
      %broadcast_in_dim3A_569 = vector.broadcast %jit3A_568 : i32 to vector<16xi32>
      %select_n3A_570 = arith.select %and3A_567, %sub3A_560, %broadcast_in_dim3A_569 : vector<16xi1>, vector<16xi32>
      %swap3A_571 = arith.constant 1 : i32
      %swap3A_572 = arith.index_cast %swap3A_571 : i32 to index
      %swap3A_573 = arith.index_cast %scan3A_325 : i32 to index
      %swap3A_574 = arith.constant 80 : index
      %swap3A_575 = tpu.vector_load %arg11[%swap3A_572, %swap3A_573, %swap3A_574] {strides = array<i32>} : memref<2x80x128xi32, #tpu.memory_space<vmem>>, vector<1x1x16xi32>,
      %swap3A_576 = vector.shape_cast %swap3A_575 : vector<1x1x16xi32> to vector<16xi32>
      %swap3A_577 = vector.shape_cast %select_n3A_570 : vector<16xi32> to vector<1x1x16xi32>
      tpu.vector_store %arg11[%swap3A_572, %swap3A_573, %swap3A_574], %swap3A_577 {strides = array<i32>} : memref<2x80x128xi32, #tpu.memory_space<vmem>>, vector<1x1x16xi32>,
      %get3A_578 = arith.constant 1 : i32
      %get3A_579 = arith.index_cast %get3A_578 : i32 to index
      %get3A_580 = arith.index_cast %scan3A_325 : i32 to index
      %get3A_581 = arith.constant 96 : index
      %get3A_582 = tpu.vector_load %arg10[%get3A_579, %get3A_580, %get3A_581] {strides = array<i32>} : memref<2x81x128xi32, #tpu.memory_space<vmem>>, vector<1x1x16xi32>,
      %get3A_583 = vector.shape_cast %get3A_582 : vector<1x1x16xi32> to vector<16xi32>
      %mul3A_584 = arith.constant 3 : i32
      %mul3A_585 = vector.broadcast %mul3A_584 : i32 to vector<16xi32>
      %mul3A_586 = arith.muli %get3A_583, %mul3A_585 : vector<16xi32>
      %swap3A_587 = arith.constant 1 : i32
      %swap3A_588 = arith.index_cast %swap3A_587 : i32 to index
      %swap3A_589 = arith.index_cast %scan3A_325 : i32 to index
      %swap3A_590 = arith.constant 96 : index
      %swap3A_591 = tpu.vector_load %arg10[%swap3A_588, %swap3A_589, %swap3A_590] {strides = array<i32>} : memref<2x81x128xi32, #tpu.memory_space<vmem>>, vector<1x1x16xi32>,
      %swap3A_592 = vector.shape_cast %swap3A_591 : vector<1x1x16xi32> to vector<16xi32>
      %swap3A_593 = vector.shape_cast %mul3A_586 : vector<16xi32> to vector<1x1x16xi32>
      tpu.vector_store %arg10[%swap3A_588, %swap3A_589, %swap3A_590], %swap3A_593 {strides = array<i32>} : memref<2x81x128xi32, #tpu.memory_space<vmem>>, vector<1x1x16xi32>,
      %get3A_594 = arith.constant 1 : i32
      %get3A_595 = arith.index_cast %get3A_594 : i32 to index
      %get3A_596 = arith.index_cast %scan3A_325 : i32 to index
      %get3A_597 = arith.constant 96 : index
      %get3A_598 = tpu.vector_load %arg11[%get3A_595, %get3A_596, %get3A_597] {strides = array<i32>} : memref<2x80x128xi32, #tpu.memory_space<vmem>>, vector<1x1x16xi32>,
      %get3A_599 = vector.shape_cast %get3A_598 : vector<1x1x16xi32> to vector<16xi32>
      %mul3A_600 = arith.constant 5120 : i32
      %mul3A_601 = arith.muli %arg0, %mul3A_600 : i32
      %sub3A_602 = vector.broadcast %mul3A_601 : i32 to vector<16xi32>
      %sub3A_603 = arith.subi %get3A_599, %sub3A_602 : vector<16xi32>
      %ge3A_604 = arith.constant 0 : i32
      %ge3A_605 = vector.broadcast %ge3A_604 : i32 to vector<16xi32>
      %ge3A_606 = arith.cmpi sge, %sub3A_603, %ge3A_605 : vector<16xi32>
      %lt3A_607 = arith.constant 5120 : i32
      %lt3A_608 = vector.broadcast %lt3A_607 : i32 to vector<16xi32>
      %lt3A_609 = arith.cmpi slt, %sub3A_603, %lt3A_608 : vector<16xi32>
      %and3A_610 = arith.andi %ge3A_606, %lt3A_609 : vector<16xi1>
      %jit3A_611 = arith.constant 5120 : i32
      %broadcast_in_dim3A_612 = vector.broadcast %jit3A_611 : i32 to vector<16xi32>
      %select_n3A_613 = arith.select %and3A_610, %sub3A_603, %broadcast_in_dim3A_612 : vector<16xi1>, vector<16xi32>
      %swap3A_614 = arith.constant 1 : i32
      %swap3A_615 = arith.index_cast %swap3A_614 : i32 to index
      %swap3A_616 = arith.index_cast %scan3A_325 : i32 to index
      %swap3A_617 = arith.constant 96 : index
      %swap3A_618 = tpu.vector_load %arg11[%swap3A_615, %swap3A_616, %swap3A_617] {strides = array<i32>} : memref<2x80x128xi32, #tpu.memory_space<vmem>>, vector<1x1x16xi32>,
      %swap3A_619 = vector.shape_cast %swap3A_618 : vector<1x1x16xi32> to vector<16xi32>
      %swap3A_620 = vector.shape_cast %select_n3A_613 : vector<16xi32> to vector<1x1x16xi32>
      tpu.vector_store %arg11[%swap3A_615, %swap3A_616, %swap3A_617], %swap3A_620 {strides = array<i32>} : memref<2x80x128xi32, #tpu.memory_space<vmem>>, vector<1x1x16xi32>,
      %get3A_621 = arith.constant 1 : i32
      %get3A_622 = arith.index_cast %get3A_621 : i32 to index
      %get3A_623 = arith.index_cast %scan3A_325 : i32 to index
      %get3A_624 = arith.constant 112 : index
      %get3A_625 = tpu.vector_load %arg10[%get3A_622, %get3A_623, %get3A_624] {strides = array<i32>} : memref<2x81x128xi32, #tpu.memory_space<vmem>>, vector<1x1x16xi32>,
      %get3A_626 = vector.shape_cast %get3A_625 : vector<1x1x16xi32> to vector<16xi32>
      %mul3A_627 = arith.constant 3 : i32
      %mul3A_628 = vector.broadcast %mul3A_627 : i32 to vector<16xi32>
      %mul3A_629 = arith.muli %get3A_626, %mul3A_628 : vector<16xi32>
      %swap3A_630 = arith.constant 1 : i32
      %swap3A_631 = arith.index_cast %swap3A_630 : i32 to index
      %swap3A_632 = arith.index_cast %scan3A_325 : i32 to index
      %swap3A_633 = arith.constant 112 : index
      %swap3A_634 = tpu.vector_load %arg10[%swap3A_631, %swap3A_632, %swap3A_633] {strides = array<i32>} : memref<2x81x128xi32, #tpu.memory_space<vmem>>, vector<1x1x16xi32>,
      %swap3A_635 = vector.shape_cast %swap3A_634 : vector<1x1x16xi32> to vector<16xi32>
      %swap3A_636 = vector.shape_cast %mul3A_629 : vector<16xi32> to vector<1x1x16xi32>
      tpu.vector_store %arg10[%swap3A_631, %swap3A_632, %swap3A_633], %swap3A_636 {strides = array<i32>} : memref<2x81x128xi32, #tpu.memory_space<vmem>>, vector<1x1x16xi32>,
      %get3A_637 = arith.constant 1 : i32
      %get3A_638 = arith.index_cast %get3A_637 : i32 to index
      %get3A_639 = arith.index_cast %scan3A_325 : i32 to index
      %get3A_640 = arith.constant 112 : index
      %get3A_641 = tpu.vector_load %arg11[%get3A_638, %get3A_639, %get3A_640] {strides = array<i32>} : memref<2x80x128xi32, #tpu.memory_space<vmem>>, vector<1x1x16xi32>,
      %get3A_642 = vector.shape_cast %get3A_641 : vector<1x1x16xi32> to vector<16xi32>
      %mul3A_643 = arith.constant 5120 : i32
      %mul3A_644 = arith.muli %arg0, %mul3A_643 : i32
      %sub3A_645 = vector.broadcast %mul3A_644 : i32 to vector<16xi32>
      %sub3A_646 = arith.subi %get3A_642, %sub3A_645 : vector<16xi32>
      %ge3A_647 = arith.constant 0 : i32
      %ge3A_648 = vector.broadcast %ge3A_647 : i32 to vector<16xi32>
      %ge3A_649 = arith.cmpi sge, %sub3A_646, %ge3A_648 : vector<16xi32>
      %lt3A_650 = arith.constant 5120 : i32
      %lt3A_651 = vector.broadcast %lt3A_650 : i32 to vector<16xi32>
      %lt3A_652 = arith.cmpi slt, %sub3A_646, %lt3A_651 : vector<16xi32>
      %and3A_653 = arith.andi %ge3A_649, %lt3A_652 : vector<16xi1>
      %jit3A_654 = arith.constant 5120 : i32
      %broadcast_in_dim3A_655 = vector.broadcast %jit3A_654 : i32 to vector<16xi32>
      %select_n3A_656 = arith.select %and3A_653, %sub3A_646, %broadcast_in_dim3A_655 : vector<16xi1>, vector<16xi32>
      %swap3A_657 = arith.constant 1 : i32
      %swap3A_658 = arith.index_cast %swap3A_657 : i32 to index
      %swap3A_659 = arith.index_cast %scan3A_325 : i32 to index
      %swap3A_660 = arith.constant 112 : index
      %swap3A_661 = tpu.vector_load %arg11[%swap3A_658, %swap3A_659, %swap3A_660] {strides = array<i32>} : memref<2x80x128xi32, #tpu.memory_space<vmem>>, vector<1x1x16xi32>,
      %swap3A_662 = vector.shape_cast %swap3A_661 : vector<1x1x16xi32> to vector<16xi32>
      %swap3A_663 = vector.shape_cast %select_n3A_656 : vector<16xi32> to vector<1x1x16xi32>
      tpu.vector_store %arg11[%swap3A_658, %swap3A_659, %swap3A_660], %swap3A_663 {strides = array<i32>} : memref<2x80x128xi32, #tpu.memory_space<vmem>>, vector<1x1x16xi32>,
      %scan3A_664 = arith.constant 0 : i32
      scf.yield %scan3A_664 : i32
    }
    %scan3A_80 = arith.constant 80 : i32
    %swap3A_81 = arith.constant 1 : i32
    %swap3A_82 = arith.constant 80 : i32
    %swap3A_83 = arith.index_cast %swap3A_81 : i32 to index
    %swap3A_84 = arith.index_cast %swap3A_82 : i32 to index
    %swap3A_85 = arith.constant 0 : index
    %swap3A_86 = tpu.vector_load %arg10[%swap3A_83, %swap3A_84, %swap3A_85] {strides = array<i32>} : memref<2x81x128xi32, #tpu.memory_space<vmem>>, vector<1x1x16xi32>,
    %swap3A_87 = vector.shape_cast %swap3A_86 : vector<1x1x16xi32> to vector<16xi32>
    %swap3A_88 = vector.shape_cast %broadcast_in_dim3A_1 : vector<16xi32> to vector<1x1x16xi32>
    tpu.vector_store %arg10[%swap3A_83, %swap3A_84, %swap3A_85], %swap3A_88 {strides = array<i32>} : memref<2x81x128xi32, #tpu.memory_space<vmem>>, vector<1x1x16xi32>,
    %swap3A_89 = arith.constant 1 : i32
    %swap3A_90 = arith.constant 80 : i32
    %swap3A_91 = arith.index_cast %swap3A_89 : i32 to index
    %swap3A_92 = arith.index_cast %swap3A_90 : i32 to index
    %swap3A_93 = arith.constant 16 : index
    %swap3A_94 = tpu.vector_load %arg10[%swap3A_91, %swap3A_92, %swap3A_93] {strides = array<i32>} : memref<2x81x128xi32, #tpu.memory_space<vmem>>, vector<1x1x16xi32>,
    %swap3A_95 = vector.shape_cast %swap3A_94 : vector<1x1x16xi32> to vector<16xi32>
    %swap3A_96 = vector.shape_cast %broadcast_in_dim3A_1 : vector<16xi32> to vector<1x1x16xi32>
    tpu.vector_store %arg10[%swap3A_91, %swap3A_92, %swap3A_93], %swap3A_96 {strides = array<i32>} : memref<2x81x128xi32, #tpu.memory_space<vmem>>, vector<1x1x16xi32>,
    %swap3A_97 = arith.constant 1 : i32
    %swap3A_98 = arith.constant 80 : i32
    %swap3A_99 = arith.index_cast %swap3A_97 : i32 to index
    %swap3A_100 = arith.index_cast %swap3A_98 : i32 to index
    %swap3A_101 = arith.constant 32 : index
    %swap3A_102 = tpu.vector_load %arg10[%swap3A_99, %swap3A_100, %swap3A_101] {strides = array<i32>} : memref<2x81x128xi32, #tpu.memory_space<vmem>>, vector<1x1x16xi32>,
    %swap3A_103 = vector.shape_cast %swap3A_102 : vector<1x1x16xi32> to vector<16xi32>
    %swap3A_104 = vector.shape_cast %broadcast_in_dim3A_1 : vector<16xi32> to vector<1x1x16xi32>
    tpu.vector_store %arg10[%swap3A_99, %swap3A_100, %swap3A_101], %swap3A_104 {strides = array<i32>} : memref<2x81x128xi32, #tpu.memory_space<vmem>>, vector<1x1x16xi32>,
    %swap3A_105 = arith.constant 1 : i32
    %swap3A_106 = arith.constant 80 : i32
    %swap3A_107 = arith.index_cast %swap3A_105 : i32 to index
    %swap3A_108 = arith.index_cast %swap3A_106 : i32 to index
    %swap3A_109 = arith.constant 48 : index
    %swap3A_110 = tpu.vector_load %arg10[%swap3A_107, %swap3A_108, %swap3A_109] {strides = array<i32>} : memref<2x81x128xi32, #tpu.memory_space<vmem>>, vector<1x1x16xi32>,
    %swap3A_111 = vector.shape_cast %swap3A_110 : vector<1x1x16xi32> to vector<16xi32>
    %swap3A_112 = vector.shape_cast %broadcast_in_dim3A_1 : vector<16xi32> to vector<1x1x16xi32>
    tpu.vector_store %arg10[%swap3A_107, %swap3A_108, %swap3A_109], %swap3A_112 {strides = array<i32>} : memref<2x81x128xi32, #tpu.memory_space<vmem>>, vector<1x1x16xi32>,
    %swap3A_113 = arith.constant 1 : i32
    %swap3A_114 = arith.constant 80 : i32
    %swap3A_115 = arith.index_cast %swap3A_113 : i32 to index
    %swap3A_116 = arith.index_cast %swap3A_114 : i32 to index
    %swap3A_117 = arith.constant 64 : index
    %swap3A_118 = tpu.vector_load %arg10[%swap3A_115, %swap3A_116, %swap3A_117] {strides = array<i32>} : memref<2x81x128xi32, #tpu.memory_space<vmem>>, vector<1x1x16xi32>,
    %swap3A_119 = vector.shape_cast %swap3A_118 : vector<1x1x16xi32> to vector<16xi32>
    %swap3A_120 = vector.shape_cast %broadcast_in_dim3A_1 : vector<16xi32> to vector<1x1x16xi32>
    tpu.vector_store %arg10[%swap3A_115, %swap3A_116, %swap3A_117], %swap3A_120 {strides = array<i32>} : memref<2x81x128xi32, #tpu.memory_space<vmem>>, vector<1x1x16xi32>,
    %swap3A_121 = arith.constant 1 : i32
    %swap3A_122 = arith.constant 80 : i32
    %swap3A_123 = arith.index_cast %swap3A_121 : i32 to index
    %swap3A_124 = arith.index_cast %swap3A_122 : i32 to index
    %swap3A_125 = arith.constant 80 : index
    %swap3A_126 = tpu.vector_load %arg10[%swap3A_123, %swap3A_124, %swap3A_125] {strides = array<i32>} : memref<2x81x128xi32, #tpu.memory_space<vmem>>, vector<1x1x16xi32>,
    %swap3A_127 = vector.shape_cast %swap3A_126 : vector<1x1x16xi32> to vector<16xi32>
    %swap3A_128 = vector.shape_cast %broadcast_in_dim3A_1 : vector<16xi32> to vector<1x1x16xi32>
    tpu.vector_store %arg10[%swap3A_123, %swap3A_124, %swap3A_125], %swap3A_128 {strides = array<i32>} : memref<2x81x128xi32, #tpu.memory_space<vmem>>, vector<1x1x16xi32>,
    %swap3A_129 = arith.constant 1 : i32
    %swap3A_130 = arith.constant 80 : i32
    %swap3A_131 = arith.index_cast %swap3A_129 : i32 to index
    %swap3A_132 = arith.index_cast %swap3A_130 : i32 to index
    %swap3A_133 = arith.constant 96 : index
    %swap3A_134 = tpu.vector_load %arg10[%swap3A_131, %swap3A_132, %swap3A_133] {strides = array<i32>} : memref<2x81x128xi32, #tpu.memory_space<vmem>>, vector<1x1x16xi32>,
    %swap3A_135 = vector.shape_cast %swap3A_134 : vector<1x1x16xi32> to vector<16xi32>
    %swap3A_136 = vector.shape_cast %broadcast_in_dim3A_1 : vector<16xi32> to vector<1x1x16xi32>
    tpu.vector_store %arg10[%swap3A_131, %swap3A_132, %swap3A_133], %swap3A_136 {strides = array<i32>} : memref<2x81x128xi32, #tpu.memory_space<vmem>>, vector<1x1x16xi32>,
    %swap3A_137 = arith.constant 1 : i32
    %swap3A_138 = arith.constant 80 : i32
    %swap3A_139 = arith.index_cast %swap3A_137 : i32 to index
    %swap3A_140 = arith.index_cast %swap3A_138 : i32 to index
    %swap3A_141 = arith.constant 112 : index
    %swap3A_142 = tpu.vector_load %arg10[%swap3A_139, %swap3A_140, %swap3A_141] {strides = array<i32>} : memref<2x81x128xi32, #tpu.memory_space<vmem>>, vector<1x1x16xi32>,
    %swap3A_143 = vector.shape_cast %swap3A_142 : vector<1x1x16xi32> to vector<16xi32>
    %swap3A_144 = vector.shape_cast %broadcast_in_dim3A_1 : vector<16xi32> to vector<1x1x16xi32>
    tpu.vector_store %arg10[%swap3A_139, %swap3A_140, %swap3A_141], %swap3A_144 {strides = array<i32>} : memref<2x81x128xi32, #tpu.memory_space<vmem>>, vector<1x1x16xi32>,
    %mul3A_145 = arith.constant 5120 : i32
    %mul3A_146 = arith.muli %arg0, %mul3A_145 : i32
    %add3A = arith.addi %mul3A_146, %mul3A_0 : i32
    %run_scoped3A_147 = arith.constant 0 : i32
    "tpu.region"() ({
      %run_scoped3A_325 = tpu.sem_alloc : memref<!tpu.dma_semaphore, #tpu.memory_space<semaphore_mem>>
      %dma_start3A_326 = arith.constant 0 : i32
      %dma_start3A_327 = tpu.memref_slice %arg14[%mul3A_0, %dma_start3A_326] : memref<5128x128xf32, #tpu.memory_space<vmem_shared>> -> memref<320x128xf32, #tpu.memory_space<vmem_shared>>
      %dma_start3A_328 = arith.constant 0 : i32
      %dma_start3A_329 = tpu.memref_slice %arg4[%run_scoped3A_147, %add3A, %dma_start3A_328] : memref<3x10240x128xf32, #tpu.memory_space<hbm>> -> memref<1x320x128xf32, #tpu.memory_space<hbm>>
      %dma_start3A_330 = tpu.memref_squeeze %dma_start3A_329 : memref<1x320x128xf32, #tpu.memory_space<hbm>> -> memref<320x128xf32, #tpu.memory_space<hbm>>
      tpu.enqueue_dma source(%dma_start3A_330 : memref<320x128xf32, #tpu.memory_space<hbm>>) target(%dma_start3A_327 : memref<320x128xf32, #tpu.memory_space<vmem_shared>>) target_semaphore(%run_scoped3A_325 : memref<!tpu.dma_semaphore, #tpu.memory_space<semaphore_mem>>)
      %dma_wait3A_331 = arith.constant 0 : i32
      %dma_wait3A_332 = tpu.memref_slice %arg14[%mul3A_0, %dma_wait3A_331] : memref<5128x128xf32, #tpu.memory_space<vmem_shared>> -> memref<320x128xf32, #tpu.memory_space<vmem_shared>>
      %dma_wait3A_333 = arith.constant 0 : i32
      %dma_wait3A_334 = tpu.memref_slice %arg4[%run_scoped3A_147, %add3A, %dma_wait3A_333] : memref<3x10240x128xf32, #tpu.memory_space<hbm>> -> memref<1x320x128xf32, #tpu.memory_space<hbm>>
      %dma_wait3A_335 = tpu.memref_squeeze %dma_wait3A_334 : memref<1x320x128xf32, #tpu.memory_space<hbm>> -> memref<320x128xf32, #tpu.memory_space<hbm>>
      tpu.wait_dma2 semaphore(%run_scoped3A_325 : memref<!tpu.dma_semaphore, #tpu.memory_space<semaphore_mem>>) src(%dma_wait3A_335 : memref<320x128xf32, #tpu.memory_space<hbm>>) dst(%dma_wait3A_332 : memref<320x128xf32, #tpu.memory_space<vmem_shared>>)
      tpu.yield
    }) : () -> ()
    %barrier3A = arith.constant 0 : index
    tpu.barrier barrier_id(%barrier3A)
    %dma_start3A = arith.constant 0 : i32
    %dma_start3A_148 = arith.constant 0 : i32
    %dma_start3A_149 = arith.constant 0 : i32
    %dma_start3A_150 = tpu.memref_slice %arg10[%dma_start3A, %dma_start3A_148, %dma_start3A_149] : memref<2x81x128xi32, #tpu.memory_space<vmem>> -> memref<1x1x128xi32, #tpu.memory_space<vmem>>
    %dma_start3A_151 = tpu.memref_squeeze %dma_start3A_150 : memref<1x1x128xi32, #tpu.memory_space<vmem>> -> memref<128xi32, #tpu.memory_space<vmem>>
    %dma_start3A_152 = arith.constant 0 : i32
    %dma_start3A_153 = arith.constant 0 : i32
    %dma_start3A_154 = tpu.memref_slice %arg2[%dma_start3A_152, %dma_start3A_153] : memref<30720x128xf32, #tpu.memory_space<hbm>> -> memref<30720x128xf32, #tpu.memory_space<hbm>>
    tpu.enqueue_indirect_dma source(%dma_start3A_154 : memref<30720x128xf32, #tpu.memory_space<hbm>>) target(%arg12 : memref<128x128xf32, #tpu.memory_space<vmem>>) offsets(%dma_start3A_151 : memref<128xi32, #tpu.memory_space<vmem>>) semaphore(%arg15 : memref<!tpu.dma_semaphore, #tpu.memory_space<semaphore_mem>>)
    %scan3A_155 = arith.constant 0 : i32
    %scan3A_156 = arith.constant 0 : i32
    %scan3A_157 = arith.constant 40 : i32
    %scan3A_158 = arith.addi %scan3A_156, %scan3A_157 : i32
    %scan3A_159 = arith.constant 1 : i32
    %scan3A_160 = scf.for %scan3A_325 = %scan3A_156 to %scan3A_158 step %scan3A_159 iter_args(%scan3A_326 = %scan3A_155) -> (i32)  : i32 {
      %mul3A_327 = arith.constant 2 : i32
      %mul3A_328 = arith.muli %mul3A_327, %scan3A_325 : i32
      %add3A_329 = arith.constant 1 : i32
      %add3A_330 = arith.addi %mul3A_328, %add3A_329 : i32
      %dma_start3A_331 = arith.constant 0 : i32
      %dma_start3A_332 = arith.constant 0 : i32
      %dma_start3A_333 = tpu.memref_slice %arg10[%dma_start3A_331, %add3A_330, %dma_start3A_332] : memref<2x81x128xi32, #tpu.memory_space<vmem>> -> memref<1x1x128xi32, #tpu.memory_space<vmem>>
      %dma_start3A_334 = tpu.memref_squeeze %dma_start3A_333 : memref<1x1x128xi32, #tpu.memory_space<vmem>> -> memref<128xi32, #tpu.memory_space<vmem>>
      %dma_start3A_335 = arith.constant 0 : i32
      %dma_start3A_336 = arith.constant 0 : i32
      %dma_start3A_337 = tpu.memref_slice %arg2[%dma_start3A_335, %dma_start3A_336] : memref<30720x128xf32, #tpu.memory_space<hbm>> -> memref<30720x128xf32, #tpu.memory_space<hbm>>
      tpu.enqueue_indirect_dma source(%dma_start3A_337 : memref<30720x128xf32, #tpu.memory_space<hbm>>) target(%arg13 : memref<128x128xf32, #tpu.memory_space<vmem>>) offsets(%dma_start3A_334 : memref<128xi32, #tpu.memory_space<vmem>>) semaphore(%arg16 : memref<!tpu.dma_semaphore, #tpu.memory_space<semaphore_mem>>)
      %dma_wait3A_338 = arith.constant 0 : i32
      %dma_wait3A_339 = arith.constant 0 : i32
      %dma_wait3A_340 = tpu.memref_slice %arg10[%dma_wait3A_338, %mul3A_328, %dma_wait3A_339] : memref<2x81x128xi32, #tpu.memory_space<vmem>> -> memref<1x1x128xi32, #tpu.memory_space<vmem>>
      %dma_wait3A_341 = tpu.memref_squeeze %dma_wait3A_340 : memref<1x1x128xi32, #tpu.memory_space<vmem>> -> memref<128xi32, #tpu.memory_space<vmem>>
      %dma_wait3A_342 = arith.constant 0 : i32
      %dma_wait3A_343 = arith.constant 0 : i32
      %dma_wait3A_344 = tpu.memref_slice %arg2[%dma_wait3A_342, %dma_wait3A_343] : memref<30720x128xf32, #tpu.memory_space<hbm>> -> memref<30720x128xf32, #tpu.memory_space<hbm>>
      tpu.wait_indirect_dma semaphore(%arg15 : memref<!tpu.dma_semaphore, #tpu.memory_space<semaphore_mem>>) src(%dma_wait3A_344 : memref<30720x128xf32, #tpu.memory_space<hbm>>) dst(%arg12 : memref<128x128xf32, #tpu.memory_space<vmem>>)
      %dma_start3A_345 = arith.constant 0 : i32
      %dma_start3A_346 = arith.constant 0 : i32
      %dma_start3A_347 = tpu.memref_slice %arg11[%dma_start3A_345, %mul3A_328, %dma_start3A_346] : memref<2x80x128xi32, #tpu.memory_space<vmem>> -> memref<1x1x128xi32, #tpu.memory_space<vmem>>
      %dma_start3A_348 = tpu.memref_squeeze %dma_start3A_347 : memref<1x1x128xi32, #tpu.memory_space<vmem>> -> memref<128xi32, #tpu.memory_space<vmem>>
      %dma_start3A_349 = arith.constant 0 : i32
      %dma_start3A_350 = arith.constant 0 : i32
      %dma_start3A_351 = tpu.memref_slice %arg14[%dma_start3A_349, %dma_start3A_350] : memref<5128x128xf32, #tpu.memory_space<vmem_shared>> -> memref<5128x128xf32, #tpu.memory_space<vmem_shared>>
      tpu.enqueue_indirect_dma source(%arg12 : memref<128x128xf32, #tpu.memory_space<vmem>>) target(%dma_start3A_351 : memref<5128x128xf32, #tpu.memory_space<vmem_shared>>) offsets(%dma_start3A_348 : memref<128xi32, #tpu.memory_space<vmem>>) semaphore(%arg17 : memref<!tpu.dma_semaphore, #tpu.memory_space<semaphore_mem>>) {add = true}
      %dma_wait3A_352 = arith.constant 0 : i32
      %dma_wait3A_353 = arith.constant 0 : i32
      %dma_wait3A_354 = tpu.memref_slice %arg11[%dma_wait3A_352, %mul3A_328, %dma_wait3A_353] : memref<2x80x128xi32, #tpu.memory_space<vmem>> -> memref<1x1x128xi32, #tpu.memory_space<vmem>>
      %dma_wait3A_355 = tpu.memref_squeeze %dma_wait3A_354 : memref<1x1x128xi32, #tpu.memory_space<vmem>> -> memref<128xi32, #tpu.memory_space<vmem>>
      %dma_wait3A_356 = arith.constant 0 : i32
      %dma_wait3A_357 = arith.constant 0 : i32
      %dma_wait3A_358 = tpu.memref_slice %arg14[%dma_wait3A_356, %dma_wait3A_357] : memref<5128x128xf32, #tpu.memory_space<vmem_shared>> -> memref<5128x128xf32, #tpu.memory_space<vmem_shared>>
      tpu.wait_indirect_dma semaphore(%arg17 : memref<!tpu.dma_semaphore, #tpu.memory_space<semaphore_mem>>) src(%arg12 : memref<128x128xf32, #tpu.memory_space<vmem>>) dst(%dma_wait3A_358 : memref<5128x128xf32, #tpu.memory_space<vmem_shared>>)
      %add3A_359 = arith.constant 2 : i32
      %add3A_360 = arith.addi %mul3A_328, %add3A_359 : i32
      %dma_start3A_361 = arith.constant 0 : i32
      %dma_start3A_362 = arith.constant 0 : i32
      %dma_start3A_363 = tpu.memref_slice %arg10[%dma_start3A_361, %add3A_360, %dma_start3A_362] : memref<2x81x128xi32, #tpu.memory_space<vmem>> -> memref<1x1x128xi32, #tpu.memory_space<vmem>>
      %dma_start3A_364 = tpu.memref_squeeze %dma_start3A_363 : memref<1x1x128xi32, #tpu.memory_space<vmem>> -> memref<128xi32, #tpu.memory_space<vmem>>
      %dma_start3A_365 = arith.constant 0 : i32
      %dma_start3A_366 = arith.constant 0 : i32
      %dma_start3A_367 = tpu.memref_slice %arg2[%dma_start3A_365, %dma_start3A_366] : memref<30720x128xf32, #tpu.memory_space<hbm>> -> memref<30720x128xf32, #tpu.memory_space<hbm>>
      tpu.enqueue_indirect_dma source(%dma_start3A_367 : memref<30720x128xf32, #tpu.memory_space<hbm>>) target(%arg12 : memref<128x128xf32, #tpu.memory_space<vmem>>) offsets(%dma_start3A_364 : memref<128xi32, #tpu.memory_space<vmem>>) semaphore(%arg15 : memref<!tpu.dma_semaphore, #tpu.memory_space<semaphore_mem>>)
      %add3A_368 = arith.constant 1 : i32
      %add3A_369 = arith.addi %mul3A_328, %add3A_368 : i32
      %dma_wait3A_370 = arith.constant 0 : i32
      %dma_wait3A_371 = arith.constant 0 : i32
      %dma_wait3A_372 = tpu.memref_slice %arg10[%dma_wait3A_370, %add3A_369, %dma_wait3A_371] : memref<2x81x128xi32, #tpu.memory_space<vmem>> -> memref<1x1x128xi32, #tpu.memory_space<vmem>>
      %dma_wait3A_373 = tpu.memref_squeeze %dma_wait3A_372 : memref<1x1x128xi32, #tpu.memory_space<vmem>> -> memref<128xi32, #tpu.memory_space<vmem>>
      %dma_wait3A_374 = arith.constant 0 : i32
      %dma_wait3A_375 = arith.constant 0 : i32
      %dma_wait3A_376 = tpu.memref_slice %arg2[%dma_wait3A_374, %dma_wait3A_375] : memref<30720x128xf32, #tpu.memory_space<hbm>> -> memref<30720x128xf32, #tpu.memory_space<hbm>>
      tpu.wait_indirect_dma semaphore(%arg16 : memref<!tpu.dma_semaphore, #tpu.memory_space<semaphore_mem>>) src(%dma_wait3A_376 : memref<30720x128xf32, #tpu.memory_space<hbm>>) dst(%arg13 : memref<128x128xf32, #tpu.memory_space<vmem>>)
      %add3A_377 = arith.constant 1 : i32
      %add3A_378 = arith.addi %mul3A_328, %add3A_377 : i32
      %dma_start3A_379 = arith.constant 0 : i32
      %dma_start3A_380 = arith.constant 0 : i32
      %dma_start3A_381 = tpu.memref_slice %arg11[%dma_start3A_379, %add3A_378, %dma_start3A_380] : memref<2x80x128xi32, #tpu.memory_space<vmem>> -> memref<1x1x128xi32, #tpu.memory_space<vmem>>
      %dma_start3A_382 = tpu.memref_squeeze %dma_start3A_381 : memref<1x1x128xi32, #tpu.memory_space<vmem>> -> memref<128xi32, #tpu.memory_space<vmem>>
      %dma_start3A_383 = arith.constant 0 : i32
      %dma_start3A_384 = arith.constant 0 : i32
      %dma_start3A_385 = tpu.memref_slice %arg14[%dma_start3A_383, %dma_start3A_384] : memref<5128x128xf32, #tpu.memory_space<vmem_shared>> -> memref<5128x128xf32, #tpu.memory_space<vmem_shared>>
      tpu.enqueue_indirect_dma source(%arg13 : memref<128x128xf32, #tpu.memory_space<vmem>>) target(%dma_start3A_385 : memref<5128x128xf32, #tpu.memory_space<vmem_shared>>) offsets(%dma_start3A_382 : memref<128xi32, #tpu.memory_space<vmem>>) semaphore(%arg18 : memref<!tpu.dma_semaphore, #tpu.memory_space<semaphore_mem>>) {add = true}
      %dma_wait3A_386 = arith.constant 0 : i32
      %dma_wait3A_387 = arith.constant 0 : i32
      %dma_wait3A_388 = tpu.memref_slice %arg11[%dma_wait3A_386, %add3A_378, %dma_wait3A_387] : memref<2x80x128xi32, #tpu.memory_space<vmem>> -> memref<1x1x128xi32, #tpu.memory_space<vmem>>
      %dma_wait3A_389 = tpu.memref_squeeze %dma_wait3A_388 : memref<1x1x128xi32, #tpu.memory_space<vmem>> -> memref<128xi32, #tpu.memory_space<vmem>>
      %dma_wait3A_390 = arith.constant 0 : i32
      %dma_wait3A_391 = arith.constant 0 : i32
      %dma_wait3A_392 = tpu.memref_slice %arg14[%dma_wait3A_390, %dma_wait3A_391] : memref<5128x128xf32, #tpu.memory_space<vmem_shared>> -> memref<5128x128xf32, #tpu.memory_space<vmem_shared>>
      tpu.wait_indirect_dma semaphore(%arg18 : memref<!tpu.dma_semaphore, #tpu.memory_space<semaphore_mem>>) src(%arg13 : memref<128x128xf32, #tpu.memory_space<vmem>>) dst(%dma_wait3A_392 : memref<5128x128xf32, #tpu.memory_space<vmem_shared>>)
      %scan3A_393 = arith.constant 0 : i32
      scf.yield %scan3A_393 : i32
    }
    %scan3A_161 = arith.constant 40 : i32
    %dma_wait3A = arith.constant 0 : i32
    %dma_wait3A_162 = arith.constant 80 : i32
    %dma_wait3A_163 = arith.constant 0 : i32
    %dma_wait3A_164 = tpu.memref_slice %arg10[%dma_wait3A, %dma_wait3A_162, %dma_wait3A_163] : memref<2x81x128xi32, #tpu.memory_space<vmem>> -> memref<1x1x128xi32, #tpu.memory_space<vmem>>
    %dma_wait3A_165 = tpu.memref_squeeze %dma_wait3A_164 : memref<1x1x128xi32, #tpu.memory_space<vmem>> -> memref<128xi32, #tpu.memory_space<vmem>>
    %dma_wait3A_166 = arith.constant 0 : i32
    %dma_wait3A_167 = arith.constant 0 : i32
    %dma_wait3A_168 = tpu.memref_slice %arg2[%dma_wait3A_166, %dma_wait3A_167] : memref<30720x128xf32, #tpu.memory_space<hbm>> -> memref<30720x128xf32, #tpu.memory_space<hbm>>
    tpu.wait_indirect_dma semaphore(%arg15 : memref<!tpu.dma_semaphore, #tpu.memory_space<semaphore_mem>>) src(%dma_wait3A_168 : memref<30720x128xf32, #tpu.memory_space<hbm>>) dst(%arg12 : memref<128x128xf32, #tpu.memory_space<vmem>>)
    %dma_start3A_169 = arith.constant 1 : i32
    %dma_start3A_170 = arith.constant 0 : i32
    %dma_start3A_171 = arith.constant 0 : i32
    %dma_start3A_172 = tpu.memref_slice %arg10[%dma_start3A_169, %dma_start3A_170, %dma_start3A_171] : memref<2x81x128xi32, #tpu.memory_space<vmem>> -> memref<1x1x128xi32, #tpu.memory_space<vmem>>
    %dma_start3A_173 = tpu.memref_squeeze %dma_start3A_172 : memref<1x1x128xi32, #tpu.memory_space<vmem>> -> memref<128xi32, #tpu.memory_space<vmem>>
    %dma_start3A_174 = arith.constant 0 : i32
    %dma_start3A_175 = arith.constant 0 : i32
    %dma_start3A_176 = tpu.memref_slice %arg3[%dma_start3A_174, %dma_start3A_175] : memref<30720x128xf32, #tpu.memory_space<hbm>> -> memref<30720x128xf32, #tpu.memory_space<hbm>>
    tpu.enqueue_indirect_dma source(%dma_start3A_176 : memref<30720x128xf32, #tpu.memory_space<hbm>>) target(%arg12 : memref<128x128xf32, #tpu.memory_space<vmem>>) offsets(%dma_start3A_173 : memref<128xi32, #tpu.memory_space<vmem>>) semaphore(%arg15 : memref<!tpu.dma_semaphore, #tpu.memory_space<semaphore_mem>>)
    %scan3A_177 = arith.constant 0 : i32
    %scan3A_178 = arith.constant 0 : i32
    %scan3A_179 = arith.constant 40 : i32
    %scan3A_180 = arith.addi %scan3A_178, %scan3A_179 : i32
    %scan3A_181 = arith.constant 1 : i32
    %scan3A_182 = scf.for %scan3A_325 = %scan3A_178 to %scan3A_180 step %scan3A_181 iter_args(%scan3A_326 = %scan3A_177) -> (i32)  : i32 {
      %mul3A_327 = arith.constant 2 : i32
      %mul3A_328 = arith.muli %mul3A_327, %scan3A_325 : i32
      %add3A_329 = arith.constant 1 : i32
      %add3A_330 = arith.addi %mul3A_328, %add3A_329 : i32
      %dma_start3A_331 = arith.constant 1 : i32
      %dma_start3A_332 = arith.constant 0 : i32
      %dma_start3A_333 = tpu.memref_slice %arg10[%dma_start3A_331, %add3A_330, %dma_start3A_332] : memref<2x81x128xi32, #tpu.memory_space<vmem>> -> memref<1x1x128xi32, #tpu.memory_space<vmem>>
      %dma_start3A_334 = tpu.memref_squeeze %dma_start3A_333 : memref<1x1x128xi32, #tpu.memory_space<vmem>> -> memref<128xi32, #tpu.memory_space<vmem>>
      %dma_start3A_335 = arith.constant 0 : i32
      %dma_start3A_336 = arith.constant 0 : i32
      %dma_start3A_337 = tpu.memref_slice %arg3[%dma_start3A_335, %dma_start3A_336] : memref<30720x128xf32, #tpu.memory_space<hbm>> -> memref<30720x128xf32, #tpu.memory_space<hbm>>
      tpu.enqueue_indirect_dma source(%dma_start3A_337 : memref<30720x128xf32, #tpu.memory_space<hbm>>) target(%arg13 : memref<128x128xf32, #tpu.memory_space<vmem>>) offsets(%dma_start3A_334 : memref<128xi32, #tpu.memory_space<vmem>>) semaphore(%arg16 : memref<!tpu.dma_semaphore, #tpu.memory_space<semaphore_mem>>)
      %dma_wait3A_338 = arith.constant 1 : i32
      %dma_wait3A_339 = arith.constant 0 : i32
      %dma_wait3A_340 = tpu.memref_slice %arg10[%dma_wait3A_338, %mul3A_328, %dma_wait3A_339] : memref<2x81x128xi32, #tpu.memory_space<vmem>> -> memref<1x1x128xi32, #tpu.memory_space<vmem>>
      %dma_wait3A_341 = tpu.memref_squeeze %dma_wait3A_340 : memref<1x1x128xi32, #tpu.memory_space<vmem>> -> memref<128xi32, #tpu.memory_space<vmem>>
      %dma_wait3A_342 = arith.constant 0 : i32
      %dma_wait3A_343 = arith.constant 0 : i32
      %dma_wait3A_344 = tpu.memref_slice %arg3[%dma_wait3A_342, %dma_wait3A_343] : memref<30720x128xf32, #tpu.memory_space<hbm>> -> memref<30720x128xf32, #tpu.memory_space<hbm>>
      tpu.wait_indirect_dma semaphore(%arg15 : memref<!tpu.dma_semaphore, #tpu.memory_space<semaphore_mem>>) src(%dma_wait3A_344 : memref<30720x128xf32, #tpu.memory_space<hbm>>) dst(%arg12 : memref<128x128xf32, #tpu.memory_space<vmem>>)
      %dma_start3A_345 = arith.constant 1 : i32
      %dma_start3A_346 = arith.constant 0 : i32
      %dma_start3A_347 = tpu.memref_slice %arg11[%dma_start3A_345, %mul3A_328, %dma_start3A_346] : memref<2x80x128xi32, #tpu.memory_space<vmem>> -> memref<1x1x128xi32, #tpu.memory_space<vmem>>
      %dma_start3A_348 = tpu.memref_squeeze %dma_start3A_347 : memref<1x1x128xi32, #tpu.memory_space<vmem>> -> memref<128xi32, #tpu.memory_space<vmem>>
      %dma_start3A_349 = arith.constant 0 : i32
      %dma_start3A_350 = arith.constant 0 : i32
      %dma_start3A_351 = tpu.memref_slice %arg14[%dma_start3A_349, %dma_start3A_350] : memref<5128x128xf32, #tpu.memory_space<vmem_shared>> -> memref<5128x128xf32, #tpu.memory_space<vmem_shared>>
      tpu.enqueue_indirect_dma source(%arg12 : memref<128x128xf32, #tpu.memory_space<vmem>>) target(%dma_start3A_351 : memref<5128x128xf32, #tpu.memory_space<vmem_shared>>) offsets(%dma_start3A_348 : memref<128xi32, #tpu.memory_space<vmem>>) semaphore(%arg17 : memref<!tpu.dma_semaphore, #tpu.memory_space<semaphore_mem>>) {add = true}
      %dma_wait3A_352 = arith.constant 1 : i32
      %dma_wait3A_353 = arith.constant 0 : i32
      %dma_wait3A_354 = tpu.memref_slice %arg11[%dma_wait3A_352, %mul3A_328, %dma_wait3A_353] : memref<2x80x128xi32, #tpu.memory_space<vmem>> -> memref<1x1x128xi32, #tpu.memory_space<vmem>>
      %dma_wait3A_355 = tpu.memref_squeeze %dma_wait3A_354 : memref<1x1x128xi32, #tpu.memory_space<vmem>> -> memref<128xi32, #tpu.memory_space<vmem>>
      %dma_wait3A_356 = arith.constant 0 : i32
      %dma_wait3A_357 = arith.constant 0 : i32
      %dma_wait3A_358 = tpu.memref_slice %arg14[%dma_wait3A_356, %dma_wait3A_357] : memref<5128x128xf32, #tpu.memory_space<vmem_shared>> -> memref<5128x128xf32, #tpu.memory_space<vmem_shared>>
      tpu.wait_indirect_dma semaphore(%arg17 : memref<!tpu.dma_semaphore, #tpu.memory_space<semaphore_mem>>) src(%arg12 : memref<128x128xf32, #tpu.memory_space<vmem>>) dst(%dma_wait3A_358 : memref<5128x128xf32, #tpu.memory_space<vmem_shared>>)
      %add3A_359 = arith.constant 2 : i32
      %add3A_360 = arith.addi %mul3A_328, %add3A_359 : i32
      %dma_start3A_361 = arith.constant 1 : i32
      %dma_start3A_362 = arith.constant 0 : i32
      %dma_start3A_363 = tpu.memref_slice %arg10[%dma_start3A_361, %add3A_360, %dma_start3A_362] : memref<2x81x128xi32, #tpu.memory_space<vmem>> -> memref<1x1x128xi32, #tpu.memory_space<vmem>>
      %dma_start3A_364 = tpu.memref_squeeze %dma_start3A_363 : memref<1x1x128xi32, #tpu.memory_space<vmem>> -> memref<128xi32, #tpu.memory_space<vmem>>
      %dma_start3A_365 = arith.constant 0 : i32
      %dma_start3A_366 = arith.constant 0 : i32
      %dma_start3A_367 = tpu.memref_slice %arg3[%dma_start3A_365, %dma_start3A_366] : memref<30720x128xf32, #tpu.memory_space<hbm>> -> memref<30720x128xf32, #tpu.memory_space<hbm>>
      tpu.enqueue_indirect_dma source(%dma_start3A_367 : memref<30720x128xf32, #tpu.memory_space<hbm>>) target(%arg12 : memref<128x128xf32, #tpu.memory_space<vmem>>) offsets(%dma_start3A_364 : memref<128xi32, #tpu.memory_space<vmem>>) semaphore(%arg15 : memref<!tpu.dma_semaphore, #tpu.memory_space<semaphore_mem>>)
      %add3A_368 = arith.constant 1 : i32
      %add3A_369 = arith.addi %mul3A_328, %add3A_368 : i32
      %dma_wait3A_370 = arith.constant 1 : i32
      %dma_wait3A_371 = arith.constant 0 : i32
      %dma_wait3A_372 = tpu.memref_slice %arg10[%dma_wait3A_370, %add3A_369, %dma_wait3A_371] : memref<2x81x128xi32, #tpu.memory_space<vmem>> -> memref<1x1x128xi32, #tpu.memory_space<vmem>>
      %dma_wait3A_373 = tpu.memref_squeeze %dma_wait3A_372 : memref<1x1x128xi32, #tpu.memory_space<vmem>> -> memref<128xi32, #tpu.memory_space<vmem>>
      %dma_wait3A_374 = arith.constant 0 : i32
      %dma_wait3A_375 = arith.constant 0 : i32
      %dma_wait3A_376 = tpu.memref_slice %arg3[%dma_wait3A_374, %dma_wait3A_375] : memref<30720x128xf32, #tpu.memory_space<hbm>> -> memref<30720x128xf32, #tpu.memory_space<hbm>>
      tpu.wait_indirect_dma semaphore(%arg16 : memref<!tpu.dma_semaphore, #tpu.memory_space<semaphore_mem>>) src(%dma_wait3A_376 : memref<30720x128xf32, #tpu.memory_space<hbm>>) dst(%arg13 : memref<128x128xf32, #tpu.memory_space<vmem>>)
      %add3A_377 = arith.constant 1 : i32
      %add3A_378 = arith.addi %mul3A_328, %add3A_377 : i32
      %dma_start3A_379 = arith.constant 1 : i32
      %dma_start3A_380 = arith.constant 0 : i32
      %dma_start3A_381 = tpu.memref_slice %arg11[%dma_start3A_379, %add3A_378, %dma_start3A_380] : memref<2x80x128xi32, #tpu.memory_space<vmem>> -> memref<1x1x128xi32, #tpu.memory_space<vmem>>
      %dma_start3A_382 = tpu.memref_squeeze %dma_start3A_381 : memref<1x1x128xi32, #tpu.memory_space<vmem>> -> memref<128xi32, #tpu.memory_space<vmem>>
      %dma_start3A_383 = arith.constant 0 : i32
      %dma_start3A_384 = arith.constant 0 : i32
      %dma_start3A_385 = tpu.memref_slice %arg14[%dma_start3A_383, %dma_start3A_384] : memref<5128x128xf32, #tpu.memory_space<vmem_shared>> -> memref<5128x128xf32, #tpu.memory_space<vmem_shared>>
      tpu.enqueue_indirect_dma source(%arg13 : memref<128x128xf32, #tpu.memory_space<vmem>>) target(%dma_start3A_385 : memref<5128x128xf32, #tpu.memory_space<vmem_shared>>) offsets(%dma_start3A_382 : memref<128xi32, #tpu.memory_space<vmem>>) semaphore(%arg18 : memref<!tpu.dma_semaphore, #tpu.memory_space<semaphore_mem>>) {add = true}
      %dma_wait3A_386 = arith.constant 1 : i32
      %dma_wait3A_387 = arith.constant 0 : i32
      %dma_wait3A_388 = tpu.memref_slice %arg11[%dma_wait3A_386, %add3A_378, %dma_wait3A_387] : memref<2x80x128xi32, #tpu.memory_space<vmem>> -> memref<1x1x128xi32, #tpu.memory_space<vmem>>
      %dma_wait3A_389 = tpu.memref_squeeze %dma_wait3A_388 : memref<1x1x128xi32, #tpu.memory_space<vmem>> -> memref<128xi32, #tpu.memory_space<vmem>>
      %dma_wait3A_390 = arith.constant 0 : i32
      %dma_wait3A_391 = arith.constant 0 : i32
      %dma_wait3A_392 = tpu.memref_slice %arg14[%dma_wait3A_390, %dma_wait3A_391] : memref<5128x128xf32, #tpu.memory_space<vmem_shared>> -> memref<5128x128xf32, #tpu.memory_space<vmem_shared>>
      tpu.wait_indirect_dma semaphore(%arg18 : memref<!tpu.dma_semaphore, #tpu.memory_space<semaphore_mem>>) src(%arg13 : memref<128x128xf32, #tpu.memory_space<vmem>>) dst(%dma_wait3A_392 : memref<5128x128xf32, #tpu.memory_space<vmem_shared>>)
      %scan3A_393 = arith.constant 0 : i32
      scf.yield %scan3A_393 : i32
    }
    %scan3A_183 = arith.constant 40 : i32
    %dma_wait3A_184 = arith.constant 1 : i32
    %dma_wait3A_185 = arith.constant 80 : i32
    %dma_wait3A_186 = arith.constant 0 : i32
    %dma_wait3A_187 = tpu.memref_slice %arg10[%dma_wait3A_184, %dma_wait3A_185, %dma_wait3A_186] : memref<2x81x128xi32, #tpu.memory_space<vmem>> -> memref<1x1x128xi32, #tpu.memory_space<vmem>>
    %dma_wait3A_188 = tpu.memref_squeeze %dma_wait3A_187 : memref<1x1x128xi32, #tpu.memory_space<vmem>> -> memref<128xi32, #tpu.memory_space<vmem>>
    %dma_wait3A_189 = arith.constant 0 : i32
    %dma_wait3A_190 = arith.constant 0 : i32
    %dma_wait3A_191 = tpu.memref_slice %arg3[%dma_wait3A_189, %dma_wait3A_190] : memref<30720x128xf32, #tpu.memory_space<hbm>> -> memref<30720x128xf32, #tpu.memory_space<hbm>>
    tpu.wait_indirect_dma semaphore(%arg15 : memref<!tpu.dma_semaphore, #tpu.memory_space<semaphore_mem>>) src(%dma_wait3A_191 : memref<30720x128xf32, #tpu.memory_space<hbm>>) dst(%arg12 : memref<128x128xf32, #tpu.memory_space<vmem>>)
    %barrier3A_192 = arith.constant 0 : index
    tpu.barrier barrier_id(%barrier3A_192)
    %mul3A_193 = arith.constant 5120 : i32
    %mul3A_194 = arith.muli %arg0, %mul3A_193 : i32
    %add3A_195 = arith.addi %mul3A_194, %mul3A_0 : i32
    %run_scoped3A_196 = arith.constant 0 : i32
    "tpu.region"() ({
      %run_scoped3A_325 = tpu.sem_alloc : memref<!tpu.dma_semaphore, #tpu.memory_space<semaphore_mem>>
      %dma_start3A_326 = arith.constant 0 : i32
      %dma_start3A_327 = tpu.memref_slice %arg9[%run_scoped3A_196, %add3A_195, %dma_start3A_326] : memref<3x10240x128xf32, #tpu.memory_space<hbm>> -> memref<1x320x128xf32, #tpu.memory_space<hbm>>
      %dma_start3A_328 = tpu.memref_squeeze %dma_start3A_327 : memref<1x320x128xf32, #tpu.memory_space<hbm>> -> memref<320x128xf32, #tpu.memory_space<hbm>>
      %dma_start3A_329 = arith.constant 0 : i32
      %dma_start3A_330 = tpu.memref_slice %arg14[%mul3A_0, %dma_start3A_329] : memref<5128x128xf32, #tpu.memory_space<vmem_shared>> -> memref<320x128xf32, #tpu.memory_space<vmem_shared>>
      tpu.enqueue_dma source(%dma_start3A_330 : memref<320x128xf32, #tpu.memory_space<vmem_shared>>) target(%dma_start3A_328 : memref<320x128xf32, #tpu.memory_space<hbm>>) target_semaphore(%run_scoped3A_325 : memref<!tpu.dma_semaphore, #tpu.memory_space<semaphore_mem>>)
      %dma_wait3A_331 = arith.constant 0 : i32
      %dma_wait3A_332 = tpu.memref_slice %arg9[%run_scoped3A_196, %add3A_195, %dma_wait3A_331] : memref<3x10240x128xf32, #tpu.memory_space<hbm>> -> memref<1x320x128xf32, #tpu.memory_space<hbm>>
      %dma_wait3A_333 = tpu.memref_squeeze %dma_wait3A_332 : memref<1x320x128xf32, #tpu.memory_space<hbm>> -> memref<320x128xf32, #tpu.memory_space<hbm>>
      %dma_wait3A_334 = arith.constant 0 : i32
      %dma_wait3A_335 = tpu.memref_slice %arg14[%mul3A_0, %dma_wait3A_334] : memref<5128x128xf32, #tpu.memory_space<vmem_shared>> -> memref<320x128xf32, #tpu.memory_space<vmem_shared>>
      tpu.wait_dma2 semaphore(%run_scoped3A_325 : memref<!tpu.dma_semaphore, #tpu.memory_space<semaphore_mem>>) src(%dma_wait3A_335 : memref<320x128xf32, #tpu.memory_space<vmem_shared>>) dst(%dma_wait3A_333 : memref<320x128xf32, #tpu.memory_space<hbm>>)
      tpu.yield
    }) : () -> ()
    %barrier3A_197 = arith.constant 0 : index
    tpu.barrier barrier_id(%barrier3A_197)
    %scan3A_198 = arith.constant 0 : i32
    %scan3A_199 = arith.constant 0 : i32
    %scan3A_200 = arith.constant 80 : i32
    %scan3A_201 = arith.addi %scan3A_199, %scan3A_200 : i32
    %scan3A_202 = arith.constant 1 : i32
    %scan3A_203 = scf.for %scan3A_325 = %scan3A_199 to %scan3A_201 step %scan3A_202 iter_args(%scan3A_326 = %scan3A_198) -> (i32)  : i32 {
      %get3A = arith.constant 0 : i32
      %get3A_327 = arith.index_cast %get3A : i32 to index
      %get3A_328 = arith.index_cast %scan3A_325 : i32 to index
      %get3A_329 = arith.constant 0 : index
      %get3A_330 = tpu.vector_load %arg10[%get3A_327, %get3A_328, %get3A_329] {strides = array<i32>} : memref<2x81x128xi32, #tpu.memory_space<vmem>>, vector<1x1x16xi32>,
      %get3A_331 = vector.shape_cast %get3A_330 : vector<1x1x16xi32> to vector<16xi32>
      %add3A_332 = arith.constant 1 : i32
      %add3A_333 = vector.broadcast %add3A_332 : i32 to vector<16xi32>
      %add3A_334 = arith.addi %get3A_331, %add3A_333 : vector<16xi32>
      %swap3A_335 = arith.constant 0 : i32
      %swap3A_336 = arith.index_cast %swap3A_335 : i32 to index
      %swap3A_337 = arith.index_cast %scan3A_325 : i32 to index
      %swap3A_338 = arith.constant 0 : index
      %swap3A_339 = tpu.vector_load %arg10[%swap3A_336, %swap3A_337, %swap3A_338] {strides = array<i32>} : memref<2x81x128xi32, #tpu.memory_space<vmem>>, vector<1x1x16xi32>,
      %swap3A_340 = vector.shape_cast %swap3A_339 : vector<1x1x16xi32> to vector<16xi32>
      %swap3A_341 = vector.shape_cast %add3A_334 : vector<16xi32> to vector<1x1x16xi32>
      tpu.vector_store %arg10[%swap3A_336, %swap3A_337, %swap3A_338], %swap3A_341 {strides = array<i32>} : memref<2x81x128xi32, #tpu.memory_space<vmem>>, vector<1x1x16xi32>,
      %get3A_342 = arith.constant 0 : i32
      %get3A_343 = arith.index_cast %get3A_342 : i32 to index
      %get3A_344 = arith.index_cast %scan3A_325 : i32 to index
      %get3A_345 = arith.constant 16 : index
      %get3A_346 = tpu.vector_load %arg10[%get3A_343, %get3A_344, %get3A_345] {strides = array<i32>} : memref<2x81x128xi32, #tpu.memory_space<vmem>>, vector<1x1x16xi32>,
      %get3A_347 = vector.shape_cast %get3A_346 : vector<1x1x16xi32> to vector<16xi32>
      %add3A_348 = arith.constant 1 : i32
      %add3A_349 = vector.broadcast %add3A_348 : i32 to vector<16xi32>
      %add3A_350 = arith.addi %get3A_347, %add3A_349 : vector<16xi32>
      %swap3A_351 = arith.constant 0 : i32
      %swap3A_352 = arith.index_cast %swap3A_351 : i32 to index
      %swap3A_353 = arith.index_cast %scan3A_325 : i32 to index
      %swap3A_354 = arith.constant 16 : index
      %swap3A_355 = tpu.vector_load %arg10[%swap3A_352, %swap3A_353, %swap3A_354] {strides = array<i32>} : memref<2x81x128xi32, #tpu.memory_space<vmem>>, vector<1x1x16xi32>,
      %swap3A_356 = vector.shape_cast %swap3A_355 : vector<1x1x16xi32> to vector<16xi32>
      %swap3A_357 = vector.shape_cast %add3A_350 : vector<16xi32> to vector<1x1x16xi32>
      tpu.vector_store %arg10[%swap3A_352, %swap3A_353, %swap3A_354], %swap3A_357 {strides = array<i32>} : memref<2x81x128xi32, #tpu.memory_space<vmem>>, vector<1x1x16xi32>,
      %get3A_358 = arith.constant 0 : i32
      %get3A_359 = arith.index_cast %get3A_358 : i32 to index
      %get3A_360 = arith.index_cast %scan3A_325 : i32 to index
      %get3A_361 = arith.constant 32 : index
      %get3A_362 = tpu.vector_load %arg10[%get3A_359, %get3A_360, %get3A_361] {strides = array<i32>} : memref<2x81x128xi32, #tpu.memory_space<vmem>>, vector<1x1x16xi32>,
      %get3A_363 = vector.shape_cast %get3A_362 : vector<1x1x16xi32> to vector<16xi32>
      %add3A_364 = arith.constant 1 : i32
      %add3A_365 = vector.broadcast %add3A_364 : i32 to vector<16xi32>
      %add3A_366 = arith.addi %get3A_363, %add3A_365 : vector<16xi32>
      %swap3A_367 = arith.constant 0 : i32
      %swap3A_368 = arith.index_cast %swap3A_367 : i32 to index
      %swap3A_369 = arith.index_cast %scan3A_325 : i32 to index
      %swap3A_370 = arith.constant 32 : index
      %swap3A_371 = tpu.vector_load %arg10[%swap3A_368, %swap3A_369, %swap3A_370] {strides = array<i32>} : memref<2x81x128xi32, #tpu.memory_space<vmem>>, vector<1x1x16xi32>,
      %swap3A_372 = vector.shape_cast %swap3A_371 : vector<1x1x16xi32> to vector<16xi32>
      %swap3A_373 = vector.shape_cast %add3A_366 : vector<16xi32> to vector<1x1x16xi32>
      tpu.vector_store %arg10[%swap3A_368, %swap3A_369, %swap3A_370], %swap3A_373 {strides = array<i32>} : memref<2x81x128xi32, #tpu.memory_space<vmem>>, vector<1x1x16xi32>,
      %get3A_374 = arith.constant 0 : i32
      %get3A_375 = arith.index_cast %get3A_374 : i32 to index
      %get3A_376 = arith.index_cast %scan3A_325 : i32 to index
      %get3A_377 = arith.constant 48 : index
      %get3A_378 = tpu.vector_load %arg10[%get3A_375, %get3A_376, %get3A_377] {strides = array<i32>} : memref<2x81x128xi32, #tpu.memory_space<vmem>>, vector<1x1x16xi32>,
      %get3A_379 = vector.shape_cast %get3A_378 : vector<1x1x16xi32> to vector<16xi32>
      %add3A_380 = arith.constant 1 : i32
      %add3A_381 = vector.broadcast %add3A_380 : i32 to vector<16xi32>
      %add3A_382 = arith.addi %get3A_379, %add3A_381 : vector<16xi32>
      %swap3A_383 = arith.constant 0 : i32
      %swap3A_384 = arith.index_cast %swap3A_383 : i32 to index
      %swap3A_385 = arith.index_cast %scan3A_325 : i32 to index
      %swap3A_386 = arith.constant 48 : index
      %swap3A_387 = tpu.vector_load %arg10[%swap3A_384, %swap3A_385, %swap3A_386] {strides = array<i32>} : memref<2x81x128xi32, #tpu.memory_space<vmem>>, vector<1x1x16xi32>,
      %swap3A_388 = vector.shape_cast %swap3A_387 : vector<1x1x16xi32> to vector<16xi32>
      %swap3A_389 = vector.shape_cast %add3A_382 : vector<16xi32> to vector<1x1x16xi32>
      tpu.vector_store %arg10[%swap3A_384, %swap3A_385, %swap3A_386], %swap3A_389 {strides = array<i32>} : memref<2x81x128xi32, #tpu.memory_space<vmem>>, vector<1x1x16xi32>,
      %get3A_390 = arith.constant 0 : i32
      %get3A_391 = arith.index_cast %get3A_390 : i32 to index
      %get3A_392 = arith.index_cast %scan3A_325 : i32 to index
      %get3A_393 = arith.constant 64 : index
      %get3A_394 = tpu.vector_load %arg10[%get3A_391, %get3A_392, %get3A_393] {strides = array<i32>} : memref<2x81x128xi32, #tpu.memory_space<vmem>>, vector<1x1x16xi32>,
      %get3A_395 = vector.shape_cast %get3A_394 : vector<1x1x16xi32> to vector<16xi32>
      %add3A_396 = arith.constant 1 : i32
      %add3A_397 = vector.broadcast %add3A_396 : i32 to vector<16xi32>
      %add3A_398 = arith.addi %get3A_395, %add3A_397 : vector<16xi32>
      %swap3A_399 = arith.constant 0 : i32
      %swap3A_400 = arith.index_cast %swap3A_399 : i32 to index
      %swap3A_401 = arith.index_cast %scan3A_325 : i32 to index
      %swap3A_402 = arith.constant 64 : index
      %swap3A_403 = tpu.vector_load %arg10[%swap3A_400, %swap3A_401, %swap3A_402] {strides = array<i32>} : memref<2x81x128xi32, #tpu.memory_space<vmem>>, vector<1x1x16xi32>,
      %swap3A_404 = vector.shape_cast %swap3A_403 : vector<1x1x16xi32> to vector<16xi32>
      %swap3A_405 = vector.shape_cast %add3A_398 : vector<16xi32> to vector<1x1x16xi32>
      tpu.vector_store %arg10[%swap3A_400, %swap3A_401, %swap3A_402], %swap3A_405 {strides = array<i32>} : memref<2x81x128xi32, #tpu.memory_space<vmem>>, vector<1x1x16xi32>,
      %get3A_406 = arith.constant 0 : i32
      %get3A_407 = arith.index_cast %get3A_406 : i32 to index
      %get3A_408 = arith.index_cast %scan3A_325 : i32 to index
      %get3A_409 = arith.constant 80 : index
      %get3A_410 = tpu.vector_load %arg10[%get3A_407, %get3A_408, %get3A_409] {strides = array<i32>} : memref<2x81x128xi32, #tpu.memory_space<vmem>>, vector<1x1x16xi32>,
      %get3A_411 = vector.shape_cast %get3A_410 : vector<1x1x16xi32> to vector<16xi32>
      %add3A_412 = arith.constant 1 : i32
      %add3A_413 = vector.broadcast %add3A_412 : i32 to vector<16xi32>
      %add3A_414 = arith.addi %get3A_411, %add3A_413 : vector<16xi32>
      %swap3A_415 = arith.constant 0 : i32
      %swap3A_416 = arith.index_cast %swap3A_415 : i32 to index
      %swap3A_417 = arith.index_cast %scan3A_325 : i32 to index
      %swap3A_418 = arith.constant 80 : index
      %swap3A_419 = tpu.vector_load %arg10[%swap3A_416, %swap3A_417, %swap3A_418] {strides = array<i32>} : memref<2x81x128xi32, #tpu.memory_space<vmem>>, vector<1x1x16xi32>,
      %swap3A_420 = vector.shape_cast %swap3A_419 : vector<1x1x16xi32> to vector<16xi32>
      %swap3A_421 = vector.shape_cast %add3A_414 : vector<16xi32> to vector<1x1x16xi32>
      tpu.vector_store %arg10[%swap3A_416, %swap3A_417, %swap3A_418], %swap3A_421 {strides = array<i32>} : memref<2x81x128xi32, #tpu.memory_space<vmem>>, vector<1x1x16xi32>,
      %get3A_422 = arith.constant 0 : i32
      %get3A_423 = arith.index_cast %get3A_422 : i32 to index
      %get3A_424 = arith.index_cast %scan3A_325 : i32 to index
      %get3A_425 = arith.constant 96 : index
      %get3A_426 = tpu.vector_load %arg10[%get3A_423, %get3A_424, %get3A_425] {strides = array<i32>} : memref<2x81x128xi32, #tpu.memory_space<vmem>>, vector<1x1x16xi32>,
      %get3A_427 = vector.shape_cast %get3A_426 : vector<1x1x16xi32> to vector<16xi32>
      %add3A_428 = arith.constant 1 : i32
      %add3A_429 = vector.broadcast %add3A_428 : i32 to vector<16xi32>
      %add3A_430 = arith.addi %get3A_427, %add3A_429 : vector<16xi32>
      %swap3A_431 = arith.constant 0 : i32
      %swap3A_432 = arith.index_cast %swap3A_431 : i32 to index
      %swap3A_433 = arith.index_cast %scan3A_325 : i32 to index
      %swap3A_434 = arith.constant 96 : index
      %swap3A_435 = tpu.vector_load %arg10[%swap3A_432, %swap3A_433, %swap3A_434] {strides = array<i32>} : memref<2x81x128xi32, #tpu.memory_space<vmem>>, vector<1x1x16xi32>,
      %swap3A_436 = vector.shape_cast %swap3A_435 : vector<1x1x16xi32> to vector<16xi32>
      %swap3A_437 = vector.shape_cast %add3A_430 : vector<16xi32> to vector<1x1x16xi32>
      tpu.vector_store %arg10[%swap3A_432, %swap3A_433, %swap3A_434], %swap3A_437 {strides = array<i32>} : memref<2x81x128xi32, #tpu.memory_space<vmem>>, vector<1x1x16xi32>,
      %get3A_438 = arith.constant 0 : i32
      %get3A_439 = arith.index_cast %get3A_438 : i32 to index
      %get3A_440 = arith.index_cast %scan3A_325 : i32 to index
      %get3A_441 = arith.constant 112 : index
      %get3A_442 = tpu.vector_load %arg10[%get3A_439, %get3A_440, %get3A_441] {strides = array<i32>} : memref<2x81x128xi32, #tpu.memory_space<vmem>>, vector<1x1x16xi32>,
      %get3A_443 = vector.shape_cast %get3A_442 : vector<1x1x16xi32> to vector<16xi32>
      %add3A_444 = arith.constant 1 : i32
      %add3A_445 = vector.broadcast %add3A_444 : i32 to vector<16xi32>
      %add3A_446 = arith.addi %get3A_443, %add3A_445 : vector<16xi32>
      %swap3A_447 = arith.constant 0 : i32
      %swap3A_448 = arith.index_cast %swap3A_447 : i32 to index
      %swap3A_449 = arith.index_cast %scan3A_325 : i32 to index
      %swap3A_450 = arith.constant 112 : index
      %swap3A_451 = tpu.vector_load %arg10[%swap3A_448, %swap3A_449, %swap3A_450] {strides = array<i32>} : memref<2x81x128xi32, #tpu.memory_space<vmem>>, vector<1x1x16xi32>,
      %swap3A_452 = vector.shape_cast %swap3A_451 : vector<1x1x16xi32> to vector<16xi32>
      %swap3A_453 = vector.shape_cast %add3A_446 : vector<16xi32> to vector<1x1x16xi32>
      tpu.vector_store %arg10[%swap3A_448, %swap3A_449, %swap3A_450], %swap3A_453 {strides = array<i32>} : memref<2x81x128xi32, #tpu.memory_space<vmem>>, vector<1x1x16xi32>,
      %get3A_454 = arith.constant 1 : i32
      %get3A_455 = arith.index_cast %get3A_454 : i32 to index
      %get3A_456 = arith.index_cast %scan3A_325 : i32 to index
      %get3A_457 = arith.constant 0 : index
      %get3A_458 = tpu.vector_load %arg10[%get3A_455, %get3A_456, %get3A_457] {strides = array<i32>} : memref<2x81x128xi32, #tpu.memory_space<vmem>>, vector<1x1x16xi32>,
      %get3A_459 = vector.shape_cast %get3A_458 : vector<1x1x16xi32> to vector<16xi32>
      %add3A_460 = arith.constant 1 : i32
      %add3A_461 = vector.broadcast %add3A_460 : i32 to vector<16xi32>
      %add3A_462 = arith.addi %get3A_459, %add3A_461 : vector<16xi32>
      %swap3A_463 = arith.constant 1 : i32
      %swap3A_464 = arith.index_cast %swap3A_463 : i32 to index
      %swap3A_465 = arith.index_cast %scan3A_325 : i32 to index
      %swap3A_466 = arith.constant 0 : index
      %swap3A_467 = tpu.vector_load %arg10[%swap3A_464, %swap3A_465, %swap3A_466] {strides = array<i32>} : memref<2x81x128xi32, #tpu.memory_space<vmem>>, vector<1x1x16xi32>,
      %swap3A_468 = vector.shape_cast %swap3A_467 : vector<1x1x16xi32> to vector<16xi32>
      %swap3A_469 = vector.shape_cast %add3A_462 : vector<16xi32> to vector<1x1x16xi32>
      tpu.vector_store %arg10[%swap3A_464, %swap3A_465, %swap3A_466], %swap3A_469 {strides = array<i32>} : memref<2x81x128xi32, #tpu.memory_space<vmem>>, vector<1x1x16xi32>,
      %get3A_470 = arith.constant 1 : i32
      %get3A_471 = arith.index_cast %get3A_470 : i32 to index
      %get3A_472 = arith.index_cast %scan3A_325 : i32 to index
      %get3A_473 = arith.constant 16 : index
      %get3A_474 = tpu.vector_load %arg10[%get3A_471, %get3A_472, %get3A_473] {strides = array<i32>} : memref<2x81x128xi32, #tpu.memory_space<vmem>>, vector<1x1x16xi32>,
      %get3A_475 = vector.shape_cast %get3A_474 : vector<1x1x16xi32> to vector<16xi32>
      %add3A_476 = arith.constant 1 : i32
      %add3A_477 = vector.broadcast %add3A_476 : i32 to vector<16xi32>
      %add3A_478 = arith.addi %get3A_475, %add3A_477 : vector<16xi32>
      %swap3A_479 = arith.constant 1 : i32
      %swap3A_480 = arith.index_cast %swap3A_479 : i32 to index
      %swap3A_481 = arith.index_cast %scan3A_325 : i32 to index
      %swap3A_482 = arith.constant 16 : index
      %swap3A_483 = tpu.vector_load %arg10[%swap3A_480, %swap3A_481, %swap3A_482] {strides = array<i32>} : memref<2x81x128xi32, #tpu.memory_space<vmem>>, vector<1x1x16xi32>,
      %swap3A_484 = vector.shape_cast %swap3A_483 : vector<1x1x16xi32> to vector<16xi32>
      %swap3A_485 = vector.shape_cast %add3A_478 : vector<16xi32> to vector<1x1x16xi32>
      tpu.vector_store %arg10[%swap3A_480, %swap3A_481, %swap3A_482], %swap3A_485 {strides = array<i32>} : memref<2x81x128xi32, #tpu.memory_space<vmem>>, vector<1x1x16xi32>,
      %get3A_486 = arith.constant 1 : i32
      %get3A_487 = arith.index_cast %get3A_486 : i32 to index
      %get3A_488 = arith.index_cast %scan3A_325 : i32 to index
      %get3A_489 = arith.constant 32 : index
      %get3A_490 = tpu.vector_load %arg10[%get3A_487, %get3A_488, %get3A_489] {strides = array<i32>} : memref<2x81x128xi32, #tpu.memory_space<vmem>>, vector<1x1x16xi32>,
      %get3A_491 = vector.shape_cast %get3A_490 : vector<1x1x16xi32> to vector<16xi32>
      %add3A_492 = arith.constant 1 : i32
      %add3A_493 = vector.broadcast %add3A_492 : i32 to vector<16xi32>
      %add3A_494 = arith.addi %get3A_491, %add3A_493 : vector<16xi32>
      %swap3A_495 = arith.constant 1 : i32
      %swap3A_496 = arith.index_cast %swap3A_495 : i32 to index
      %swap3A_497 = arith.index_cast %scan3A_325 : i32 to index
      %swap3A_498 = arith.constant 32 : index
      %swap3A_499 = tpu.vector_load %arg10[%swap3A_496, %swap3A_497, %swap3A_498] {strides = array<i32>} : memref<2x81x128xi32, #tpu.memory_space<vmem>>, vector<1x1x16xi32>,
      %swap3A_500 = vector.shape_cast %swap3A_499 : vector<1x1x16xi32> to vector<16xi32>
      %swap3A_501 = vector.shape_cast %add3A_494 : vector<16xi32> to vector<1x1x16xi32>
      tpu.vector_store %arg10[%swap3A_496, %swap3A_497, %swap3A_498], %swap3A_501 {strides = array<i32>} : memref<2x81x128xi32, #tpu.memory_space<vmem>>, vector<1x1x16xi32>,
      %get3A_502 = arith.constant 1 : i32
      %get3A_503 = arith.index_cast %get3A_502 : i32 to index
      %get3A_504 = arith.index_cast %scan3A_325 : i32 to index
      %get3A_505 = arith.constant 48 : index
      %get3A_506 = tpu.vector_load %arg10[%get3A_503, %get3A_504, %get3A_505] {strides = array<i32>} : memref<2x81x128xi32, #tpu.memory_space<vmem>>, vector<1x1x16xi32>,
      %get3A_507 = vector.shape_cast %get3A_506 : vector<1x1x16xi32> to vector<16xi32>
      %add3A_508 = arith.constant 1 : i32
      %add3A_509 = vector.broadcast %add3A_508 : i32 to vector<16xi32>
      %add3A_510 = arith.addi %get3A_507, %add3A_509 : vector<16xi32>
      %swap3A_511 = arith.constant 1 : i32
      %swap3A_512 = arith.index_cast %swap3A_511 : i32 to index
      %swap3A_513 = arith.index_cast %scan3A_325 : i32 to index
      %swap3A_514 = arith.constant 48 : index
      %swap3A_515 = tpu.vector_load %arg10[%swap3A_512, %swap3A_513, %swap3A_514] {strides = array<i32>} : memref<2x81x128xi32, #tpu.memory_space<vmem>>, vector<1x1x16xi32>,
      %swap3A_516 = vector.shape_cast %swap3A_515 : vector<1x1x16xi32> to vector<16xi32>
      %swap3A_517 = vector.shape_cast %add3A_510 : vector<16xi32> to vector<1x1x16xi32>
      tpu.vector_store %arg10[%swap3A_512, %swap3A_513, %swap3A_514], %swap3A_517 {strides = array<i32>} : memref<2x81x128xi32, #tpu.memory_space<vmem>>, vector<1x1x16xi32>,
      %get3A_518 = arith.constant 1 : i32
      %get3A_519 = arith.index_cast %get3A_518 : i32 to index
      %get3A_520 = arith.index_cast %scan3A_325 : i32 to index
      %get3A_521 = arith.constant 64 : index
      %get3A_522 = tpu.vector_load %arg10[%get3A_519, %get3A_520, %get3A_521] {strides = array<i32>} : memref<2x81x128xi32, #tpu.memory_space<vmem>>, vector<1x1x16xi32>,
      %get3A_523 = vector.shape_cast %get3A_522 : vector<1x1x16xi32> to vector<16xi32>
      %add3A_524 = arith.constant 1 : i32
      %add3A_525 = vector.broadcast %add3A_524 : i32 to vector<16xi32>
      %add3A_526 = arith.addi %get3A_523, %add3A_525 : vector<16xi32>
      %swap3A_527 = arith.constant 1 : i32
      %swap3A_528 = arith.index_cast %swap3A_527 : i32 to index
      %swap3A_529 = arith.index_cast %scan3A_325 : i32 to index
      %swap3A_530 = arith.constant 64 : index
      %swap3A_531 = tpu.vector_load %arg10[%swap3A_528, %swap3A_529, %swap3A_530] {strides = array<i32>} : memref<2x81x128xi32, #tpu.memory_space<vmem>>, vector<1x1x16xi32>,
      %swap3A_532 = vector.shape_cast %swap3A_531 : vector<1x1x16xi32> to vector<16xi32>
      %swap3A_533 = vector.shape_cast %add3A_526 : vector<16xi32> to vector<1x1x16xi32>
      tpu.vector_store %arg10[%swap3A_528, %swap3A_529, %swap3A_530], %swap3A_533 {strides = array<i32>} : memref<2x81x128xi32, #tpu.memory_space<vmem>>, vector<1x1x16xi32>,
      %get3A_534 = arith.constant 1 : i32
      %get3A_535 = arith.index_cast %get3A_534 : i32 to index
      %get3A_536 = arith.index_cast %scan3A_325 : i32 to index
      %get3A_537 = arith.constant 80 : index
      %get3A_538 = tpu.vector_load %arg10[%get3A_535, %get3A_536, %get3A_537] {strides = array<i32>} : memref<2x81x128xi32, #tpu.memory_space<vmem>>, vector<1x1x16xi32>,
      %get3A_539 = vector.shape_cast %get3A_538 : vector<1x1x16xi32> to vector<16xi32>
      %add3A_540 = arith.constant 1 : i32
      %add3A_541 = vector.broadcast %add3A_540 : i32 to vector<16xi32>
      %add3A_542 = arith.addi %get3A_539, %add3A_541 : vector<16xi32>
      %swap3A_543 = arith.constant 1 : i32
      %swap3A_544 = arith.index_cast %swap3A_543 : i32 to index
      %swap3A_545 = arith.index_cast %scan3A_325 : i32 to index
      %swap3A_546 = arith.constant 80 : index
      %swap3A_547 = tpu.vector_load %arg10[%swap3A_544, %swap3A_545, %swap3A_546] {strides = array<i32>} : memref<2x81x128xi32, #tpu.memory_space<vmem>>, vector<1x1x16xi32>,
      %swap3A_548 = vector.shape_cast %swap3A_547 : vector<1x1x16xi32> to vector<16xi32>
      %swap3A_549 = vector.shape_cast %add3A_542 : vector<16xi32> to vector<1x1x16xi32>
      tpu.vector_store %arg10[%swap3A_544, %swap3A_545, %swap3A_546], %swap3A_549 {strides = array<i32>} : memref<2x81x128xi32, #tpu.memory_space<vmem>>, vector<1x1x16xi32>,
      %get3A_550 = arith.constant 1 : i32
      %get3A_551 = arith.index_cast %get3A_550 : i32 to index
      %get3A_552 = arith.index_cast %scan3A_325 : i32 to index
      %get3A_553 = arith.constant 96 : index
      %get3A_554 = tpu.vector_load %arg10[%get3A_551, %get3A_552, %get3A_553] {strides = array<i32>} : memref<2x81x128xi32, #tpu.memory_space<vmem>>, vector<1x1x16xi32>,
      %get3A_555 = vector.shape_cast %get3A_554 : vector<1x1x16xi32> to vector<16xi32>
      %add3A_556 = arith.constant 1 : i32
      %add3A_557 = vector.broadcast %add3A_556 : i32 to vector<16xi32>
      %add3A_558 = arith.addi %get3A_555, %add3A_557 : vector<16xi32>
      %swap3A_559 = arith.constant 1 : i32
      %swap3A_560 = arith.index_cast %swap3A_559 : i32 to index
      %swap3A_561 = arith.index_cast %scan3A_325 : i32 to index
      %swap3A_562 = arith.constant 96 : index
      %swap3A_563 = tpu.vector_load %arg10[%swap3A_560, %swap3A_561, %swap3A_562] {strides = array<i32>} : memref<2x81x128xi32, #tpu.memory_space<vmem>>, vector<1x1x16xi32>,
      %swap3A_564 = vector.shape_cast %swap3A_563 : vector<1x1x16xi32> to vector<16xi32>
      %swap3A_565 = vector.shape_cast %add3A_558 : vector<16xi32> to vector<1x1x16xi32>
      tpu.vector_store %arg10[%swap3A_560, %swap3A_561, %swap3A_562], %swap3A_565 {strides = array<i32>} : memref<2x81x128xi32, #tpu.memory_space<vmem>>, vector<1x1x16xi32>,
      %get3A_566 = arith.constant 1 : i32
      %get3A_567 = arith.index_cast %get3A_566 : i32 to index
      %get3A_568 = arith.index_cast %scan3A_325 : i32 to index
      %get3A_569 = arith.constant 112 : index
      %get3A_570 = tpu.vector_load %arg10[%get3A_567, %get3A_568, %get3A_569] {strides = array<i32>} : memref<2x81x128xi32, #tpu.memory_space<vmem>>, vector<1x1x16xi32>,
      %get3A_571 = vector.shape_cast %get3A_570 : vector<1x1x16xi32> to vector<16xi32>
      %add3A_572 = arith.constant 1 : i32
      %add3A_573 = vector.broadcast %add3A_572 : i32 to vector<16xi32>
      %add3A_574 = arith.addi %get3A_571, %add3A_573 : vector<16xi32>
      %swap3A_575 = arith.constant 1 : i32
      %swap3A_576 = arith.index_cast %swap3A_575 : i32 to index
      %swap3A_577 = arith.index_cast %scan3A_325 : i32 to index
      %swap3A_578 = arith.constant 112 : index
      %swap3A_579 = tpu.vector_load %arg10[%swap3A_576, %swap3A_577, %swap3A_578] {strides = array<i32>} : memref<2x81x128xi32, #tpu.memory_space<vmem>>, vector<1x1x16xi32>,
      %swap3A_580 = vector.shape_cast %swap3A_579 : vector<1x1x16xi32> to vector<16xi32>
      %swap3A_581 = vector.shape_cast %add3A_574 : vector<16xi32> to vector<1x1x16xi32>
      tpu.vector_store %arg10[%swap3A_576, %swap3A_577, %swap3A_578], %swap3A_581 {strides = array<i32>} : memref<2x81x128xi32, #tpu.memory_space<vmem>>, vector<1x1x16xi32>,
      %scan3A_582 = arith.constant 0 : i32
      scf.yield %scan3A_582 : i32
    }
    %scan3A_204 = arith.constant 80 : i32
    %mul3A_205 = arith.constant 5120 : i32
    %mul3A_206 = arith.muli %arg0, %mul3A_205 : i32
    %add3A_207 = arith.addi %mul3A_206, %mul3A_0 : i32
    %run_scoped3A_208 = arith.constant 1 : i32
    "tpu.region"() ({
      %run_scoped3A_325 = tpu.sem_alloc : memref<!tpu.dma_semaphore, #tpu.memory_space<semaphore_mem>>
      %dma_start3A_326 = arith.constant 0 : i32
      %dma_start3A_327 = tpu.memref_slice %arg14[%mul3A_0, %dma_start3A_326] : memref<5128x128xf32, #tpu.memory_space<vmem_shared>> -> memref<320x128xf32, #tpu.memory_space<vmem_shared>>
      %dma_start3A_328 = arith.constant 0 : i32
      %dma_start3A_329 = tpu.memref_slice %arg4[%run_scoped3A_208, %add3A_207, %dma_start3A_328] : memref<3x10240x128xf32, #tpu.memory_space<hbm>> -> memref<1x320x128xf32, #tpu.memory_space<hbm>>
      %dma_start3A_330 = tpu.memref_squeeze %dma_start3A_329 : memref<1x320x128xf32, #tpu.memory_space<hbm>> -> memref<320x128xf32, #tpu.memory_space<hbm>>
      tpu.enqueue_dma source(%dma_start3A_330 : memref<320x128xf32, #tpu.memory_space<hbm>>) target(%dma_start3A_327 : memref<320x128xf32, #tpu.memory_space<vmem_shared>>) target_semaphore(%run_scoped3A_325 : memref<!tpu.dma_semaphore, #tpu.memory_space<semaphore_mem>>)
      %dma_wait3A_331 = arith.constant 0 : i32
      %dma_wait3A_332 = tpu.memref_slice %arg14[%mul3A_0, %dma_wait3A_331] : memref<5128x128xf32, #tpu.memory_space<vmem_shared>> -> memref<320x128xf32, #tpu.memory_space<vmem_shared>>
      %dma_wait3A_333 = arith.constant 0 : i32
      %dma_wait3A_334 = tpu.memref_slice %arg4[%run_scoped3A_208, %add3A_207, %dma_wait3A_333] : memref<3x10240x128xf32, #tpu.memory_space<hbm>> -> memref<1x320x128xf32, #tpu.memory_space<hbm>>
      %dma_wait3A_335 = tpu.memref_squeeze %dma_wait3A_334 : memref<1x320x128xf32, #tpu.memory_space<hbm>> -> memref<320x128xf32, #tpu.memory_space<hbm>>
      tpu.wait_dma2 semaphore(%run_scoped3A_325 : memref<!tpu.dma_semaphore, #tpu.memory_space<semaphore_mem>>) src(%dma_wait3A_335 : memref<320x128xf32, #tpu.memory_space<hbm>>) dst(%dma_wait3A_332 : memref<320x128xf32, #tpu.memory_space<vmem_shared>>)
      tpu.yield
    }) : () -> ()
    %barrier3A_209 = arith.constant 0 : index
    tpu.barrier barrier_id(%barrier3A_209)
    %dma_start3A_210 = arith.constant 0 : i32
    %dma_start3A_211 = arith.constant 0 : i32
    %dma_start3A_212 = arith.constant 0 : i32
    %dma_start3A_213 = tpu.memref_slice %arg10[%dma_start3A_210, %dma_start3A_211, %dma_start3A_212] : memref<2x81x128xi32, #tpu.memory_space<vmem>> -> memref<1x1x128xi32, #tpu.memory_space<vmem>>
    %dma_start3A_214 = tpu.memref_squeeze %dma_start3A_213 : memref<1x1x128xi32, #tpu.memory_space<vmem>> -> memref<128xi32, #tpu.memory_space<vmem>>
    %dma_start3A_215 = arith.constant 0 : i32
    %dma_start3A_216 = arith.constant 0 : i32
    %dma_start3A_217 = tpu.memref_slice %arg2[%dma_start3A_215, %dma_start3A_216] : memref<30720x128xf32, #tpu.memory_space<hbm>> -> memref<30720x128xf32, #tpu.memory_space<hbm>>
    tpu.enqueue_indirect_dma source(%dma_start3A_217 : memref<30720x128xf32, #tpu.memory_space<hbm>>) target(%arg12 : memref<128x128xf32, #tpu.memory_space<vmem>>) offsets(%dma_start3A_214 : memref<128xi32, #tpu.memory_space<vmem>>) semaphore(%arg15 : memref<!tpu.dma_semaphore, #tpu.memory_space<semaphore_mem>>)
    %scan3A_218 = arith.constant 0 : i32
    %scan3A_219 = arith.constant 0 : i32
    %scan3A_220 = arith.constant 40 : i32
    %scan3A_221 = arith.addi %scan3A_219, %scan3A_220 : i32
    %scan3A_222 = arith.constant 1 : i32
    %scan3A_223 = scf.for %scan3A_325 = %scan3A_219 to %scan3A_221 step %scan3A_222 iter_args(%scan3A_326 = %scan3A_218) -> (i32)  : i32 {
      %mul3A_327 = arith.constant 2 : i32
      %mul3A_328 = arith.muli %mul3A_327, %scan3A_325 : i32
      %add3A_329 = arith.constant 1 : i32
      %add3A_330 = arith.addi %mul3A_328, %add3A_329 : i32
      %dma_start3A_331 = arith.constant 0 : i32
      %dma_start3A_332 = arith.constant 0 : i32
      %dma_start3A_333 = tpu.memref_slice %arg10[%dma_start3A_331, %add3A_330, %dma_start3A_332] : memref<2x81x128xi32, #tpu.memory_space<vmem>> -> memref<1x1x128xi32, #tpu.memory_space<vmem>>
      %dma_start3A_334 = tpu.memref_squeeze %dma_start3A_333 : memref<1x1x128xi32, #tpu.memory_space<vmem>> -> memref<128xi32, #tpu.memory_space<vmem>>
      %dma_start3A_335 = arith.constant 0 : i32
      %dma_start3A_336 = arith.constant 0 : i32
      %dma_start3A_337 = tpu.memref_slice %arg2[%dma_start3A_335, %dma_start3A_336] : memref<30720x128xf32, #tpu.memory_space<hbm>> -> memref<30720x128xf32, #tpu.memory_space<hbm>>
      tpu.enqueue_indirect_dma source(%dma_start3A_337 : memref<30720x128xf32, #tpu.memory_space<hbm>>) target(%arg13 : memref<128x128xf32, #tpu.memory_space<vmem>>) offsets(%dma_start3A_334 : memref<128xi32, #tpu.memory_space<vmem>>) semaphore(%arg16 : memref<!tpu.dma_semaphore, #tpu.memory_space<semaphore_mem>>)
      %dma_wait3A_338 = arith.constant 0 : i32
      %dma_wait3A_339 = arith.constant 0 : i32
      %dma_wait3A_340 = tpu.memref_slice %arg10[%dma_wait3A_338, %mul3A_328, %dma_wait3A_339] : memref<2x81x128xi32, #tpu.memory_space<vmem>> -> memref<1x1x128xi32, #tpu.memory_space<vmem>>
      %dma_wait3A_341 = tpu.memref_squeeze %dma_wait3A_340 : memref<1x1x128xi32, #tpu.memory_space<vmem>> -> memref<128xi32, #tpu.memory_space<vmem>>
      %dma_wait3A_342 = arith.constant 0 : i32
      %dma_wait3A_343 = arith.constant 0 : i32
      %dma_wait3A_344 = tpu.memref_slice %arg2[%dma_wait3A_342, %dma_wait3A_343] : memref<30720x128xf32, #tpu.memory_space<hbm>> -> memref<30720x128xf32, #tpu.memory_space<hbm>>
      tpu.wait_indirect_dma semaphore(%arg15 : memref<!tpu.dma_semaphore, #tpu.memory_space<semaphore_mem>>) src(%dma_wait3A_344 : memref<30720x128xf32, #tpu.memory_space<hbm>>) dst(%arg12 : memref<128x128xf32, #tpu.memory_space<vmem>>)
      %dma_start3A_345 = arith.constant 0 : i32
      %dma_start3A_346 = arith.constant 0 : i32
      %dma_start3A_347 = tpu.memref_slice %arg11[%dma_start3A_345, %mul3A_328, %dma_start3A_346] : memref<2x80x128xi32, #tpu.memory_space<vmem>> -> memref<1x1x128xi32, #tpu.memory_space<vmem>>
      %dma_start3A_348 = tpu.memref_squeeze %dma_start3A_347 : memref<1x1x128xi32, #tpu.memory_space<vmem>> -> memref<128xi32, #tpu.memory_space<vmem>>
      %dma_start3A_349 = arith.constant 0 : i32
      %dma_start3A_350 = arith.constant 0 : i32
      %dma_start3A_351 = tpu.memref_slice %arg14[%dma_start3A_349, %dma_start3A_350] : memref<5128x128xf32, #tpu.memory_space<vmem_shared>> -> memref<5128x128xf32, #tpu.memory_space<vmem_shared>>
      tpu.enqueue_indirect_dma source(%arg12 : memref<128x128xf32, #tpu.memory_space<vmem>>) target(%dma_start3A_351 : memref<5128x128xf32, #tpu.memory_space<vmem_shared>>) offsets(%dma_start3A_348 : memref<128xi32, #tpu.memory_space<vmem>>) semaphore(%arg17 : memref<!tpu.dma_semaphore, #tpu.memory_space<semaphore_mem>>) {add = true}
      %dma_wait3A_352 = arith.constant 0 : i32
      %dma_wait3A_353 = arith.constant 0 : i32
      %dma_wait3A_354 = tpu.memref_slice %arg11[%dma_wait3A_352, %mul3A_328, %dma_wait3A_353] : memref<2x80x128xi32, #tpu.memory_space<vmem>> -> memref<1x1x128xi32, #tpu.memory_space<vmem>>
      %dma_wait3A_355 = tpu.memref_squeeze %dma_wait3A_354 : memref<1x1x128xi32, #tpu.memory_space<vmem>> -> memref<128xi32, #tpu.memory_space<vmem>>
      %dma_wait3A_356 = arith.constant 0 : i32
      %dma_wait3A_357 = arith.constant 0 : i32
      %dma_wait3A_358 = tpu.memref_slice %arg14[%dma_wait3A_356, %dma_wait3A_357] : memref<5128x128xf32, #tpu.memory_space<vmem_shared>> -> memref<5128x128xf32, #tpu.memory_space<vmem_shared>>
      tpu.wait_indirect_dma semaphore(%arg17 : memref<!tpu.dma_semaphore, #tpu.memory_space<semaphore_mem>>) src(%arg12 : memref<128x128xf32, #tpu.memory_space<vmem>>) dst(%dma_wait3A_358 : memref<5128x128xf32, #tpu.memory_space<vmem_shared>>)
      %add3A_359 = arith.constant 2 : i32
      %add3A_360 = arith.addi %mul3A_328, %add3A_359 : i32
      %dma_start3A_361 = arith.constant 0 : i32
      %dma_start3A_362 = arith.constant 0 : i32
      %dma_start3A_363 = tpu.memref_slice %arg10[%dma_start3A_361, %add3A_360, %dma_start3A_362] : memref<2x81x128xi32, #tpu.memory_space<vmem>> -> memref<1x1x128xi32, #tpu.memory_space<vmem>>
      %dma_start3A_364 = tpu.memref_squeeze %dma_start3A_363 : memref<1x1x128xi32, #tpu.memory_space<vmem>> -> memref<128xi32, #tpu.memory_space<vmem>>
      %dma_start3A_365 = arith.constant 0 : i32
      %dma_start3A_366 = arith.constant 0 : i32
      %dma_start3A_367 = tpu.memref_slice %arg2[%dma_start3A_365, %dma_start3A_366] : memref<30720x128xf32, #tpu.memory_space<hbm>> -> memref<30720x128xf32, #tpu.memory_space<hbm>>
      tpu.enqueue_indirect_dma source(%dma_start3A_367 : memref<30720x128xf32, #tpu.memory_space<hbm>>) target(%arg12 : memref<128x128xf32, #tpu.memory_space<vmem>>) offsets(%dma_start3A_364 : memref<128xi32, #tpu.memory_space<vmem>>) semaphore(%arg15 : memref<!tpu.dma_semaphore, #tpu.memory_space<semaphore_mem>>)
      %add3A_368 = arith.constant 1 : i32
      %add3A_369 = arith.addi %mul3A_328, %add3A_368 : i32
      %dma_wait3A_370 = arith.constant 0 : i32
      %dma_wait3A_371 = arith.constant 0 : i32
      %dma_wait3A_372 = tpu.memref_slice %arg10[%dma_wait3A_370, %add3A_369, %dma_wait3A_371] : memref<2x81x128xi32, #tpu.memory_space<vmem>> -> memref<1x1x128xi32, #tpu.memory_space<vmem>>
      %dma_wait3A_373 = tpu.memref_squeeze %dma_wait3A_372 : memref<1x1x128xi32, #tpu.memory_space<vmem>> -> memref<128xi32, #tpu.memory_space<vmem>>
      %dma_wait3A_374 = arith.constant 0 : i32
      %dma_wait3A_375 = arith.constant 0 : i32
      %dma_wait3A_376 = tpu.memref_slice %arg2[%dma_wait3A_374, %dma_wait3A_375] : memref<30720x128xf32, #tpu.memory_space<hbm>> -> memref<30720x128xf32, #tpu.memory_space<hbm>>
      tpu.wait_indirect_dma semaphore(%arg16 : memref<!tpu.dma_semaphore, #tpu.memory_space<semaphore_mem>>) src(%dma_wait3A_376 : memref<30720x128xf32, #tpu.memory_space<hbm>>) dst(%arg13 : memref<128x128xf32, #tpu.memory_space<vmem>>)
      %add3A_377 = arith.constant 1 : i32
      %add3A_378 = arith.addi %mul3A_328, %add3A_377 : i32
      %dma_start3A_379 = arith.constant 0 : i32
      %dma_start3A_380 = arith.constant 0 : i32
      %dma_start3A_381 = tpu.memref_slice %arg11[%dma_start3A_379, %add3A_378, %dma_start3A_380] : memref<2x80x128xi32, #tpu.memory_space<vmem>> -> memref<1x1x128xi32, #tpu.memory_space<vmem>>
      %dma_start3A_382 = tpu.memref_squeeze %dma_start3A_381 : memref<1x1x128xi32, #tpu.memory_space<vmem>> -> memref<128xi32, #tpu.memory_space<vmem>>
      %dma_start3A_383 = arith.constant 0 : i32
      %dma_start3A_384 = arith.constant 0 : i32
      %dma_start3A_385 = tpu.memref_slice %arg14[%dma_start3A_383, %dma_start3A_384] : memref<5128x128xf32, #tpu.memory_space<vmem_shared>> -> memref<5128x128xf32, #tpu.memory_space<vmem_shared>>
      tpu.enqueue_indirect_dma source(%arg13 : memref<128x128xf32, #tpu.memory_space<vmem>>) target(%dma_start3A_385 : memref<5128x128xf32, #tpu.memory_space<vmem_shared>>) offsets(%dma_start3A_382 : memref<128xi32, #tpu.memory_space<vmem>>) semaphore(%arg18 : memref<!tpu.dma_semaphore, #tpu.memory_space<semaphore_mem>>) {add = true}
      %dma_wait3A_386 = arith.constant 0 : i32
      %dma_wait3A_387 = arith.constant 0 : i32
      %dma_wait3A_388 = tpu.memref_slice %arg11[%dma_wait3A_386, %add3A_378, %dma_wait3A_387] : memref<2x80x128xi32, #tpu.memory_space<vmem>> -> memref<1x1x128xi32, #tpu.memory_space<vmem>>
      %dma_wait3A_389 = tpu.memref_squeeze %dma_wait3A_388 : memref<1x1x128xi32, #tpu.memory_space<vmem>> -> memref<128xi32, #tpu.memory_space<vmem>>
      %dma_wait3A_390 = arith.constant 0 : i32
      %dma_wait3A_391 = arith.constant 0 : i32
      %dma_wait3A_392 = tpu.memref_slice %arg14[%dma_wait3A_390, %dma_wait3A_391] : memref<5128x128xf32, #tpu.memory_space<vmem_shared>> -> memref<5128x128xf32, #tpu.memory_space<vmem_shared>>
      tpu.wait_indirect_dma semaphore(%arg18 : memref<!tpu.dma_semaphore, #tpu.memory_space<semaphore_mem>>) src(%arg13 : memref<128x128xf32, #tpu.memory_space<vmem>>) dst(%dma_wait3A_392 : memref<5128x128xf32, #tpu.memory_space<vmem_shared>>)
      %scan3A_393 = arith.constant 0 : i32
      scf.yield %scan3A_393 : i32
    }
    %scan3A_224 = arith.constant 40 : i32
    %dma_wait3A_225 = arith.constant 0 : i32
    %dma_wait3A_226 = arith.constant 80 : i32
    %dma_wait3A_227 = arith.constant 0 : i32
    %dma_wait3A_228 = tpu.memref_slice %arg10[%dma_wait3A_225, %dma_wait3A_226, %dma_wait3A_227] : memref<2x81x128xi32, #tpu.memory_space<vmem>> -> memref<1x1x128xi32, #tpu.memory_space<vmem>>
    %dma_wait3A_229 = tpu.memref_squeeze %dma_wait3A_228 : memref<1x1x128xi32, #tpu.memory_space<vmem>> -> memref<128xi32, #tpu.memory_space<vmem>>
    %dma_wait3A_230 = arith.constant 0 : i32
    %dma_wait3A_231 = arith.constant 0 : i32
    %dma_wait3A_232 = tpu.memref_slice %arg2[%dma_wait3A_230, %dma_wait3A_231] : memref<30720x128xf32, #tpu.memory_space<hbm>> -> memref<30720x128xf32, #tpu.memory_space<hbm>>
    tpu.wait_indirect_dma semaphore(%arg15 : memref<!tpu.dma_semaphore, #tpu.memory_space<semaphore_mem>>) src(%dma_wait3A_232 : memref<30720x128xf32, #tpu.memory_space<hbm>>) dst(%arg12 : memref<128x128xf32, #tpu.memory_space<vmem>>)
    %dma_start3A_233 = arith.constant 1 : i32
    %dma_start3A_234 = arith.constant 0 : i32
    %dma_start3A_235 = arith.constant 0 : i32
    %dma_start3A_236 = tpu.memref_slice %arg10[%dma_start3A_233, %dma_start3A_234, %dma_start3A_235] : memref<2x81x128xi32, #tpu.memory_space<vmem>> -> memref<1x1x128xi32, #tpu.memory_space<vmem>>
    %dma_start3A_237 = tpu.memref_squeeze %dma_start3A_236 : memref<1x1x128xi32, #tpu.memory_space<vmem>> -> memref<128xi32, #tpu.memory_space<vmem>>
    %dma_start3A_238 = arith.constant 0 : i32
    %dma_start3A_239 = arith.constant 0 : i32
    %dma_start3A_240 = tpu.memref_slice %arg3[%dma_start3A_238, %dma_start3A_239] : memref<30720x128xf32, #tpu.memory_space<hbm>> -> memref<30720x128xf32, #tpu.memory_space<hbm>>
    tpu.enqueue_indirect_dma source(%dma_start3A_240 : memref<30720x128xf32, #tpu.memory_space<hbm>>) target(%arg12 : memref<128x128xf32, #tpu.memory_space<vmem>>) offsets(%dma_start3A_237 : memref<128xi32, #tpu.memory_space<vmem>>) semaphore(%arg15 : memref<!tpu.dma_semaphore, #tpu.memory_space<semaphore_mem>>)
    %scan3A_241 = arith.constant 0 : i32
    %scan3A_242 = arith.constant 0 : i32
    %scan3A_243 = arith.constant 40 : i32
    %scan3A_244 = arith.addi %scan3A_242, %scan3A_243 : i32
    %scan3A_245 = arith.constant 1 : i32
    %scan3A_246 = scf.for %scan3A_325 = %scan3A_242 to %scan3A_244 step %scan3A_245 iter_args(%scan3A_326 = %scan3A_241) -> (i32)  : i32 {
      %mul3A_327 = arith.constant 2 : i32
      %mul3A_328 = arith.muli %mul3A_327, %scan3A_325 : i32
      %add3A_329 = arith.constant 1 : i32
      %add3A_330 = arith.addi %mul3A_328, %add3A_329 : i32
      %dma_start3A_331 = arith.constant 1 : i32
      %dma_start3A_332 = arith.constant 0 : i32
      %dma_start3A_333 = tpu.memref_slice %arg10[%dma_start3A_331, %add3A_330, %dma_start3A_332] : memref<2x81x128xi32, #tpu.memory_space<vmem>> -> memref<1x1x128xi32, #tpu.memory_space<vmem>>
      %dma_start3A_334 = tpu.memref_squeeze %dma_start3A_333 : memref<1x1x128xi32, #tpu.memory_space<vmem>> -> memref<128xi32, #tpu.memory_space<vmem>>
      %dma_start3A_335 = arith.constant 0 : i32
      %dma_start3A_336 = arith.constant 0 : i32
      %dma_start3A_337 = tpu.memref_slice %arg3[%dma_start3A_335, %dma_start3A_336] : memref<30720x128xf32, #tpu.memory_space<hbm>> -> memref<30720x128xf32, #tpu.memory_space<hbm>>
      tpu.enqueue_indirect_dma source(%dma_start3A_337 : memref<30720x128xf32, #tpu.memory_space<hbm>>) target(%arg13 : memref<128x128xf32, #tpu.memory_space<vmem>>) offsets(%dma_start3A_334 : memref<128xi32, #tpu.memory_space<vmem>>) semaphore(%arg16 : memref<!tpu.dma_semaphore, #tpu.memory_space<semaphore_mem>>)
      %dma_wait3A_338 = arith.constant 1 : i32
      %dma_wait3A_339 = arith.constant 0 : i32
      %dma_wait3A_340 = tpu.memref_slice %arg10[%dma_wait3A_338, %mul3A_328, %dma_wait3A_339] : memref<2x81x128xi32, #tpu.memory_space<vmem>> -> memref<1x1x128xi32, #tpu.memory_space<vmem>>
      %dma_wait3A_341 = tpu.memref_squeeze %dma_wait3A_340 : memref<1x1x128xi32, #tpu.memory_space<vmem>> -> memref<128xi32, #tpu.memory_space<vmem>>
      %dma_wait3A_342 = arith.constant 0 : i32
      %dma_wait3A_343 = arith.constant 0 : i32
      %dma_wait3A_344 = tpu.memref_slice %arg3[%dma_wait3A_342, %dma_wait3A_343] : memref<30720x128xf32, #tpu.memory_space<hbm>> -> memref<30720x128xf32, #tpu.memory_space<hbm>>
      tpu.wait_indirect_dma semaphore(%arg15 : memref<!tpu.dma_semaphore, #tpu.memory_space<semaphore_mem>>) src(%dma_wait3A_344 : memref<30720x128xf32, #tpu.memory_space<hbm>>) dst(%arg12 : memref<128x128xf32, #tpu.memory_space<vmem>>)
      %dma_start3A_345 = arith.constant 1 : i32
      %dma_start3A_346 = arith.constant 0 : i32
      %dma_start3A_347 = tpu.memref_slice %arg11[%dma_start3A_345, %mul3A_328, %dma_start3A_346] : memref<2x80x128xi32, #tpu.memory_space<vmem>> -> memref<1x1x128xi32, #tpu.memory_space<vmem>>
      %dma_start3A_348 = tpu.memref_squeeze %dma_start3A_347 : memref<1x1x128xi32, #tpu.memory_space<vmem>> -> memref<128xi32, #tpu.memory_space<vmem>>
      %dma_start3A_349 = arith.constant 0 : i32
      %dma_start3A_350 = arith.constant 0 : i32
      %dma_start3A_351 = tpu.memref_slice %arg14[%dma_start3A_349, %dma_start3A_350] : memref<5128x128xf32, #tpu.memory_space<vmem_shared>> -> memref<5128x128xf32, #tpu.memory_space<vmem_shared>>
      tpu.enqueue_indirect_dma source(%arg12 : memref<128x128xf32, #tpu.memory_space<vmem>>) target(%dma_start3A_351 : memref<5128x128xf32, #tpu.memory_space<vmem_shared>>) offsets(%dma_start3A_348 : memref<128xi32, #tpu.memory_space<vmem>>) semaphore(%arg17 : memref<!tpu.dma_semaphore, #tpu.memory_space<semaphore_mem>>) {add = true}
      %dma_wait3A_352 = arith.constant 1 : i32
      %dma_wait3A_353 = arith.constant 0 : i32
      %dma_wait3A_354 = tpu.memref_slice %arg11[%dma_wait3A_352, %mul3A_328, %dma_wait3A_353] : memref<2x80x128xi32, #tpu.memory_space<vmem>> -> memref<1x1x128xi32, #tpu.memory_space<vmem>>
      %dma_wait3A_355 = tpu.memref_squeeze %dma_wait3A_354 : memref<1x1x128xi32, #tpu.memory_space<vmem>> -> memref<128xi32, #tpu.memory_space<vmem>>
      %dma_wait3A_356 = arith.constant 0 : i32
      %dma_wait3A_357 = arith.constant 0 : i32
      %dma_wait3A_358 = tpu.memref_slice %arg14[%dma_wait3A_356, %dma_wait3A_357] : memref<5128x128xf32, #tpu.memory_space<vmem_shared>> -> memref<5128x128xf32, #tpu.memory_space<vmem_shared>>
      tpu.wait_indirect_dma semaphore(%arg17 : memref<!tpu.dma_semaphore, #tpu.memory_space<semaphore_mem>>) src(%arg12 : memref<128x128xf32, #tpu.memory_space<vmem>>) dst(%dma_wait3A_358 : memref<5128x128xf32, #tpu.memory_space<vmem_shared>>)
      %add3A_359 = arith.constant 2 : i32
      %add3A_360 = arith.addi %mul3A_328, %add3A_359 : i32
      %dma_start3A_361 = arith.constant 1 : i32
      %dma_start3A_362 = arith.constant 0 : i32
      %dma_start3A_363 = tpu.memref_slice %arg10[%dma_start3A_361, %add3A_360, %dma_start3A_362] : memref<2x81x128xi32, #tpu.memory_space<vmem>> -> memref<1x1x128xi32, #tpu.memory_space<vmem>>
      %dma_start3A_364 = tpu.memref_squeeze %dma_start3A_363 : memref<1x1x128xi32, #tpu.memory_space<vmem>> -> memref<128xi32, #tpu.memory_space<vmem>>
      %dma_start3A_365 = arith.constant 0 : i32
      %dma_start3A_366 = arith.constant 0 : i32
      %dma_start3A_367 = tpu.memref_slice %arg3[%dma_start3A_365, %dma_start3A_366] : memref<30720x128xf32, #tpu.memory_space<hbm>> -> memref<30720x128xf32, #tpu.memory_space<hbm>>
      tpu.enqueue_indirect_dma source(%dma_start3A_367 : memref<30720x128xf32, #tpu.memory_space<hbm>>) target(%arg12 : memref<128x128xf32, #tpu.memory_space<vmem>>) offsets(%dma_start3A_364 : memref<128xi32, #tpu.memory_space<vmem>>) semaphore(%arg15 : memref<!tpu.dma_semaphore, #tpu.memory_space<semaphore_mem>>)
      %add3A_368 = arith.constant 1 : i32
      %add3A_369 = arith.addi %mul3A_328, %add3A_368 : i32
      %dma_wait3A_370 = arith.constant 1 : i32
      %dma_wait3A_371 = arith.constant 0 : i32
      %dma_wait3A_372 = tpu.memref_slice %arg10[%dma_wait3A_370, %add3A_369, %dma_wait3A_371] : memref<2x81x128xi32, #tpu.memory_space<vmem>> -> memref<1x1x128xi32, #tpu.memory_space<vmem>>
      %dma_wait3A_373 = tpu.memref_squeeze %dma_wait3A_372 : memref<1x1x128xi32, #tpu.memory_space<vmem>> -> memref<128xi32, #tpu.memory_space<vmem>>
      %dma_wait3A_374 = arith.constant 0 : i32
      %dma_wait3A_375 = arith.constant 0 : i32
      %dma_wait3A_376 = tpu.memref_slice %arg3[%dma_wait3A_374, %dma_wait3A_375] : memref<30720x128xf32, #tpu.memory_space<hbm>> -> memref<30720x128xf32, #tpu.memory_space<hbm>>
      tpu.wait_indirect_dma semaphore(%arg16 : memref<!tpu.dma_semaphore, #tpu.memory_space<semaphore_mem>>) src(%dma_wait3A_376 : memref<30720x128xf32, #tpu.memory_space<hbm>>) dst(%arg13 : memref<128x128xf32, #tpu.memory_space<vmem>>)
      %add3A_377 = arith.constant 1 : i32
      %add3A_378 = arith.addi %mul3A_328, %add3A_377 : i32
      %dma_start3A_379 = arith.constant 1 : i32
      %dma_start3A_380 = arith.constant 0 : i32
      %dma_start3A_381 = tpu.memref_slice %arg11[%dma_start3A_379, %add3A_378, %dma_start3A_380] : memref<2x80x128xi32, #tpu.memory_space<vmem>> -> memref<1x1x128xi32, #tpu.memory_space<vmem>>
      %dma_start3A_382 = tpu.memref_squeeze %dma_start3A_381 : memref<1x1x128xi32, #tpu.memory_space<vmem>> -> memref<128xi32, #tpu.memory_space<vmem>>
      %dma_start3A_383 = arith.constant 0 : i32
      %dma_start3A_384 = arith.constant 0 : i32
      %dma_start3A_385 = tpu.memref_slice %arg14[%dma_start3A_383, %dma_start3A_384] : memref<5128x128xf32, #tpu.memory_space<vmem_shared>> -> memref<5128x128xf32, #tpu.memory_space<vmem_shared>>
      tpu.enqueue_indirect_dma source(%arg13 : memref<128x128xf32, #tpu.memory_space<vmem>>) target(%dma_start3A_385 : memref<5128x128xf32, #tpu.memory_space<vmem_shared>>) offsets(%dma_start3A_382 : memref<128xi32, #tpu.memory_space<vmem>>) semaphore(%arg18 : memref<!tpu.dma_semaphore, #tpu.memory_space<semaphore_mem>>) {add = true}
      %dma_wait3A_386 = arith.constant 1 : i32
      %dma_wait3A_387 = arith.constant 0 : i32
      %dma_wait3A_388 = tpu.memref_slice %arg11[%dma_wait3A_386, %add3A_378, %dma_wait3A_387] : memref<2x80x128xi32, #tpu.memory_space<vmem>> -> memref<1x1x128xi32, #tpu.memory_space<vmem>>
      %dma_wait3A_389 = tpu.memref_squeeze %dma_wait3A_388 : memref<1x1x128xi32, #tpu.memory_space<vmem>> -> memref<128xi32, #tpu.memory_space<vmem>>
      %dma_wait3A_390 = arith.constant 0 : i32
      %dma_wait3A_391 = arith.constant 0 : i32
      %dma_wait3A_392 = tpu.memref_slice %arg14[%dma_wait3A_390, %dma_wait3A_391] : memref<5128x128xf32, #tpu.memory_space<vmem_shared>> -> memref<5128x128xf32, #tpu.memory_space<vmem_shared>>
      tpu.wait_indirect_dma semaphore(%arg18 : memref<!tpu.dma_semaphore, #tpu.memory_space<semaphore_mem>>) src(%arg13 : memref<128x128xf32, #tpu.memory_space<vmem>>) dst(%dma_wait3A_392 : memref<5128x128xf32, #tpu.memory_space<vmem_shared>>)
      %scan3A_393 = arith.constant 0 : i32
      scf.yield %scan3A_393 : i32
    }
    %scan3A_247 = arith.constant 40 : i32
    %dma_wait3A_248 = arith.constant 1 : i32
    %dma_wait3A_249 = arith.constant 80 : i32
    %dma_wait3A_250 = arith.constant 0 : i32
    %dma_wait3A_251 = tpu.memref_slice %arg10[%dma_wait3A_248, %dma_wait3A_249, %dma_wait3A_250] : memref<2x81x128xi32, #tpu.memory_space<vmem>> -> memref<1x1x128xi32, #tpu.memory_space<vmem>>
    %dma_wait3A_252 = tpu.memref_squeeze %dma_wait3A_251 : memref<1x1x128xi32, #tpu.memory_space<vmem>> -> memref<128xi32, #tpu.memory_space<vmem>>
    %dma_wait3A_253 = arith.constant 0 : i32
    %dma_wait3A_254 = arith.constant 0 : i32
    %dma_wait3A_255 = tpu.memref_slice %arg3[%dma_wait3A_253, %dma_wait3A_254] : memref<30720x128xf32, #tpu.memory_space<hbm>> -> memref<30720x128xf32, #tpu.memory_space<hbm>>
    tpu.wait_indirect_dma semaphore(%arg15 : memref<!tpu.dma_semaphore, #tpu.memory_space<semaphore_mem>>) src(%dma_wait3A_255 : memref<30720x128xf32, #tpu.memory_space<hbm>>) dst(%arg12 : memref<128x128xf32, #tpu.memory_space<vmem>>)
    %barrier3A_256 = arith.constant 0 : index
    tpu.barrier barrier_id(%barrier3A_256)
    %mul3A_257 = arith.constant 5120 : i32
    %mul3A_258 = arith.muli %arg0, %mul3A_257 : i32
    %add3A_259 = arith.addi %mul3A_258, %mul3A_0 : i32
    %run_scoped3A_260 = arith.constant 1 : i32
    "tpu.region"() ({
      %run_scoped3A_325 = tpu.sem_alloc : memref<!tpu.dma_semaphore, #tpu.memory_space<semaphore_mem>>
      %dma_start3A_326 = arith.constant 0 : i32
      %dma_start3A_327 = tpu.memref_slice %arg9[%run_scoped3A_260, %add3A_259, %dma_start3A_326] : memref<3x10240x128xf32, #tpu.memory_space<hbm>> -> memref<1x320x128xf32, #tpu.memory_space<hbm>>
      %dma_start3A_328 = tpu.memref_squeeze %dma_start3A_327 : memref<1x320x128xf32, #tpu.memory_space<hbm>> -> memref<320x128xf32, #tpu.memory_space<hbm>>
      %dma_start3A_329 = arith.constant 0 : i32
      %dma_start3A_330 = tpu.memref_slice %arg14[%mul3A_0, %dma_start3A_329] : memref<5128x128xf32, #tpu.memory_space<vmem_shared>> -> memref<320x128xf32, #tpu.memory_space<vmem_shared>>
      tpu.enqueue_dma source(%dma_start3A_330 : memref<320x128xf32, #tpu.memory_space<vmem_shared>>) target(%dma_start3A_328 : memref<320x128xf32, #tpu.memory_space<hbm>>) target_semaphore(%run_scoped3A_325 : memref<!tpu.dma_semaphore, #tpu.memory_space<semaphore_mem>>)
      %dma_wait3A_331 = arith.constant 0 : i32
      %dma_wait3A_332 = tpu.memref_slice %arg9[%run_scoped3A_260, %add3A_259, %dma_wait3A_331] : memref<3x10240x128xf32, #tpu.memory_space<hbm>> -> memref<1x320x128xf32, #tpu.memory_space<hbm>>
      %dma_wait3A_333 = tpu.memref_squeeze %dma_wait3A_332 : memref<1x320x128xf32, #tpu.memory_space<hbm>> -> memref<320x128xf32, #tpu.memory_space<hbm>>
      %dma_wait3A_334 = arith.constant 0 : i32
      %dma_wait3A_335 = tpu.memref_slice %arg14[%mul3A_0, %dma_wait3A_334] : memref<5128x128xf32, #tpu.memory_space<vmem_shared>> -> memref<320x128xf32, #tpu.memory_space<vmem_shared>>
      tpu.wait_dma2 semaphore(%run_scoped3A_325 : memref<!tpu.dma_semaphore, #tpu.memory_space<semaphore_mem>>) src(%dma_wait3A_335 : memref<320x128xf32, #tpu.memory_space<vmem_shared>>) dst(%dma_wait3A_333 : memref<320x128xf32, #tpu.memory_space<hbm>>)
      tpu.yield
    }) : () -> ()
    %barrier3A_261 = arith.constant 0 : index
    tpu.barrier barrier_id(%barrier3A_261)
    %scan3A_262 = arith.constant 0 : i32
    %scan3A_263 = arith.constant 0 : i32
    %scan3A_264 = arith.constant 80 : i32
    %scan3A_265 = arith.addi %scan3A_263, %scan3A_264 : i32
    %scan3A_266 = arith.constant 1 : i32
    %scan3A_267 = scf.for %scan3A_325 = %scan3A_263 to %scan3A_265 step %scan3A_266 iter_args(%scan3A_326 = %scan3A_262) -> (i32)  : i32 {
      %get3A = arith.constant 0 : i32
      %get3A_327 = arith.index_cast %get3A : i32 to index
      %get3A_328 = arith.index_cast %scan3A_325 : i32 to index
      %get3A_329 = arith.constant 0 : index
      %get3A_330 = tpu.vector_load %arg10[%get3A_327, %get3A_328, %get3A_329] {strides = array<i32>} : memref<2x81x128xi32, #tpu.memory_space<vmem>>, vector<1x1x16xi32>,
      %get3A_331 = vector.shape_cast %get3A_330 : vector<1x1x16xi32> to vector<16xi32>
      %add3A_332 = arith.constant 1 : i32
      %add3A_333 = vector.broadcast %add3A_332 : i32 to vector<16xi32>
      %add3A_334 = arith.addi %get3A_331, %add3A_333 : vector<16xi32>
      %swap3A_335 = arith.constant 0 : i32
      %swap3A_336 = arith.index_cast %swap3A_335 : i32 to index
      %swap3A_337 = arith.index_cast %scan3A_325 : i32 to index
      %swap3A_338 = arith.constant 0 : index
      %swap3A_339 = tpu.vector_load %arg10[%swap3A_336, %swap3A_337, %swap3A_338] {strides = array<i32>} : memref<2x81x128xi32, #tpu.memory_space<vmem>>, vector<1x1x16xi32>,
      %swap3A_340 = vector.shape_cast %swap3A_339 : vector<1x1x16xi32> to vector<16xi32>
      %swap3A_341 = vector.shape_cast %add3A_334 : vector<16xi32> to vector<1x1x16xi32>
      tpu.vector_store %arg10[%swap3A_336, %swap3A_337, %swap3A_338], %swap3A_341 {strides = array<i32>} : memref<2x81x128xi32, #tpu.memory_space<vmem>>, vector<1x1x16xi32>,
      %get3A_342 = arith.constant 0 : i32
      %get3A_343 = arith.index_cast %get3A_342 : i32 to index
      %get3A_344 = arith.index_cast %scan3A_325 : i32 to index
      %get3A_345 = arith.constant 16 : index
      %get3A_346 = tpu.vector_load %arg10[%get3A_343, %get3A_344, %get3A_345] {strides = array<i32>} : memref<2x81x128xi32, #tpu.memory_space<vmem>>, vector<1x1x16xi32>,
      %get3A_347 = vector.shape_cast %get3A_346 : vector<1x1x16xi32> to vector<16xi32>
      %add3A_348 = arith.constant 1 : i32
      %add3A_349 = vector.broadcast %add3A_348 : i32 to vector<16xi32>
      %add3A_350 = arith.addi %get3A_347, %add3A_349 : vector<16xi32>
      %swap3A_351 = arith.constant 0 : i32
      %swap3A_352 = arith.index_cast %swap3A_351 : i32 to index
      %swap3A_353 = arith.index_cast %scan3A_325 : i32 to index
      %swap3A_354 = arith.constant 16 : index
      %swap3A_355 = tpu.vector_load %arg10[%swap3A_352, %swap3A_353, %swap3A_354] {strides = array<i32>} : memref<2x81x128xi32, #tpu.memory_space<vmem>>, vector<1x1x16xi32>,
      %swap3A_356 = vector.shape_cast %swap3A_355 : vector<1x1x16xi32> to vector<16xi32>
      %swap3A_357 = vector.shape_cast %add3A_350 : vector<16xi32> to vector<1x1x16xi32>
      tpu.vector_store %arg10[%swap3A_352, %swap3A_353, %swap3A_354], %swap3A_357 {strides = array<i32>} : memref<2x81x128xi32, #tpu.memory_space<vmem>>, vector<1x1x16xi32>,
      %get3A_358 = arith.constant 0 : i32
      %get3A_359 = arith.index_cast %get3A_358 : i32 to index
      %get3A_360 = arith.index_cast %scan3A_325 : i32 to index
      %get3A_361 = arith.constant 32 : index
      %get3A_362 = tpu.vector_load %arg10[%get3A_359, %get3A_360, %get3A_361] {strides = array<i32>} : memref<2x81x128xi32, #tpu.memory_space<vmem>>, vector<1x1x16xi32>,
      %get3A_363 = vector.shape_cast %get3A_362 : vector<1x1x16xi32> to vector<16xi32>
      %add3A_364 = arith.constant 1 : i32
      %add3A_365 = vector.broadcast %add3A_364 : i32 to vector<16xi32>
      %add3A_366 = arith.addi %get3A_363, %add3A_365 : vector<16xi32>
      %swap3A_367 = arith.constant 0 : i32
      %swap3A_368 = arith.index_cast %swap3A_367 : i32 to index
      %swap3A_369 = arith.index_cast %scan3A_325 : i32 to index
      %swap3A_370 = arith.constant 32 : index
      %swap3A_371 = tpu.vector_load %arg10[%swap3A_368, %swap3A_369, %swap3A_370] {strides = array<i32>} : memref<2x81x128xi32, #tpu.memory_space<vmem>>, vector<1x1x16xi32>,
      %swap3A_372 = vector.shape_cast %swap3A_371 : vector<1x1x16xi32> to vector<16xi32>
      %swap3A_373 = vector.shape_cast %add3A_366 : vector<16xi32> to vector<1x1x16xi32>
      tpu.vector_store %arg10[%swap3A_368, %swap3A_369, %swap3A_370], %swap3A_373 {strides = array<i32>} : memref<2x81x128xi32, #tpu.memory_space<vmem>>, vector<1x1x16xi32>,
      %get3A_374 = arith.constant 0 : i32
      %get3A_375 = arith.index_cast %get3A_374 : i32 to index
      %get3A_376 = arith.index_cast %scan3A_325 : i32 to index
      %get3A_377 = arith.constant 48 : index
      %get3A_378 = tpu.vector_load %arg10[%get3A_375, %get3A_376, %get3A_377] {strides = array<i32>} : memref<2x81x128xi32, #tpu.memory_space<vmem>>, vector<1x1x16xi32>,
      %get3A_379 = vector.shape_cast %get3A_378 : vector<1x1x16xi32> to vector<16xi32>
      %add3A_380 = arith.constant 1 : i32
      %add3A_381 = vector.broadcast %add3A_380 : i32 to vector<16xi32>
      %add3A_382 = arith.addi %get3A_379, %add3A_381 : vector<16xi32>
      %swap3A_383 = arith.constant 0 : i32
      %swap3A_384 = arith.index_cast %swap3A_383 : i32 to index
      %swap3A_385 = arith.index_cast %scan3A_325 : i32 to index
      %swap3A_386 = arith.constant 48 : index
      %swap3A_387 = tpu.vector_load %arg10[%swap3A_384, %swap3A_385, %swap3A_386] {strides = array<i32>} : memref<2x81x128xi32, #tpu.memory_space<vmem>>, vector<1x1x16xi32>,
      %swap3A_388 = vector.shape_cast %swap3A_387 : vector<1x1x16xi32> to vector<16xi32>
      %swap3A_389 = vector.shape_cast %add3A_382 : vector<16xi32> to vector<1x1x16xi32>
      tpu.vector_store %arg10[%swap3A_384, %swap3A_385, %swap3A_386], %swap3A_389 {strides = array<i32>} : memref<2x81x128xi32, #tpu.memory_space<vmem>>, vector<1x1x16xi32>,
      %get3A_390 = arith.constant 0 : i32
      %get3A_391 = arith.index_cast %get3A_390 : i32 to index
      %get3A_392 = arith.index_cast %scan3A_325 : i32 to index
      %get3A_393 = arith.constant 64 : index
      %get3A_394 = tpu.vector_load %arg10[%get3A_391, %get3A_392, %get3A_393] {strides = array<i32>} : memref<2x81x128xi32, #tpu.memory_space<vmem>>, vector<1x1x16xi32>,
      %get3A_395 = vector.shape_cast %get3A_394 : vector<1x1x16xi32> to vector<16xi32>
      %add3A_396 = arith.constant 1 : i32
      %add3A_397 = vector.broadcast %add3A_396 : i32 to vector<16xi32>
      %add3A_398 = arith.addi %get3A_395, %add3A_397 : vector<16xi32>
      %swap3A_399 = arith.constant 0 : i32
      %swap3A_400 = arith.index_cast %swap3A_399 : i32 to index
      %swap3A_401 = arith.index_cast %scan3A_325 : i32 to index
      %swap3A_402 = arith.constant 64 : index
      %swap3A_403 = tpu.vector_load %arg10[%swap3A_400, %swap3A_401, %swap3A_402] {strides = array<i32>} : memref<2x81x128xi32, #tpu.memory_space<vmem>>, vector<1x1x16xi32>,
      %swap3A_404 = vector.shape_cast %swap3A_403 : vector<1x1x16xi32> to vector<16xi32>
      %swap3A_405 = vector.shape_cast %add3A_398 : vector<16xi32> to vector<1x1x16xi32>
      tpu.vector_store %arg10[%swap3A_400, %swap3A_401, %swap3A_402], %swap3A_405 {strides = array<i32>} : memref<2x81x128xi32, #tpu.memory_space<vmem>>, vector<1x1x16xi32>,
      %get3A_406 = arith.constant 0 : i32
      %get3A_407 = arith.index_cast %get3A_406 : i32 to index
      %get3A_408 = arith.index_cast %scan3A_325 : i32 to index
      %get3A_409 = arith.constant 80 : index
      %get3A_410 = tpu.vector_load %arg10[%get3A_407, %get3A_408, %get3A_409] {strides = array<i32>} : memref<2x81x128xi32, #tpu.memory_space<vmem>>, vector<1x1x16xi32>,
      %get3A_411 = vector.shape_cast %get3A_410 : vector<1x1x16xi32> to vector<16xi32>
      %add3A_412 = arith.constant 1 : i32
      %add3A_413 = vector.broadcast %add3A_412 : i32 to vector<16xi32>
      %add3A_414 = arith.addi %get3A_411, %add3A_413 : vector<16xi32>
      %swap3A_415 = arith.constant 0 : i32
      %swap3A_416 = arith.index_cast %swap3A_415 : i32 to index
      %swap3A_417 = arith.index_cast %scan3A_325 : i32 to index
      %swap3A_418 = arith.constant 80 : index
      %swap3A_419 = tpu.vector_load %arg10[%swap3A_416, %swap3A_417, %swap3A_418] {strides = array<i32>} : memref<2x81x128xi32, #tpu.memory_space<vmem>>, vector<1x1x16xi32>,
      %swap3A_420 = vector.shape_cast %swap3A_419 : vector<1x1x16xi32> to vector<16xi32>
      %swap3A_421 = vector.shape_cast %add3A_414 : vector<16xi32> to vector<1x1x16xi32>
      tpu.vector_store %arg10[%swap3A_416, %swap3A_417, %swap3A_418], %swap3A_421 {strides = array<i32>} : memref<2x81x128xi32, #tpu.memory_space<vmem>>, vector<1x1x16xi32>,
      %get3A_422 = arith.constant 0 : i32
      %get3A_423 = arith.index_cast %get3A_422 : i32 to index
      %get3A_424 = arith.index_cast %scan3A_325 : i32 to index
      %get3A_425 = arith.constant 96 : index
      %get3A_426 = tpu.vector_load %arg10[%get3A_423, %get3A_424, %get3A_425] {strides = array<i32>} : memref<2x81x128xi32, #tpu.memory_space<vmem>>, vector<1x1x16xi32>,
      %get3A_427 = vector.shape_cast %get3A_426 : vector<1x1x16xi32> to vector<16xi32>
      %add3A_428 = arith.constant 1 : i32
      %add3A_429 = vector.broadcast %add3A_428 : i32 to vector<16xi32>
      %add3A_430 = arith.addi %get3A_427, %add3A_429 : vector<16xi32>
      %swap3A_431 = arith.constant 0 : i32
      %swap3A_432 = arith.index_cast %swap3A_431 : i32 to index
      %swap3A_433 = arith.index_cast %scan3A_325 : i32 to index
      %swap3A_434 = arith.constant 96 : index
      %swap3A_435 = tpu.vector_load %arg10[%swap3A_432, %swap3A_433, %swap3A_434] {strides = array<i32>} : memref<2x81x128xi32, #tpu.memory_space<vmem>>, vector<1x1x16xi32>,
      %swap3A_436 = vector.shape_cast %swap3A_435 : vector<1x1x16xi32> to vector<16xi32>
      %swap3A_437 = vector.shape_cast %add3A_430 : vector<16xi32> to vector<1x1x16xi32>
      tpu.vector_store %arg10[%swap3A_432, %swap3A_433, %swap3A_434], %swap3A_437 {strides = array<i32>} : memref<2x81x128xi32, #tpu.memory_space<vmem>>, vector<1x1x16xi32>,
      %get3A_438 = arith.constant 0 : i32
      %get3A_439 = arith.index_cast %get3A_438 : i32 to index
      %get3A_440 = arith.index_cast %scan3A_325 : i32 to index
      %get3A_441 = arith.constant 112 : index
      %get3A_442 = tpu.vector_load %arg10[%get3A_439, %get3A_440, %get3A_441] {strides = array<i32>} : memref<2x81x128xi32, #tpu.memory_space<vmem>>, vector<1x1x16xi32>,
      %get3A_443 = vector.shape_cast %get3A_442 : vector<1x1x16xi32> to vector<16xi32>
      %add3A_444 = arith.constant 1 : i32
      %add3A_445 = vector.broadcast %add3A_444 : i32 to vector<16xi32>
      %add3A_446 = arith.addi %get3A_443, %add3A_445 : vector<16xi32>
      %swap3A_447 = arith.constant 0 : i32
      %swap3A_448 = arith.index_cast %swap3A_447 : i32 to index
      %swap3A_449 = arith.index_cast %scan3A_325 : i32 to index
      %swap3A_450 = arith.constant 112 : index
      %swap3A_451 = tpu.vector_load %arg10[%swap3A_448, %swap3A_449, %swap3A_450] {strides = array<i32>} : memref<2x81x128xi32, #tpu.memory_space<vmem>>, vector<1x1x16xi32>,
      %swap3A_452 = vector.shape_cast %swap3A_451 : vector<1x1x16xi32> to vector<16xi32>
      %swap3A_453 = vector.shape_cast %add3A_446 : vector<16xi32> to vector<1x1x16xi32>
      tpu.vector_store %arg10[%swap3A_448, %swap3A_449, %swap3A_450], %swap3A_453 {strides = array<i32>} : memref<2x81x128xi32, #tpu.memory_space<vmem>>, vector<1x1x16xi32>,
      %get3A_454 = arith.constant 1 : i32
      %get3A_455 = arith.index_cast %get3A_454 : i32 to index
      %get3A_456 = arith.index_cast %scan3A_325 : i32 to index
      %get3A_457 = arith.constant 0 : index
      %get3A_458 = tpu.vector_load %arg10[%get3A_455, %get3A_456, %get3A_457] {strides = array<i32>} : memref<2x81x128xi32, #tpu.memory_space<vmem>>, vector<1x1x16xi32>,
      %get3A_459 = vector.shape_cast %get3A_458 : vector<1x1x16xi32> to vector<16xi32>
      %add3A_460 = arith.constant 1 : i32
      %add3A_461 = vector.broadcast %add3A_460 : i32 to vector<16xi32>
      %add3A_462 = arith.addi %get3A_459, %add3A_461 : vector<16xi32>
      %swap3A_463 = arith.constant 1 : i32
      %swap3A_464 = arith.index_cast %swap3A_463 : i32 to index
      %swap3A_465 = arith.index_cast %scan3A_325 : i32 to index
      %swap3A_466 = arith.constant 0 : index
      %swap3A_467 = tpu.vector_load %arg10[%swap3A_464, %swap3A_465, %swap3A_466] {strides = array<i32>} : memref<2x81x128xi32, #tpu.memory_space<vmem>>, vector<1x1x16xi32>,
      %swap3A_468 = vector.shape_cast %swap3A_467 : vector<1x1x16xi32> to vector<16xi32>
      %swap3A_469 = vector.shape_cast %add3A_462 : vector<16xi32> to vector<1x1x16xi32>
      tpu.vector_store %arg10[%swap3A_464, %swap3A_465, %swap3A_466], %swap3A_469 {strides = array<i32>} : memref<2x81x128xi32, #tpu.memory_space<vmem>>, vector<1x1x16xi32>,
      %get3A_470 = arith.constant 1 : i32
      %get3A_471 = arith.index_cast %get3A_470 : i32 to index
      %get3A_472 = arith.index_cast %scan3A_325 : i32 to index
      %get3A_473 = arith.constant 16 : index
      %get3A_474 = tpu.vector_load %arg10[%get3A_471, %get3A_472, %get3A_473] {strides = array<i32>} : memref<2x81x128xi32, #tpu.memory_space<vmem>>, vector<1x1x16xi32>,
      %get3A_475 = vector.shape_cast %get3A_474 : vector<1x1x16xi32> to vector<16xi32>
      %add3A_476 = arith.constant 1 : i32
      %add3A_477 = vector.broadcast %add3A_476 : i32 to vector<16xi32>
      %add3A_478 = arith.addi %get3A_475, %add3A_477 : vector<16xi32>
      %swap3A_479 = arith.constant 1 : i32
      %swap3A_480 = arith.index_cast %swap3A_479 : i32 to index
      %swap3A_481 = arith.index_cast %scan3A_325 : i32 to index
      %swap3A_482 = arith.constant 16 : index
      %swap3A_483 = tpu.vector_load %arg10[%swap3A_480, %swap3A_481, %swap3A_482] {strides = array<i32>} : memref<2x81x128xi32, #tpu.memory_space<vmem>>, vector<1x1x16xi32>,
      %swap3A_484 = vector.shape_cast %swap3A_483 : vector<1x1x16xi32> to vector<16xi32>
      %swap3A_485 = vector.shape_cast %add3A_478 : vector<16xi32> to vector<1x1x16xi32>
      tpu.vector_store %arg10[%swap3A_480, %swap3A_481, %swap3A_482], %swap3A_485 {strides = array<i32>} : memref<2x81x128xi32, #tpu.memory_space<vmem>>, vector<1x1x16xi32>,
      %get3A_486 = arith.constant 1 : i32
      %get3A_487 = arith.index_cast %get3A_486 : i32 to index
      %get3A_488 = arith.index_cast %scan3A_325 : i32 to index
      %get3A_489 = arith.constant 32 : index
      %get3A_490 = tpu.vector_load %arg10[%get3A_487, %get3A_488, %get3A_489] {strides = array<i32>} : memref<2x81x128xi32, #tpu.memory_space<vmem>>, vector<1x1x16xi32>,
      %get3A_491 = vector.shape_cast %get3A_490 : vector<1x1x16xi32> to vector<16xi32>
      %add3A_492 = arith.constant 1 : i32
      %add3A_493 = vector.broadcast %add3A_492 : i32 to vector<16xi32>
      %add3A_494 = arith.addi %get3A_491, %add3A_493 : vector<16xi32>
      %swap3A_495 = arith.constant 1 : i32
      %swap3A_496 = arith.index_cast %swap3A_495 : i32 to index
      %swap3A_497 = arith.index_cast %scan3A_325 : i32 to index
      %swap3A_498 = arith.constant 32 : index
      %swap3A_499 = tpu.vector_load %arg10[%swap3A_496, %swap3A_497, %swap3A_498] {strides = array<i32>} : memref<2x81x128xi32, #tpu.memory_space<vmem>>, vector<1x1x16xi32>,
      %swap3A_500 = vector.shape_cast %swap3A_499 : vector<1x1x16xi32> to vector<16xi32>
      %swap3A_501 = vector.shape_cast %add3A_494 : vector<16xi32> to vector<1x1x16xi32>
      tpu.vector_store %arg10[%swap3A_496, %swap3A_497, %swap3A_498], %swap3A_501 {strides = array<i32>} : memref<2x81x128xi32, #tpu.memory_space<vmem>>, vector<1x1x16xi32>,
      %get3A_502 = arith.constant 1 : i32
      %get3A_503 = arith.index_cast %get3A_502 : i32 to index
      %get3A_504 = arith.index_cast %scan3A_325 : i32 to index
      %get3A_505 = arith.constant 48 : index
      %get3A_506 = tpu.vector_load %arg10[%get3A_503, %get3A_504, %get3A_505] {strides = array<i32>} : memref<2x81x128xi32, #tpu.memory_space<vmem>>, vector<1x1x16xi32>,
      %get3A_507 = vector.shape_cast %get3A_506 : vector<1x1x16xi32> to vector<16xi32>
      %add3A_508 = arith.constant 1 : i32
      %add3A_509 = vector.broadcast %add3A_508 : i32 to vector<16xi32>
      %add3A_510 = arith.addi %get3A_507, %add3A_509 : vector<16xi32>
      %swap3A_511 = arith.constant 1 : i32
      %swap3A_512 = arith.index_cast %swap3A_511 : i32 to index
      %swap3A_513 = arith.index_cast %scan3A_325 : i32 to index
      %swap3A_514 = arith.constant 48 : index
      %swap3A_515 = tpu.vector_load %arg10[%swap3A_512, %swap3A_513, %swap3A_514] {strides = array<i32>} : memref<2x81x128xi32, #tpu.memory_space<vmem>>, vector<1x1x16xi32>,
      %swap3A_516 = vector.shape_cast %swap3A_515 : vector<1x1x16xi32> to vector<16xi32>
      %swap3A_517 = vector.shape_cast %add3A_510 : vector<16xi32> to vector<1x1x16xi32>
      tpu.vector_store %arg10[%swap3A_512, %swap3A_513, %swap3A_514], %swap3A_517 {strides = array<i32>} : memref<2x81x128xi32, #tpu.memory_space<vmem>>, vector<1x1x16xi32>,
      %get3A_518 = arith.constant 1 : i32
      %get3A_519 = arith.index_cast %get3A_518 : i32 to index
      %get3A_520 = arith.index_cast %scan3A_325 : i32 to index
      %get3A_521 = arith.constant 64 : index
      %get3A_522 = tpu.vector_load %arg10[%get3A_519, %get3A_520, %get3A_521] {strides = array<i32>} : memref<2x81x128xi32, #tpu.memory_space<vmem>>, vector<1x1x16xi32>,
      %get3A_523 = vector.shape_cast %get3A_522 : vector<1x1x16xi32> to vector<16xi32>
      %add3A_524 = arith.constant 1 : i32
      %add3A_525 = vector.broadcast %add3A_524 : i32 to vector<16xi32>
      %add3A_526 = arith.addi %get3A_523, %add3A_525 : vector<16xi32>
      %swap3A_527 = arith.constant 1 : i32
      %swap3A_528 = arith.index_cast %swap3A_527 : i32 to index
      %swap3A_529 = arith.index_cast %scan3A_325 : i32 to index
      %swap3A_530 = arith.constant 64 : index
      %swap3A_531 = tpu.vector_load %arg10[%swap3A_528, %swap3A_529, %swap3A_530] {strides = array<i32>} : memref<2x81x128xi32, #tpu.memory_space<vmem>>, vector<1x1x16xi32>,
      %swap3A_532 = vector.shape_cast %swap3A_531 : vector<1x1x16xi32> to vector<16xi32>
      %swap3A_533 = vector.shape_cast %add3A_526 : vector<16xi32> to vector<1x1x16xi32>
      tpu.vector_store %arg10[%swap3A_528, %swap3A_529, %swap3A_530], %swap3A_533 {strides = array<i32>} : memref<2x81x128xi32, #tpu.memory_space<vmem>>, vector<1x1x16xi32>,
      %get3A_534 = arith.constant 1 : i32
      %get3A_535 = arith.index_cast %get3A_534 : i32 to index
      %get3A_536 = arith.index_cast %scan3A_325 : i32 to index
      %get3A_537 = arith.constant 80 : index
      %get3A_538 = tpu.vector_load %arg10[%get3A_535, %get3A_536, %get3A_537] {strides = array<i32>} : memref<2x81x128xi32, #tpu.memory_space<vmem>>, vector<1x1x16xi32>,
      %get3A_539 = vector.shape_cast %get3A_538 : vector<1x1x16xi32> to vector<16xi32>
      %add3A_540 = arith.constant 1 : i32
      %add3A_541 = vector.broadcast %add3A_540 : i32 to vector<16xi32>
      %add3A_542 = arith.addi %get3A_539, %add3A_541 : vector<16xi32>
      %swap3A_543 = arith.constant 1 : i32
      %swap3A_544 = arith.index_cast %swap3A_543 : i32 to index
      %swap3A_545 = arith.index_cast %scan3A_325 : i32 to index
      %swap3A_546 = arith.constant 80 : index
      %swap3A_547 = tpu.vector_load %arg10[%swap3A_544, %swap3A_545, %swap3A_546] {strides = array<i32>} : memref<2x81x128xi32, #tpu.memory_space<vmem>>, vector<1x1x16xi32>,
      %swap3A_548 = vector.shape_cast %swap3A_547 : vector<1x1x16xi32> to vector<16xi32>
      %swap3A_549 = vector.shape_cast %add3A_542 : vector<16xi32> to vector<1x1x16xi32>
      tpu.vector_store %arg10[%swap3A_544, %swap3A_545, %swap3A_546], %swap3A_549 {strides = array<i32>} : memref<2x81x128xi32, #tpu.memory_space<vmem>>, vector<1x1x16xi32>,
      %get3A_550 = arith.constant 1 : i32
      %get3A_551 = arith.index_cast %get3A_550 : i32 to index
      %get3A_552 = arith.index_cast %scan3A_325 : i32 to index
      %get3A_553 = arith.constant 96 : index
      %get3A_554 = tpu.vector_load %arg10[%get3A_551, %get3A_552, %get3A_553] {strides = array<i32>} : memref<2x81x128xi32, #tpu.memory_space<vmem>>, vector<1x1x16xi32>,
      %get3A_555 = vector.shape_cast %get3A_554 : vector<1x1x16xi32> to vector<16xi32>
      %add3A_556 = arith.constant 1 : i32
      %add3A_557 = vector.broadcast %add3A_556 : i32 to vector<16xi32>
      %add3A_558 = arith.addi %get3A_555, %add3A_557 : vector<16xi32>
      %swap3A_559 = arith.constant 1 : i32
      %swap3A_560 = arith.index_cast %swap3A_559 : i32 to index
      %swap3A_561 = arith.index_cast %scan3A_325 : i32 to index
      %swap3A_562 = arith.constant 96 : index
      %swap3A_563 = tpu.vector_load %arg10[%swap3A_560, %swap3A_561, %swap3A_562] {strides = array<i32>} : memref<2x81x128xi32, #tpu.memory_space<vmem>>, vector<1x1x16xi32>,
      %swap3A_564 = vector.shape_cast %swap3A_563 : vector<1x1x16xi32> to vector<16xi32>
      %swap3A_565 = vector.shape_cast %add3A_558 : vector<16xi32> to vector<1x1x16xi32>
      tpu.vector_store %arg10[%swap3A_560, %swap3A_561, %swap3A_562], %swap3A_565 {strides = array<i32>} : memref<2x81x128xi32, #tpu.memory_space<vmem>>, vector<1x1x16xi32>,
      %get3A_566 = arith.constant 1 : i32
      %get3A_567 = arith.index_cast %get3A_566 : i32 to index
      %get3A_568 = arith.index_cast %scan3A_325 : i32 to index
      %get3A_569 = arith.constant 112 : index
      %get3A_570 = tpu.vector_load %arg10[%get3A_567, %get3A_568, %get3A_569] {strides = array<i32>} : memref<2x81x128xi32, #tpu.memory_space<vmem>>, vector<1x1x16xi32>,
      %get3A_571 = vector.shape_cast %get3A_570 : vector<1x1x16xi32> to vector<16xi32>
      %add3A_572 = arith.constant 1 : i32
      %add3A_573 = vector.broadcast %add3A_572 : i32 to vector<16xi32>
      %add3A_574 = arith.addi %get3A_571, %add3A_573 : vector<16xi32>
      %swap3A_575 = arith.constant 1 : i32
      %swap3A_576 = arith.index_cast %swap3A_575 : i32 to index
      %swap3A_577 = arith.index_cast %scan3A_325 : i32 to index
      %swap3A_578 = arith.constant 112 : index
      %swap3A_579 = tpu.vector_load %arg10[%swap3A_576, %swap3A_577, %swap3A_578] {strides = array<i32>} : memref<2x81x128xi32, #tpu.memory_space<vmem>>, vector<1x1x16xi32>,
      %swap3A_580 = vector.shape_cast %swap3A_579 : vector<1x1x16xi32> to vector<16xi32>
      %swap3A_581 = vector.shape_cast %add3A_574 : vector<16xi32> to vector<1x1x16xi32>
      tpu.vector_store %arg10[%swap3A_576, %swap3A_577, %swap3A_578], %swap3A_581 {strides = array<i32>} : memref<2x81x128xi32, #tpu.memory_space<vmem>>, vector<1x1x16xi32>,
      %scan3A_582 = arith.constant 0 : i32
      scf.yield %scan3A_582 : i32
    }
    %scan3A_268 = arith.constant 80 : i32
    %mul3A_269 = arith.constant 5120 : i32
    %mul3A_270 = arith.muli %arg0, %mul3A_269 : i32
    %add3A_271 = arith.addi %mul3A_270, %mul3A_0 : i32
    %run_scoped3A_272 = arith.constant 2 : i32
    "tpu.region"() ({
      %run_scoped3A_325 = tpu.sem_alloc : memref<!tpu.dma_semaphore, #tpu.memory_space<semaphore_mem>>
      %dma_start3A_326 = arith.constant 0 : i32
      %dma_start3A_327 = tpu.memref_slice %arg14[%mul3A_0, %dma_start3A_326] : memref<5128x128xf32, #tpu.memory_space<vmem_shared>> -> memref<320x128xf32, #tpu.memory_space<vmem_shared>>
      %dma_start3A_328 = arith.constant 0 : i32
      %dma_start3A_329 = tpu.memref_slice %arg4[%run_scoped3A_272, %add3A_271, %dma_start3A_328] : memref<3x10240x128xf32, #tpu.memory_space<hbm>> -> memref<1x320x128xf32, #tpu.memory_space<hbm>>
      %dma_start3A_330 = tpu.memref_squeeze %dma_start3A_329 : memref<1x320x128xf32, #tpu.memory_space<hbm>> -> memref<320x128xf32, #tpu.memory_space<hbm>>
      tpu.enqueue_dma source(%dma_start3A_330 : memref<320x128xf32, #tpu.memory_space<hbm>>) target(%dma_start3A_327 : memref<320x128xf32, #tpu.memory_space<vmem_shared>>) target_semaphore(%run_scoped3A_325 : memref<!tpu.dma_semaphore, #tpu.memory_space<semaphore_mem>>)
      %dma_wait3A_331 = arith.constant 0 : i32
      %dma_wait3A_332 = tpu.memref_slice %arg14[%mul3A_0, %dma_wait3A_331] : memref<5128x128xf32, #tpu.memory_space<vmem_shared>> -> memref<320x128xf32, #tpu.memory_space<vmem_shared>>
      %dma_wait3A_333 = arith.constant 0 : i32
      %dma_wait3A_334 = tpu.memref_slice %arg4[%run_scoped3A_272, %add3A_271, %dma_wait3A_333] : memref<3x10240x128xf32, #tpu.memory_space<hbm>> -> memref<1x320x128xf32, #tpu.memory_space<hbm>>
      %dma_wait3A_335 = tpu.memref_squeeze %dma_wait3A_334 : memref<1x320x128xf32, #tpu.memory_space<hbm>> -> memref<320x128xf32, #tpu.memory_space<hbm>>
      tpu.wait_dma2 semaphore(%run_scoped3A_325 : memref<!tpu.dma_semaphore, #tpu.memory_space<semaphore_mem>>) src(%dma_wait3A_335 : memref<320x128xf32, #tpu.memory_space<hbm>>) dst(%dma_wait3A_332 : memref<320x128xf32, #tpu.memory_space<vmem_shared>>)
      tpu.yield
    }) : () -> ()
    %barrier3A_273 = arith.constant 0 : index
    tpu.barrier barrier_id(%barrier3A_273)
    %dma_start3A_274 = arith.constant 0 : i32
    %dma_start3A_275 = arith.constant 0 : i32
    %dma_start3A_276 = arith.constant 0 : i32
    %dma_start3A_277 = tpu.memref_slice %arg10[%dma_start3A_274, %dma_start3A_275, %dma_start3A_276] : memref<2x81x128xi32, #tpu.memory_space<vmem>> -> memref<1x1x128xi32, #tpu.memory_space<vmem>>
    %dma_start3A_278 = tpu.memref_squeeze %dma_start3A_277 : memref<1x1x128xi32, #tpu.memory_space<vmem>> -> memref<128xi32, #tpu.memory_space<vmem>>
    %dma_start3A_279 = arith.constant 0 : i32
    %dma_start3A_280 = arith.constant 0 : i32
    %dma_start3A_281 = tpu.memref_slice %arg2[%dma_start3A_279, %dma_start3A_280] : memref<30720x128xf32, #tpu.memory_space<hbm>> -> memref<30720x128xf32, #tpu.memory_space<hbm>>
    tpu.enqueue_indirect_dma source(%dma_start3A_281 : memref<30720x128xf32, #tpu.memory_space<hbm>>) target(%arg12 : memref<128x128xf32, #tpu.memory_space<vmem>>) offsets(%dma_start3A_278 : memref<128xi32, #tpu.memory_space<vmem>>) semaphore(%arg15 : memref<!tpu.dma_semaphore, #tpu.memory_space<semaphore_mem>>)
    %scan3A_282 = arith.constant 0 : i32
    %scan3A_283 = arith.constant 0 : i32
    %scan3A_284 = arith.constant 40 : i32
    %scan3A_285 = arith.addi %scan3A_283, %scan3A_284 : i32
    %scan3A_286 = arith.constant 1 : i32
    %scan3A_287 = scf.for %scan3A_325 = %scan3A_283 to %scan3A_285 step %scan3A_286 iter_args(%scan3A_326 = %scan3A_282) -> (i32)  : i32 {
      %mul3A_327 = arith.constant 2 : i32
      %mul3A_328 = arith.muli %mul3A_327, %scan3A_325 : i32
      %add3A_329 = arith.constant 1 : i32
      %add3A_330 = arith.addi %mul3A_328, %add3A_329 : i32
      %dma_start3A_331 = arith.constant 0 : i32
      %dma_start3A_332 = arith.constant 0 : i32
      %dma_start3A_333 = tpu.memref_slice %arg10[%dma_start3A_331, %add3A_330, %dma_start3A_332] : memref<2x81x128xi32, #tpu.memory_space<vmem>> -> memref<1x1x128xi32, #tpu.memory_space<vmem>>
      %dma_start3A_334 = tpu.memref_squeeze %dma_start3A_333 : memref<1x1x128xi32, #tpu.memory_space<vmem>> -> memref<128xi32, #tpu.memory_space<vmem>>
      %dma_start3A_335 = arith.constant 0 : i32
      %dma_start3A_336 = arith.constant 0 : i32
      %dma_start3A_337 = tpu.memref_slice %arg2[%dma_start3A_335, %dma_start3A_336] : memref<30720x128xf32, #tpu.memory_space<hbm>> -> memref<30720x128xf32, #tpu.memory_space<hbm>>
      tpu.enqueue_indirect_dma source(%dma_start3A_337 : memref<30720x128xf32, #tpu.memory_space<hbm>>) target(%arg13 : memref<128x128xf32, #tpu.memory_space<vmem>>) offsets(%dma_start3A_334 : memref<128xi32, #tpu.memory_space<vmem>>) semaphore(%arg16 : memref<!tpu.dma_semaphore, #tpu.memory_space<semaphore_mem>>)
      %dma_wait3A_338 = arith.constant 0 : i32
      %dma_wait3A_339 = arith.constant 0 : i32
      %dma_wait3A_340 = tpu.memref_slice %arg10[%dma_wait3A_338, %mul3A_328, %dma_wait3A_339] : memref<2x81x128xi32, #tpu.memory_space<vmem>> -> memref<1x1x128xi32, #tpu.memory_space<vmem>>
      %dma_wait3A_341 = tpu.memref_squeeze %dma_wait3A_340 : memref<1x1x128xi32, #tpu.memory_space<vmem>> -> memref<128xi32, #tpu.memory_space<vmem>>
      %dma_wait3A_342 = arith.constant 0 : i32
      %dma_wait3A_343 = arith.constant 0 : i32
      %dma_wait3A_344 = tpu.memref_slice %arg2[%dma_wait3A_342, %dma_wait3A_343] : memref<30720x128xf32, #tpu.memory_space<hbm>> -> memref<30720x128xf32, #tpu.memory_space<hbm>>
      tpu.wait_indirect_dma semaphore(%arg15 : memref<!tpu.dma_semaphore, #tpu.memory_space<semaphore_mem>>) src(%dma_wait3A_344 : memref<30720x128xf32, #tpu.memory_space<hbm>>) dst(%arg12 : memref<128x128xf32, #tpu.memory_space<vmem>>)
      %dma_start3A_345 = arith.constant 0 : i32
      %dma_start3A_346 = arith.constant 0 : i32
      %dma_start3A_347 = tpu.memref_slice %arg11[%dma_start3A_345, %mul3A_328, %dma_start3A_346] : memref<2x80x128xi32, #tpu.memory_space<vmem>> -> memref<1x1x128xi32, #tpu.memory_space<vmem>>
      %dma_start3A_348 = tpu.memref_squeeze %dma_start3A_347 : memref<1x1x128xi32, #tpu.memory_space<vmem>> -> memref<128xi32, #tpu.memory_space<vmem>>
      %dma_start3A_349 = arith.constant 0 : i32
      %dma_start3A_350 = arith.constant 0 : i32
      %dma_start3A_351 = tpu.memref_slice %arg14[%dma_start3A_349, %dma_start3A_350] : memref<5128x128xf32, #tpu.memory_space<vmem_shared>> -> memref<5128x128xf32, #tpu.memory_space<vmem_shared>>
      tpu.enqueue_indirect_dma source(%arg12 : memref<128x128xf32, #tpu.memory_space<vmem>>) target(%dma_start3A_351 : memref<5128x128xf32, #tpu.memory_space<vmem_shared>>) offsets(%dma_start3A_348 : memref<128xi32, #tpu.memory_space<vmem>>) semaphore(%arg17 : memref<!tpu.dma_semaphore, #tpu.memory_space<semaphore_mem>>) {add = true}
      %dma_wait3A_352 = arith.constant 0 : i32
      %dma_wait3A_353 = arith.constant 0 : i32
      %dma_wait3A_354 = tpu.memref_slice %arg11[%dma_wait3A_352, %mul3A_328, %dma_wait3A_353] : memref<2x80x128xi32, #tpu.memory_space<vmem>> -> memref<1x1x128xi32, #tpu.memory_space<vmem>>
      %dma_wait3A_355 = tpu.memref_squeeze %dma_wait3A_354 : memref<1x1x128xi32, #tpu.memory_space<vmem>> -> memref<128xi32, #tpu.memory_space<vmem>>
      %dma_wait3A_356 = arith.constant 0 : i32
      %dma_wait3A_357 = arith.constant 0 : i32
      %dma_wait3A_358 = tpu.memref_slice %arg14[%dma_wait3A_356, %dma_wait3A_357] : memref<5128x128xf32, #tpu.memory_space<vmem_shared>> -> memref<5128x128xf32, #tpu.memory_space<vmem_shared>>
      tpu.wait_indirect_dma semaphore(%arg17 : memref<!tpu.dma_semaphore, #tpu.memory_space<semaphore_mem>>) src(%arg12 : memref<128x128xf32, #tpu.memory_space<vmem>>) dst(%dma_wait3A_358 : memref<5128x128xf32, #tpu.memory_space<vmem_shared>>)
      %add3A_359 = arith.constant 2 : i32
      %add3A_360 = arith.addi %mul3A_328, %add3A_359 : i32
      %dma_start3A_361 = arith.constant 0 : i32
      %dma_start3A_362 = arith.constant 0 : i32
      %dma_start3A_363 = tpu.memref_slice %arg10[%dma_start3A_361, %add3A_360, %dma_start3A_362] : memref<2x81x128xi32, #tpu.memory_space<vmem>> -> memref<1x1x128xi32, #tpu.memory_space<vmem>>
      %dma_start3A_364 = tpu.memref_squeeze %dma_start3A_363 : memref<1x1x128xi32, #tpu.memory_space<vmem>> -> memref<128xi32, #tpu.memory_space<vmem>>
      %dma_start3A_365 = arith.constant 0 : i32
      %dma_start3A_366 = arith.constant 0 : i32
      %dma_start3A_367 = tpu.memref_slice %arg2[%dma_start3A_365, %dma_start3A_366] : memref<30720x128xf32, #tpu.memory_space<hbm>> -> memref<30720x128xf32, #tpu.memory_space<hbm>>
      tpu.enqueue_indirect_dma source(%dma_start3A_367 : memref<30720x128xf32, #tpu.memory_space<hbm>>) target(%arg12 : memref<128x128xf32, #tpu.memory_space<vmem>>) offsets(%dma_start3A_364 : memref<128xi32, #tpu.memory_space<vmem>>) semaphore(%arg15 : memref<!tpu.dma_semaphore, #tpu.memory_space<semaphore_mem>>)
      %add3A_368 = arith.constant 1 : i32
      %add3A_369 = arith.addi %mul3A_328, %add3A_368 : i32
      %dma_wait3A_370 = arith.constant 0 : i32
      %dma_wait3A_371 = arith.constant 0 : i32
      %dma_wait3A_372 = tpu.memref_slice %arg10[%dma_wait3A_370, %add3A_369, %dma_wait3A_371] : memref<2x81x128xi32, #tpu.memory_space<vmem>> -> memref<1x1x128xi32, #tpu.memory_space<vmem>>
      %dma_wait3A_373 = tpu.memref_squeeze %dma_wait3A_372 : memref<1x1x128xi32, #tpu.memory_space<vmem>> -> memref<128xi32, #tpu.memory_space<vmem>>
      %dma_wait3A_374 = arith.constant 0 : i32
      %dma_wait3A_375 = arith.constant 0 : i32
      %dma_wait3A_376 = tpu.memref_slice %arg2[%dma_wait3A_374, %dma_wait3A_375] : memref<30720x128xf32, #tpu.memory_space<hbm>> -> memref<30720x128xf32, #tpu.memory_space<hbm>>
      tpu.wait_indirect_dma semaphore(%arg16 : memref<!tpu.dma_semaphore, #tpu.memory_space<semaphore_mem>>) src(%dma_wait3A_376 : memref<30720x128xf32, #tpu.memory_space<hbm>>) dst(%arg13 : memref<128x128xf32, #tpu.memory_space<vmem>>)
      %add3A_377 = arith.constant 1 : i32
      %add3A_378 = arith.addi %mul3A_328, %add3A_377 : i32
      %dma_start3A_379 = arith.constant 0 : i32
      %dma_start3A_380 = arith.constant 0 : i32
      %dma_start3A_381 = tpu.memref_slice %arg11[%dma_start3A_379, %add3A_378, %dma_start3A_380] : memref<2x80x128xi32, #tpu.memory_space<vmem>> -> memref<1x1x128xi32, #tpu.memory_space<vmem>>
      %dma_start3A_382 = tpu.memref_squeeze %dma_start3A_381 : memref<1x1x128xi32, #tpu.memory_space<vmem>> -> memref<128xi32, #tpu.memory_space<vmem>>
      %dma_start3A_383 = arith.constant 0 : i32
      %dma_start3A_384 = arith.constant 0 : i32
      %dma_start3A_385 = tpu.memref_slice %arg14[%dma_start3A_383, %dma_start3A_384] : memref<5128x128xf32, #tpu.memory_space<vmem_shared>> -> memref<5128x128xf32, #tpu.memory_space<vmem_shared>>
      tpu.enqueue_indirect_dma source(%arg13 : memref<128x128xf32, #tpu.memory_space<vmem>>) target(%dma_start3A_385 : memref<5128x128xf32, #tpu.memory_space<vmem_shared>>) offsets(%dma_start3A_382 : memref<128xi32, #tpu.memory_space<vmem>>) semaphore(%arg18 : memref<!tpu.dma_semaphore, #tpu.memory_space<semaphore_mem>>) {add = true}
      %dma_wait3A_386 = arith.constant 0 : i32
      %dma_wait3A_387 = arith.constant 0 : i32
      %dma_wait3A_388 = tpu.memref_slice %arg11[%dma_wait3A_386, %add3A_378, %dma_wait3A_387] : memref<2x80x128xi32, #tpu.memory_space<vmem>> -> memref<1x1x128xi32, #tpu.memory_space<vmem>>
      %dma_wait3A_389 = tpu.memref_squeeze %dma_wait3A_388 : memref<1x1x128xi32, #tpu.memory_space<vmem>> -> memref<128xi32, #tpu.memory_space<vmem>>
      %dma_wait3A_390 = arith.constant 0 : i32
      %dma_wait3A_391 = arith.constant 0 : i32
      %dma_wait3A_392 = tpu.memref_slice %arg14[%dma_wait3A_390, %dma_wait3A_391] : memref<5128x128xf32, #tpu.memory_space<vmem_shared>> -> memref<5128x128xf32, #tpu.memory_space<vmem_shared>>
      tpu.wait_indirect_dma semaphore(%arg18 : memref<!tpu.dma_semaphore, #tpu.memory_space<semaphore_mem>>) src(%arg13 : memref<128x128xf32, #tpu.memory_space<vmem>>) dst(%dma_wait3A_392 : memref<5128x128xf32, #tpu.memory_space<vmem_shared>>)
      %scan3A_393 = arith.constant 0 : i32
      scf.yield %scan3A_393 : i32
    }
    %scan3A_288 = arith.constant 40 : i32
    %dma_wait3A_289 = arith.constant 0 : i32
    %dma_wait3A_290 = arith.constant 80 : i32
    %dma_wait3A_291 = arith.constant 0 : i32
    %dma_wait3A_292 = tpu.memref_slice %arg10[%dma_wait3A_289, %dma_wait3A_290, %dma_wait3A_291] : memref<2x81x128xi32, #tpu.memory_space<vmem>> -> memref<1x1x128xi32, #tpu.memory_space<vmem>>
    %dma_wait3A_293 = tpu.memref_squeeze %dma_wait3A_292 : memref<1x1x128xi32, #tpu.memory_space<vmem>> -> memref<128xi32, #tpu.memory_space<vmem>>
    %dma_wait3A_294 = arith.constant 0 : i32
    %dma_wait3A_295 = arith.constant 0 : i32
    %dma_wait3A_296 = tpu.memref_slice %arg2[%dma_wait3A_294, %dma_wait3A_295] : memref<30720x128xf32, #tpu.memory_space<hbm>> -> memref<30720x128xf32, #tpu.memory_space<hbm>>
    tpu.wait_indirect_dma semaphore(%arg15 : memref<!tpu.dma_semaphore, #tpu.memory_space<semaphore_mem>>) src(%dma_wait3A_296 : memref<30720x128xf32, #tpu.memory_space<hbm>>) dst(%arg12 : memref<128x128xf32, #tpu.memory_space<vmem>>)
    %dma_start3A_297 = arith.constant 1 : i32
    %dma_start3A_298 = arith.constant 0 : i32
    %dma_start3A_299 = arith.constant 0 : i32
    %dma_start3A_300 = tpu.memref_slice %arg10[%dma_start3A_297, %dma_start3A_298, %dma_start3A_299] : memref<2x81x128xi32, #tpu.memory_space<vmem>> -> memref<1x1x128xi32, #tpu.memory_space<vmem>>
    %dma_start3A_301 = tpu.memref_squeeze %dma_start3A_300 : memref<1x1x128xi32, #tpu.memory_space<vmem>> -> memref<128xi32, #tpu.memory_space<vmem>>
    %dma_start3A_302 = arith.constant 0 : i32
    %dma_start3A_303 = arith.constant 0 : i32
    %dma_start3A_304 = tpu.memref_slice %arg3[%dma_start3A_302, %dma_start3A_303] : memref<30720x128xf32, #tpu.memory_space<hbm>> -> memref<30720x128xf32, #tpu.memory_space<hbm>>
    tpu.enqueue_indirect_dma source(%dma_start3A_304 : memref<30720x128xf32, #tpu.memory_space<hbm>>) target(%arg12 : memref<128x128xf32, #tpu.memory_space<vmem>>) offsets(%dma_start3A_301 : memref<128xi32, #tpu.memory_space<vmem>>) semaphore(%arg15 : memref<!tpu.dma_semaphore, #tpu.memory_space<semaphore_mem>>)
    %scan3A_305 = arith.constant 0 : i32
    %scan3A_306 = arith.constant 0 : i32
    %scan3A_307 = arith.constant 40 : i32
    %scan3A_308 = arith.addi %scan3A_306, %scan3A_307 : i32
    %scan3A_309 = arith.constant 1 : i32
    %scan3A_310 = scf.for %scan3A_325 = %scan3A_306 to %scan3A_308 step %scan3A_309 iter_args(%scan3A_326 = %scan3A_305) -> (i32)  : i32 {
      %mul3A_327 = arith.constant 2 : i32
      %mul3A_328 = arith.muli %mul3A_327, %scan3A_325 : i32
      %add3A_329 = arith.constant 1 : i32
      %add3A_330 = arith.addi %mul3A_328, %add3A_329 : i32
      %dma_start3A_331 = arith.constant 1 : i32
      %dma_start3A_332 = arith.constant 0 : i32
      %dma_start3A_333 = tpu.memref_slice %arg10[%dma_start3A_331, %add3A_330, %dma_start3A_332] : memref<2x81x128xi32, #tpu.memory_space<vmem>> -> memref<1x1x128xi32, #tpu.memory_space<vmem>>
      %dma_start3A_334 = tpu.memref_squeeze %dma_start3A_333 : memref<1x1x128xi32, #tpu.memory_space<vmem>> -> memref<128xi32, #tpu.memory_space<vmem>>
      %dma_start3A_335 = arith.constant 0 : i32
      %dma_start3A_336 = arith.constant 0 : i32
      %dma_start3A_337 = tpu.memref_slice %arg3[%dma_start3A_335, %dma_start3A_336] : memref<30720x128xf32, #tpu.memory_space<hbm>> -> memref<30720x128xf32, #tpu.memory_space<hbm>>
      tpu.enqueue_indirect_dma source(%dma_start3A_337 : memref<30720x128xf32, #tpu.memory_space<hbm>>) target(%arg13 : memref<128x128xf32, #tpu.memory_space<vmem>>) offsets(%dma_start3A_334 : memref<128xi32, #tpu.memory_space<vmem>>) semaphore(%arg16 : memref<!tpu.dma_semaphore, #tpu.memory_space<semaphore_mem>>)
      %dma_wait3A_338 = arith.constant 1 : i32
      %dma_wait3A_339 = arith.constant 0 : i32
      %dma_wait3A_340 = tpu.memref_slice %arg10[%dma_wait3A_338, %mul3A_328, %dma_wait3A_339] : memref<2x81x128xi32, #tpu.memory_space<vmem>> -> memref<1x1x128xi32, #tpu.memory_space<vmem>>
      %dma_wait3A_341 = tpu.memref_squeeze %dma_wait3A_340 : memref<1x1x128xi32, #tpu.memory_space<vmem>> -> memref<128xi32, #tpu.memory_space<vmem>>
      %dma_wait3A_342 = arith.constant 0 : i32
      %dma_wait3A_343 = arith.constant 0 : i32
      %dma_wait3A_344 = tpu.memref_slice %arg3[%dma_wait3A_342, %dma_wait3A_343] : memref<30720x128xf32, #tpu.memory_space<hbm>> -> memref<30720x128xf32, #tpu.memory_space<hbm>>
      tpu.wait_indirect_dma semaphore(%arg15 : memref<!tpu.dma_semaphore, #tpu.memory_space<semaphore_mem>>) src(%dma_wait3A_344 : memref<30720x128xf32, #tpu.memory_space<hbm>>) dst(%arg12 : memref<128x128xf32, #tpu.memory_space<vmem>>)
      %dma_start3A_345 = arith.constant 1 : i32
      %dma_start3A_346 = arith.constant 0 : i32
      %dma_start3A_347 = tpu.memref_slice %arg11[%dma_start3A_345, %mul3A_328, %dma_start3A_346] : memref<2x80x128xi32, #tpu.memory_space<vmem>> -> memref<1x1x128xi32, #tpu.memory_space<vmem>>
      %dma_start3A_348 = tpu.memref_squeeze %dma_start3A_347 : memref<1x1x128xi32, #tpu.memory_space<vmem>> -> memref<128xi32, #tpu.memory_space<vmem>>
      %dma_start3A_349 = arith.constant 0 : i32
      %dma_start3A_350 = arith.constant 0 : i32
      %dma_start3A_351 = tpu.memref_slice %arg14[%dma_start3A_349, %dma_start3A_350] : memref<5128x128xf32, #tpu.memory_space<vmem_shared>> -> memref<5128x128xf32, #tpu.memory_space<vmem_shared>>
      tpu.enqueue_indirect_dma source(%arg12 : memref<128x128xf32, #tpu.memory_space<vmem>>) target(%dma_start3A_351 : memref<5128x128xf32, #tpu.memory_space<vmem_shared>>) offsets(%dma_start3A_348 : memref<128xi32, #tpu.memory_space<vmem>>) semaphore(%arg17 : memref<!tpu.dma_semaphore, #tpu.memory_space<semaphore_mem>>) {add = true}
      %dma_wait3A_352 = arith.constant 1 : i32
      %dma_wait3A_353 = arith.constant 0 : i32
      %dma_wait3A_354 = tpu.memref_slice %arg11[%dma_wait3A_352, %mul3A_328, %dma_wait3A_353] : memref<2x80x128xi32, #tpu.memory_space<vmem>> -> memref<1x1x128xi32, #tpu.memory_space<vmem>>
      %dma_wait3A_355 = tpu.memref_squeeze %dma_wait3A_354 : memref<1x1x128xi32, #tpu.memory_space<vmem>> -> memref<128xi32, #tpu.memory_space<vmem>>
      %dma_wait3A_356 = arith.constant 0 : i32
      %dma_wait3A_357 = arith.constant 0 : i32
      %dma_wait3A_358 = tpu.memref_slice %arg14[%dma_wait3A_356, %dma_wait3A_357] : memref<5128x128xf32, #tpu.memory_space<vmem_shared>> -> memref<5128x128xf32, #tpu.memory_space<vmem_shared>>
      tpu.wait_indirect_dma semaphore(%arg17 : memref<!tpu.dma_semaphore, #tpu.memory_space<semaphore_mem>>) src(%arg12 : memref<128x128xf32, #tpu.memory_space<vmem>>) dst(%dma_wait3A_358 : memref<5128x128xf32, #tpu.memory_space<vmem_shared>>)
      %add3A_359 = arith.constant 2 : i32
      %add3A_360 = arith.addi %mul3A_328, %add3A_359 : i32
      %dma_start3A_361 = arith.constant 1 : i32
      %dma_start3A_362 = arith.constant 0 : i32
      %dma_start3A_363 = tpu.memref_slice %arg10[%dma_start3A_361, %add3A_360, %dma_start3A_362] : memref<2x81x128xi32, #tpu.memory_space<vmem>> -> memref<1x1x128xi32, #tpu.memory_space<vmem>>
      %dma_start3A_364 = tpu.memref_squeeze %dma_start3A_363 : memref<1x1x128xi32, #tpu.memory_space<vmem>> -> memref<128xi32, #tpu.memory_space<vmem>>
      %dma_start3A_365 = arith.constant 0 : i32
      %dma_start3A_366 = arith.constant 0 : i32
      %dma_start3A_367 = tpu.memref_slice %arg3[%dma_start3A_365, %dma_start3A_366] : memref<30720x128xf32, #tpu.memory_space<hbm>> -> memref<30720x128xf32, #tpu.memory_space<hbm>>
      tpu.enqueue_indirect_dma source(%dma_start3A_367 : memref<30720x128xf32, #tpu.memory_space<hbm>>) target(%arg12 : memref<128x128xf32, #tpu.memory_space<vmem>>) offsets(%dma_start3A_364 : memref<128xi32, #tpu.memory_space<vmem>>) semaphore(%arg15 : memref<!tpu.dma_semaphore, #tpu.memory_space<semaphore_mem>>)
      %add3A_368 = arith.constant 1 : i32
      %add3A_369 = arith.addi %mul3A_328, %add3A_368 : i32
      %dma_wait3A_370 = arith.constant 1 : i32
      %dma_wait3A_371 = arith.constant 0 : i32
      %dma_wait3A_372 = tpu.memref_slice %arg10[%dma_wait3A_370, %add3A_369, %dma_wait3A_371] : memref<2x81x128xi32, #tpu.memory_space<vmem>> -> memref<1x1x128xi32, #tpu.memory_space<vmem>>
      %dma_wait3A_373 = tpu.memref_squeeze %dma_wait3A_372 : memref<1x1x128xi32, #tpu.memory_space<vmem>> -> memref<128xi32, #tpu.memory_space<vmem>>
      %dma_wait3A_374 = arith.constant 0 : i32
      %dma_wait3A_375 = arith.constant 0 : i32
      %dma_wait3A_376 = tpu.memref_slice %arg3[%dma_wait3A_374, %dma_wait3A_375] : memref<30720x128xf32, #tpu.memory_space<hbm>> -> memref<30720x128xf32, #tpu.memory_space<hbm>>
      tpu.wait_indirect_dma semaphore(%arg16 : memref<!tpu.dma_semaphore, #tpu.memory_space<semaphore_mem>>) src(%dma_wait3A_376 : memref<30720x128xf32, #tpu.memory_space<hbm>>) dst(%arg13 : memref<128x128xf32, #tpu.memory_space<vmem>>)
      %add3A_377 = arith.constant 1 : i32
      %add3A_378 = arith.addi %mul3A_328, %add3A_377 : i32
      %dma_start3A_379 = arith.constant 1 : i32
      %dma_start3A_380 = arith.constant 0 : i32
      %dma_start3A_381 = tpu.memref_slice %arg11[%dma_start3A_379, %add3A_378, %dma_start3A_380] : memref<2x80x128xi32, #tpu.memory_space<vmem>> -> memref<1x1x128xi32, #tpu.memory_space<vmem>>
      %dma_start3A_382 = tpu.memref_squeeze %dma_start3A_381 : memref<1x1x128xi32, #tpu.memory_space<vmem>> -> memref<128xi32, #tpu.memory_space<vmem>>
      %dma_start3A_383 = arith.constant 0 : i32
      %dma_start3A_384 = arith.constant 0 : i32
      %dma_start3A_385 = tpu.memref_slice %arg14[%dma_start3A_383, %dma_start3A_384] : memref<5128x128xf32, #tpu.memory_space<vmem_shared>> -> memref<5128x128xf32, #tpu.memory_space<vmem_shared>>
      tpu.enqueue_indirect_dma source(%arg13 : memref<128x128xf32, #tpu.memory_space<vmem>>) target(%dma_start3A_385 : memref<5128x128xf32, #tpu.memory_space<vmem_shared>>) offsets(%dma_start3A_382 : memref<128xi32, #tpu.memory_space<vmem>>) semaphore(%arg18 : memref<!tpu.dma_semaphore, #tpu.memory_space<semaphore_mem>>) {add = true}
      %dma_wait3A_386 = arith.constant 1 : i32
      %dma_wait3A_387 = arith.constant 0 : i32
      %dma_wait3A_388 = tpu.memref_slice %arg11[%dma_wait3A_386, %add3A_378, %dma_wait3A_387] : memref<2x80x128xi32, #tpu.memory_space<vmem>> -> memref<1x1x128xi32, #tpu.memory_space<vmem>>
      %dma_wait3A_389 = tpu.memref_squeeze %dma_wait3A_388 : memref<1x1x128xi32, #tpu.memory_space<vmem>> -> memref<128xi32, #tpu.memory_space<vmem>>
      %dma_wait3A_390 = arith.constant 0 : i32
      %dma_wait3A_391 = arith.constant 0 : i32
      %dma_wait3A_392 = tpu.memref_slice %arg14[%dma_wait3A_390, %dma_wait3A_391] : memref<5128x128xf32, #tpu.memory_space<vmem_shared>> -> memref<5128x128xf32, #tpu.memory_space<vmem_shared>>
      tpu.wait_indirect_dma semaphore(%arg18 : memref<!tpu.dma_semaphore, #tpu.memory_space<semaphore_mem>>) src(%arg13 : memref<128x128xf32, #tpu.memory_space<vmem>>) dst(%dma_wait3A_392 : memref<5128x128xf32, #tpu.memory_space<vmem_shared>>)
      %scan3A_393 = arith.constant 0 : i32
      scf.yield %scan3A_393 : i32
    }
    %scan3A_311 = arith.constant 40 : i32
    %dma_wait3A_312 = arith.constant 1 : i32
    %dma_wait3A_313 = arith.constant 80 : i32
    %dma_wait3A_314 = arith.constant 0 : i32
    %dma_wait3A_315 = tpu.memref_slice %arg10[%dma_wait3A_312, %dma_wait3A_313, %dma_wait3A_314] : memref<2x81x128xi32, #tpu.memory_space<vmem>> -> memref<1x1x128xi32, #tpu.memory_space<vmem>>
    %dma_wait3A_316 = tpu.memref_squeeze %dma_wait3A_315 : memref<1x1x128xi32, #tpu.memory_space<vmem>> -> memref<128xi32, #tpu.memory_space<vmem>>
    %dma_wait3A_317 = arith.constant 0 : i32
    %dma_wait3A_318 = arith.constant 0 : i32
    %dma_wait3A_319 = tpu.memref_slice %arg3[%dma_wait3A_317, %dma_wait3A_318] : memref<30720x128xf32, #tpu.memory_space<hbm>> -> memref<30720x128xf32, #tpu.memory_space<hbm>>
    tpu.wait_indirect_dma semaphore(%arg15 : memref<!tpu.dma_semaphore, #tpu.memory_space<semaphore_mem>>) src(%dma_wait3A_319 : memref<30720x128xf32, #tpu.memory_space<hbm>>) dst(%arg12 : memref<128x128xf32, #tpu.memory_space<vmem>>)
    %barrier3A_320 = arith.constant 0 : index
    tpu.barrier barrier_id(%barrier3A_320)
    %mul3A_321 = arith.constant 5120 : i32
    %mul3A_322 = arith.muli %arg0, %mul3A_321 : i32
    %add3A_323 = arith.addi %mul3A_322, %mul3A_0 : i32
    %run_scoped3A_324 = arith.constant 2 : i32
    "tpu.region"() ({
      %run_scoped3A_325 = tpu.sem_alloc : memref<!tpu.dma_semaphore, #tpu.memory_space<semaphore_mem>>
      %dma_start3A_326 = arith.constant 0 : i32
      %dma_start3A_327 = tpu.memref_slice %arg9[%run_scoped3A_324, %add3A_323, %dma_start3A_326] : memref<3x10240x128xf32, #tpu.memory_space<hbm>> -> memref<1x320x128xf32, #tpu.memory_space<hbm>>
      %dma_start3A_328 = tpu.memref_squeeze %dma_start3A_327 : memref<1x320x128xf32, #tpu.memory_space<hbm>> -> memref<320x128xf32, #tpu.memory_space<hbm>>
      %dma_start3A_329 = arith.constant 0 : i32
      %dma_start3A_330 = tpu.memref_slice %arg14[%mul3A_0, %dma_start3A_329] : memref<5128x128xf32, #tpu.memory_space<vmem_shared>> -> memref<320x128xf32, #tpu.memory_space<vmem_shared>>
      tpu.enqueue_dma source(%dma_start3A_330 : memref<320x128xf32, #tpu.memory_space<vmem_shared>>) target(%dma_start3A_328 : memref<320x128xf32, #tpu.memory_space<hbm>>) target_semaphore(%run_scoped3A_325 : memref<!tpu.dma_semaphore, #tpu.memory_space<semaphore_mem>>)
      %dma_wait3A_331 = arith.constant 0 : i32
      %dma_wait3A_332 = tpu.memref_slice %arg9[%run_scoped3A_324, %add3A_323, %dma_wait3A_331] : memref<3x10240x128xf32, #tpu.memory_space<hbm>> -> memref<1x320x128xf32, #tpu.memory_space<hbm>>
      %dma_wait3A_333 = tpu.memref_squeeze %dma_wait3A_332 : memref<1x320x128xf32, #tpu.memory_space<hbm>> -> memref<320x128xf32, #tpu.memory_space<hbm>>
      %dma_wait3A_334 = arith.constant 0 : i32
      %dma_wait3A_335 = tpu.memref_slice %arg14[%mul3A_0, %dma_wait3A_334] : memref<5128x128xf32, #tpu.memory_space<vmem_shared>> -> memref<320x128xf32, #tpu.memory_space<vmem_shared>>
      tpu.wait_dma2 semaphore(%run_scoped3A_325 : memref<!tpu.dma_semaphore, #tpu.memory_space<semaphore_mem>>) src(%dma_wait3A_335 : memref<320x128xf32, #tpu.memory_space<vmem_shared>>) dst(%dma_wait3A_333 : memref<320x128xf32, #tpu.memory_space<hbm>>)
      tpu.yield
    }) : () -> ()
    return
  }
}

module attributes {stable_mosaic.version = 14 : i64} {
  func.func @body(%arg0: i32, %arg1: memref<512x12x4xf32, #tpu.memory_space<vmem>>, %arg2: memref<12x64xf32, #tpu.memory_space<vmem>>, %arg3: memref<1x64xf32, #tpu.memory_space<vmem>>, %arg4: memref<4x32xf32, #tpu.memory_space<vmem>>, %arg5: memref<32x32xf32, #tpu.memory_space<vmem>>, %arg6: memref<512x3x128xf32, #tpu.memory_space<vmem>>) attributes {dimension_semantics = [#tpu.dimension_semantics<arbitrary>], iteration_bounds = array<i64: 20>, scalar_prefetch = 0 : i64, scratch_operands = 0 : i64, tpu.core_type = #tpu.core_type<tc>, window_params = [{transform_indices = @transform_0, window_bounds = array<i64: 512, 12, 4>}, {pipeline_mode = #tpu.pipeline_mode<synchronous>, transform_indices = @transform_1, window_bounds = array<i64: 12, 64>}, {pipeline_mode = #tpu.pipeline_mode<synchronous>, transform_indices = @transform_2, window_bounds = array<i64: 1, 64>}, {pipeline_mode = #tpu.pipeline_mode<synchronous>, transform_indices = @transform_3, window_bounds = array<i64: 4, 32>}, {pipeline_mode = #tpu.pipeline_mode<synchronous>, transform_indices = @transform_4, window_bounds = array<i64: 32, 32>}, {transform_indices = @transform_5, window_bounds = array<i64: 512, 3, 128>}]} {
    %get3A = arith.constant 0 : index
    %get3A_0 = arith.constant 0 : index
    %get3A_1 = arith.constant 0 : index
    %get3A_2 = vector.load %arg1[%get3A, %get3A_0, %get3A_1] : memref<512x12x4xf32, #tpu.memory_space<vmem>>, vector<512x12x4xf32>
    %get3A_3 = arith.constant 0 : index
    %get3A_4 = arith.constant 0 : index
    %get3A_5 = vector.load %arg2[%get3A_3, %get3A_4] : memref<12x64xf32, #tpu.memory_space<vmem>>, vector<12x64xf32>
    %get3A_6 = arith.constant 0 : index
    %get3A_7 = arith.constant 0 : index
    %get3A_8 = vector.load %arg3[%get3A_6, %get3A_7] : memref<1x64xf32, #tpu.memory_space<vmem>>, vector<1x64xf32>
    %get3A_9 = arith.constant 0 : index
    %get3A_10 = arith.constant 0 : index
    %get3A_11 = vector.load %arg4[%get3A_9, %get3A_10] : memref<4x32xf32, #tpu.memory_space<vmem>>, vector<4x32xf32>
    %get3A_12 = arith.constant 0 : index
    %get3A_13 = arith.constant 0 : index
    %get3A_14 = vector.load %arg5[%get3A_12, %get3A_13] : memref<32x32xf32, #tpu.memory_space<vmem>>, vector<32x32xf32>
    %broadcast_in_dim3A = arith.constant 0.000000e+00 : f32
    %broadcast_in_dim3A_15 = vector.broadcast %broadcast_in_dim3A : f32 to vector<512x32xf32>
    %slice3A = vector.extract_strided_slice %get3A_2 {offsets = [0, 0, 0], sizes = [512, 1, 4], strides = [1, 1, 1]} : vector<512x12x4xf32> to vector<512x1x4xf32>
    %squeeze3A = vector.shape_cast %slice3A : vector<512x1x4xf32> to vector<512x4xf32>
    %slice3A_16 = vector.extract_strided_slice %get3A_2 {offsets = [0, 1, 0], sizes = [512, 1, 4], strides = [1, 1, 1]} : vector<512x12x4xf32> to vector<512x1x4xf32>
    %squeeze3A_17 = vector.shape_cast %slice3A_16 : vector<512x1x4xf32> to vector<512x4xf32>
    %slice3A_18 = vector.extract_strided_slice %get3A_2 {offsets = [0, 2, 0], sizes = [512, 1, 4], strides = [1, 1, 1]} : vector<512x12x4xf32> to vector<512x1x4xf32>
    %squeeze3A_19 = vector.shape_cast %slice3A_18 : vector<512x1x4xf32> to vector<512x4xf32>
    %concatenate3A = tpu.concatenate %squeeze3A, %squeeze3A_17, %squeeze3A_19 in 1 : vector<512x4xf32>, vector<512x4xf32>, vector<512x4xf32> -> vector<512x12xf32>
    %dot_general3A = arith.constant dense<0.000000e+00> : vector<512x64xf32>
    %dot_general3A_20 = tpu.matmul %concatenate3A, %get3A_5, %dot_general3A {dimension_numbers = #tpu.dot_dimension_numbers<[1], [0], [0], [1], [0, 0, 1, 1], [], []>, transpose_lhs_hint = false} : vector<512x12xf32>, vector<12x64xf32>, vector<512x64xf32> -> vector<512x64xf32>
    %add3A = vector.broadcast %get3A_8 : vector<1x64xf32> to vector<512x64xf32>
    %add3A_21 = arith.addf %dot_general3A_20, %add3A : vector<512x64xf32>
    %slice3A_22 = vector.extract_strided_slice %add3A_21 {offsets = [0, 0], sizes = [512, 32], strides = [1, 1]} : vector<512x64xf32> to vector<512x32xf32>
    %slice3A_23 = vector.extract_strided_slice %add3A_21 {offsets = [0, 32], sizes = [512, 32], strides = [1, 1]} : vector<512x64xf32> to vector<512x32xf32>
    %slice3A_24 = vector.extract_strided_slice %get3A_2 {offsets = [0, 2, 0], sizes = [512, 1, 4], strides = [1, 1, 1]} : vector<512x12x4xf32> to vector<512x1x4xf32>
    %squeeze3A_25 = vector.shape_cast %slice3A_24 : vector<512x1x4xf32> to vector<512x4xf32>
    %dot_general3A_26 = arith.constant dense<0.000000e+00> : vector<512x32xf32>
    %dot_general3A_27 = tpu.matmul %squeeze3A_25, %get3A_11, %dot_general3A_26 {dimension_numbers = #tpu.dot_dimension_numbers<[1], [0], [0], [1], [0, 0, 1, 1], [], []>, transpose_lhs_hint = false} : vector<512x4xf32>, vector<4x32xf32>, vector<512x32xf32> -> vector<512x32xf32>
    %add3A_28 = arith.addf %slice3A_22, %dot_general3A_27 : vector<512x32xf32>
    %logistic3A = arith.negf %slice3A_23 : vector<512x32xf32>
    %logistic3A_29 = math.exp %logistic3A : vector<512x32xf32>
    %logistic3A_30 = arith.constant 1.000000e+00 : f32
    %logistic3A_31 = vector.broadcast %logistic3A_30 : f32 to vector<512x32xf32>
    %logistic3A_32 = arith.addf %logistic3A_31, %logistic3A_29 : vector<512x32xf32>
    %logistic3A_33 = arith.divf %logistic3A_31, %logistic3A_32 : vector<512x32xf32>
    %mul3A = arith.mulf %add3A_28, %logistic3A_33 : vector<512x32xf32>
    %dot_general3A_34 = arith.constant dense<0.000000e+00> : vector<512x32xf32>
    %dot_general3A_35 = tpu.matmul %mul3A, %get3A_14, %dot_general3A_34 {dimension_numbers = #tpu.dot_dimension_numbers<[1], [0], [0], [1], [0, 0, 1, 1], [], []>, transpose_lhs_hint = false} : vector<512x32xf32>, vector<32x32xf32>, vector<512x32xf32> -> vector<512x32xf32>
    %slice3A_36 = vector.extract_strided_slice %get3A_2 {offsets = [0, 1, 0], sizes = [512, 1, 4], strides = [1, 1, 1]} : vector<512x12x4xf32> to vector<512x1x4xf32>
    %squeeze3A_37 = vector.shape_cast %slice3A_36 : vector<512x1x4xf32> to vector<512x4xf32>
    %slice3A_38 = vector.extract_strided_slice %get3A_2 {offsets = [0, 2, 0], sizes = [512, 1, 4], strides = [1, 1, 1]} : vector<512x12x4xf32> to vector<512x1x4xf32>
    %squeeze3A_39 = vector.shape_cast %slice3A_38 : vector<512x1x4xf32> to vector<512x4xf32>
    %slice3A_40 = vector.extract_strided_slice %get3A_2 {offsets = [0, 3, 0], sizes = [512, 1, 4], strides = [1, 1, 1]} : vector<512x12x4xf32> to vector<512x1x4xf32>
    %squeeze3A_41 = vector.shape_cast %slice3A_40 : vector<512x1x4xf32> to vector<512x4xf32>
    %concatenate3A_42 = tpu.concatenate %squeeze3A_37, %squeeze3A_39, %squeeze3A_41 in 1 : vector<512x4xf32>, vector<512x4xf32>, vector<512x4xf32> -> vector<512x12xf32>
    %dot_general3A_43 = arith.constant dense<0.000000e+00> : vector<512x64xf32>
    %dot_general3A_44 = tpu.matmul %concatenate3A_42, %get3A_5, %dot_general3A_43 {dimension_numbers = #tpu.dot_dimension_numbers<[1], [0], [0], [1], [0, 0, 1, 1], [], []>, transpose_lhs_hint = false} : vector<512x12xf32>, vector<12x64xf32>, vector<512x64xf32> -> vector<512x64xf32>
    %add3A_45 = vector.broadcast %get3A_8 : vector<1x64xf32> to vector<512x64xf32>
    %add3A_46 = arith.addf %dot_general3A_44, %add3A_45 : vector<512x64xf32>
    %slice3A_47 = vector.extract_strided_slice %add3A_46 {offsets = [0, 0], sizes = [512, 32], strides = [1, 1]} : vector<512x64xf32> to vector<512x32xf32>
    %slice3A_48 = vector.extract_strided_slice %add3A_46 {offsets = [0, 32], sizes = [512, 32], strides = [1, 1]} : vector<512x64xf32> to vector<512x32xf32>
    %slice3A_49 = vector.extract_strided_slice %get3A_2 {offsets = [0, 3, 0], sizes = [512, 1, 4], strides = [1, 1, 1]} : vector<512x12x4xf32> to vector<512x1x4xf32>
    %squeeze3A_50 = vector.shape_cast %slice3A_49 : vector<512x1x4xf32> to vector<512x4xf32>
    %dot_general3A_51 = arith.constant dense<0.000000e+00> : vector<512x32xf32>
    %dot_general3A_52 = tpu.matmul %squeeze3A_50, %get3A_11, %dot_general3A_51 {dimension_numbers = #tpu.dot_dimension_numbers<[1], [0], [0], [1], [0, 0, 1, 1], [], []>, transpose_lhs_hint = false} : vector<512x4xf32>, vector<4x32xf32>, vector<512x32xf32> -> vector<512x32xf32>
    %add3A_53 = arith.addf %slice3A_47, %dot_general3A_52 : vector<512x32xf32>
    %logistic3A_54 = arith.negf %slice3A_48 : vector<512x32xf32>
    %logistic3A_55 = math.exp %logistic3A_54 : vector<512x32xf32>
    %logistic3A_56 = arith.constant 1.000000e+00 : f32
    %logistic3A_57 = vector.broadcast %logistic3A_56 : f32 to vector<512x32xf32>
    %logistic3A_58 = arith.addf %logistic3A_57, %logistic3A_55 : vector<512x32xf32>
    %logistic3A_59 = arith.divf %logistic3A_57, %logistic3A_58 : vector<512x32xf32>
    %mul3A_60 = arith.mulf %add3A_53, %logistic3A_59 : vector<512x32xf32>
    %dot_general3A_61 = arith.constant dense<0.000000e+00> : vector<512x32xf32>
    %dot_general3A_62 = tpu.matmul %mul3A_60, %get3A_14, %dot_general3A_61 {dimension_numbers = #tpu.dot_dimension_numbers<[1], [0], [0], [1], [0, 0, 1, 1], [], []>, transpose_lhs_hint = false} : vector<512x32xf32>, vector<32x32xf32>, vector<512x32xf32> -> vector<512x32xf32>
    %slice3A_63 = vector.extract_strided_slice %get3A_2 {offsets = [0, 2, 0], sizes = [512, 1, 4], strides = [1, 1, 1]} : vector<512x12x4xf32> to vector<512x1x4xf32>
    %squeeze3A_64 = vector.shape_cast %slice3A_63 : vector<512x1x4xf32> to vector<512x4xf32>
    %slice3A_65 = vector.extract_strided_slice %get3A_2 {offsets = [0, 3, 0], sizes = [512, 1, 4], strides = [1, 1, 1]} : vector<512x12x4xf32> to vector<512x1x4xf32>
    %squeeze3A_66 = vector.shape_cast %slice3A_65 : vector<512x1x4xf32> to vector<512x4xf32>
    %slice3A_67 = vector.extract_strided_slice %get3A_2 {offsets = [0, 4, 0], sizes = [512, 1, 4], strides = [1, 1, 1]} : vector<512x12x4xf32> to vector<512x1x4xf32>
    %squeeze3A_68 = vector.shape_cast %slice3A_67 : vector<512x1x4xf32> to vector<512x4xf32>
    %concatenate3A_69 = tpu.concatenate %squeeze3A_64, %squeeze3A_66, %squeeze3A_68 in 1 : vector<512x4xf32>, vector<512x4xf32>, vector<512x4xf32> -> vector<512x12xf32>
    %dot_general3A_70 = arith.constant dense<0.000000e+00> : vector<512x64xf32>
    %dot_general3A_71 = tpu.matmul %concatenate3A_69, %get3A_5, %dot_general3A_70 {dimension_numbers = #tpu.dot_dimension_numbers<[1], [0], [0], [1], [0, 0, 1, 1], [], []>, transpose_lhs_hint = false} : vector<512x12xf32>, vector<12x64xf32>, vector<512x64xf32> -> vector<512x64xf32>
    %add3A_72 = vector.broadcast %get3A_8 : vector<1x64xf32> to vector<512x64xf32>
    %add3A_73 = arith.addf %dot_general3A_71, %add3A_72 : vector<512x64xf32>
    %slice3A_74 = vector.extract_strided_slice %add3A_73 {offsets = [0, 0], sizes = [512, 32], strides = [1, 1]} : vector<512x64xf32> to vector<512x32xf32>
    %slice3A_75 = vector.extract_strided_slice %add3A_73 {offsets = [0, 32], sizes = [512, 32], strides = [1, 1]} : vector<512x64xf32> to vector<512x32xf32>
    %slice3A_76 = vector.extract_strided_slice %get3A_2 {offsets = [0, 4, 0], sizes = [512, 1, 4], strides = [1, 1, 1]} : vector<512x12x4xf32> to vector<512x1x4xf32>
    %squeeze3A_77 = vector.shape_cast %slice3A_76 : vector<512x1x4xf32> to vector<512x4xf32>
    %dot_general3A_78 = arith.constant dense<0.000000e+00> : vector<512x32xf32>
    %dot_general3A_79 = tpu.matmul %squeeze3A_77, %get3A_11, %dot_general3A_78 {dimension_numbers = #tpu.dot_dimension_numbers<[1], [0], [0], [1], [0, 0, 1, 1], [], []>, transpose_lhs_hint = false} : vector<512x4xf32>, vector<4x32xf32>, vector<512x32xf32> -> vector<512x32xf32>
    %add3A_80 = arith.addf %slice3A_74, %dot_general3A_79 : vector<512x32xf32>
    %logistic3A_81 = arith.negf %slice3A_75 : vector<512x32xf32>
    %logistic3A_82 = math.exp %logistic3A_81 : vector<512x32xf32>
    %logistic3A_83 = arith.constant 1.000000e+00 : f32
    %logistic3A_84 = vector.broadcast %logistic3A_83 : f32 to vector<512x32xf32>
    %logistic3A_85 = arith.addf %logistic3A_84, %logistic3A_82 : vector<512x32xf32>
    %logistic3A_86 = arith.divf %logistic3A_84, %logistic3A_85 : vector<512x32xf32>
    %mul3A_87 = arith.mulf %add3A_80, %logistic3A_86 : vector<512x32xf32>
    %dot_general3A_88 = arith.constant dense<0.000000e+00> : vector<512x32xf32>
    %dot_general3A_89 = tpu.matmul %mul3A_87, %get3A_14, %dot_general3A_88 {dimension_numbers = #tpu.dot_dimension_numbers<[1], [0], [0], [1], [0, 0, 1, 1], [], []>, transpose_lhs_hint = false} : vector<512x32xf32>, vector<32x32xf32>, vector<512x32xf32> -> vector<512x32xf32>
    %slice3A_90 = vector.extract_strided_slice %get3A_2 {offsets = [0, 3, 0], sizes = [512, 1, 4], strides = [1, 1, 1]} : vector<512x12x4xf32> to vector<512x1x4xf32>
    %squeeze3A_91 = vector.shape_cast %slice3A_90 : vector<512x1x4xf32> to vector<512x4xf32>
    %slice3A_92 = vector.extract_strided_slice %get3A_2 {offsets = [0, 4, 0], sizes = [512, 1, 4], strides = [1, 1, 1]} : vector<512x12x4xf32> to vector<512x1x4xf32>
    %squeeze3A_93 = vector.shape_cast %slice3A_92 : vector<512x1x4xf32> to vector<512x4xf32>
    %slice3A_94 = vector.extract_strided_slice %get3A_2 {offsets = [0, 5, 0], sizes = [512, 1, 4], strides = [1, 1, 1]} : vector<512x12x4xf32> to vector<512x1x4xf32>
    %squeeze3A_95 = vector.shape_cast %slice3A_94 : vector<512x1x4xf32> to vector<512x4xf32>
    %concatenate3A_96 = tpu.concatenate %squeeze3A_91, %squeeze3A_93, %squeeze3A_95 in 1 : vector<512x4xf32>, vector<512x4xf32>, vector<512x4xf32> -> vector<512x12xf32>
    %dot_general3A_97 = arith.constant dense<0.000000e+00> : vector<512x64xf32>
    %dot_general3A_98 = tpu.matmul %concatenate3A_96, %get3A_5, %dot_general3A_97 {dimension_numbers = #tpu.dot_dimension_numbers<[1], [0], [0], [1], [0, 0, 1, 1], [], []>, transpose_lhs_hint = false} : vector<512x12xf32>, vector<12x64xf32>, vector<512x64xf32> -> vector<512x64xf32>
    %add3A_99 = vector.broadcast %get3A_8 : vector<1x64xf32> to vector<512x64xf32>
    %add3A_100 = arith.addf %dot_general3A_98, %add3A_99 : vector<512x64xf32>
    %slice3A_101 = vector.extract_strided_slice %add3A_100 {offsets = [0, 0], sizes = [512, 32], strides = [1, 1]} : vector<512x64xf32> to vector<512x32xf32>
    %slice3A_102 = vector.extract_strided_slice %add3A_100 {offsets = [0, 32], sizes = [512, 32], strides = [1, 1]} : vector<512x64xf32> to vector<512x32xf32>
    %slice3A_103 = vector.extract_strided_slice %get3A_2 {offsets = [0, 5, 0], sizes = [512, 1, 4], strides = [1, 1, 1]} : vector<512x12x4xf32> to vector<512x1x4xf32>
    %squeeze3A_104 = vector.shape_cast %slice3A_103 : vector<512x1x4xf32> to vector<512x4xf32>
    %dot_general3A_105 = arith.constant dense<0.000000e+00> : vector<512x32xf32>
    %dot_general3A_106 = tpu.matmul %squeeze3A_104, %get3A_11, %dot_general3A_105 {dimension_numbers = #tpu.dot_dimension_numbers<[1], [0], [0], [1], [0, 0, 1, 1], [], []>, transpose_lhs_hint = false} : vector<512x4xf32>, vector<4x32xf32>, vector<512x32xf32> -> vector<512x32xf32>
    %add3A_107 = arith.addf %slice3A_101, %dot_general3A_106 : vector<512x32xf32>
    %logistic3A_108 = arith.negf %slice3A_102 : vector<512x32xf32>
    %logistic3A_109 = math.exp %logistic3A_108 : vector<512x32xf32>
    %logistic3A_110 = arith.constant 1.000000e+00 : f32
    %logistic3A_111 = vector.broadcast %logistic3A_110 : f32 to vector<512x32xf32>
    %logistic3A_112 = arith.addf %logistic3A_111, %logistic3A_109 : vector<512x32xf32>
    %logistic3A_113 = arith.divf %logistic3A_111, %logistic3A_112 : vector<512x32xf32>
    %mul3A_114 = arith.mulf %add3A_107, %logistic3A_113 : vector<512x32xf32>
    %dot_general3A_115 = arith.constant dense<0.000000e+00> : vector<512x32xf32>
    %dot_general3A_116 = tpu.matmul %mul3A_114, %get3A_14, %dot_general3A_115 {dimension_numbers = #tpu.dot_dimension_numbers<[1], [0], [0], [1], [0, 0, 1, 1], [], []>, transpose_lhs_hint = false} : vector<512x32xf32>, vector<32x32xf32>, vector<512x32xf32> -> vector<512x32xf32>
    %slice3A_117 = vector.extract_strided_slice %get3A_2 {offsets = [0, 4, 0], sizes = [512, 1, 4], strides = [1, 1, 1]} : vector<512x12x4xf32> to vector<512x1x4xf32>
    %squeeze3A_118 = vector.shape_cast %slice3A_117 : vector<512x1x4xf32> to vector<512x4xf32>
    %slice3A_119 = vector.extract_strided_slice %get3A_2 {offsets = [0, 5, 0], sizes = [512, 1, 4], strides = [1, 1, 1]} : vector<512x12x4xf32> to vector<512x1x4xf32>
    %squeeze3A_120 = vector.shape_cast %slice3A_119 : vector<512x1x4xf32> to vector<512x4xf32>
    %slice3A_121 = vector.extract_strided_slice %get3A_2 {offsets = [0, 6, 0], sizes = [512, 1, 4], strides = [1, 1, 1]} : vector<512x12x4xf32> to vector<512x1x4xf32>
    %squeeze3A_122 = vector.shape_cast %slice3A_121 : vector<512x1x4xf32> to vector<512x4xf32>
    %concatenate3A_123 = tpu.concatenate %squeeze3A_118, %squeeze3A_120, %squeeze3A_122 in 1 : vector<512x4xf32>, vector<512x4xf32>, vector<512x4xf32> -> vector<512x12xf32>
    %dot_general3A_124 = arith.constant dense<0.000000e+00> : vector<512x64xf32>
    %dot_general3A_125 = tpu.matmul %concatenate3A_123, %get3A_5, %dot_general3A_124 {dimension_numbers = #tpu.dot_dimension_numbers<[1], [0], [0], [1], [0, 0, 1, 1], [], []>, transpose_lhs_hint = false} : vector<512x12xf32>, vector<12x64xf32>, vector<512x64xf32> -> vector<512x64xf32>
    %add3A_126 = vector.broadcast %get3A_8 : vector<1x64xf32> to vector<512x64xf32>
    %add3A_127 = arith.addf %dot_general3A_125, %add3A_126 : vector<512x64xf32>
    %slice3A_128 = vector.extract_strided_slice %add3A_127 {offsets = [0, 0], sizes = [512, 32], strides = [1, 1]} : vector<512x64xf32> to vector<512x32xf32>
    %slice3A_129 = vector.extract_strided_slice %add3A_127 {offsets = [0, 32], sizes = [512, 32], strides = [1, 1]} : vector<512x64xf32> to vector<512x32xf32>
    %slice3A_130 = vector.extract_strided_slice %get3A_2 {offsets = [0, 6, 0], sizes = [512, 1, 4], strides = [1, 1, 1]} : vector<512x12x4xf32> to vector<512x1x4xf32>
    %squeeze3A_131 = vector.shape_cast %slice3A_130 : vector<512x1x4xf32> to vector<512x4xf32>
    %dot_general3A_132 = arith.constant dense<0.000000e+00> : vector<512x32xf32>
    %dot_general3A_133 = tpu.matmul %squeeze3A_131, %get3A_11, %dot_general3A_132 {dimension_numbers = #tpu.dot_dimension_numbers<[1], [0], [0], [1], [0, 0, 1, 1], [], []>, transpose_lhs_hint = false} : vector<512x4xf32>, vector<4x32xf32>, vector<512x32xf32> -> vector<512x32xf32>
    %add3A_134 = arith.addf %slice3A_128, %dot_general3A_133 : vector<512x32xf32>
    %logistic3A_135 = arith.negf %slice3A_129 : vector<512x32xf32>
    %logistic3A_136 = math.exp %logistic3A_135 : vector<512x32xf32>
    %logistic3A_137 = arith.constant 1.000000e+00 : f32
    %logistic3A_138 = vector.broadcast %logistic3A_137 : f32 to vector<512x32xf32>
    %logistic3A_139 = arith.addf %logistic3A_138, %logistic3A_136 : vector<512x32xf32>
    %logistic3A_140 = arith.divf %logistic3A_138, %logistic3A_139 : vector<512x32xf32>
    %mul3A_141 = arith.mulf %add3A_134, %logistic3A_140 : vector<512x32xf32>
    %dot_general3A_142 = arith.constant dense<0.000000e+00> : vector<512x32xf32>
    %dot_general3A_143 = tpu.matmul %mul3A_141, %get3A_14, %dot_general3A_142 {dimension_numbers = #tpu.dot_dimension_numbers<[1], [0], [0], [1], [0, 0, 1, 1], [], []>, transpose_lhs_hint = false} : vector<512x32xf32>, vector<32x32xf32>, vector<512x32xf32> -> vector<512x32xf32>
    %slice3A_144 = vector.extract_strided_slice %get3A_2 {offsets = [0, 5, 0], sizes = [512, 1, 4], strides = [1, 1, 1]} : vector<512x12x4xf32> to vector<512x1x4xf32>
    %squeeze3A_145 = vector.shape_cast %slice3A_144 : vector<512x1x4xf32> to vector<512x4xf32>
    %slice3A_146 = vector.extract_strided_slice %get3A_2 {offsets = [0, 6, 0], sizes = [512, 1, 4], strides = [1, 1, 1]} : vector<512x12x4xf32> to vector<512x1x4xf32>
    %squeeze3A_147 = vector.shape_cast %slice3A_146 : vector<512x1x4xf32> to vector<512x4xf32>
    %slice3A_148 = vector.extract_strided_slice %get3A_2 {offsets = [0, 7, 0], sizes = [512, 1, 4], strides = [1, 1, 1]} : vector<512x12x4xf32> to vector<512x1x4xf32>
    %squeeze3A_149 = vector.shape_cast %slice3A_148 : vector<512x1x4xf32> to vector<512x4xf32>
    %concatenate3A_150 = tpu.concatenate %squeeze3A_145, %squeeze3A_147, %squeeze3A_149 in 1 : vector<512x4xf32>, vector<512x4xf32>, vector<512x4xf32> -> vector<512x12xf32>
    %dot_general3A_151 = arith.constant dense<0.000000e+00> : vector<512x64xf32>
    %dot_general3A_152 = tpu.matmul %concatenate3A_150, %get3A_5, %dot_general3A_151 {dimension_numbers = #tpu.dot_dimension_numbers<[1], [0], [0], [1], [0, 0, 1, 1], [], []>, transpose_lhs_hint = false} : vector<512x12xf32>, vector<12x64xf32>, vector<512x64xf32> -> vector<512x64xf32>
    %add3A_153 = vector.broadcast %get3A_8 : vector<1x64xf32> to vector<512x64xf32>
    %add3A_154 = arith.addf %dot_general3A_152, %add3A_153 : vector<512x64xf32>
    %slice3A_155 = vector.extract_strided_slice %add3A_154 {offsets = [0, 0], sizes = [512, 32], strides = [1, 1]} : vector<512x64xf32> to vector<512x32xf32>
    %slice3A_156 = vector.extract_strided_slice %add3A_154 {offsets = [0, 32], sizes = [512, 32], strides = [1, 1]} : vector<512x64xf32> to vector<512x32xf32>
    %slice3A_157 = vector.extract_strided_slice %get3A_2 {offsets = [0, 7, 0], sizes = [512, 1, 4], strides = [1, 1, 1]} : vector<512x12x4xf32> to vector<512x1x4xf32>
    %squeeze3A_158 = vector.shape_cast %slice3A_157 : vector<512x1x4xf32> to vector<512x4xf32>
    %dot_general3A_159 = arith.constant dense<0.000000e+00> : vector<512x32xf32>
    %dot_general3A_160 = tpu.matmul %squeeze3A_158, %get3A_11, %dot_general3A_159 {dimension_numbers = #tpu.dot_dimension_numbers<[1], [0], [0], [1], [0, 0, 1, 1], [], []>, transpose_lhs_hint = false} : vector<512x4xf32>, vector<4x32xf32>, vector<512x32xf32> -> vector<512x32xf32>
    %add3A_161 = arith.addf %slice3A_155, %dot_general3A_160 : vector<512x32xf32>
    %logistic3A_162 = arith.negf %slice3A_156 : vector<512x32xf32>
    %logistic3A_163 = math.exp %logistic3A_162 : vector<512x32xf32>
    %logistic3A_164 = arith.constant 1.000000e+00 : f32
    %logistic3A_165 = vector.broadcast %logistic3A_164 : f32 to vector<512x32xf32>
    %logistic3A_166 = arith.addf %logistic3A_165, %logistic3A_163 : vector<512x32xf32>
    %logistic3A_167 = arith.divf %logistic3A_165, %logistic3A_166 : vector<512x32xf32>
    %mul3A_168 = arith.mulf %add3A_161, %logistic3A_167 : vector<512x32xf32>
    %dot_general3A_169 = arith.constant dense<0.000000e+00> : vector<512x32xf32>
    %dot_general3A_170 = tpu.matmul %mul3A_168, %get3A_14, %dot_general3A_169 {dimension_numbers = #tpu.dot_dimension_numbers<[1], [0], [0], [1], [0, 0, 1, 1], [], []>, transpose_lhs_hint = false} : vector<512x32xf32>, vector<32x32xf32>, vector<512x32xf32> -> vector<512x32xf32>
    %slice3A_171 = vector.extract_strided_slice %get3A_2 {offsets = [0, 6, 0], sizes = [512, 1, 4], strides = [1, 1, 1]} : vector<512x12x4xf32> to vector<512x1x4xf32>
    %squeeze3A_172 = vector.shape_cast %slice3A_171 : vector<512x1x4xf32> to vector<512x4xf32>
    %slice3A_173 = vector.extract_strided_slice %get3A_2 {offsets = [0, 7, 0], sizes = [512, 1, 4], strides = [1, 1, 1]} : vector<512x12x4xf32> to vector<512x1x4xf32>
    %squeeze3A_174 = vector.shape_cast %slice3A_173 : vector<512x1x4xf32> to vector<512x4xf32>
    %slice3A_175 = vector.extract_strided_slice %get3A_2 {offsets = [0, 8, 0], sizes = [512, 1, 4], strides = [1, 1, 1]} : vector<512x12x4xf32> to vector<512x1x4xf32>
    %squeeze3A_176 = vector.shape_cast %slice3A_175 : vector<512x1x4xf32> to vector<512x4xf32>
    %concatenate3A_177 = tpu.concatenate %squeeze3A_172, %squeeze3A_174, %squeeze3A_176 in 1 : vector<512x4xf32>, vector<512x4xf32>, vector<512x4xf32> -> vector<512x12xf32>
    %dot_general3A_178 = arith.constant dense<0.000000e+00> : vector<512x64xf32>
    %dot_general3A_179 = tpu.matmul %concatenate3A_177, %get3A_5, %dot_general3A_178 {dimension_numbers = #tpu.dot_dimension_numbers<[1], [0], [0], [1], [0, 0, 1, 1], [], []>, transpose_lhs_hint = false} : vector<512x12xf32>, vector<12x64xf32>, vector<512x64xf32> -> vector<512x64xf32>
    %add3A_180 = vector.broadcast %get3A_8 : vector<1x64xf32> to vector<512x64xf32>
    %add3A_181 = arith.addf %dot_general3A_179, %add3A_180 : vector<512x64xf32>
    %slice3A_182 = vector.extract_strided_slice %add3A_181 {offsets = [0, 0], sizes = [512, 32], strides = [1, 1]} : vector<512x64xf32> to vector<512x32xf32>
    %slice3A_183 = vector.extract_strided_slice %add3A_181 {offsets = [0, 32], sizes = [512, 32], strides = [1, 1]} : vector<512x64xf32> to vector<512x32xf32>
    %slice3A_184 = vector.extract_strided_slice %get3A_2 {offsets = [0, 8, 0], sizes = [512, 1, 4], strides = [1, 1, 1]} : vector<512x12x4xf32> to vector<512x1x4xf32>
    %squeeze3A_185 = vector.shape_cast %slice3A_184 : vector<512x1x4xf32> to vector<512x4xf32>
    %dot_general3A_186 = arith.constant dense<0.000000e+00> : vector<512x32xf32>
    %dot_general3A_187 = tpu.matmul %squeeze3A_185, %get3A_11, %dot_general3A_186 {dimension_numbers = #tpu.dot_dimension_numbers<[1], [0], [0], [1], [0, 0, 1, 1], [], []>, transpose_lhs_hint = false} : vector<512x4xf32>, vector<4x32xf32>, vector<512x32xf32> -> vector<512x32xf32>
    %add3A_188 = arith.addf %slice3A_182, %dot_general3A_187 : vector<512x32xf32>
    %logistic3A_189 = arith.negf %slice3A_183 : vector<512x32xf32>
    %logistic3A_190 = math.exp %logistic3A_189 : vector<512x32xf32>
    %logistic3A_191 = arith.constant 1.000000e+00 : f32
    %logistic3A_192 = vector.broadcast %logistic3A_191 : f32 to vector<512x32xf32>
    %logistic3A_193 = arith.addf %logistic3A_192, %logistic3A_190 : vector<512x32xf32>
    %logistic3A_194 = arith.divf %logistic3A_192, %logistic3A_193 : vector<512x32xf32>
    %mul3A_195 = arith.mulf %add3A_188, %logistic3A_194 : vector<512x32xf32>
    %dot_general3A_196 = arith.constant dense<0.000000e+00> : vector<512x32xf32>
    %dot_general3A_197 = tpu.matmul %mul3A_195, %get3A_14, %dot_general3A_196 {dimension_numbers = #tpu.dot_dimension_numbers<[1], [0], [0], [1], [0, 0, 1, 1], [], []>, transpose_lhs_hint = false} : vector<512x32xf32>, vector<32x32xf32>, vector<512x32xf32> -> vector<512x32xf32>
    %slice3A_198 = vector.extract_strided_slice %get3A_2 {offsets = [0, 7, 0], sizes = [512, 1, 4], strides = [1, 1, 1]} : vector<512x12x4xf32> to vector<512x1x4xf32>
    %squeeze3A_199 = vector.shape_cast %slice3A_198 : vector<512x1x4xf32> to vector<512x4xf32>
    %slice3A_200 = vector.extract_strided_slice %get3A_2 {offsets = [0, 8, 0], sizes = [512, 1, 4], strides = [1, 1, 1]} : vector<512x12x4xf32> to vector<512x1x4xf32>
    %squeeze3A_201 = vector.shape_cast %slice3A_200 : vector<512x1x4xf32> to vector<512x4xf32>
    %slice3A_202 = vector.extract_strided_slice %get3A_2 {offsets = [0, 9, 0], sizes = [512, 1, 4], strides = [1, 1, 1]} : vector<512x12x4xf32> to vector<512x1x4xf32>
    %squeeze3A_203 = vector.shape_cast %slice3A_202 : vector<512x1x4xf32> to vector<512x4xf32>
    %concatenate3A_204 = tpu.concatenate %squeeze3A_199, %squeeze3A_201, %squeeze3A_203 in 1 : vector<512x4xf32>, vector<512x4xf32>, vector<512x4xf32> -> vector<512x12xf32>
    %dot_general3A_205 = arith.constant dense<0.000000e+00> : vector<512x64xf32>
    %dot_general3A_206 = tpu.matmul %concatenate3A_204, %get3A_5, %dot_general3A_205 {dimension_numbers = #tpu.dot_dimension_numbers<[1], [0], [0], [1], [0, 0, 1, 1], [], []>, transpose_lhs_hint = false} : vector<512x12xf32>, vector<12x64xf32>, vector<512x64xf32> -> vector<512x64xf32>
    %add3A_207 = vector.broadcast %get3A_8 : vector<1x64xf32> to vector<512x64xf32>
    %add3A_208 = arith.addf %dot_general3A_206, %add3A_207 : vector<512x64xf32>
    %slice3A_209 = vector.extract_strided_slice %add3A_208 {offsets = [0, 0], sizes = [512, 32], strides = [1, 1]} : vector<512x64xf32> to vector<512x32xf32>
    %slice3A_210 = vector.extract_strided_slice %add3A_208 {offsets = [0, 32], sizes = [512, 32], strides = [1, 1]} : vector<512x64xf32> to vector<512x32xf32>
    %slice3A_211 = vector.extract_strided_slice %get3A_2 {offsets = [0, 9, 0], sizes = [512, 1, 4], strides = [1, 1, 1]} : vector<512x12x4xf32> to vector<512x1x4xf32>
    %squeeze3A_212 = vector.shape_cast %slice3A_211 : vector<512x1x4xf32> to vector<512x4xf32>
    %dot_general3A_213 = arith.constant dense<0.000000e+00> : vector<512x32xf32>
    %dot_general3A_214 = tpu.matmul %squeeze3A_212, %get3A_11, %dot_general3A_213 {dimension_numbers = #tpu.dot_dimension_numbers<[1], [0], [0], [1], [0, 0, 1, 1], [], []>, transpose_lhs_hint = false} : vector<512x4xf32>, vector<4x32xf32>, vector<512x32xf32> -> vector<512x32xf32>
    %add3A_215 = arith.addf %slice3A_209, %dot_general3A_214 : vector<512x32xf32>
    %logistic3A_216 = arith.negf %slice3A_210 : vector<512x32xf32>
    %logistic3A_217 = math.exp %logistic3A_216 : vector<512x32xf32>
    %logistic3A_218 = arith.constant 1.000000e+00 : f32
    %logistic3A_219 = vector.broadcast %logistic3A_218 : f32 to vector<512x32xf32>
    %logistic3A_220 = arith.addf %logistic3A_219, %logistic3A_217 : vector<512x32xf32>
    %logistic3A_221 = arith.divf %logistic3A_219, %logistic3A_220 : vector<512x32xf32>
    %mul3A_222 = arith.mulf %add3A_215, %logistic3A_221 : vector<512x32xf32>
    %dot_general3A_223 = arith.constant dense<0.000000e+00> : vector<512x32xf32>
    %dot_general3A_224 = tpu.matmul %mul3A_222, %get3A_14, %dot_general3A_223 {dimension_numbers = #tpu.dot_dimension_numbers<[1], [0], [0], [1], [0, 0, 1, 1], [], []>, transpose_lhs_hint = false} : vector<512x32xf32>, vector<32x32xf32>, vector<512x32xf32> -> vector<512x32xf32>
    %slice3A_225 = vector.extract_strided_slice %get3A_2 {offsets = [0, 8, 0], sizes = [512, 1, 4], strides = [1, 1, 1]} : vector<512x12x4xf32> to vector<512x1x4xf32>
    %squeeze3A_226 = vector.shape_cast %slice3A_225 : vector<512x1x4xf32> to vector<512x4xf32>
    %slice3A_227 = vector.extract_strided_slice %get3A_2 {offsets = [0, 9, 0], sizes = [512, 1, 4], strides = [1, 1, 1]} : vector<512x12x4xf32> to vector<512x1x4xf32>
    %squeeze3A_228 = vector.shape_cast %slice3A_227 : vector<512x1x4xf32> to vector<512x4xf32>
    %slice3A_229 = vector.extract_strided_slice %get3A_2 {offsets = [0, 10, 0], sizes = [512, 1, 4], strides = [1, 1, 1]} : vector<512x12x4xf32> to vector<512x1x4xf32>
    %squeeze3A_230 = vector.shape_cast %slice3A_229 : vector<512x1x4xf32> to vector<512x4xf32>
    %concatenate3A_231 = tpu.concatenate %squeeze3A_226, %squeeze3A_228, %squeeze3A_230 in 1 : vector<512x4xf32>, vector<512x4xf32>, vector<512x4xf32> -> vector<512x12xf32>
    %dot_general3A_232 = arith.constant dense<0.000000e+00> : vector<512x64xf32>
    %dot_general3A_233 = tpu.matmul %concatenate3A_231, %get3A_5, %dot_general3A_232 {dimension_numbers = #tpu.dot_dimension_numbers<[1], [0], [0], [1], [0, 0, 1, 1], [], []>, transpose_lhs_hint = false} : vector<512x12xf32>, vector<12x64xf32>, vector<512x64xf32> -> vector<512x64xf32>
    %add3A_234 = vector.broadcast %get3A_8 : vector<1x64xf32> to vector<512x64xf32>
    %add3A_235 = arith.addf %dot_general3A_233, %add3A_234 : vector<512x64xf32>
    %slice3A_236 = vector.extract_strided_slice %add3A_235 {offsets = [0, 0], sizes = [512, 32], strides = [1, 1]} : vector<512x64xf32> to vector<512x32xf32>
    %slice3A_237 = vector.extract_strided_slice %add3A_235 {offsets = [0, 32], sizes = [512, 32], strides = [1, 1]} : vector<512x64xf32> to vector<512x32xf32>
    %slice3A_238 = vector.extract_strided_slice %get3A_2 {offsets = [0, 10, 0], sizes = [512, 1, 4], strides = [1, 1, 1]} : vector<512x12x4xf32> to vector<512x1x4xf32>
    %squeeze3A_239 = vector.shape_cast %slice3A_238 : vector<512x1x4xf32> to vector<512x4xf32>
    %dot_general3A_240 = arith.constant dense<0.000000e+00> : vector<512x32xf32>
    %dot_general3A_241 = tpu.matmul %squeeze3A_239, %get3A_11, %dot_general3A_240 {dimension_numbers = #tpu.dot_dimension_numbers<[1], [0], [0], [1], [0, 0, 1, 1], [], []>, transpose_lhs_hint = false} : vector<512x4xf32>, vector<4x32xf32>, vector<512x32xf32> -> vector<512x32xf32>
    %add3A_242 = arith.addf %slice3A_236, %dot_general3A_241 : vector<512x32xf32>
    %logistic3A_243 = arith.negf %slice3A_237 : vector<512x32xf32>
    %logistic3A_244 = math.exp %logistic3A_243 : vector<512x32xf32>
    %logistic3A_245 = arith.constant 1.000000e+00 : f32
    %logistic3A_246 = vector.broadcast %logistic3A_245 : f32 to vector<512x32xf32>
    %logistic3A_247 = arith.addf %logistic3A_246, %logistic3A_244 : vector<512x32xf32>
    %logistic3A_248 = arith.divf %logistic3A_246, %logistic3A_247 : vector<512x32xf32>
    %mul3A_249 = arith.mulf %add3A_242, %logistic3A_248 : vector<512x32xf32>
    %dot_general3A_250 = arith.constant dense<0.000000e+00> : vector<512x32xf32>
    %dot_general3A_251 = tpu.matmul %mul3A_249, %get3A_14, %dot_general3A_250 {dimension_numbers = #tpu.dot_dimension_numbers<[1], [0], [0], [1], [0, 0, 1, 1], [], []>, transpose_lhs_hint = false} : vector<512x32xf32>, vector<32x32xf32>, vector<512x32xf32> -> vector<512x32xf32>
    %slice3A_252 = vector.extract_strided_slice %get3A_2 {offsets = [0, 9, 0], sizes = [512, 1, 4], strides = [1, 1, 1]} : vector<512x12x4xf32> to vector<512x1x4xf32>
    %squeeze3A_253 = vector.shape_cast %slice3A_252 : vector<512x1x4xf32> to vector<512x4xf32>
    %slice3A_254 = vector.extract_strided_slice %get3A_2 {offsets = [0, 10, 0], sizes = [512, 1, 4], strides = [1, 1, 1]} : vector<512x12x4xf32> to vector<512x1x4xf32>
    %squeeze3A_255 = vector.shape_cast %slice3A_254 : vector<512x1x4xf32> to vector<512x4xf32>
    %slice3A_256 = vector.extract_strided_slice %get3A_2 {offsets = [0, 11, 0], sizes = [512, 1, 4], strides = [1, 1, 1]} : vector<512x12x4xf32> to vector<512x1x4xf32>
    %squeeze3A_257 = vector.shape_cast %slice3A_256 : vector<512x1x4xf32> to vector<512x4xf32>
    %concatenate3A_258 = tpu.concatenate %squeeze3A_253, %squeeze3A_255, %squeeze3A_257 in 1 : vector<512x4xf32>, vector<512x4xf32>, vector<512x4xf32> -> vector<512x12xf32>
    %dot_general3A_259 = arith.constant dense<0.000000e+00> : vector<512x64xf32>
    %dot_general3A_260 = tpu.matmul %concatenate3A_258, %get3A_5, %dot_general3A_259 {dimension_numbers = #tpu.dot_dimension_numbers<[1], [0], [0], [1], [0, 0, 1, 1], [], []>, transpose_lhs_hint = false} : vector<512x12xf32>, vector<12x64xf32>, vector<512x64xf32> -> vector<512x64xf32>
    %add3A_261 = vector.broadcast %get3A_8 : vector<1x64xf32> to vector<512x64xf32>
    %add3A_262 = arith.addf %dot_general3A_260, %add3A_261 : vector<512x64xf32>
    %slice3A_263 = vector.extract_strided_slice %add3A_262 {offsets = [0, 0], sizes = [512, 32], strides = [1, 1]} : vector<512x64xf32> to vector<512x32xf32>
    %slice3A_264 = vector.extract_strided_slice %add3A_262 {offsets = [0, 32], sizes = [512, 32], strides = [1, 1]} : vector<512x64xf32> to vector<512x32xf32>
    %slice3A_265 = vector.extract_strided_slice %get3A_2 {offsets = [0, 11, 0], sizes = [512, 1, 4], strides = [1, 1, 1]} : vector<512x12x4xf32> to vector<512x1x4xf32>
    %squeeze3A_266 = vector.shape_cast %slice3A_265 : vector<512x1x4xf32> to vector<512x4xf32>
    %dot_general3A_267 = arith.constant dense<0.000000e+00> : vector<512x32xf32>
    %dot_general3A_268 = tpu.matmul %squeeze3A_266, %get3A_11, %dot_general3A_267 {dimension_numbers = #tpu.dot_dimension_numbers<[1], [0], [0], [1], [0, 0, 1, 1], [], []>, transpose_lhs_hint = false} : vector<512x4xf32>, vector<4x32xf32>, vector<512x32xf32> -> vector<512x32xf32>
    %add3A_269 = arith.addf %slice3A_263, %dot_general3A_268 : vector<512x32xf32>
    %logistic3A_270 = arith.negf %slice3A_264 : vector<512x32xf32>
    %logistic3A_271 = math.exp %logistic3A_270 : vector<512x32xf32>
    %logistic3A_272 = arith.constant 1.000000e+00 : f32
    %logistic3A_273 = vector.broadcast %logistic3A_272 : f32 to vector<512x32xf32>
    %logistic3A_274 = arith.addf %logistic3A_273, %logistic3A_271 : vector<512x32xf32>
    %logistic3A_275 = arith.divf %logistic3A_273, %logistic3A_274 : vector<512x32xf32>
    %mul3A_276 = arith.mulf %add3A_269, %logistic3A_275 : vector<512x32xf32>
    %dot_general3A_277 = arith.constant dense<0.000000e+00> : vector<512x32xf32>
    %dot_general3A_278 = tpu.matmul %mul3A_276, %get3A_14, %dot_general3A_277 {dimension_numbers = #tpu.dot_dimension_numbers<[1], [0], [0], [1], [0, 0, 1, 1], [], []>, transpose_lhs_hint = false} : vector<512x32xf32>, vector<32x32xf32>, vector<512x32xf32> -> vector<512x32xf32>
    %concatenate3A_279 = tpu.concatenate %dot_general3A_35, %dot_general3A_62, %dot_general3A_89, %dot_general3A_116 in 1 : vector<512x32xf32>, vector<512x32xf32>, vector<512x32xf32>, vector<512x32xf32> -> vector<512x128xf32>
    %swap3A = arith.constant 0 : index
    %swap3A_280 = arith.constant 0 : index
    %swap3A_281 = arith.constant 0 : index
    %swap3A_282 = vector.load %arg6[%swap3A, %swap3A_280, %swap3A_281] : memref<512x3x128xf32, #tpu.memory_space<vmem>>, vector<512x1x128xf32>
    %swap3A_283 = vector.shape_cast %swap3A_282 : vector<512x1x128xf32> to vector<512x128xf32>
    %swap3A_284 = vector.shape_cast %concatenate3A_279 : vector<512x128xf32> to vector<512x1x128xf32>
    tpu.vector_store %arg6[%swap3A, %swap3A_280, %swap3A_281], %swap3A_284 {strides = array<i32>} : memref<512x3x128xf32, #tpu.memory_space<vmem>>, vector<512x1x128xf32>,
    %concatenate3A_285 = tpu.concatenate %dot_general3A_143, %dot_general3A_170, %dot_general3A_197, %dot_general3A_224 in 1 : vector<512x32xf32>, vector<512x32xf32>, vector<512x32xf32>, vector<512x32xf32> -> vector<512x128xf32>
    %swap3A_286 = arith.constant 0 : index
    %swap3A_287 = arith.constant 1 : index
    %swap3A_288 = arith.constant 0 : index
    %swap3A_289 = vector.load %arg6[%swap3A_286, %swap3A_287, %swap3A_288] : memref<512x3x128xf32, #tpu.memory_space<vmem>>, vector<512x1x128xf32>
    %swap3A_290 = vector.shape_cast %swap3A_289 : vector<512x1x128xf32> to vector<512x128xf32>
    %swap3A_291 = vector.shape_cast %concatenate3A_285 : vector<512x128xf32> to vector<512x1x128xf32>
    tpu.vector_store %arg6[%swap3A_286, %swap3A_287, %swap3A_288], %swap3A_291 {strides = array<i32>} : memref<512x3x128xf32, #tpu.memory_space<vmem>>, vector<512x1x128xf32>,
    %concatenate3A_292 = tpu.concatenate %dot_general3A_251, %dot_general3A_278, %broadcast_in_dim3A_15, %broadcast_in_dim3A_15 in 1 : vector<512x32xf32>, vector<512x32xf32>, vector<512x32xf32>, vector<512x32xf32> -> vector<512x128xf32>
    %swap3A_293 = arith.constant 0 : index
    %swap3A_294 = arith.constant 2 : index
    %swap3A_295 = arith.constant 0 : index
    %swap3A_296 = vector.load %arg6[%swap3A_293, %swap3A_294, %swap3A_295] : memref<512x3x128xf32, #tpu.memory_space<vmem>>, vector<512x1x128xf32>
    %swap3A_297 = vector.shape_cast %swap3A_296 : vector<512x1x128xf32> to vector<512x128xf32>
    %swap3A_298 = vector.shape_cast %concatenate3A_292 : vector<512x128xf32> to vector<512x1x128xf32>
    tpu.vector_store %arg6[%swap3A_293, %swap3A_294, %swap3A_295], %swap3A_298 {strides = array<i32>} : memref<512x3x128xf32, #tpu.memory_space<vmem>>, vector<512x1x128xf32>,
    return
  }
  func.func @transform_0(%arg0: i32) -> (i32, i32, i32) {
    %c0_i32 = arith.constant 0 : i32
    %c0_i32_0 = arith.constant 0 : i32
    %c0_i32_1 = arith.constant 0 : i32
    return %arg0, %c0_i32, %c0_i32_0 : i32, i32, i32
  }
  func.func @transform_1(%arg0: i32) -> (i32, i32) {
    %c0_i32 = arith.constant 0 : i32
    %c0_i32_0 = arith.constant 0 : i32
    %c0_i32_1 = arith.constant 0 : i32
    return %c0_i32, %c0_i32_0 : i32, i32
  }
  func.func @transform_2(%arg0: i32) -> (i32, i32) {
    %c0_i32 = arith.constant 0 : i32
    %c0_i32_0 = arith.constant 0 : i32
    %c0_i32_1 = arith.constant 0 : i32
    return %c0_i32, %c0_i32_0 : i32, i32
  }
  func.func @transform_3(%arg0: i32) -> (i32, i32) {
    %c0_i32 = arith.constant 0 : i32
    %c0_i32_0 = arith.constant 0 : i32
    %c0_i32_1 = arith.constant 0 : i32
    return %c0_i32, %c0_i32_0 : i32, i32
  }
  func.func @transform_4(%arg0: i32) -> (i32, i32) {
    %c0_i32 = arith.constant 0 : i32
    %c0_i32_0 = arith.constant 0 : i32
    %c0_i32_1 = arith.constant 0 : i32
    return %c0_i32, %c0_i32_0 : i32, i32
  }
  func.func @transform_5(%arg0: i32) -> (i32, i32, i32) {
    %c0_i32 = arith.constant 0 : i32
    %c0_i32_0 = arith.constant 0 : i32
    %c0_i32_1 = arith.constant 0 : i32
    return %arg0, %c0_i32, %c0_i32_0 : i32, i32, i32
  }
}

module attributes {stable_mosaic.version = 14 : i64} {
  func.func @body(%arg0: i32, %arg1: memref<512x12x8xf32, #tpu.memory_space<vmem>>, %arg2: memref<24x64xf32, #tpu.memory_space<vmem>>, %arg3: memref<1x64xf32, #tpu.memory_space<vmem>>, %arg4: memref<8x32xf32, #tpu.memory_space<vmem>>, %arg5: memref<32x32xf32, #tpu.memory_space<vmem>>, %arg6: memref<32x32xf32, #tpu.memory_space<vmem>>, %arg7: memref<512x3x128xf32, #tpu.memory_space<vmem>>, %arg8: memref<3x512x128xf32, #tpu.memory_space<vmem>>) attributes {dimension_semantics = [#tpu.dimension_semantics<arbitrary>], iteration_bounds = array<i64: 20>, scalar_prefetch = 0 : i64, scratch_operands = 0 : i64, tpu.core_type = #tpu.core_type<tc>, window_params = [{transform_indices = @transform_0, window_bounds = array<i64: 512, 12, 8>}, {pipeline_mode = #tpu.pipeline_mode<synchronous>, transform_indices = @transform_1, window_bounds = array<i64: 24, 64>}, {pipeline_mode = #tpu.pipeline_mode<synchronous>, transform_indices = @transform_2, window_bounds = array<i64: 1, 64>}, {pipeline_mode = #tpu.pipeline_mode<synchronous>, transform_indices = @transform_3, window_bounds = array<i64: 8, 32>}, {pipeline_mode = #tpu.pipeline_mode<synchronous>, transform_indices = @transform_4, window_bounds = array<i64: 32, 32>}, {pipeline_mode = #tpu.pipeline_mode<synchronous>, transform_indices = @transform_5, window_bounds = array<i64: 32, 32>}, {transform_indices = @transform_6, window_bounds = array<i64: 512, 3, 128>}, {transform_indices = @transform_7, window_bounds = array<i64: 3, 512, 128>}]} {
    %get3A = arith.constant 0 : index
    %get3A_0 = arith.constant 0 : index
    %get3A_1 = arith.constant 0 : index
    %get3A_2 = vector.load %arg1[%get3A, %get3A_0, %get3A_1] : memref<512x12x8xf32, #tpu.memory_space<vmem>>, vector<512x12x8xf32>
    %get3A_3 = arith.constant 0 : index
    %get3A_4 = arith.constant 0 : index
    %get3A_5 = vector.load %arg2[%get3A_3, %get3A_4] : memref<24x64xf32, #tpu.memory_space<vmem>>, vector<24x64xf32>
    %get3A_6 = arith.constant 0 : index
    %get3A_7 = arith.constant 0 : index
    %get3A_8 = vector.load %arg3[%get3A_6, %get3A_7] : memref<1x64xf32, #tpu.memory_space<vmem>>, vector<1x64xf32>
    %get3A_9 = arith.constant 0 : index
    %get3A_10 = arith.constant 0 : index
    %get3A_11 = vector.load %arg4[%get3A_9, %get3A_10] : memref<8x32xf32, #tpu.memory_space<vmem>>, vector<8x32xf32>
    %get3A_12 = arith.constant 0 : index
    %get3A_13 = arith.constant 0 : index
    %get3A_14 = vector.load %arg5[%get3A_12, %get3A_13] : memref<32x32xf32, #tpu.memory_space<vmem>>, vector<32x32xf32>
    %broadcast_in_dim3A = arith.constant 0.000000e+00 : f32
    %broadcast_in_dim3A_15 = vector.broadcast %broadcast_in_dim3A : f32 to vector<512x32xf32>
    %slice3A = vector.extract_strided_slice %get3A_2 {offsets = [0, 0, 0], sizes = [512, 1, 8], strides = [1, 1, 1]} : vector<512x12x8xf32> to vector<512x1x8xf32>
    %squeeze3A = vector.shape_cast %slice3A : vector<512x1x8xf32> to vector<512x8xf32>
    %slice3A_16 = vector.extract_strided_slice %get3A_2 {offsets = [0, 1, 0], sizes = [512, 1, 8], strides = [1, 1, 1]} : vector<512x12x8xf32> to vector<512x1x8xf32>
    %squeeze3A_17 = vector.shape_cast %slice3A_16 : vector<512x1x8xf32> to vector<512x8xf32>
    %slice3A_18 = vector.extract_strided_slice %get3A_2 {offsets = [0, 2, 0], sizes = [512, 1, 8], strides = [1, 1, 1]} : vector<512x12x8xf32> to vector<512x1x8xf32>
    %squeeze3A_19 = vector.shape_cast %slice3A_18 : vector<512x1x8xf32> to vector<512x8xf32>
    %concatenate3A = tpu.concatenate %squeeze3A, %squeeze3A_17, %squeeze3A_19 in 1 : vector<512x8xf32>, vector<512x8xf32>, vector<512x8xf32> -> vector<512x24xf32>
    %dot_general3A = arith.constant dense<0.000000e+00> : vector<512x64xf32>
    %dot_general3A_20 = tpu.matmul %concatenate3A, %get3A_5, %dot_general3A {dimension_numbers = #tpu.dot_dimension_numbers<[1], [0], [0], [1], [0, 0, 1, 1], [], []>, transpose_lhs_hint = false} : vector<512x24xf32>, vector<24x64xf32>, vector<512x64xf32> -> vector<512x64xf32>
    %add3A = vector.broadcast %get3A_8 : vector<1x64xf32> to vector<512x64xf32>
    %add3A_21 = arith.addf %dot_general3A_20, %add3A : vector<512x64xf32>
    %slice3A_22 = vector.extract_strided_slice %add3A_21 {offsets = [0, 0], sizes = [512, 32], strides = [1, 1]} : vector<512x64xf32> to vector<512x32xf32>
    %slice3A_23 = vector.extract_strided_slice %add3A_21 {offsets = [0, 32], sizes = [512, 32], strides = [1, 1]} : vector<512x64xf32> to vector<512x32xf32>
    %slice3A_24 = vector.extract_strided_slice %get3A_2 {offsets = [0, 2, 0], sizes = [512, 1, 8], strides = [1, 1, 1]} : vector<512x12x8xf32> to vector<512x1x8xf32>
    %squeeze3A_25 = vector.shape_cast %slice3A_24 : vector<512x1x8xf32> to vector<512x8xf32>
    %dot_general3A_26 = arith.constant dense<0.000000e+00> : vector<512x32xf32>
    %dot_general3A_27 = tpu.matmul %squeeze3A_25, %get3A_11, %dot_general3A_26 {dimension_numbers = #tpu.dot_dimension_numbers<[1], [0], [0], [1], [0, 0, 1, 1], [], []>, transpose_lhs_hint = false} : vector<512x8xf32>, vector<8x32xf32>, vector<512x32xf32> -> vector<512x32xf32>
    %add3A_28 = arith.addf %slice3A_22, %dot_general3A_27 : vector<512x32xf32>
    %logistic3A = arith.negf %slice3A_23 : vector<512x32xf32>
    %logistic3A_29 = math.exp %logistic3A : vector<512x32xf32>
    %logistic3A_30 = arith.constant 1.000000e+00 : f32
    %logistic3A_31 = vector.broadcast %logistic3A_30 : f32 to vector<512x32xf32>
    %logistic3A_32 = arith.addf %logistic3A_31, %logistic3A_29 : vector<512x32xf32>
    %logistic3A_33 = arith.divf %logistic3A_31, %logistic3A_32 : vector<512x32xf32>
    %mul3A = arith.mulf %add3A_28, %logistic3A_33 : vector<512x32xf32>
    %dot_general3A_34 = arith.constant dense<0.000000e+00> : vector<512x32xf32>
    %dot_general3A_35 = tpu.matmul %mul3A, %get3A_14, %dot_general3A_34 {dimension_numbers = #tpu.dot_dimension_numbers<[1], [0], [0], [1], [0, 0, 1, 1], [], []>, transpose_lhs_hint = false} : vector<512x32xf32>, vector<32x32xf32>, vector<512x32xf32> -> vector<512x32xf32>
    %get3A_36 = arith.constant 0 : index
    %get3A_37 = arith.constant 0 : index
    %get3A_38 = vector.load %arg6[%get3A_36, %get3A_37] : memref<32x32xf32, #tpu.memory_space<vmem>>, vector<32x32xf32>
    %dot_general3A_39 = arith.constant dense<0.000000e+00> : vector<512x32xf32>
    %dot_general3A_40 = tpu.matmul %mul3A, %get3A_38, %dot_general3A_39 {dimension_numbers = #tpu.dot_dimension_numbers<[1], [0], [0], [1], [0, 0, 1, 1], [], []>, transpose_lhs_hint = false} : vector<512x32xf32>, vector<32x32xf32>, vector<512x32xf32> -> vector<512x32xf32>
    %slice3A_41 = vector.extract_strided_slice %get3A_2 {offsets = [0, 1, 0], sizes = [512, 1, 8], strides = [1, 1, 1]} : vector<512x12x8xf32> to vector<512x1x8xf32>
    %squeeze3A_42 = vector.shape_cast %slice3A_41 : vector<512x1x8xf32> to vector<512x8xf32>
    %slice3A_43 = vector.extract_strided_slice %get3A_2 {offsets = [0, 2, 0], sizes = [512, 1, 8], strides = [1, 1, 1]} : vector<512x12x8xf32> to vector<512x1x8xf32>
    %squeeze3A_44 = vector.shape_cast %slice3A_43 : vector<512x1x8xf32> to vector<512x8xf32>
    %slice3A_45 = vector.extract_strided_slice %get3A_2 {offsets = [0, 3, 0], sizes = [512, 1, 8], strides = [1, 1, 1]} : vector<512x12x8xf32> to vector<512x1x8xf32>
    %squeeze3A_46 = vector.shape_cast %slice3A_45 : vector<512x1x8xf32> to vector<512x8xf32>
    %concatenate3A_47 = tpu.concatenate %squeeze3A_42, %squeeze3A_44, %squeeze3A_46 in 1 : vector<512x8xf32>, vector<512x8xf32>, vector<512x8xf32> -> vector<512x24xf32>
    %dot_general3A_48 = arith.constant dense<0.000000e+00> : vector<512x64xf32>
    %dot_general3A_49 = tpu.matmul %concatenate3A_47, %get3A_5, %dot_general3A_48 {dimension_numbers = #tpu.dot_dimension_numbers<[1], [0], [0], [1], [0, 0, 1, 1], [], []>, transpose_lhs_hint = false} : vector<512x24xf32>, vector<24x64xf32>, vector<512x64xf32> -> vector<512x64xf32>
    %add3A_50 = vector.broadcast %get3A_8 : vector<1x64xf32> to vector<512x64xf32>
    %add3A_51 = arith.addf %dot_general3A_49, %add3A_50 : vector<512x64xf32>
    %slice3A_52 = vector.extract_strided_slice %add3A_51 {offsets = [0, 0], sizes = [512, 32], strides = [1, 1]} : vector<512x64xf32> to vector<512x32xf32>
    %slice3A_53 = vector.extract_strided_slice %add3A_51 {offsets = [0, 32], sizes = [512, 32], strides = [1, 1]} : vector<512x64xf32> to vector<512x32xf32>
    %slice3A_54 = vector.extract_strided_slice %get3A_2 {offsets = [0, 3, 0], sizes = [512, 1, 8], strides = [1, 1, 1]} : vector<512x12x8xf32> to vector<512x1x8xf32>
    %squeeze3A_55 = vector.shape_cast %slice3A_54 : vector<512x1x8xf32> to vector<512x8xf32>
    %dot_general3A_56 = arith.constant dense<0.000000e+00> : vector<512x32xf32>
    %dot_general3A_57 = tpu.matmul %squeeze3A_55, %get3A_11, %dot_general3A_56 {dimension_numbers = #tpu.dot_dimension_numbers<[1], [0], [0], [1], [0, 0, 1, 1], [], []>, transpose_lhs_hint = false} : vector<512x8xf32>, vector<8x32xf32>, vector<512x32xf32> -> vector<512x32xf32>
    %add3A_58 = arith.addf %slice3A_52, %dot_general3A_57 : vector<512x32xf32>
    %logistic3A_59 = arith.negf %slice3A_53 : vector<512x32xf32>
    %logistic3A_60 = math.exp %logistic3A_59 : vector<512x32xf32>
    %logistic3A_61 = arith.constant 1.000000e+00 : f32
    %logistic3A_62 = vector.broadcast %logistic3A_61 : f32 to vector<512x32xf32>
    %logistic3A_63 = arith.addf %logistic3A_62, %logistic3A_60 : vector<512x32xf32>
    %logistic3A_64 = arith.divf %logistic3A_62, %logistic3A_63 : vector<512x32xf32>
    %mul3A_65 = arith.mulf %add3A_58, %logistic3A_64 : vector<512x32xf32>
    %dot_general3A_66 = arith.constant dense<0.000000e+00> : vector<512x32xf32>
    %dot_general3A_67 = tpu.matmul %mul3A_65, %get3A_14, %dot_general3A_66 {dimension_numbers = #tpu.dot_dimension_numbers<[1], [0], [0], [1], [0, 0, 1, 1], [], []>, transpose_lhs_hint = false} : vector<512x32xf32>, vector<32x32xf32>, vector<512x32xf32> -> vector<512x32xf32>
    %get3A_68 = arith.constant 0 : index
    %get3A_69 = arith.constant 0 : index
    %get3A_70 = vector.load %arg6[%get3A_68, %get3A_69] : memref<32x32xf32, #tpu.memory_space<vmem>>, vector<32x32xf32>
    %dot_general3A_71 = arith.constant dense<0.000000e+00> : vector<512x32xf32>
    %dot_general3A_72 = tpu.matmul %mul3A_65, %get3A_70, %dot_general3A_71 {dimension_numbers = #tpu.dot_dimension_numbers<[1], [0], [0], [1], [0, 0, 1, 1], [], []>, transpose_lhs_hint = false} : vector<512x32xf32>, vector<32x32xf32>, vector<512x32xf32> -> vector<512x32xf32>
    %slice3A_73 = vector.extract_strided_slice %get3A_2 {offsets = [0, 2, 0], sizes = [512, 1, 8], strides = [1, 1, 1]} : vector<512x12x8xf32> to vector<512x1x8xf32>
    %squeeze3A_74 = vector.shape_cast %slice3A_73 : vector<512x1x8xf32> to vector<512x8xf32>
    %slice3A_75 = vector.extract_strided_slice %get3A_2 {offsets = [0, 3, 0], sizes = [512, 1, 8], strides = [1, 1, 1]} : vector<512x12x8xf32> to vector<512x1x8xf32>
    %squeeze3A_76 = vector.shape_cast %slice3A_75 : vector<512x1x8xf32> to vector<512x8xf32>
    %slice3A_77 = vector.extract_strided_slice %get3A_2 {offsets = [0, 4, 0], sizes = [512, 1, 8], strides = [1, 1, 1]} : vector<512x12x8xf32> to vector<512x1x8xf32>
    %squeeze3A_78 = vector.shape_cast %slice3A_77 : vector<512x1x8xf32> to vector<512x8xf32>
    %concatenate3A_79 = tpu.concatenate %squeeze3A_74, %squeeze3A_76, %squeeze3A_78 in 1 : vector<512x8xf32>, vector<512x8xf32>, vector<512x8xf32> -> vector<512x24xf32>
    %dot_general3A_80 = arith.constant dense<0.000000e+00> : vector<512x64xf32>
    %dot_general3A_81 = tpu.matmul %concatenate3A_79, %get3A_5, %dot_general3A_80 {dimension_numbers = #tpu.dot_dimension_numbers<[1], [0], [0], [1], [0, 0, 1, 1], [], []>, transpose_lhs_hint = false} : vector<512x24xf32>, vector<24x64xf32>, vector<512x64xf32> -> vector<512x64xf32>
    %add3A_82 = vector.broadcast %get3A_8 : vector<1x64xf32> to vector<512x64xf32>
    %add3A_83 = arith.addf %dot_general3A_81, %add3A_82 : vector<512x64xf32>
    %slice3A_84 = vector.extract_strided_slice %add3A_83 {offsets = [0, 0], sizes = [512, 32], strides = [1, 1]} : vector<512x64xf32> to vector<512x32xf32>
    %slice3A_85 = vector.extract_strided_slice %add3A_83 {offsets = [0, 32], sizes = [512, 32], strides = [1, 1]} : vector<512x64xf32> to vector<512x32xf32>
    %slice3A_86 = vector.extract_strided_slice %get3A_2 {offsets = [0, 4, 0], sizes = [512, 1, 8], strides = [1, 1, 1]} : vector<512x12x8xf32> to vector<512x1x8xf32>
    %squeeze3A_87 = vector.shape_cast %slice3A_86 : vector<512x1x8xf32> to vector<512x8xf32>
    %dot_general3A_88 = arith.constant dense<0.000000e+00> : vector<512x32xf32>
    %dot_general3A_89 = tpu.matmul %squeeze3A_87, %get3A_11, %dot_general3A_88 {dimension_numbers = #tpu.dot_dimension_numbers<[1], [0], [0], [1], [0, 0, 1, 1], [], []>, transpose_lhs_hint = false} : vector<512x8xf32>, vector<8x32xf32>, vector<512x32xf32> -> vector<512x32xf32>
    %add3A_90 = arith.addf %slice3A_84, %dot_general3A_89 : vector<512x32xf32>
    %logistic3A_91 = arith.negf %slice3A_85 : vector<512x32xf32>
    %logistic3A_92 = math.exp %logistic3A_91 : vector<512x32xf32>
    %logistic3A_93 = arith.constant 1.000000e+00 : f32
    %logistic3A_94 = vector.broadcast %logistic3A_93 : f32 to vector<512x32xf32>
    %logistic3A_95 = arith.addf %logistic3A_94, %logistic3A_92 : vector<512x32xf32>
    %logistic3A_96 = arith.divf %logistic3A_94, %logistic3A_95 : vector<512x32xf32>
    %mul3A_97 = arith.mulf %add3A_90, %logistic3A_96 : vector<512x32xf32>
    %dot_general3A_98 = arith.constant dense<0.000000e+00> : vector<512x32xf32>
    %dot_general3A_99 = tpu.matmul %mul3A_97, %get3A_14, %dot_general3A_98 {dimension_numbers = #tpu.dot_dimension_numbers<[1], [0], [0], [1], [0, 0, 1, 1], [], []>, transpose_lhs_hint = false} : vector<512x32xf32>, vector<32x32xf32>, vector<512x32xf32> -> vector<512x32xf32>
    %get3A_100 = arith.constant 0 : index
    %get3A_101 = arith.constant 0 : index
    %get3A_102 = vector.load %arg6[%get3A_100, %get3A_101] : memref<32x32xf32, #tpu.memory_space<vmem>>, vector<32x32xf32>
    %dot_general3A_103 = arith.constant dense<0.000000e+00> : vector<512x32xf32>
    %dot_general3A_104 = tpu.matmul %mul3A_97, %get3A_102, %dot_general3A_103 {dimension_numbers = #tpu.dot_dimension_numbers<[1], [0], [0], [1], [0, 0, 1, 1], [], []>, transpose_lhs_hint = false} : vector<512x32xf32>, vector<32x32xf32>, vector<512x32xf32> -> vector<512x32xf32>
    %slice3A_105 = vector.extract_strided_slice %get3A_2 {offsets = [0, 3, 0], sizes = [512, 1, 8], strides = [1, 1, 1]} : vector<512x12x8xf32> to vector<512x1x8xf32>
    %squeeze3A_106 = vector.shape_cast %slice3A_105 : vector<512x1x8xf32> to vector<512x8xf32>
    %slice3A_107 = vector.extract_strided_slice %get3A_2 {offsets = [0, 4, 0], sizes = [512, 1, 8], strides = [1, 1, 1]} : vector<512x12x8xf32> to vector<512x1x8xf32>
    %squeeze3A_108 = vector.shape_cast %slice3A_107 : vector<512x1x8xf32> to vector<512x8xf32>
    %slice3A_109 = vector.extract_strided_slice %get3A_2 {offsets = [0, 5, 0], sizes = [512, 1, 8], strides = [1, 1, 1]} : vector<512x12x8xf32> to vector<512x1x8xf32>
    %squeeze3A_110 = vector.shape_cast %slice3A_109 : vector<512x1x8xf32> to vector<512x8xf32>
    %concatenate3A_111 = tpu.concatenate %squeeze3A_106, %squeeze3A_108, %squeeze3A_110 in 1 : vector<512x8xf32>, vector<512x8xf32>, vector<512x8xf32> -> vector<512x24xf32>
    %dot_general3A_112 = arith.constant dense<0.000000e+00> : vector<512x64xf32>
    %dot_general3A_113 = tpu.matmul %concatenate3A_111, %get3A_5, %dot_general3A_112 {dimension_numbers = #tpu.dot_dimension_numbers<[1], [0], [0], [1], [0, 0, 1, 1], [], []>, transpose_lhs_hint = false} : vector<512x24xf32>, vector<24x64xf32>, vector<512x64xf32> -> vector<512x64xf32>
    %add3A_114 = vector.broadcast %get3A_8 : vector<1x64xf32> to vector<512x64xf32>
    %add3A_115 = arith.addf %dot_general3A_113, %add3A_114 : vector<512x64xf32>
    %slice3A_116 = vector.extract_strided_slice %add3A_115 {offsets = [0, 0], sizes = [512, 32], strides = [1, 1]} : vector<512x64xf32> to vector<512x32xf32>
    %slice3A_117 = vector.extract_strided_slice %add3A_115 {offsets = [0, 32], sizes = [512, 32], strides = [1, 1]} : vector<512x64xf32> to vector<512x32xf32>
    %slice3A_118 = vector.extract_strided_slice %get3A_2 {offsets = [0, 5, 0], sizes = [512, 1, 8], strides = [1, 1, 1]} : vector<512x12x8xf32> to vector<512x1x8xf32>
    %squeeze3A_119 = vector.shape_cast %slice3A_118 : vector<512x1x8xf32> to vector<512x8xf32>
    %dot_general3A_120 = arith.constant dense<0.000000e+00> : vector<512x32xf32>
    %dot_general3A_121 = tpu.matmul %squeeze3A_119, %get3A_11, %dot_general3A_120 {dimension_numbers = #tpu.dot_dimension_numbers<[1], [0], [0], [1], [0, 0, 1, 1], [], []>, transpose_lhs_hint = false} : vector<512x8xf32>, vector<8x32xf32>, vector<512x32xf32> -> vector<512x32xf32>
    %add3A_122 = arith.addf %slice3A_116, %dot_general3A_121 : vector<512x32xf32>
    %logistic3A_123 = arith.negf %slice3A_117 : vector<512x32xf32>
    %logistic3A_124 = math.exp %logistic3A_123 : vector<512x32xf32>
    %logistic3A_125 = arith.constant 1.000000e+00 : f32
    %logistic3A_126 = vector.broadcast %logistic3A_125 : f32 to vector<512x32xf32>
    %logistic3A_127 = arith.addf %logistic3A_126, %logistic3A_124 : vector<512x32xf32>
    %logistic3A_128 = arith.divf %logistic3A_126, %logistic3A_127 : vector<512x32xf32>
    %mul3A_129 = arith.mulf %add3A_122, %logistic3A_128 : vector<512x32xf32>
    %dot_general3A_130 = arith.constant dense<0.000000e+00> : vector<512x32xf32>
    %dot_general3A_131 = tpu.matmul %mul3A_129, %get3A_14, %dot_general3A_130 {dimension_numbers = #tpu.dot_dimension_numbers<[1], [0], [0], [1], [0, 0, 1, 1], [], []>, transpose_lhs_hint = false} : vector<512x32xf32>, vector<32x32xf32>, vector<512x32xf32> -> vector<512x32xf32>
    %get3A_132 = arith.constant 0 : index
    %get3A_133 = arith.constant 0 : index
    %get3A_134 = vector.load %arg6[%get3A_132, %get3A_133] : memref<32x32xf32, #tpu.memory_space<vmem>>, vector<32x32xf32>
    %dot_general3A_135 = arith.constant dense<0.000000e+00> : vector<512x32xf32>
    %dot_general3A_136 = tpu.matmul %mul3A_129, %get3A_134, %dot_general3A_135 {dimension_numbers = #tpu.dot_dimension_numbers<[1], [0], [0], [1], [0, 0, 1, 1], [], []>, transpose_lhs_hint = false} : vector<512x32xf32>, vector<32x32xf32>, vector<512x32xf32> -> vector<512x32xf32>
    %slice3A_137 = vector.extract_strided_slice %get3A_2 {offsets = [0, 4, 0], sizes = [512, 1, 8], strides = [1, 1, 1]} : vector<512x12x8xf32> to vector<512x1x8xf32>
    %squeeze3A_138 = vector.shape_cast %slice3A_137 : vector<512x1x8xf32> to vector<512x8xf32>
    %slice3A_139 = vector.extract_strided_slice %get3A_2 {offsets = [0, 5, 0], sizes = [512, 1, 8], strides = [1, 1, 1]} : vector<512x12x8xf32> to vector<512x1x8xf32>
    %squeeze3A_140 = vector.shape_cast %slice3A_139 : vector<512x1x8xf32> to vector<512x8xf32>
    %slice3A_141 = vector.extract_strided_slice %get3A_2 {offsets = [0, 6, 0], sizes = [512, 1, 8], strides = [1, 1, 1]} : vector<512x12x8xf32> to vector<512x1x8xf32>
    %squeeze3A_142 = vector.shape_cast %slice3A_141 : vector<512x1x8xf32> to vector<512x8xf32>
    %concatenate3A_143 = tpu.concatenate %squeeze3A_138, %squeeze3A_140, %squeeze3A_142 in 1 : vector<512x8xf32>, vector<512x8xf32>, vector<512x8xf32> -> vector<512x24xf32>
    %dot_general3A_144 = arith.constant dense<0.000000e+00> : vector<512x64xf32>
    %dot_general3A_145 = tpu.matmul %concatenate3A_143, %get3A_5, %dot_general3A_144 {dimension_numbers = #tpu.dot_dimension_numbers<[1], [0], [0], [1], [0, 0, 1, 1], [], []>, transpose_lhs_hint = false} : vector<512x24xf32>, vector<24x64xf32>, vector<512x64xf32> -> vector<512x64xf32>
    %add3A_146 = vector.broadcast %get3A_8 : vector<1x64xf32> to vector<512x64xf32>
    %add3A_147 = arith.addf %dot_general3A_145, %add3A_146 : vector<512x64xf32>
    %slice3A_148 = vector.extract_strided_slice %add3A_147 {offsets = [0, 0], sizes = [512, 32], strides = [1, 1]} : vector<512x64xf32> to vector<512x32xf32>
    %slice3A_149 = vector.extract_strided_slice %add3A_147 {offsets = [0, 32], sizes = [512, 32], strides = [1, 1]} : vector<512x64xf32> to vector<512x32xf32>
    %slice3A_150 = vector.extract_strided_slice %get3A_2 {offsets = [0, 6, 0], sizes = [512, 1, 8], strides = [1, 1, 1]} : vector<512x12x8xf32> to vector<512x1x8xf32>
    %squeeze3A_151 = vector.shape_cast %slice3A_150 : vector<512x1x8xf32> to vector<512x8xf32>
    %dot_general3A_152 = arith.constant dense<0.000000e+00> : vector<512x32xf32>
    %dot_general3A_153 = tpu.matmul %squeeze3A_151, %get3A_11, %dot_general3A_152 {dimension_numbers = #tpu.dot_dimension_numbers<[1], [0], [0], [1], [0, 0, 1, 1], [], []>, transpose_lhs_hint = false} : vector<512x8xf32>, vector<8x32xf32>, vector<512x32xf32> -> vector<512x32xf32>
    %add3A_154 = arith.addf %slice3A_148, %dot_general3A_153 : vector<512x32xf32>
    %logistic3A_155 = arith.negf %slice3A_149 : vector<512x32xf32>
    %logistic3A_156 = math.exp %logistic3A_155 : vector<512x32xf32>
    %logistic3A_157 = arith.constant 1.000000e+00 : f32
    %logistic3A_158 = vector.broadcast %logistic3A_157 : f32 to vector<512x32xf32>
    %logistic3A_159 = arith.addf %logistic3A_158, %logistic3A_156 : vector<512x32xf32>
    %logistic3A_160 = arith.divf %logistic3A_158, %logistic3A_159 : vector<512x32xf32>
    %mul3A_161 = arith.mulf %add3A_154, %logistic3A_160 : vector<512x32xf32>
    %dot_general3A_162 = arith.constant dense<0.000000e+00> : vector<512x32xf32>
    %dot_general3A_163 = tpu.matmul %mul3A_161, %get3A_14, %dot_general3A_162 {dimension_numbers = #tpu.dot_dimension_numbers<[1], [0], [0], [1], [0, 0, 1, 1], [], []>, transpose_lhs_hint = false} : vector<512x32xf32>, vector<32x32xf32>, vector<512x32xf32> -> vector<512x32xf32>
    %get3A_164 = arith.constant 0 : index
    %get3A_165 = arith.constant 0 : index
    %get3A_166 = vector.load %arg6[%get3A_164, %get3A_165] : memref<32x32xf32, #tpu.memory_space<vmem>>, vector<32x32xf32>
    %dot_general3A_167 = arith.constant dense<0.000000e+00> : vector<512x32xf32>
    %dot_general3A_168 = tpu.matmul %mul3A_161, %get3A_166, %dot_general3A_167 {dimension_numbers = #tpu.dot_dimension_numbers<[1], [0], [0], [1], [0, 0, 1, 1], [], []>, transpose_lhs_hint = false} : vector<512x32xf32>, vector<32x32xf32>, vector<512x32xf32> -> vector<512x32xf32>
    %slice3A_169 = vector.extract_strided_slice %get3A_2 {offsets = [0, 5, 0], sizes = [512, 1, 8], strides = [1, 1, 1]} : vector<512x12x8xf32> to vector<512x1x8xf32>
    %squeeze3A_170 = vector.shape_cast %slice3A_169 : vector<512x1x8xf32> to vector<512x8xf32>
    %slice3A_171 = vector.extract_strided_slice %get3A_2 {offsets = [0, 6, 0], sizes = [512, 1, 8], strides = [1, 1, 1]} : vector<512x12x8xf32> to vector<512x1x8xf32>
    %squeeze3A_172 = vector.shape_cast %slice3A_171 : vector<512x1x8xf32> to vector<512x8xf32>
    %slice3A_173 = vector.extract_strided_slice %get3A_2 {offsets = [0, 7, 0], sizes = [512, 1, 8], strides = [1, 1, 1]} : vector<512x12x8xf32> to vector<512x1x8xf32>
    %squeeze3A_174 = vector.shape_cast %slice3A_173 : vector<512x1x8xf32> to vector<512x8xf32>
    %concatenate3A_175 = tpu.concatenate %squeeze3A_170, %squeeze3A_172, %squeeze3A_174 in 1 : vector<512x8xf32>, vector<512x8xf32>, vector<512x8xf32> -> vector<512x24xf32>
    %dot_general3A_176 = arith.constant dense<0.000000e+00> : vector<512x64xf32>
    %dot_general3A_177 = tpu.matmul %concatenate3A_175, %get3A_5, %dot_general3A_176 {dimension_numbers = #tpu.dot_dimension_numbers<[1], [0], [0], [1], [0, 0, 1, 1], [], []>, transpose_lhs_hint = false} : vector<512x24xf32>, vector<24x64xf32>, vector<512x64xf32> -> vector<512x64xf32>
    %add3A_178 = vector.broadcast %get3A_8 : vector<1x64xf32> to vector<512x64xf32>
    %add3A_179 = arith.addf %dot_general3A_177, %add3A_178 : vector<512x64xf32>
    %slice3A_180 = vector.extract_strided_slice %add3A_179 {offsets = [0, 0], sizes = [512, 32], strides = [1, 1]} : vector<512x64xf32> to vector<512x32xf32>
    %slice3A_181 = vector.extract_strided_slice %add3A_179 {offsets = [0, 32], sizes = [512, 32], strides = [1, 1]} : vector<512x64xf32> to vector<512x32xf32>
    %slice3A_182 = vector.extract_strided_slice %get3A_2 {offsets = [0, 7, 0], sizes = [512, 1, 8], strides = [1, 1, 1]} : vector<512x12x8xf32> to vector<512x1x8xf32>
    %squeeze3A_183 = vector.shape_cast %slice3A_182 : vector<512x1x8xf32> to vector<512x8xf32>
    %dot_general3A_184 = arith.constant dense<0.000000e+00> : vector<512x32xf32>
    %dot_general3A_185 = tpu.matmul %squeeze3A_183, %get3A_11, %dot_general3A_184 {dimension_numbers = #tpu.dot_dimension_numbers<[1], [0], [0], [1], [0, 0, 1, 1], [], []>, transpose_lhs_hint = false} : vector<512x8xf32>, vector<8x32xf32>, vector<512x32xf32> -> vector<512x32xf32>
    %add3A_186 = arith.addf %slice3A_180, %dot_general3A_185 : vector<512x32xf32>
    %logistic3A_187 = arith.negf %slice3A_181 : vector<512x32xf32>
    %logistic3A_188 = math.exp %logistic3A_187 : vector<512x32xf32>
    %logistic3A_189 = arith.constant 1.000000e+00 : f32
    %logistic3A_190 = vector.broadcast %logistic3A_189 : f32 to vector<512x32xf32>
    %logistic3A_191 = arith.addf %logistic3A_190, %logistic3A_188 : vector<512x32xf32>
    %logistic3A_192 = arith.divf %logistic3A_190, %logistic3A_191 : vector<512x32xf32>
    %mul3A_193 = arith.mulf %add3A_186, %logistic3A_192 : vector<512x32xf32>
    %dot_general3A_194 = arith.constant dense<0.000000e+00> : vector<512x32xf32>
    %dot_general3A_195 = tpu.matmul %mul3A_193, %get3A_14, %dot_general3A_194 {dimension_numbers = #tpu.dot_dimension_numbers<[1], [0], [0], [1], [0, 0, 1, 1], [], []>, transpose_lhs_hint = false} : vector<512x32xf32>, vector<32x32xf32>, vector<512x32xf32> -> vector<512x32xf32>
    %get3A_196 = arith.constant 0 : index
    %get3A_197 = arith.constant 0 : index
    %get3A_198 = vector.load %arg6[%get3A_196, %get3A_197] : memref<32x32xf32, #tpu.memory_space<vmem>>, vector<32x32xf32>
    %dot_general3A_199 = arith.constant dense<0.000000e+00> : vector<512x32xf32>
    %dot_general3A_200 = tpu.matmul %mul3A_193, %get3A_198, %dot_general3A_199 {dimension_numbers = #tpu.dot_dimension_numbers<[1], [0], [0], [1], [0, 0, 1, 1], [], []>, transpose_lhs_hint = false} : vector<512x32xf32>, vector<32x32xf32>, vector<512x32xf32> -> vector<512x32xf32>
    %slice3A_201 = vector.extract_strided_slice %get3A_2 {offsets = [0, 6, 0], sizes = [512, 1, 8], strides = [1, 1, 1]} : vector<512x12x8xf32> to vector<512x1x8xf32>
    %squeeze3A_202 = vector.shape_cast %slice3A_201 : vector<512x1x8xf32> to vector<512x8xf32>
    %slice3A_203 = vector.extract_strided_slice %get3A_2 {offsets = [0, 7, 0], sizes = [512, 1, 8], strides = [1, 1, 1]} : vector<512x12x8xf32> to vector<512x1x8xf32>
    %squeeze3A_204 = vector.shape_cast %slice3A_203 : vector<512x1x8xf32> to vector<512x8xf32>
    %slice3A_205 = vector.extract_strided_slice %get3A_2 {offsets = [0, 8, 0], sizes = [512, 1, 8], strides = [1, 1, 1]} : vector<512x12x8xf32> to vector<512x1x8xf32>
    %squeeze3A_206 = vector.shape_cast %slice3A_205 : vector<512x1x8xf32> to vector<512x8xf32>
    %concatenate3A_207 = tpu.concatenate %squeeze3A_202, %squeeze3A_204, %squeeze3A_206 in 1 : vector<512x8xf32>, vector<512x8xf32>, vector<512x8xf32> -> vector<512x24xf32>
    %dot_general3A_208 = arith.constant dense<0.000000e+00> : vector<512x64xf32>
    %dot_general3A_209 = tpu.matmul %concatenate3A_207, %get3A_5, %dot_general3A_208 {dimension_numbers = #tpu.dot_dimension_numbers<[1], [0], [0], [1], [0, 0, 1, 1], [], []>, transpose_lhs_hint = false} : vector<512x24xf32>, vector<24x64xf32>, vector<512x64xf32> -> vector<512x64xf32>
    %add3A_210 = vector.broadcast %get3A_8 : vector<1x64xf32> to vector<512x64xf32>
    %add3A_211 = arith.addf %dot_general3A_209, %add3A_210 : vector<512x64xf32>
    %slice3A_212 = vector.extract_strided_slice %add3A_211 {offsets = [0, 0], sizes = [512, 32], strides = [1, 1]} : vector<512x64xf32> to vector<512x32xf32>
    %slice3A_213 = vector.extract_strided_slice %add3A_211 {offsets = [0, 32], sizes = [512, 32], strides = [1, 1]} : vector<512x64xf32> to vector<512x32xf32>
    %slice3A_214 = vector.extract_strided_slice %get3A_2 {offsets = [0, 8, 0], sizes = [512, 1, 8], strides = [1, 1, 1]} : vector<512x12x8xf32> to vector<512x1x8xf32>
    %squeeze3A_215 = vector.shape_cast %slice3A_214 : vector<512x1x8xf32> to vector<512x8xf32>
    %dot_general3A_216 = arith.constant dense<0.000000e+00> : vector<512x32xf32>
    %dot_general3A_217 = tpu.matmul %squeeze3A_215, %get3A_11, %dot_general3A_216 {dimension_numbers = #tpu.dot_dimension_numbers<[1], [0], [0], [1], [0, 0, 1, 1], [], []>, transpose_lhs_hint = false} : vector<512x8xf32>, vector<8x32xf32>, vector<512x32xf32> -> vector<512x32xf32>
    %add3A_218 = arith.addf %slice3A_212, %dot_general3A_217 : vector<512x32xf32>
    %logistic3A_219 = arith.negf %slice3A_213 : vector<512x32xf32>
    %logistic3A_220 = math.exp %logistic3A_219 : vector<512x32xf32>
    %logistic3A_221 = arith.constant 1.000000e+00 : f32
    %logistic3A_222 = vector.broadcast %logistic3A_221 : f32 to vector<512x32xf32>
    %logistic3A_223 = arith.addf %logistic3A_222, %logistic3A_220 : vector<512x32xf32>
    %logistic3A_224 = arith.divf %logistic3A_222, %logistic3A_223 : vector<512x32xf32>
    %mul3A_225 = arith.mulf %add3A_218, %logistic3A_224 : vector<512x32xf32>
    %dot_general3A_226 = arith.constant dense<0.000000e+00> : vector<512x32xf32>
    %dot_general3A_227 = tpu.matmul %mul3A_225, %get3A_14, %dot_general3A_226 {dimension_numbers = #tpu.dot_dimension_numbers<[1], [0], [0], [1], [0, 0, 1, 1], [], []>, transpose_lhs_hint = false} : vector<512x32xf32>, vector<32x32xf32>, vector<512x32xf32> -> vector<512x32xf32>
    %get3A_228 = arith.constant 0 : index
    %get3A_229 = arith.constant 0 : index
    %get3A_230 = vector.load %arg6[%get3A_228, %get3A_229] : memref<32x32xf32, #tpu.memory_space<vmem>>, vector<32x32xf32>
    %dot_general3A_231 = arith.constant dense<0.000000e+00> : vector<512x32xf32>
    %dot_general3A_232 = tpu.matmul %mul3A_225, %get3A_230, %dot_general3A_231 {dimension_numbers = #tpu.dot_dimension_numbers<[1], [0], [0], [1], [0, 0, 1, 1], [], []>, transpose_lhs_hint = false} : vector<512x32xf32>, vector<32x32xf32>, vector<512x32xf32> -> vector<512x32xf32>
    %slice3A_233 = vector.extract_strided_slice %get3A_2 {offsets = [0, 7, 0], sizes = [512, 1, 8], strides = [1, 1, 1]} : vector<512x12x8xf32> to vector<512x1x8xf32>
    %squeeze3A_234 = vector.shape_cast %slice3A_233 : vector<512x1x8xf32> to vector<512x8xf32>
    %slice3A_235 = vector.extract_strided_slice %get3A_2 {offsets = [0, 8, 0], sizes = [512, 1, 8], strides = [1, 1, 1]} : vector<512x12x8xf32> to vector<512x1x8xf32>
    %squeeze3A_236 = vector.shape_cast %slice3A_235 : vector<512x1x8xf32> to vector<512x8xf32>
    %slice3A_237 = vector.extract_strided_slice %get3A_2 {offsets = [0, 9, 0], sizes = [512, 1, 8], strides = [1, 1, 1]} : vector<512x12x8xf32> to vector<512x1x8xf32>
    %squeeze3A_238 = vector.shape_cast %slice3A_237 : vector<512x1x8xf32> to vector<512x8xf32>
    %concatenate3A_239 = tpu.concatenate %squeeze3A_234, %squeeze3A_236, %squeeze3A_238 in 1 : vector<512x8xf32>, vector<512x8xf32>, vector<512x8xf32> -> vector<512x24xf32>
    %dot_general3A_240 = arith.constant dense<0.000000e+00> : vector<512x64xf32>
    %dot_general3A_241 = tpu.matmul %concatenate3A_239, %get3A_5, %dot_general3A_240 {dimension_numbers = #tpu.dot_dimension_numbers<[1], [0], [0], [1], [0, 0, 1, 1], [], []>, transpose_lhs_hint = false} : vector<512x24xf32>, vector<24x64xf32>, vector<512x64xf32> -> vector<512x64xf32>
    %add3A_242 = vector.broadcast %get3A_8 : vector<1x64xf32> to vector<512x64xf32>
    %add3A_243 = arith.addf %dot_general3A_241, %add3A_242 : vector<512x64xf32>
    %slice3A_244 = vector.extract_strided_slice %add3A_243 {offsets = [0, 0], sizes = [512, 32], strides = [1, 1]} : vector<512x64xf32> to vector<512x32xf32>
    %slice3A_245 = vector.extract_strided_slice %add3A_243 {offsets = [0, 32], sizes = [512, 32], strides = [1, 1]} : vector<512x64xf32> to vector<512x32xf32>
    %slice3A_246 = vector.extract_strided_slice %get3A_2 {offsets = [0, 9, 0], sizes = [512, 1, 8], strides = [1, 1, 1]} : vector<512x12x8xf32> to vector<512x1x8xf32>
    %squeeze3A_247 = vector.shape_cast %slice3A_246 : vector<512x1x8xf32> to vector<512x8xf32>
    %dot_general3A_248 = arith.constant dense<0.000000e+00> : vector<512x32xf32>
    %dot_general3A_249 = tpu.matmul %squeeze3A_247, %get3A_11, %dot_general3A_248 {dimension_numbers = #tpu.dot_dimension_numbers<[1], [0], [0], [1], [0, 0, 1, 1], [], []>, transpose_lhs_hint = false} : vector<512x8xf32>, vector<8x32xf32>, vector<512x32xf32> -> vector<512x32xf32>
    %add3A_250 = arith.addf %slice3A_244, %dot_general3A_249 : vector<512x32xf32>
    %logistic3A_251 = arith.negf %slice3A_245 : vector<512x32xf32>
    %logistic3A_252 = math.exp %logistic3A_251 : vector<512x32xf32>
    %logistic3A_253 = arith.constant 1.000000e+00 : f32
    %logistic3A_254 = vector.broadcast %logistic3A_253 : f32 to vector<512x32xf32>
    %logistic3A_255 = arith.addf %logistic3A_254, %logistic3A_252 : vector<512x32xf32>
    %logistic3A_256 = arith.divf %logistic3A_254, %logistic3A_255 : vector<512x32xf32>
    %mul3A_257 = arith.mulf %add3A_250, %logistic3A_256 : vector<512x32xf32>
    %dot_general3A_258 = arith.constant dense<0.000000e+00> : vector<512x32xf32>
    %dot_general3A_259 = tpu.matmul %mul3A_257, %get3A_14, %dot_general3A_258 {dimension_numbers = #tpu.dot_dimension_numbers<[1], [0], [0], [1], [0, 0, 1, 1], [], []>, transpose_lhs_hint = false} : vector<512x32xf32>, vector<32x32xf32>, vector<512x32xf32> -> vector<512x32xf32>
    %get3A_260 = arith.constant 0 : index
    %get3A_261 = arith.constant 0 : index
    %get3A_262 = vector.load %arg6[%get3A_260, %get3A_261] : memref<32x32xf32, #tpu.memory_space<vmem>>, vector<32x32xf32>
    %dot_general3A_263 = arith.constant dense<0.000000e+00> : vector<512x32xf32>
    %dot_general3A_264 = tpu.matmul %mul3A_257, %get3A_262, %dot_general3A_263 {dimension_numbers = #tpu.dot_dimension_numbers<[1], [0], [0], [1], [0, 0, 1, 1], [], []>, transpose_lhs_hint = false} : vector<512x32xf32>, vector<32x32xf32>, vector<512x32xf32> -> vector<512x32xf32>
    %slice3A_265 = vector.extract_strided_slice %get3A_2 {offsets = [0, 8, 0], sizes = [512, 1, 8], strides = [1, 1, 1]} : vector<512x12x8xf32> to vector<512x1x8xf32>
    %squeeze3A_266 = vector.shape_cast %slice3A_265 : vector<512x1x8xf32> to vector<512x8xf32>
    %slice3A_267 = vector.extract_strided_slice %get3A_2 {offsets = [0, 9, 0], sizes = [512, 1, 8], strides = [1, 1, 1]} : vector<512x12x8xf32> to vector<512x1x8xf32>
    %squeeze3A_268 = vector.shape_cast %slice3A_267 : vector<512x1x8xf32> to vector<512x8xf32>
    %slice3A_269 = vector.extract_strided_slice %get3A_2 {offsets = [0, 10, 0], sizes = [512, 1, 8], strides = [1, 1, 1]} : vector<512x12x8xf32> to vector<512x1x8xf32>
    %squeeze3A_270 = vector.shape_cast %slice3A_269 : vector<512x1x8xf32> to vector<512x8xf32>
    %concatenate3A_271 = tpu.concatenate %squeeze3A_266, %squeeze3A_268, %squeeze3A_270 in 1 : vector<512x8xf32>, vector<512x8xf32>, vector<512x8xf32> -> vector<512x24xf32>
    %dot_general3A_272 = arith.constant dense<0.000000e+00> : vector<512x64xf32>
    %dot_general3A_273 = tpu.matmul %concatenate3A_271, %get3A_5, %dot_general3A_272 {dimension_numbers = #tpu.dot_dimension_numbers<[1], [0], [0], [1], [0, 0, 1, 1], [], []>, transpose_lhs_hint = false} : vector<512x24xf32>, vector<24x64xf32>, vector<512x64xf32> -> vector<512x64xf32>
    %add3A_274 = vector.broadcast %get3A_8 : vector<1x64xf32> to vector<512x64xf32>
    %add3A_275 = arith.addf %dot_general3A_273, %add3A_274 : vector<512x64xf32>
    %slice3A_276 = vector.extract_strided_slice %add3A_275 {offsets = [0, 0], sizes = [512, 32], strides = [1, 1]} : vector<512x64xf32> to vector<512x32xf32>
    %slice3A_277 = vector.extract_strided_slice %add3A_275 {offsets = [0, 32], sizes = [512, 32], strides = [1, 1]} : vector<512x64xf32> to vector<512x32xf32>
    %slice3A_278 = vector.extract_strided_slice %get3A_2 {offsets = [0, 10, 0], sizes = [512, 1, 8], strides = [1, 1, 1]} : vector<512x12x8xf32> to vector<512x1x8xf32>
    %squeeze3A_279 = vector.shape_cast %slice3A_278 : vector<512x1x8xf32> to vector<512x8xf32>
    %dot_general3A_280 = arith.constant dense<0.000000e+00> : vector<512x32xf32>
    %dot_general3A_281 = tpu.matmul %squeeze3A_279, %get3A_11, %dot_general3A_280 {dimension_numbers = #tpu.dot_dimension_numbers<[1], [0], [0], [1], [0, 0, 1, 1], [], []>, transpose_lhs_hint = false} : vector<512x8xf32>, vector<8x32xf32>, vector<512x32xf32> -> vector<512x32xf32>
    %add3A_282 = arith.addf %slice3A_276, %dot_general3A_281 : vector<512x32xf32>
    %logistic3A_283 = arith.negf %slice3A_277 : vector<512x32xf32>
    %logistic3A_284 = math.exp %logistic3A_283 : vector<512x32xf32>
    %logistic3A_285 = arith.constant 1.000000e+00 : f32
    %logistic3A_286 = vector.broadcast %logistic3A_285 : f32 to vector<512x32xf32>
    %logistic3A_287 = arith.addf %logistic3A_286, %logistic3A_284 : vector<512x32xf32>
    %logistic3A_288 = arith.divf %logistic3A_286, %logistic3A_287 : vector<512x32xf32>
    %mul3A_289 = arith.mulf %add3A_282, %logistic3A_288 : vector<512x32xf32>
    %dot_general3A_290 = arith.constant dense<0.000000e+00> : vector<512x32xf32>
    %dot_general3A_291 = tpu.matmul %mul3A_289, %get3A_14, %dot_general3A_290 {dimension_numbers = #tpu.dot_dimension_numbers<[1], [0], [0], [1], [0, 0, 1, 1], [], []>, transpose_lhs_hint = false} : vector<512x32xf32>, vector<32x32xf32>, vector<512x32xf32> -> vector<512x32xf32>
    %get3A_292 = arith.constant 0 : index
    %get3A_293 = arith.constant 0 : index
    %get3A_294 = vector.load %arg6[%get3A_292, %get3A_293] : memref<32x32xf32, #tpu.memory_space<vmem>>, vector<32x32xf32>
    %dot_general3A_295 = arith.constant dense<0.000000e+00> : vector<512x32xf32>
    %dot_general3A_296 = tpu.matmul %mul3A_289, %get3A_294, %dot_general3A_295 {dimension_numbers = #tpu.dot_dimension_numbers<[1], [0], [0], [1], [0, 0, 1, 1], [], []>, transpose_lhs_hint = false} : vector<512x32xf32>, vector<32x32xf32>, vector<512x32xf32> -> vector<512x32xf32>
    %slice3A_297 = vector.extract_strided_slice %get3A_2 {offsets = [0, 9, 0], sizes = [512, 1, 8], strides = [1, 1, 1]} : vector<512x12x8xf32> to vector<512x1x8xf32>
    %squeeze3A_298 = vector.shape_cast %slice3A_297 : vector<512x1x8xf32> to vector<512x8xf32>
    %slice3A_299 = vector.extract_strided_slice %get3A_2 {offsets = [0, 10, 0], sizes = [512, 1, 8], strides = [1, 1, 1]} : vector<512x12x8xf32> to vector<512x1x8xf32>
    %squeeze3A_300 = vector.shape_cast %slice3A_299 : vector<512x1x8xf32> to vector<512x8xf32>
    %slice3A_301 = vector.extract_strided_slice %get3A_2 {offsets = [0, 11, 0], sizes = [512, 1, 8], strides = [1, 1, 1]} : vector<512x12x8xf32> to vector<512x1x8xf32>
    %squeeze3A_302 = vector.shape_cast %slice3A_301 : vector<512x1x8xf32> to vector<512x8xf32>
    %concatenate3A_303 = tpu.concatenate %squeeze3A_298, %squeeze3A_300, %squeeze3A_302 in 1 : vector<512x8xf32>, vector<512x8xf32>, vector<512x8xf32> -> vector<512x24xf32>
    %dot_general3A_304 = arith.constant dense<0.000000e+00> : vector<512x64xf32>
    %dot_general3A_305 = tpu.matmul %concatenate3A_303, %get3A_5, %dot_general3A_304 {dimension_numbers = #tpu.dot_dimension_numbers<[1], [0], [0], [1], [0, 0, 1, 1], [], []>, transpose_lhs_hint = false} : vector<512x24xf32>, vector<24x64xf32>, vector<512x64xf32> -> vector<512x64xf32>
    %add3A_306 = vector.broadcast %get3A_8 : vector<1x64xf32> to vector<512x64xf32>
    %add3A_307 = arith.addf %dot_general3A_305, %add3A_306 : vector<512x64xf32>
    %slice3A_308 = vector.extract_strided_slice %add3A_307 {offsets = [0, 0], sizes = [512, 32], strides = [1, 1]} : vector<512x64xf32> to vector<512x32xf32>
    %slice3A_309 = vector.extract_strided_slice %add3A_307 {offsets = [0, 32], sizes = [512, 32], strides = [1, 1]} : vector<512x64xf32> to vector<512x32xf32>
    %slice3A_310 = vector.extract_strided_slice %get3A_2 {offsets = [0, 11, 0], sizes = [512, 1, 8], strides = [1, 1, 1]} : vector<512x12x8xf32> to vector<512x1x8xf32>
    %squeeze3A_311 = vector.shape_cast %slice3A_310 : vector<512x1x8xf32> to vector<512x8xf32>
    %dot_general3A_312 = arith.constant dense<0.000000e+00> : vector<512x32xf32>
    %dot_general3A_313 = tpu.matmul %squeeze3A_311, %get3A_11, %dot_general3A_312 {dimension_numbers = #tpu.dot_dimension_numbers<[1], [0], [0], [1], [0, 0, 1, 1], [], []>, transpose_lhs_hint = false} : vector<512x8xf32>, vector<8x32xf32>, vector<512x32xf32> -> vector<512x32xf32>
    %add3A_314 = arith.addf %slice3A_308, %dot_general3A_313 : vector<512x32xf32>
    %logistic3A_315 = arith.negf %slice3A_309 : vector<512x32xf32>
    %logistic3A_316 = math.exp %logistic3A_315 : vector<512x32xf32>
    %logistic3A_317 = arith.constant 1.000000e+00 : f32
    %logistic3A_318 = vector.broadcast %logistic3A_317 : f32 to vector<512x32xf32>
    %logistic3A_319 = arith.addf %logistic3A_318, %logistic3A_316 : vector<512x32xf32>
    %logistic3A_320 = arith.divf %logistic3A_318, %logistic3A_319 : vector<512x32xf32>
    %mul3A_321 = arith.mulf %add3A_314, %logistic3A_320 : vector<512x32xf32>
    %dot_general3A_322 = arith.constant dense<0.000000e+00> : vector<512x32xf32>
    %dot_general3A_323 = tpu.matmul %mul3A_321, %get3A_14, %dot_general3A_322 {dimension_numbers = #tpu.dot_dimension_numbers<[1], [0], [0], [1], [0, 0, 1, 1], [], []>, transpose_lhs_hint = false} : vector<512x32xf32>, vector<32x32xf32>, vector<512x32xf32> -> vector<512x32xf32>
    %get3A_324 = arith.constant 0 : index
    %get3A_325 = arith.constant 0 : index
    %get3A_326 = vector.load %arg6[%get3A_324, %get3A_325] : memref<32x32xf32, #tpu.memory_space<vmem>>, vector<32x32xf32>
    %dot_general3A_327 = arith.constant dense<0.000000e+00> : vector<512x32xf32>
    %dot_general3A_328 = tpu.matmul %mul3A_321, %get3A_326, %dot_general3A_327 {dimension_numbers = #tpu.dot_dimension_numbers<[1], [0], [0], [1], [0, 0, 1, 1], [], []>, transpose_lhs_hint = false} : vector<512x32xf32>, vector<32x32xf32>, vector<512x32xf32> -> vector<512x32xf32>
    %concatenate3A_329 = tpu.concatenate %dot_general3A_35, %dot_general3A_67, %dot_general3A_99, %dot_general3A_131 in 1 : vector<512x32xf32>, vector<512x32xf32>, vector<512x32xf32>, vector<512x32xf32> -> vector<512x128xf32>
    %swap3A = arith.constant 0 : index
    %swap3A_330 = arith.constant 0 : index
    %swap3A_331 = arith.constant 0 : index
    %swap3A_332 = vector.load %arg7[%swap3A, %swap3A_330, %swap3A_331] : memref<512x3x128xf32, #tpu.memory_space<vmem>>, vector<512x1x128xf32>
    %swap3A_333 = vector.shape_cast %swap3A_332 : vector<512x1x128xf32> to vector<512x128xf32>
    %swap3A_334 = vector.shape_cast %concatenate3A_329 : vector<512x128xf32> to vector<512x1x128xf32>
    tpu.vector_store %arg7[%swap3A, %swap3A_330, %swap3A_331], %swap3A_334 {strides = array<i32>} : memref<512x3x128xf32, #tpu.memory_space<vmem>>, vector<512x1x128xf32>,
    %concatenate3A_335 = tpu.concatenate %dot_general3A_40, %dot_general3A_72, %dot_general3A_104, %dot_general3A_136 in 1 : vector<512x32xf32>, vector<512x32xf32>, vector<512x32xf32>, vector<512x32xf32> -> vector<512x128xf32>
    %swap3A_336 = arith.constant 0 : index
    %swap3A_337 = arith.constant 0 : index
    %swap3A_338 = arith.constant 0 : index
    %swap3A_339 = vector.load %arg8[%swap3A_336, %swap3A_337, %swap3A_338] : memref<3x512x128xf32, #tpu.memory_space<vmem>>, vector<1x512x128xf32>
    %swap3A_340 = vector.shape_cast %swap3A_339 : vector<1x512x128xf32> to vector<512x128xf32>
    %swap3A_341 = vector.shape_cast %concatenate3A_335 : vector<512x128xf32> to vector<1x512x128xf32>
    tpu.vector_store %arg8[%swap3A_336, %swap3A_337, %swap3A_338], %swap3A_341 {strides = array<i32>} : memref<3x512x128xf32, #tpu.memory_space<vmem>>, vector<1x512x128xf32>,
    %concatenate3A_342 = tpu.concatenate %dot_general3A_163, %dot_general3A_195, %dot_general3A_227, %dot_general3A_259 in 1 : vector<512x32xf32>, vector<512x32xf32>, vector<512x32xf32>, vector<512x32xf32> -> vector<512x128xf32>
    %swap3A_343 = arith.constant 0 : index
    %swap3A_344 = arith.constant 1 : index
    %swap3A_345 = arith.constant 0 : index
    %swap3A_346 = vector.load %arg7[%swap3A_343, %swap3A_344, %swap3A_345] : memref<512x3x128xf32, #tpu.memory_space<vmem>>, vector<512x1x128xf32>
    %swap3A_347 = vector.shape_cast %swap3A_346 : vector<512x1x128xf32> to vector<512x128xf32>
    %swap3A_348 = vector.shape_cast %concatenate3A_342 : vector<512x128xf32> to vector<512x1x128xf32>
    tpu.vector_store %arg7[%swap3A_343, %swap3A_344, %swap3A_345], %swap3A_348 {strides = array<i32>} : memref<512x3x128xf32, #tpu.memory_space<vmem>>, vector<512x1x128xf32>,
    %concatenate3A_349 = tpu.concatenate %dot_general3A_168, %dot_general3A_200, %dot_general3A_232, %dot_general3A_264 in 1 : vector<512x32xf32>, vector<512x32xf32>, vector<512x32xf32>, vector<512x32xf32> -> vector<512x128xf32>
    %swap3A_350 = arith.constant 1 : index
    %swap3A_351 = arith.constant 0 : index
    %swap3A_352 = arith.constant 0 : index
    %swap3A_353 = vector.load %arg8[%swap3A_350, %swap3A_351, %swap3A_352] : memref<3x512x128xf32, #tpu.memory_space<vmem>>, vector<1x512x128xf32>
    %swap3A_354 = vector.shape_cast %swap3A_353 : vector<1x512x128xf32> to vector<512x128xf32>
    %swap3A_355 = vector.shape_cast %concatenate3A_349 : vector<512x128xf32> to vector<1x512x128xf32>
    tpu.vector_store %arg8[%swap3A_350, %swap3A_351, %swap3A_352], %swap3A_355 {strides = array<i32>} : memref<3x512x128xf32, #tpu.memory_space<vmem>>, vector<1x512x128xf32>,
    %concatenate3A_356 = tpu.concatenate %dot_general3A_291, %dot_general3A_323, %broadcast_in_dim3A_15, %broadcast_in_dim3A_15 in 1 : vector<512x32xf32>, vector<512x32xf32>, vector<512x32xf32>, vector<512x32xf32> -> vector<512x128xf32>
    %swap3A_357 = arith.constant 0 : index
    %swap3A_358 = arith.constant 2 : index
    %swap3A_359 = arith.constant 0 : index
    %swap3A_360 = vector.load %arg7[%swap3A_357, %swap3A_358, %swap3A_359] : memref<512x3x128xf32, #tpu.memory_space<vmem>>, vector<512x1x128xf32>
    %swap3A_361 = vector.shape_cast %swap3A_360 : vector<512x1x128xf32> to vector<512x128xf32>
    %swap3A_362 = vector.shape_cast %concatenate3A_356 : vector<512x128xf32> to vector<512x1x128xf32>
    tpu.vector_store %arg7[%swap3A_357, %swap3A_358, %swap3A_359], %swap3A_362 {strides = array<i32>} : memref<512x3x128xf32, #tpu.memory_space<vmem>>, vector<512x1x128xf32>,
    %concatenate3A_363 = tpu.concatenate %dot_general3A_296, %dot_general3A_328, %broadcast_in_dim3A_15, %broadcast_in_dim3A_15 in 1 : vector<512x32xf32>, vector<512x32xf32>, vector<512x32xf32>, vector<512x32xf32> -> vector<512x128xf32>
    %swap3A_364 = arith.constant 2 : index
    %swap3A_365 = arith.constant 0 : index
    %swap3A_366 = arith.constant 0 : index
    %swap3A_367 = vector.load %arg8[%swap3A_364, %swap3A_365, %swap3A_366] : memref<3x512x128xf32, #tpu.memory_space<vmem>>, vector<1x512x128xf32>
    %swap3A_368 = vector.shape_cast %swap3A_367 : vector<1x512x128xf32> to vector<512x128xf32>
    %swap3A_369 = vector.shape_cast %concatenate3A_363 : vector<512x128xf32> to vector<1x512x128xf32>
    tpu.vector_store %arg8[%swap3A_364, %swap3A_365, %swap3A_366], %swap3A_369 {strides = array<i32>} : memref<3x512x128xf32, #tpu.memory_space<vmem>>, vector<1x512x128xf32>,
    return
  }
  func.func @transform_0(%arg0: i32) -> (i32, i32, i32) {
    %c0_i32 = arith.constant 0 : i32
    %c0_i32_0 = arith.constant 0 : i32
    %c0_i32_1 = arith.constant 0 : i32
    return %arg0, %c0_i32, %c0_i32_0 : i32, i32, i32
  }
  func.func @transform_1(%arg0: i32) -> (i32, i32) {
    %c0_i32 = arith.constant 0 : i32
    %c0_i32_0 = arith.constant 0 : i32
    %c0_i32_1 = arith.constant 0 : i32
    return %c0_i32, %c0_i32_0 : i32, i32
  }
  func.func @transform_2(%arg0: i32) -> (i32, i32) {
    %c0_i32 = arith.constant 0 : i32
    %c0_i32_0 = arith.constant 0 : i32
    %c0_i32_1 = arith.constant 0 : i32
    return %c0_i32, %c0_i32_0 : i32, i32
  }
  func.func @transform_3(%arg0: i32) -> (i32, i32) {
    %c0_i32 = arith.constant 0 : i32
    %c0_i32_0 = arith.constant 0 : i32
    %c0_i32_1 = arith.constant 0 : i32
    return %c0_i32, %c0_i32_0 : i32, i32
  }
  func.func @transform_4(%arg0: i32) -> (i32, i32) {
    %c0_i32 = arith.constant 0 : i32
    %c0_i32_0 = arith.constant 0 : i32
    %c0_i32_1 = arith.constant 0 : i32
    return %c0_i32, %c0_i32_0 : i32, i32
  }
  func.func @transform_5(%arg0: i32) -> (i32, i32) {
    %c0_i32 = arith.constant 0 : i32
    %c0_i32_0 = arith.constant 0 : i32
    %c0_i32_1 = arith.constant 0 : i32
    return %c0_i32, %c0_i32_0 : i32, i32
  }
  func.func @transform_6(%arg0: i32) -> (i32, i32, i32) {
    %c0_i32 = arith.constant 0 : i32
    %c0_i32_0 = arith.constant 0 : i32
    %c0_i32_1 = arith.constant 0 : i32
    return %arg0, %c0_i32, %c0_i32_0 : i32, i32, i32
  }
  func.func @transform_7(%arg0: i32) -> (i32, i32, i32) {
    %c0_i32 = arith.constant 0 : i32
    %c0_i32_0 = arith.constant 0 : i32
    %c0_i32_1 = arith.constant 0 : i32
    return %c0_i32, %arg0, %c0_i32_0 : i32, i32, i32
  }
}

module attributes {stable_mosaic.version = 14 : i64} {
  func.func @body(%arg0: i32, %arg1: memref<3x512x128xf32, #tpu.memory_space<vmem>>, %arg2: memref<96x64xf32, #tpu.memory_space<vmem>>, %arg3: memref<1x64xf32, #tpu.memory_space<vmem>>, %arg4: memref<32x32xf32, #tpu.memory_space<vmem>>, %arg5: memref<1x32xf32, #tpu.memory_space<vmem>>, %arg6: memref<1x32xf32, #tpu.memory_space<vmem>>, %arg7: memref<8x32x256xf32, #tpu.memory_space<vmem>>, %arg8: memref<1x256xf32, #tpu.memory_space<vmem>>, %arg9: memref<32x128xf32, #tpu.memory_space<vmem>>, %arg10: memref<1x128xf32, #tpu.memory_space<vmem>>, %arg11: memref<1x128xf32, #tpu.memory_space<vmem>>, %arg12: memref<128x128xf32, #tpu.memory_space<vmem>>, %arg13: memref<1x128xf32, #tpu.memory_space<vmem>>, %arg14: memref<128x8xf32, #tpu.memory_space<vmem>>, %arg15: memref<1x8xf32, #tpu.memory_space<vmem>>, %arg16: memref<512x8xf32, #tpu.memory_space<vmem>>) attributes {dimension_semantics = [#tpu.dimension_semantics<arbitrary>], iteration_bounds = array<i64: 20>, scalar_prefetch = 0 : i64, scratch_operands = 0 : i64, tpu.core_type = #tpu.core_type<tc>, window_params = [{transform_indices = @transform_0, window_bounds = array<i64: 3, 512, 128>}, {pipeline_mode = #tpu.pipeline_mode<synchronous>, transform_indices = @transform_1, window_bounds = array<i64: 96, 64>}, {pipeline_mode = #tpu.pipeline_mode<synchronous>, transform_indices = @transform_2, window_bounds = array<i64: 1, 64>}, {pipeline_mode = #tpu.pipeline_mode<synchronous>, transform_indices = @transform_3, window_bounds = array<i64: 32, 32>}, {pipeline_mode = #tpu.pipeline_mode<synchronous>, transform_indices = @transform_4, window_bounds = array<i64: 1, 32>}, {pipeline_mode = #tpu.pipeline_mode<synchronous>, transform_indices = @transform_5, window_bounds = array<i64: 1, 32>}, {pipeline_mode = #tpu.pipeline_mode<synchronous>, transform_indices = @transform_6, window_bounds = array<i64: 8, 32, 256>}, {pipeline_mode = #tpu.pipeline_mode<synchronous>, transform_indices = @transform_7, window_bounds = array<i64: 1, 256>}, {pipeline_mode = #tpu.pipeline_mode<synchronous>, transform_indices = @transform_8, window_bounds = array<i64: 32, 128>}, {pipeline_mode = #tpu.pipeline_mode<synchronous>, transform_indices = @transform_9, window_bounds = array<i64: 1, 128>}, {pipeline_mode = #tpu.pipeline_mode<synchronous>, transform_indices = @transform_10, window_bounds = array<i64: 1, 128>}, {pipeline_mode = #tpu.pipeline_mode<synchronous>, transform_indices = @transform_11, window_bounds = array<i64: 128, 128>}, {pipeline_mode = #tpu.pipeline_mode<synchronous>, transform_indices = @transform_12, window_bounds = array<i64: 1, 128>}, {pipeline_mode = #tpu.pipeline_mode<synchronous>, transform_indices = @transform_13, window_bounds = array<i64: 128, 8>}, {pipeline_mode = #tpu.pipeline_mode<synchronous>, transform_indices = @transform_14, window_bounds = array<i64: 1, 8>}, {transform_indices = @transform_15, window_bounds = array<i64: 512, 8>}]} {
    %get3A = arith.constant 0 : index
    %get3A_0 = arith.constant 0 : index
    %get3A_1 = arith.constant 0 : index
    %get3A_2 = vector.load %arg1[%get3A, %get3A_0, %get3A_1] : memref<3x512x128xf32, #tpu.memory_space<vmem>>, vector<1x512x128xf32>
    %get3A_3 = vector.shape_cast %get3A_2 : vector<1x512x128xf32> to vector<512x128xf32>
    %max3A = arith.constant 0.000000e+00 : f32
    %max3A_4 = vector.broadcast %max3A : f32 to vector<512x128xf32>
    %max3A_5 = arith.maximumf %get3A_3, %max3A_4 : vector<512x128xf32>
    %slice3A = vector.extract_strided_slice %max3A_5 {offsets = [0, 0], sizes = [512, 32], strides = [1, 1]} : vector<512x128xf32> to vector<512x32xf32>
    %slice3A_6 = vector.extract_strided_slice %max3A_5 {offsets = [0, 32], sizes = [512, 32], strides = [1, 1]} : vector<512x128xf32> to vector<512x32xf32>
    %slice3A_7 = vector.extract_strided_slice %max3A_5 {offsets = [0, 64], sizes = [512, 32], strides = [1, 1]} : vector<512x128xf32> to vector<512x32xf32>
    %slice3A_8 = vector.extract_strided_slice %max3A_5 {offsets = [0, 96], sizes = [512, 32], strides = [1, 1]} : vector<512x128xf32> to vector<512x32xf32>
    %get3A_9 = arith.constant 1 : index
    %get3A_10 = arith.constant 0 : index
    %get3A_11 = arith.constant 0 : index
    %get3A_12 = vector.load %arg1[%get3A_9, %get3A_10, %get3A_11] : memref<3x512x128xf32, #tpu.memory_space<vmem>>, vector<1x512x128xf32>
    %get3A_13 = vector.shape_cast %get3A_12 : vector<1x512x128xf32> to vector<512x128xf32>
    %max3A_14 = arith.constant 0.000000e+00 : f32
    %max3A_15 = vector.broadcast %max3A_14 : f32 to vector<512x128xf32>
    %max3A_16 = arith.maximumf %get3A_13, %max3A_15 : vector<512x128xf32>
    %slice3A_17 = vector.extract_strided_slice %max3A_16 {offsets = [0, 0], sizes = [512, 32], strides = [1, 1]} : vector<512x128xf32> to vector<512x32xf32>
    %slice3A_18 = vector.extract_strided_slice %max3A_16 {offsets = [0, 32], sizes = [512, 32], strides = [1, 1]} : vector<512x128xf32> to vector<512x32xf32>
    %slice3A_19 = vector.extract_strided_slice %max3A_16 {offsets = [0, 64], sizes = [512, 32], strides = [1, 1]} : vector<512x128xf32> to vector<512x32xf32>
    %slice3A_20 = vector.extract_strided_slice %max3A_16 {offsets = [0, 96], sizes = [512, 32], strides = [1, 1]} : vector<512x128xf32> to vector<512x32xf32>
    %get3A_21 = arith.constant 2 : index
    %get3A_22 = arith.constant 0 : index
    %get3A_23 = arith.constant 0 : index
    %get3A_24 = vector.load %arg1[%get3A_21, %get3A_22, %get3A_23] : memref<3x512x128xf32, #tpu.memory_space<vmem>>, vector<1x512x128xf32>
    %get3A_25 = vector.shape_cast %get3A_24 : vector<1x512x128xf32> to vector<512x128xf32>
    %max3A_26 = arith.constant 0.000000e+00 : f32
    %max3A_27 = vector.broadcast %max3A_26 : f32 to vector<512x128xf32>
    %max3A_28 = arith.maximumf %get3A_25, %max3A_27 : vector<512x128xf32>
    %slice3A_29 = vector.extract_strided_slice %max3A_28 {offsets = [0, 0], sizes = [512, 32], strides = [1, 1]} : vector<512x128xf32> to vector<512x32xf32>
    %slice3A_30 = vector.extract_strided_slice %max3A_28 {offsets = [0, 32], sizes = [512, 32], strides = [1, 1]} : vector<512x128xf32> to vector<512x32xf32>
    %get3A_31 = arith.constant 0 : index
    %get3A_32 = arith.constant 0 : index
    %get3A_33 = vector.load %arg2[%get3A_31, %get3A_32] : memref<96x64xf32, #tpu.memory_space<vmem>>, vector<96x64xf32>
    %concatenate3A = tpu.concatenate %slice3A, %slice3A_6, %slice3A_7 in 1 : vector<512x32xf32>, vector<512x32xf32>, vector<512x32xf32> -> vector<512x96xf32>
    %dot_general3A = arith.constant dense<0.000000e+00> : vector<512x64xf32>
    %dot_general3A_34 = tpu.matmul %concatenate3A, %get3A_33, %dot_general3A {dimension_numbers = #tpu.dot_dimension_numbers<[1], [0], [0], [1], [0, 0, 1, 1], [], []>, transpose_lhs_hint = false} : vector<512x96xf32>, vector<96x64xf32>, vector<512x64xf32> -> vector<512x64xf32>
    %get3A_35 = arith.constant 0 : index
    %get3A_36 = arith.constant 0 : index
    %get3A_37 = vector.load %arg3[%get3A_35, %get3A_36] : memref<1x64xf32, #tpu.memory_space<vmem>>, vector<1x64xf32>
    %add3A = vector.broadcast %get3A_37 : vector<1x64xf32> to vector<512x64xf32>
    %add3A_38 = arith.addf %dot_general3A_34, %add3A : vector<512x64xf32>
    %slice3A_39 = vector.extract_strided_slice %add3A_38 {offsets = [0, 0], sizes = [512, 32], strides = [1, 1]} : vector<512x64xf32> to vector<512x32xf32>
    %slice3A_40 = vector.extract_strided_slice %add3A_38 {offsets = [0, 32], sizes = [512, 32], strides = [1, 1]} : vector<512x64xf32> to vector<512x32xf32>
    %get3A_41 = arith.constant 0 : index
    %get3A_42 = arith.constant 0 : index
    %get3A_43 = vector.load %arg4[%get3A_41, %get3A_42] : memref<32x32xf32, #tpu.memory_space<vmem>>, vector<32x32xf32>
    %dot_general3A_44 = arith.constant dense<0.000000e+00> : vector<512x32xf32>
    %dot_general3A_45 = tpu.matmul %slice3A_7, %get3A_43, %dot_general3A_44 {dimension_numbers = #tpu.dot_dimension_numbers<[1], [0], [0], [1], [0, 0, 1, 1], [], []>, transpose_lhs_hint = false} : vector<512x32xf32>, vector<32x32xf32>, vector<512x32xf32> -> vector<512x32xf32>
    %add3A_46 = arith.addf %slice3A_39, %dot_general3A_45 : vector<512x32xf32>
    %logistic3A = arith.negf %slice3A_40 : vector<512x32xf32>
    %logistic3A_47 = math.exp %logistic3A : vector<512x32xf32>
    %logistic3A_48 = arith.constant 1.000000e+00 : f32
    %logistic3A_49 = vector.broadcast %logistic3A_48 : f32 to vector<512x32xf32>
    %logistic3A_50 = arith.addf %logistic3A_49, %logistic3A_47 : vector<512x32xf32>
    %logistic3A_51 = arith.divf %logistic3A_49, %logistic3A_50 : vector<512x32xf32>
    %mul3A = arith.mulf %add3A_46, %logistic3A_51 : vector<512x32xf32>
    %reduce_sum3A = arith.constant dense<0.000000e+00> : vector<512xf32>
    %reduce_sum3A_52 = vector.multi_reduction <add>, %mul3A, %reduce_sum3A [1] : vector<512x32xf32> to vector<512xf32>
    %broadcast_in_dim3A = vector.shape_cast %reduce_sum3A_52 : vector<512xf32> to vector<512x1xf32>
    %div3A = arith.constant 3.200000e+01 : f32
    %div3A_53 = vector.broadcast %div3A : f32 to vector<512x1xf32>
    %div3A_54 = arith.divf %broadcast_in_dim3A, %div3A_53 : vector<512x1xf32>
    %sub3A = vector.broadcast %div3A_54 : vector<512x1xf32> to vector<512x32xf32>
    %sub3A_55 = arith.subf %mul3A, %sub3A : vector<512x32xf32>
    %integer_pow3A = arith.mulf %sub3A_55, %sub3A_55 : vector<512x32xf32>
    %reduce_sum3A_56 = arith.constant dense<0.000000e+00> : vector<512xf32>
    %reduce_sum3A_57 = vector.multi_reduction <add>, %integer_pow3A, %reduce_sum3A_56 [1] : vector<512x32xf32> to vector<512xf32>
    %broadcast_in_dim3A_58 = vector.shape_cast %reduce_sum3A_57 : vector<512xf32> to vector<512x1xf32>
    %div3A_59 = arith.constant 3.200000e+01 : f32
    %div3A_60 = vector.broadcast %div3A_59 : f32 to vector<512x1xf32>
    %div3A_61 = arith.divf %broadcast_in_dim3A_58, %div3A_60 : vector<512x1xf32>
    %sub3A_62 = vector.broadcast %div3A_54 : vector<512x1xf32> to vector<512x32xf32>
    %sub3A_63 = arith.subf %mul3A, %sub3A_62 : vector<512x32xf32>
    %add3A_64 = arith.constant 9.99999974E-6 : f32
    %add3A_65 = vector.broadcast %add3A_64 : f32 to vector<512x1xf32>
    %add3A_66 = arith.addf %div3A_61, %add3A_65 : vector<512x1xf32>
    %rsqrt3A = math.rsqrt %add3A_66 : vector<512x1xf32>
    %mul3A_67 = vector.broadcast %rsqrt3A : vector<512x1xf32> to vector<512x32xf32>
    %mul3A_68 = arith.mulf %sub3A_63, %mul3A_67 : vector<512x32xf32>
    %get3A_69 = arith.constant 0 : index
    %get3A_70 = arith.constant 0 : index
    %get3A_71 = vector.load %arg5[%get3A_69, %get3A_70] : memref<1x32xf32, #tpu.memory_space<vmem>>, vector<1x32xf32>
    %mul3A_72 = vector.broadcast %get3A_71 : vector<1x32xf32> to vector<512x32xf32>
    %mul3A_73 = arith.mulf %mul3A_68, %mul3A_72 : vector<512x32xf32>
    %get3A_74 = arith.constant 0 : index
    %get3A_75 = arith.constant 0 : index
    %get3A_76 = vector.load %arg6[%get3A_74, %get3A_75] : memref<1x32xf32, #tpu.memory_space<vmem>>, vector<1x32xf32>
    %add3A_77 = vector.broadcast %get3A_76 : vector<1x32xf32> to vector<512x32xf32>
    %add3A_78 = arith.addf %mul3A_73, %add3A_77 : vector<512x32xf32>
    %concatenate3A_79 = tpu.concatenate %slice3A_6, %slice3A_7, %slice3A_8 in 1 : vector<512x32xf32>, vector<512x32xf32>, vector<512x32xf32> -> vector<512x96xf32>
    %dot_general3A_80 = arith.constant dense<0.000000e+00> : vector<512x64xf32>
    %dot_general3A_81 = tpu.matmul %concatenate3A_79, %get3A_33, %dot_general3A_80 {dimension_numbers = #tpu.dot_dimension_numbers<[1], [0], [0], [1], [0, 0, 1, 1], [], []>, transpose_lhs_hint = false} : vector<512x96xf32>, vector<96x64xf32>, vector<512x64xf32> -> vector<512x64xf32>
    %get3A_82 = arith.constant 0 : index
    %get3A_83 = arith.constant 0 : index
    %get3A_84 = vector.load %arg3[%get3A_82, %get3A_83] : memref<1x64xf32, #tpu.memory_space<vmem>>, vector<1x64xf32>
    %add3A_85 = vector.broadcast %get3A_84 : vector<1x64xf32> to vector<512x64xf32>
    %add3A_86 = arith.addf %dot_general3A_81, %add3A_85 : vector<512x64xf32>
    %slice3A_87 = vector.extract_strided_slice %add3A_86 {offsets = [0, 0], sizes = [512, 32], strides = [1, 1]} : vector<512x64xf32> to vector<512x32xf32>
    %slice3A_88 = vector.extract_strided_slice %add3A_86 {offsets = [0, 32], sizes = [512, 32], strides = [1, 1]} : vector<512x64xf32> to vector<512x32xf32>
    %get3A_89 = arith.constant 0 : index
    %get3A_90 = arith.constant 0 : index
    %get3A_91 = vector.load %arg4[%get3A_89, %get3A_90] : memref<32x32xf32, #tpu.memory_space<vmem>>, vector<32x32xf32>
    %dot_general3A_92 = arith.constant dense<0.000000e+00> : vector<512x32xf32>
    %dot_general3A_93 = tpu.matmul %slice3A_8, %get3A_91, %dot_general3A_92 {dimension_numbers = #tpu.dot_dimension_numbers<[1], [0], [0], [1], [0, 0, 1, 1], [], []>, transpose_lhs_hint = false} : vector<512x32xf32>, vector<32x32xf32>, vector<512x32xf32> -> vector<512x32xf32>
    %add3A_94 = arith.addf %slice3A_87, %dot_general3A_93 : vector<512x32xf32>
    %logistic3A_95 = arith.negf %slice3A_88 : vector<512x32xf32>
    %logistic3A_96 = math.exp %logistic3A_95 : vector<512x32xf32>
    %logistic3A_97 = arith.constant 1.000000e+00 : f32
    %logistic3A_98 = vector.broadcast %logistic3A_97 : f32 to vector<512x32xf32>
    %logistic3A_99 = arith.addf %logistic3A_98, %logistic3A_96 : vector<512x32xf32>
    %logistic3A_100 = arith.divf %logistic3A_98, %logistic3A_99 : vector<512x32xf32>
    %mul3A_101 = arith.mulf %add3A_94, %logistic3A_100 : vector<512x32xf32>
    %reduce_sum3A_102 = arith.constant dense<0.000000e+00> : vector<512xf32>
    %reduce_sum3A_103 = vector.multi_reduction <add>, %mul3A_101, %reduce_sum3A_102 [1] : vector<512x32xf32> to vector<512xf32>
    %broadcast_in_dim3A_104 = vector.shape_cast %reduce_sum3A_103 : vector<512xf32> to vector<512x1xf32>
    %div3A_105 = arith.constant 3.200000e+01 : f32
    %div3A_106 = vector.broadcast %div3A_105 : f32 to vector<512x1xf32>
    %div3A_107 = arith.divf %broadcast_in_dim3A_104, %div3A_106 : vector<512x1xf32>
    %sub3A_108 = vector.broadcast %div3A_107 : vector<512x1xf32> to vector<512x32xf32>
    %sub3A_109 = arith.subf %mul3A_101, %sub3A_108 : vector<512x32xf32>
    %integer_pow3A_110 = arith.mulf %sub3A_109, %sub3A_109 : vector<512x32xf32>
    %reduce_sum3A_111 = arith.constant dense<0.000000e+00> : vector<512xf32>
    %reduce_sum3A_112 = vector.multi_reduction <add>, %integer_pow3A_110, %reduce_sum3A_111 [1] : vector<512x32xf32> to vector<512xf32>
    %broadcast_in_dim3A_113 = vector.shape_cast %reduce_sum3A_112 : vector<512xf32> to vector<512x1xf32>
    %div3A_114 = arith.constant 3.200000e+01 : f32
    %div3A_115 = vector.broadcast %div3A_114 : f32 to vector<512x1xf32>
    %div3A_116 = arith.divf %broadcast_in_dim3A_113, %div3A_115 : vector<512x1xf32>
    %sub3A_117 = vector.broadcast %div3A_107 : vector<512x1xf32> to vector<512x32xf32>
    %sub3A_118 = arith.subf %mul3A_101, %sub3A_117 : vector<512x32xf32>
    %add3A_119 = arith.constant 9.99999974E-6 : f32
    %add3A_120 = vector.broadcast %add3A_119 : f32 to vector<512x1xf32>
    %add3A_121 = arith.addf %div3A_116, %add3A_120 : vector<512x1xf32>
    %rsqrt3A_122 = math.rsqrt %add3A_121 : vector<512x1xf32>
    %mul3A_123 = vector.broadcast %rsqrt3A_122 : vector<512x1xf32> to vector<512x32xf32>
    %mul3A_124 = arith.mulf %sub3A_118, %mul3A_123 : vector<512x32xf32>
    %get3A_125 = arith.constant 0 : index
    %get3A_126 = arith.constant 0 : index
    %get3A_127 = vector.load %arg5[%get3A_125, %get3A_126] : memref<1x32xf32, #tpu.memory_space<vmem>>, vector<1x32xf32>
    %mul3A_128 = vector.broadcast %get3A_127 : vector<1x32xf32> to vector<512x32xf32>
    %mul3A_129 = arith.mulf %mul3A_124, %mul3A_128 : vector<512x32xf32>
    %get3A_130 = arith.constant 0 : index
    %get3A_131 = arith.constant 0 : index
    %get3A_132 = vector.load %arg6[%get3A_130, %get3A_131] : memref<1x32xf32, #tpu.memory_space<vmem>>, vector<1x32xf32>
    %add3A_133 = vector.broadcast %get3A_132 : vector<1x32xf32> to vector<512x32xf32>
    %add3A_134 = arith.addf %mul3A_129, %add3A_133 : vector<512x32xf32>
    %concatenate3A_135 = tpu.concatenate %slice3A_7, %slice3A_8, %slice3A_17 in 1 : vector<512x32xf32>, vector<512x32xf32>, vector<512x32xf32> -> vector<512x96xf32>
    %dot_general3A_136 = arith.constant dense<0.000000e+00> : vector<512x64xf32>
    %dot_general3A_137 = tpu.matmul %concatenate3A_135, %get3A_33, %dot_general3A_136 {dimension_numbers = #tpu.dot_dimension_numbers<[1], [0], [0], [1], [0, 0, 1, 1], [], []>, transpose_lhs_hint = false} : vector<512x96xf32>, vector<96x64xf32>, vector<512x64xf32> -> vector<512x64xf32>
    %get3A_138 = arith.constant 0 : index
    %get3A_139 = arith.constant 0 : index
    %get3A_140 = vector.load %arg3[%get3A_138, %get3A_139] : memref<1x64xf32, #tpu.memory_space<vmem>>, vector<1x64xf32>
    %add3A_141 = vector.broadcast %get3A_140 : vector<1x64xf32> to vector<512x64xf32>
    %add3A_142 = arith.addf %dot_general3A_137, %add3A_141 : vector<512x64xf32>
    %slice3A_143 = vector.extract_strided_slice %add3A_142 {offsets = [0, 0], sizes = [512, 32], strides = [1, 1]} : vector<512x64xf32> to vector<512x32xf32>
    %slice3A_144 = vector.extract_strided_slice %add3A_142 {offsets = [0, 32], sizes = [512, 32], strides = [1, 1]} : vector<512x64xf32> to vector<512x32xf32>
    %get3A_145 = arith.constant 0 : index
    %get3A_146 = arith.constant 0 : index
    %get3A_147 = vector.load %arg4[%get3A_145, %get3A_146] : memref<32x32xf32, #tpu.memory_space<vmem>>, vector<32x32xf32>
    %dot_general3A_148 = arith.constant dense<0.000000e+00> : vector<512x32xf32>
    %dot_general3A_149 = tpu.matmul %slice3A_17, %get3A_147, %dot_general3A_148 {dimension_numbers = #tpu.dot_dimension_numbers<[1], [0], [0], [1], [0, 0, 1, 1], [], []>, transpose_lhs_hint = false} : vector<512x32xf32>, vector<32x32xf32>, vector<512x32xf32> -> vector<512x32xf32>
    %add3A_150 = arith.addf %slice3A_143, %dot_general3A_149 : vector<512x32xf32>
    %logistic3A_151 = arith.negf %slice3A_144 : vector<512x32xf32>
    %logistic3A_152 = math.exp %logistic3A_151 : vector<512x32xf32>
    %logistic3A_153 = arith.constant 1.000000e+00 : f32
    %logistic3A_154 = vector.broadcast %logistic3A_153 : f32 to vector<512x32xf32>
    %logistic3A_155 = arith.addf %logistic3A_154, %logistic3A_152 : vector<512x32xf32>
    %logistic3A_156 = arith.divf %logistic3A_154, %logistic3A_155 : vector<512x32xf32>
    %mul3A_157 = arith.mulf %add3A_150, %logistic3A_156 : vector<512x32xf32>
    %reduce_sum3A_158 = arith.constant dense<0.000000e+00> : vector<512xf32>
    %reduce_sum3A_159 = vector.multi_reduction <add>, %mul3A_157, %reduce_sum3A_158 [1] : vector<512x32xf32> to vector<512xf32>
    %broadcast_in_dim3A_160 = vector.shape_cast %reduce_sum3A_159 : vector<512xf32> to vector<512x1xf32>
    %div3A_161 = arith.constant 3.200000e+01 : f32
    %div3A_162 = vector.broadcast %div3A_161 : f32 to vector<512x1xf32>
    %div3A_163 = arith.divf %broadcast_in_dim3A_160, %div3A_162 : vector<512x1xf32>
    %sub3A_164 = vector.broadcast %div3A_163 : vector<512x1xf32> to vector<512x32xf32>
    %sub3A_165 = arith.subf %mul3A_157, %sub3A_164 : vector<512x32xf32>
    %integer_pow3A_166 = arith.mulf %sub3A_165, %sub3A_165 : vector<512x32xf32>
    %reduce_sum3A_167 = arith.constant dense<0.000000e+00> : vector<512xf32>
    %reduce_sum3A_168 = vector.multi_reduction <add>, %integer_pow3A_166, %reduce_sum3A_167 [1] : vector<512x32xf32> to vector<512xf32>
    %broadcast_in_dim3A_169 = vector.shape_cast %reduce_sum3A_168 : vector<512xf32> to vector<512x1xf32>
    %div3A_170 = arith.constant 3.200000e+01 : f32
    %div3A_171 = vector.broadcast %div3A_170 : f32 to vector<512x1xf32>
    %div3A_172 = arith.divf %broadcast_in_dim3A_169, %div3A_171 : vector<512x1xf32>
    %sub3A_173 = vector.broadcast %div3A_163 : vector<512x1xf32> to vector<512x32xf32>
    %sub3A_174 = arith.subf %mul3A_157, %sub3A_173 : vector<512x32xf32>
    %add3A_175 = arith.constant 9.99999974E-6 : f32
    %add3A_176 = vector.broadcast %add3A_175 : f32 to vector<512x1xf32>
    %add3A_177 = arith.addf %div3A_172, %add3A_176 : vector<512x1xf32>
    %rsqrt3A_178 = math.rsqrt %add3A_177 : vector<512x1xf32>
    %mul3A_179 = vector.broadcast %rsqrt3A_178 : vector<512x1xf32> to vector<512x32xf32>
    %mul3A_180 = arith.mulf %sub3A_174, %mul3A_179 : vector<512x32xf32>
    %get3A_181 = arith.constant 0 : index
    %get3A_182 = arith.constant 0 : index
    %get3A_183 = vector.load %arg5[%get3A_181, %get3A_182] : memref<1x32xf32, #tpu.memory_space<vmem>>, vector<1x32xf32>
    %mul3A_184 = vector.broadcast %get3A_183 : vector<1x32xf32> to vector<512x32xf32>
    %mul3A_185 = arith.mulf %mul3A_180, %mul3A_184 : vector<512x32xf32>
    %get3A_186 = arith.constant 0 : index
    %get3A_187 = arith.constant 0 : index
    %get3A_188 = vector.load %arg6[%get3A_186, %get3A_187] : memref<1x32xf32, #tpu.memory_space<vmem>>, vector<1x32xf32>
    %add3A_189 = vector.broadcast %get3A_188 : vector<1x32xf32> to vector<512x32xf32>
    %add3A_190 = arith.addf %mul3A_185, %add3A_189 : vector<512x32xf32>
    %concatenate3A_191 = tpu.concatenate %slice3A_8, %slice3A_17, %slice3A_18 in 1 : vector<512x32xf32>, vector<512x32xf32>, vector<512x32xf32> -> vector<512x96xf32>
    %dot_general3A_192 = arith.constant dense<0.000000e+00> : vector<512x64xf32>
    %dot_general3A_193 = tpu.matmul %concatenate3A_191, %get3A_33, %dot_general3A_192 {dimension_numbers = #tpu.dot_dimension_numbers<[1], [0], [0], [1], [0, 0, 1, 1], [], []>, transpose_lhs_hint = false} : vector<512x96xf32>, vector<96x64xf32>, vector<512x64xf32> -> vector<512x64xf32>
    %get3A_194 = arith.constant 0 : index
    %get3A_195 = arith.constant 0 : index
    %get3A_196 = vector.load %arg3[%get3A_194, %get3A_195] : memref<1x64xf32, #tpu.memory_space<vmem>>, vector<1x64xf32>
    %add3A_197 = vector.broadcast %get3A_196 : vector<1x64xf32> to vector<512x64xf32>
    %add3A_198 = arith.addf %dot_general3A_193, %add3A_197 : vector<512x64xf32>
    %slice3A_199 = vector.extract_strided_slice %add3A_198 {offsets = [0, 0], sizes = [512, 32], strides = [1, 1]} : vector<512x64xf32> to vector<512x32xf32>
    %slice3A_200 = vector.extract_strided_slice %add3A_198 {offsets = [0, 32], sizes = [512, 32], strides = [1, 1]} : vector<512x64xf32> to vector<512x32xf32>
    %get3A_201 = arith.constant 0 : index
    %get3A_202 = arith.constant 0 : index
    %get3A_203 = vector.load %arg4[%get3A_201, %get3A_202] : memref<32x32xf32, #tpu.memory_space<vmem>>, vector<32x32xf32>
    %dot_general3A_204 = arith.constant dense<0.000000e+00> : vector<512x32xf32>
    %dot_general3A_205 = tpu.matmul %slice3A_18, %get3A_203, %dot_general3A_204 {dimension_numbers = #tpu.dot_dimension_numbers<[1], [0], [0], [1], [0, 0, 1, 1], [], []>, transpose_lhs_hint = false} : vector<512x32xf32>, vector<32x32xf32>, vector<512x32xf32> -> vector<512x32xf32>
    %add3A_206 = arith.addf %slice3A_199, %dot_general3A_205 : vector<512x32xf32>
    %logistic3A_207 = arith.negf %slice3A_200 : vector<512x32xf32>
    %logistic3A_208 = math.exp %logistic3A_207 : vector<512x32xf32>
    %logistic3A_209 = arith.constant 1.000000e+00 : f32
    %logistic3A_210 = vector.broadcast %logistic3A_209 : f32 to vector<512x32xf32>
    %logistic3A_211 = arith.addf %logistic3A_210, %logistic3A_208 : vector<512x32xf32>
    %logistic3A_212 = arith.divf %logistic3A_210, %logistic3A_211 : vector<512x32xf32>
    %mul3A_213 = arith.mulf %add3A_206, %logistic3A_212 : vector<512x32xf32>
    %reduce_sum3A_214 = arith.constant dense<0.000000e+00> : vector<512xf32>
    %reduce_sum3A_215 = vector.multi_reduction <add>, %mul3A_213, %reduce_sum3A_214 [1] : vector<512x32xf32> to vector<512xf32>
    %broadcast_in_dim3A_216 = vector.shape_cast %reduce_sum3A_215 : vector<512xf32> to vector<512x1xf32>
    %div3A_217 = arith.constant 3.200000e+01 : f32
    %div3A_218 = vector.broadcast %div3A_217 : f32 to vector<512x1xf32>
    %div3A_219 = arith.divf %broadcast_in_dim3A_216, %div3A_218 : vector<512x1xf32>
    %sub3A_220 = vector.broadcast %div3A_219 : vector<512x1xf32> to vector<512x32xf32>
    %sub3A_221 = arith.subf %mul3A_213, %sub3A_220 : vector<512x32xf32>
    %integer_pow3A_222 = arith.mulf %sub3A_221, %sub3A_221 : vector<512x32xf32>
    %reduce_sum3A_223 = arith.constant dense<0.000000e+00> : vector<512xf32>
    %reduce_sum3A_224 = vector.multi_reduction <add>, %integer_pow3A_222, %reduce_sum3A_223 [1] : vector<512x32xf32> to vector<512xf32>
    %broadcast_in_dim3A_225 = vector.shape_cast %reduce_sum3A_224 : vector<512xf32> to vector<512x1xf32>
    %div3A_226 = arith.constant 3.200000e+01 : f32
    %div3A_227 = vector.broadcast %div3A_226 : f32 to vector<512x1xf32>
    %div3A_228 = arith.divf %broadcast_in_dim3A_225, %div3A_227 : vector<512x1xf32>
    %sub3A_229 = vector.broadcast %div3A_219 : vector<512x1xf32> to vector<512x32xf32>
    %sub3A_230 = arith.subf %mul3A_213, %sub3A_229 : vector<512x32xf32>
    %add3A_231 = arith.constant 9.99999974E-6 : f32
    %add3A_232 = vector.broadcast %add3A_231 : f32 to vector<512x1xf32>
    %add3A_233 = arith.addf %div3A_228, %add3A_232 : vector<512x1xf32>
    %rsqrt3A_234 = math.rsqrt %add3A_233 : vector<512x1xf32>
    %mul3A_235 = vector.broadcast %rsqrt3A_234 : vector<512x1xf32> to vector<512x32xf32>
    %mul3A_236 = arith.mulf %sub3A_230, %mul3A_235 : vector<512x32xf32>
    %get3A_237 = arith.constant 0 : index
    %get3A_238 = arith.constant 0 : index
    %get3A_239 = vector.load %arg5[%get3A_237, %get3A_238] : memref<1x32xf32, #tpu.memory_space<vmem>>, vector<1x32xf32>
    %mul3A_240 = vector.broadcast %get3A_239 : vector<1x32xf32> to vector<512x32xf32>
    %mul3A_241 = arith.mulf %mul3A_236, %mul3A_240 : vector<512x32xf32>
    %get3A_242 = arith.constant 0 : index
    %get3A_243 = arith.constant 0 : index
    %get3A_244 = vector.load %arg6[%get3A_242, %get3A_243] : memref<1x32xf32, #tpu.memory_space<vmem>>, vector<1x32xf32>
    %add3A_245 = vector.broadcast %get3A_244 : vector<1x32xf32> to vector<512x32xf32>
    %add3A_246 = arith.addf %mul3A_241, %add3A_245 : vector<512x32xf32>
    %concatenate3A_247 = tpu.concatenate %slice3A_17, %slice3A_18, %slice3A_19 in 1 : vector<512x32xf32>, vector<512x32xf32>, vector<512x32xf32> -> vector<512x96xf32>
    %dot_general3A_248 = arith.constant dense<0.000000e+00> : vector<512x64xf32>
    %dot_general3A_249 = tpu.matmul %concatenate3A_247, %get3A_33, %dot_general3A_248 {dimension_numbers = #tpu.dot_dimension_numbers<[1], [0], [0], [1], [0, 0, 1, 1], [], []>, transpose_lhs_hint = false} : vector<512x96xf32>, vector<96x64xf32>, vector<512x64xf32> -> vector<512x64xf32>
    %get3A_250 = arith.constant 0 : index
    %get3A_251 = arith.constant 0 : index
    %get3A_252 = vector.load %arg3[%get3A_250, %get3A_251] : memref<1x64xf32, #tpu.memory_space<vmem>>, vector<1x64xf32>
    %add3A_253 = vector.broadcast %get3A_252 : vector<1x64xf32> to vector<512x64xf32>
    %add3A_254 = arith.addf %dot_general3A_249, %add3A_253 : vector<512x64xf32>
    %slice3A_255 = vector.extract_strided_slice %add3A_254 {offsets = [0, 0], sizes = [512, 32], strides = [1, 1]} : vector<512x64xf32> to vector<512x32xf32>
    %slice3A_256 = vector.extract_strided_slice %add3A_254 {offsets = [0, 32], sizes = [512, 32], strides = [1, 1]} : vector<512x64xf32> to vector<512x32xf32>
    %get3A_257 = arith.constant 0 : index
    %get3A_258 = arith.constant 0 : index
    %get3A_259 = vector.load %arg4[%get3A_257, %get3A_258] : memref<32x32xf32, #tpu.memory_space<vmem>>, vector<32x32xf32>
    %dot_general3A_260 = arith.constant dense<0.000000e+00> : vector<512x32xf32>
    %dot_general3A_261 = tpu.matmul %slice3A_19, %get3A_259, %dot_general3A_260 {dimension_numbers = #tpu.dot_dimension_numbers<[1], [0], [0], [1], [0, 0, 1, 1], [], []>, transpose_lhs_hint = false} : vector<512x32xf32>, vector<32x32xf32>, vector<512x32xf32> -> vector<512x32xf32>
    %add3A_262 = arith.addf %slice3A_255, %dot_general3A_261 : vector<512x32xf32>
    %logistic3A_263 = arith.negf %slice3A_256 : vector<512x32xf32>
    %logistic3A_264 = math.exp %logistic3A_263 : vector<512x32xf32>
    %logistic3A_265 = arith.constant 1.000000e+00 : f32
    %logistic3A_266 = vector.broadcast %logistic3A_265 : f32 to vector<512x32xf32>
    %logistic3A_267 = arith.addf %logistic3A_266, %logistic3A_264 : vector<512x32xf32>
    %logistic3A_268 = arith.divf %logistic3A_266, %logistic3A_267 : vector<512x32xf32>
    %mul3A_269 = arith.mulf %add3A_262, %logistic3A_268 : vector<512x32xf32>
    %reduce_sum3A_270 = arith.constant dense<0.000000e+00> : vector<512xf32>
    %reduce_sum3A_271 = vector.multi_reduction <add>, %mul3A_269, %reduce_sum3A_270 [1] : vector<512x32xf32> to vector<512xf32>
    %broadcast_in_dim3A_272 = vector.shape_cast %reduce_sum3A_271 : vector<512xf32> to vector<512x1xf32>
    %div3A_273 = arith.constant 3.200000e+01 : f32
    %div3A_274 = vector.broadcast %div3A_273 : f32 to vector<512x1xf32>
    %div3A_275 = arith.divf %broadcast_in_dim3A_272, %div3A_274 : vector<512x1xf32>
    %sub3A_276 = vector.broadcast %div3A_275 : vector<512x1xf32> to vector<512x32xf32>
    %sub3A_277 = arith.subf %mul3A_269, %sub3A_276 : vector<512x32xf32>
    %integer_pow3A_278 = arith.mulf %sub3A_277, %sub3A_277 : vector<512x32xf32>
    %reduce_sum3A_279 = arith.constant dense<0.000000e+00> : vector<512xf32>
    %reduce_sum3A_280 = vector.multi_reduction <add>, %integer_pow3A_278, %reduce_sum3A_279 [1] : vector<512x32xf32> to vector<512xf32>
    %broadcast_in_dim3A_281 = vector.shape_cast %reduce_sum3A_280 : vector<512xf32> to vector<512x1xf32>
    %div3A_282 = arith.constant 3.200000e+01 : f32
    %div3A_283 = vector.broadcast %div3A_282 : f32 to vector<512x1xf32>
    %div3A_284 = arith.divf %broadcast_in_dim3A_281, %div3A_283 : vector<512x1xf32>
    %sub3A_285 = vector.broadcast %div3A_275 : vector<512x1xf32> to vector<512x32xf32>
    %sub3A_286 = arith.subf %mul3A_269, %sub3A_285 : vector<512x32xf32>
    %add3A_287 = arith.constant 9.99999974E-6 : f32
    %add3A_288 = vector.broadcast %add3A_287 : f32 to vector<512x1xf32>
    %add3A_289 = arith.addf %div3A_284, %add3A_288 : vector<512x1xf32>
    %rsqrt3A_290 = math.rsqrt %add3A_289 : vector<512x1xf32>
    %mul3A_291 = vector.broadcast %rsqrt3A_290 : vector<512x1xf32> to vector<512x32xf32>
    %mul3A_292 = arith.mulf %sub3A_286, %mul3A_291 : vector<512x32xf32>
    %get3A_293 = arith.constant 0 : index
    %get3A_294 = arith.constant 0 : index
    %get3A_295 = vector.load %arg5[%get3A_293, %get3A_294] : memref<1x32xf32, #tpu.memory_space<vmem>>, vector<1x32xf32>
    %mul3A_296 = vector.broadcast %get3A_295 : vector<1x32xf32> to vector<512x32xf32>
    %mul3A_297 = arith.mulf %mul3A_292, %mul3A_296 : vector<512x32xf32>
    %get3A_298 = arith.constant 0 : index
    %get3A_299 = arith.constant 0 : index
    %get3A_300 = vector.load %arg6[%get3A_298, %get3A_299] : memref<1x32xf32, #tpu.memory_space<vmem>>, vector<1x32xf32>
    %add3A_301 = vector.broadcast %get3A_300 : vector<1x32xf32> to vector<512x32xf32>
    %add3A_302 = arith.addf %mul3A_297, %add3A_301 : vector<512x32xf32>
    %concatenate3A_303 = tpu.concatenate %slice3A_18, %slice3A_19, %slice3A_20 in 1 : vector<512x32xf32>, vector<512x32xf32>, vector<512x32xf32> -> vector<512x96xf32>
    %dot_general3A_304 = arith.constant dense<0.000000e+00> : vector<512x64xf32>
    %dot_general3A_305 = tpu.matmul %concatenate3A_303, %get3A_33, %dot_general3A_304 {dimension_numbers = #tpu.dot_dimension_numbers<[1], [0], [0], [1], [0, 0, 1, 1], [], []>, transpose_lhs_hint = false} : vector<512x96xf32>, vector<96x64xf32>, vector<512x64xf32> -> vector<512x64xf32>
    %get3A_306 = arith.constant 0 : index
    %get3A_307 = arith.constant 0 : index
    %get3A_308 = vector.load %arg3[%get3A_306, %get3A_307] : memref<1x64xf32, #tpu.memory_space<vmem>>, vector<1x64xf32>
    %add3A_309 = vector.broadcast %get3A_308 : vector<1x64xf32> to vector<512x64xf32>
    %add3A_310 = arith.addf %dot_general3A_305, %add3A_309 : vector<512x64xf32>
    %slice3A_311 = vector.extract_strided_slice %add3A_310 {offsets = [0, 0], sizes = [512, 32], strides = [1, 1]} : vector<512x64xf32> to vector<512x32xf32>
    %slice3A_312 = vector.extract_strided_slice %add3A_310 {offsets = [0, 32], sizes = [512, 32], strides = [1, 1]} : vector<512x64xf32> to vector<512x32xf32>
    %get3A_313 = arith.constant 0 : index
    %get3A_314 = arith.constant 0 : index
    %get3A_315 = vector.load %arg4[%get3A_313, %get3A_314] : memref<32x32xf32, #tpu.memory_space<vmem>>, vector<32x32xf32>
    %dot_general3A_316 = arith.constant dense<0.000000e+00> : vector<512x32xf32>
    %dot_general3A_317 = tpu.matmul %slice3A_20, %get3A_315, %dot_general3A_316 {dimension_numbers = #tpu.dot_dimension_numbers<[1], [0], [0], [1], [0, 0, 1, 1], [], []>, transpose_lhs_hint = false} : vector<512x32xf32>, vector<32x32xf32>, vector<512x32xf32> -> vector<512x32xf32>
    %add3A_318 = arith.addf %slice3A_311, %dot_general3A_317 : vector<512x32xf32>
    %logistic3A_319 = arith.negf %slice3A_312 : vector<512x32xf32>
    %logistic3A_320 = math.exp %logistic3A_319 : vector<512x32xf32>
    %logistic3A_321 = arith.constant 1.000000e+00 : f32
    %logistic3A_322 = vector.broadcast %logistic3A_321 : f32 to vector<512x32xf32>
    %logistic3A_323 = arith.addf %logistic3A_322, %logistic3A_320 : vector<512x32xf32>
    %logistic3A_324 = arith.divf %logistic3A_322, %logistic3A_323 : vector<512x32xf32>
    %mul3A_325 = arith.mulf %add3A_318, %logistic3A_324 : vector<512x32xf32>
    %reduce_sum3A_326 = arith.constant dense<0.000000e+00> : vector<512xf32>
    %reduce_sum3A_327 = vector.multi_reduction <add>, %mul3A_325, %reduce_sum3A_326 [1] : vector<512x32xf32> to vector<512xf32>
    %broadcast_in_dim3A_328 = vector.shape_cast %reduce_sum3A_327 : vector<512xf32> to vector<512x1xf32>
    %div3A_329 = arith.constant 3.200000e+01 : f32
    %div3A_330 = vector.broadcast %div3A_329 : f32 to vector<512x1xf32>
    %div3A_331 = arith.divf %broadcast_in_dim3A_328, %div3A_330 : vector<512x1xf32>
    %sub3A_332 = vector.broadcast %div3A_331 : vector<512x1xf32> to vector<512x32xf32>
    %sub3A_333 = arith.subf %mul3A_325, %sub3A_332 : vector<512x32xf32>
    %integer_pow3A_334 = arith.mulf %sub3A_333, %sub3A_333 : vector<512x32xf32>
    %reduce_sum3A_335 = arith.constant dense<0.000000e+00> : vector<512xf32>
    %reduce_sum3A_336 = vector.multi_reduction <add>, %integer_pow3A_334, %reduce_sum3A_335 [1] : vector<512x32xf32> to vector<512xf32>
    %broadcast_in_dim3A_337 = vector.shape_cast %reduce_sum3A_336 : vector<512xf32> to vector<512x1xf32>
    %div3A_338 = arith.constant 3.200000e+01 : f32
    %div3A_339 = vector.broadcast %div3A_338 : f32 to vector<512x1xf32>
    %div3A_340 = arith.divf %broadcast_in_dim3A_337, %div3A_339 : vector<512x1xf32>
    %sub3A_341 = vector.broadcast %div3A_331 : vector<512x1xf32> to vector<512x32xf32>
    %sub3A_342 = arith.subf %mul3A_325, %sub3A_341 : vector<512x32xf32>
    %add3A_343 = arith.constant 9.99999974E-6 : f32
    %add3A_344 = vector.broadcast %add3A_343 : f32 to vector<512x1xf32>
    %add3A_345 = arith.addf %div3A_340, %add3A_344 : vector<512x1xf32>
    %rsqrt3A_346 = math.rsqrt %add3A_345 : vector<512x1xf32>
    %mul3A_347 = vector.broadcast %rsqrt3A_346 : vector<512x1xf32> to vector<512x32xf32>
    %mul3A_348 = arith.mulf %sub3A_342, %mul3A_347 : vector<512x32xf32>
    %get3A_349 = arith.constant 0 : index
    %get3A_350 = arith.constant 0 : index
    %get3A_351 = vector.load %arg5[%get3A_349, %get3A_350] : memref<1x32xf32, #tpu.memory_space<vmem>>, vector<1x32xf32>
    %mul3A_352 = vector.broadcast %get3A_351 : vector<1x32xf32> to vector<512x32xf32>
    %mul3A_353 = arith.mulf %mul3A_348, %mul3A_352 : vector<512x32xf32>
    %get3A_354 = arith.constant 0 : index
    %get3A_355 = arith.constant 0 : index
    %get3A_356 = vector.load %arg6[%get3A_354, %get3A_355] : memref<1x32xf32, #tpu.memory_space<vmem>>, vector<1x32xf32>
    %add3A_357 = vector.broadcast %get3A_356 : vector<1x32xf32> to vector<512x32xf32>
    %add3A_358 = arith.addf %mul3A_353, %add3A_357 : vector<512x32xf32>
    %concatenate3A_359 = tpu.concatenate %slice3A_19, %slice3A_20, %slice3A_29 in 1 : vector<512x32xf32>, vector<512x32xf32>, vector<512x32xf32> -> vector<512x96xf32>
    %dot_general3A_360 = arith.constant dense<0.000000e+00> : vector<512x64xf32>
    %dot_general3A_361 = tpu.matmul %concatenate3A_359, %get3A_33, %dot_general3A_360 {dimension_numbers = #tpu.dot_dimension_numbers<[1], [0], [0], [1], [0, 0, 1, 1], [], []>, transpose_lhs_hint = false} : vector<512x96xf32>, vector<96x64xf32>, vector<512x64xf32> -> vector<512x64xf32>
    %get3A_362 = arith.constant 0 : index
    %get3A_363 = arith.constant 0 : index
    %get3A_364 = vector.load %arg3[%get3A_362, %get3A_363] : memref<1x64xf32, #tpu.memory_space<vmem>>, vector<1x64xf32>
    %add3A_365 = vector.broadcast %get3A_364 : vector<1x64xf32> to vector<512x64xf32>
    %add3A_366 = arith.addf %dot_general3A_361, %add3A_365 : vector<512x64xf32>
    %slice3A_367 = vector.extract_strided_slice %add3A_366 {offsets = [0, 0], sizes = [512, 32], strides = [1, 1]} : vector<512x64xf32> to vector<512x32xf32>
    %slice3A_368 = vector.extract_strided_slice %add3A_366 {offsets = [0, 32], sizes = [512, 32], strides = [1, 1]} : vector<512x64xf32> to vector<512x32xf32>
    %get3A_369 = arith.constant 0 : index
    %get3A_370 = arith.constant 0 : index
    %get3A_371 = vector.load %arg4[%get3A_369, %get3A_370] : memref<32x32xf32, #tpu.memory_space<vmem>>, vector<32x32xf32>
    %dot_general3A_372 = arith.constant dense<0.000000e+00> : vector<512x32xf32>
    %dot_general3A_373 = tpu.matmul %slice3A_29, %get3A_371, %dot_general3A_372 {dimension_numbers = #tpu.dot_dimension_numbers<[1], [0], [0], [1], [0, 0, 1, 1], [], []>, transpose_lhs_hint = false} : vector<512x32xf32>, vector<32x32xf32>, vector<512x32xf32> -> vector<512x32xf32>
    %add3A_374 = arith.addf %slice3A_367, %dot_general3A_373 : vector<512x32xf32>
    %logistic3A_375 = arith.negf %slice3A_368 : vector<512x32xf32>
    %logistic3A_376 = math.exp %logistic3A_375 : vector<512x32xf32>
    %logistic3A_377 = arith.constant 1.000000e+00 : f32
    %logistic3A_378 = vector.broadcast %logistic3A_377 : f32 to vector<512x32xf32>
    %logistic3A_379 = arith.addf %logistic3A_378, %logistic3A_376 : vector<512x32xf32>
    %logistic3A_380 = arith.divf %logistic3A_378, %logistic3A_379 : vector<512x32xf32>
    %mul3A_381 = arith.mulf %add3A_374, %logistic3A_380 : vector<512x32xf32>
    %reduce_sum3A_382 = arith.constant dense<0.000000e+00> : vector<512xf32>
    %reduce_sum3A_383 = vector.multi_reduction <add>, %mul3A_381, %reduce_sum3A_382 [1] : vector<512x32xf32> to vector<512xf32>
    %broadcast_in_dim3A_384 = vector.shape_cast %reduce_sum3A_383 : vector<512xf32> to vector<512x1xf32>
    %div3A_385 = arith.constant 3.200000e+01 : f32
    %div3A_386 = vector.broadcast %div3A_385 : f32 to vector<512x1xf32>
    %div3A_387 = arith.divf %broadcast_in_dim3A_384, %div3A_386 : vector<512x1xf32>
    %sub3A_388 = vector.broadcast %div3A_387 : vector<512x1xf32> to vector<512x32xf32>
    %sub3A_389 = arith.subf %mul3A_381, %sub3A_388 : vector<512x32xf32>
    %integer_pow3A_390 = arith.mulf %sub3A_389, %sub3A_389 : vector<512x32xf32>
    %reduce_sum3A_391 = arith.constant dense<0.000000e+00> : vector<512xf32>
    %reduce_sum3A_392 = vector.multi_reduction <add>, %integer_pow3A_390, %reduce_sum3A_391 [1] : vector<512x32xf32> to vector<512xf32>
    %broadcast_in_dim3A_393 = vector.shape_cast %reduce_sum3A_392 : vector<512xf32> to vector<512x1xf32>
    %div3A_394 = arith.constant 3.200000e+01 : f32
    %div3A_395 = vector.broadcast %div3A_394 : f32 to vector<512x1xf32>
    %div3A_396 = arith.divf %broadcast_in_dim3A_393, %div3A_395 : vector<512x1xf32>
    %sub3A_397 = vector.broadcast %div3A_387 : vector<512x1xf32> to vector<512x32xf32>
    %sub3A_398 = arith.subf %mul3A_381, %sub3A_397 : vector<512x32xf32>
    %add3A_399 = arith.constant 9.99999974E-6 : f32
    %add3A_400 = vector.broadcast %add3A_399 : f32 to vector<512x1xf32>
    %add3A_401 = arith.addf %div3A_396, %add3A_400 : vector<512x1xf32>
    %rsqrt3A_402 = math.rsqrt %add3A_401 : vector<512x1xf32>
    %mul3A_403 = vector.broadcast %rsqrt3A_402 : vector<512x1xf32> to vector<512x32xf32>
    %mul3A_404 = arith.mulf %sub3A_398, %mul3A_403 : vector<512x32xf32>
    %get3A_405 = arith.constant 0 : index
    %get3A_406 = arith.constant 0 : index
    %get3A_407 = vector.load %arg5[%get3A_405, %get3A_406] : memref<1x32xf32, #tpu.memory_space<vmem>>, vector<1x32xf32>
    %mul3A_408 = vector.broadcast %get3A_407 : vector<1x32xf32> to vector<512x32xf32>
    %mul3A_409 = arith.mulf %mul3A_404, %mul3A_408 : vector<512x32xf32>
    %get3A_410 = arith.constant 0 : index
    %get3A_411 = arith.constant 0 : index
    %get3A_412 = vector.load %arg6[%get3A_410, %get3A_411] : memref<1x32xf32, #tpu.memory_space<vmem>>, vector<1x32xf32>
    %add3A_413 = vector.broadcast %get3A_412 : vector<1x32xf32> to vector<512x32xf32>
    %add3A_414 = arith.addf %mul3A_409, %add3A_413 : vector<512x32xf32>
    %concatenate3A_415 = tpu.concatenate %slice3A_20, %slice3A_29, %slice3A_30 in 1 : vector<512x32xf32>, vector<512x32xf32>, vector<512x32xf32> -> vector<512x96xf32>
    %dot_general3A_416 = arith.constant dense<0.000000e+00> : vector<512x64xf32>
    %dot_general3A_417 = tpu.matmul %concatenate3A_415, %get3A_33, %dot_general3A_416 {dimension_numbers = #tpu.dot_dimension_numbers<[1], [0], [0], [1], [0, 0, 1, 1], [], []>, transpose_lhs_hint = false} : vector<512x96xf32>, vector<96x64xf32>, vector<512x64xf32> -> vector<512x64xf32>
    %get3A_418 = arith.constant 0 : index
    %get3A_419 = arith.constant 0 : index
    %get3A_420 = vector.load %arg3[%get3A_418, %get3A_419] : memref<1x64xf32, #tpu.memory_space<vmem>>, vector<1x64xf32>
    %add3A_421 = vector.broadcast %get3A_420 : vector<1x64xf32> to vector<512x64xf32>
    %add3A_422 = arith.addf %dot_general3A_417, %add3A_421 : vector<512x64xf32>
    %slice3A_423 = vector.extract_strided_slice %add3A_422 {offsets = [0, 0], sizes = [512, 32], strides = [1, 1]} : vector<512x64xf32> to vector<512x32xf32>
    %slice3A_424 = vector.extract_strided_slice %add3A_422 {offsets = [0, 32], sizes = [512, 32], strides = [1, 1]} : vector<512x64xf32> to vector<512x32xf32>
    %get3A_425 = arith.constant 0 : index
    %get3A_426 = arith.constant 0 : index
    %get3A_427 = vector.load %arg4[%get3A_425, %get3A_426] : memref<32x32xf32, #tpu.memory_space<vmem>>, vector<32x32xf32>
    %dot_general3A_428 = arith.constant dense<0.000000e+00> : vector<512x32xf32>
    %dot_general3A_429 = tpu.matmul %slice3A_30, %get3A_427, %dot_general3A_428 {dimension_numbers = #tpu.dot_dimension_numbers<[1], [0], [0], [1], [0, 0, 1, 1], [], []>, transpose_lhs_hint = false} : vector<512x32xf32>, vector<32x32xf32>, vector<512x32xf32> -> vector<512x32xf32>
    %add3A_430 = arith.addf %slice3A_423, %dot_general3A_429 : vector<512x32xf32>
    %logistic3A_431 = arith.negf %slice3A_424 : vector<512x32xf32>
    %logistic3A_432 = math.exp %logistic3A_431 : vector<512x32xf32>
    %logistic3A_433 = arith.constant 1.000000e+00 : f32
    %logistic3A_434 = vector.broadcast %logistic3A_433 : f32 to vector<512x32xf32>
    %logistic3A_435 = arith.addf %logistic3A_434, %logistic3A_432 : vector<512x32xf32>
    %logistic3A_436 = arith.divf %logistic3A_434, %logistic3A_435 : vector<512x32xf32>
    %mul3A_437 = arith.mulf %add3A_430, %logistic3A_436 : vector<512x32xf32>
    %reduce_sum3A_438 = arith.constant dense<0.000000e+00> : vector<512xf32>
    %reduce_sum3A_439 = vector.multi_reduction <add>, %mul3A_437, %reduce_sum3A_438 [1] : vector<512x32xf32> to vector<512xf32>
    %broadcast_in_dim3A_440 = vector.shape_cast %reduce_sum3A_439 : vector<512xf32> to vector<512x1xf32>
    %div3A_441 = arith.constant 3.200000e+01 : f32
    %div3A_442 = vector.broadcast %div3A_441 : f32 to vector<512x1xf32>
    %div3A_443 = arith.divf %broadcast_in_dim3A_440, %div3A_442 : vector<512x1xf32>
    %sub3A_444 = vector.broadcast %div3A_443 : vector<512x1xf32> to vector<512x32xf32>
    %sub3A_445 = arith.subf %mul3A_437, %sub3A_444 : vector<512x32xf32>
    %integer_pow3A_446 = arith.mulf %sub3A_445, %sub3A_445 : vector<512x32xf32>
    %reduce_sum3A_447 = arith.constant dense<0.000000e+00> : vector<512xf32>
    %reduce_sum3A_448 = vector.multi_reduction <add>, %integer_pow3A_446, %reduce_sum3A_447 [1] : vector<512x32xf32> to vector<512xf32>
    %broadcast_in_dim3A_449 = vector.shape_cast %reduce_sum3A_448 : vector<512xf32> to vector<512x1xf32>
    %div3A_450 = arith.constant 3.200000e+01 : f32
    %div3A_451 = vector.broadcast %div3A_450 : f32 to vector<512x1xf32>
    %div3A_452 = arith.divf %broadcast_in_dim3A_449, %div3A_451 : vector<512x1xf32>
    %sub3A_453 = vector.broadcast %div3A_443 : vector<512x1xf32> to vector<512x32xf32>
    %sub3A_454 = arith.subf %mul3A_437, %sub3A_453 : vector<512x32xf32>
    %add3A_455 = arith.constant 9.99999974E-6 : f32
    %add3A_456 = vector.broadcast %add3A_455 : f32 to vector<512x1xf32>
    %add3A_457 = arith.addf %div3A_452, %add3A_456 : vector<512x1xf32>
    %rsqrt3A_458 = math.rsqrt %add3A_457 : vector<512x1xf32>
    %mul3A_459 = vector.broadcast %rsqrt3A_458 : vector<512x1xf32> to vector<512x32xf32>
    %mul3A_460 = arith.mulf %sub3A_454, %mul3A_459 : vector<512x32xf32>
    %get3A_461 = arith.constant 0 : index
    %get3A_462 = arith.constant 0 : index
    %get3A_463 = vector.load %arg5[%get3A_461, %get3A_462] : memref<1x32xf32, #tpu.memory_space<vmem>>, vector<1x32xf32>
    %mul3A_464 = vector.broadcast %get3A_463 : vector<1x32xf32> to vector<512x32xf32>
    %mul3A_465 = arith.mulf %mul3A_460, %mul3A_464 : vector<512x32xf32>
    %get3A_466 = arith.constant 0 : index
    %get3A_467 = arith.constant 0 : index
    %get3A_468 = vector.load %arg6[%get3A_466, %get3A_467] : memref<1x32xf32, #tpu.memory_space<vmem>>, vector<1x32xf32>
    %add3A_469 = vector.broadcast %get3A_468 : vector<1x32xf32> to vector<512x32xf32>
    %add3A_470 = arith.addf %mul3A_465, %add3A_469 : vector<512x32xf32>
    %get3A_471 = arith.constant 0 : index
    %get3A_472 = arith.constant 0 : index
    %get3A_473 = vector.load %arg8[%get3A_471, %get3A_472] : memref<1x256xf32, #tpu.memory_space<vmem>>, vector<1x256xf32>
    %broadcast_in_dim3A_474 = arith.constant 0.000000e+00 : f32
    %broadcast_in_dim3A_475 = vector.broadcast %broadcast_in_dim3A_474 : f32 to vector<512x256xf32>
    %add3A_476 = vector.broadcast %get3A_473 : vector<1x256xf32> to vector<512x256xf32>
    %add3A_477 = arith.addf %add3A_476, %broadcast_in_dim3A_475 : vector<512x256xf32>
    %get3A_478 = arith.constant 0 : index
    %get3A_479 = arith.constant 0 : index
    %get3A_480 = arith.constant 0 : index
    %get3A_481 = vector.load %arg7[%get3A_478, %get3A_479, %get3A_480] : memref<8x32x256xf32, #tpu.memory_space<vmem>>, vector<1x32x256xf32>
    %get3A_482 = vector.shape_cast %get3A_481 : vector<1x32x256xf32> to vector<32x256xf32>
    %dot_general3A_483 = arith.constant dense<0.000000e+00> : vector<512x256xf32>
    %dot_general3A_484 = tpu.matmul %add3A_78, %get3A_482, %dot_general3A_483 {dimension_numbers = #tpu.dot_dimension_numbers<[1], [0], [0], [1], [0, 0, 1, 1], [], []>, transpose_lhs_hint = false} : vector<512x32xf32>, vector<32x256xf32>, vector<512x256xf32> -> vector<512x256xf32>
    %add3A_485 = arith.addf %add3A_477, %dot_general3A_484 : vector<512x256xf32>
    %get3A_486 = arith.constant 1 : index
    %get3A_487 = arith.constant 0 : index
    %get3A_488 = arith.constant 0 : index
    %get3A_489 = vector.load %arg7[%get3A_486, %get3A_487, %get3A_488] : memref<8x32x256xf32, #tpu.memory_space<vmem>>, vector<1x32x256xf32>
    %get3A_490 = vector.shape_cast %get3A_489 : vector<1x32x256xf32> to vector<32x256xf32>
    %dot_general3A_491 = arith.constant dense<0.000000e+00> : vector<512x256xf32>
    %dot_general3A_492 = tpu.matmul %add3A_134, %get3A_490, %dot_general3A_491 {dimension_numbers = #tpu.dot_dimension_numbers<[1], [0], [0], [1], [0, 0, 1, 1], [], []>, transpose_lhs_hint = false} : vector<512x32xf32>, vector<32x256xf32>, vector<512x256xf32> -> vector<512x256xf32>
    %add3A_493 = arith.addf %add3A_485, %dot_general3A_492 : vector<512x256xf32>
    %get3A_494 = arith.constant 2 : index
    %get3A_495 = arith.constant 0 : index
    %get3A_496 = arith.constant 0 : index
    %get3A_497 = vector.load %arg7[%get3A_494, %get3A_495, %get3A_496] : memref<8x32x256xf32, #tpu.memory_space<vmem>>, vector<1x32x256xf32>
    %get3A_498 = vector.shape_cast %get3A_497 : vector<1x32x256xf32> to vector<32x256xf32>
    %dot_general3A_499 = arith.constant dense<0.000000e+00> : vector<512x256xf32>
    %dot_general3A_500 = tpu.matmul %add3A_190, %get3A_498, %dot_general3A_499 {dimension_numbers = #tpu.dot_dimension_numbers<[1], [0], [0], [1], [0, 0, 1, 1], [], []>, transpose_lhs_hint = false} : vector<512x32xf32>, vector<32x256xf32>, vector<512x256xf32> -> vector<512x256xf32>
    %add3A_501 = arith.addf %add3A_493, %dot_general3A_500 : vector<512x256xf32>
    %get3A_502 = arith.constant 3 : index
    %get3A_503 = arith.constant 0 : index
    %get3A_504 = arith.constant 0 : index
    %get3A_505 = vector.load %arg7[%get3A_502, %get3A_503, %get3A_504] : memref<8x32x256xf32, #tpu.memory_space<vmem>>, vector<1x32x256xf32>
    %get3A_506 = vector.shape_cast %get3A_505 : vector<1x32x256xf32> to vector<32x256xf32>
    %dot_general3A_507 = arith.constant dense<0.000000e+00> : vector<512x256xf32>
    %dot_general3A_508 = tpu.matmul %add3A_246, %get3A_506, %dot_general3A_507 {dimension_numbers = #tpu.dot_dimension_numbers<[1], [0], [0], [1], [0, 0, 1, 1], [], []>, transpose_lhs_hint = false} : vector<512x32xf32>, vector<32x256xf32>, vector<512x256xf32> -> vector<512x256xf32>
    %add3A_509 = arith.addf %add3A_501, %dot_general3A_508 : vector<512x256xf32>
    %get3A_510 = arith.constant 4 : index
    %get3A_511 = arith.constant 0 : index
    %get3A_512 = arith.constant 0 : index
    %get3A_513 = vector.load %arg7[%get3A_510, %get3A_511, %get3A_512] : memref<8x32x256xf32, #tpu.memory_space<vmem>>, vector<1x32x256xf32>
    %get3A_514 = vector.shape_cast %get3A_513 : vector<1x32x256xf32> to vector<32x256xf32>
    %dot_general3A_515 = arith.constant dense<0.000000e+00> : vector<512x256xf32>
    %dot_general3A_516 = tpu.matmul %add3A_302, %get3A_514, %dot_general3A_515 {dimension_numbers = #tpu.dot_dimension_numbers<[1], [0], [0], [1], [0, 0, 1, 1], [], []>, transpose_lhs_hint = false} : vector<512x32xf32>, vector<32x256xf32>, vector<512x256xf32> -> vector<512x256xf32>
    %add3A_517 = arith.addf %add3A_509, %dot_general3A_516 : vector<512x256xf32>
    %get3A_518 = arith.constant 5 : index
    %get3A_519 = arith.constant 0 : index
    %get3A_520 = arith.constant 0 : index
    %get3A_521 = vector.load %arg7[%get3A_518, %get3A_519, %get3A_520] : memref<8x32x256xf32, #tpu.memory_space<vmem>>, vector<1x32x256xf32>
    %get3A_522 = vector.shape_cast %get3A_521 : vector<1x32x256xf32> to vector<32x256xf32>
    %dot_general3A_523 = arith.constant dense<0.000000e+00> : vector<512x256xf32>
    %dot_general3A_524 = tpu.matmul %add3A_358, %get3A_522, %dot_general3A_523 {dimension_numbers = #tpu.dot_dimension_numbers<[1], [0], [0], [1], [0, 0, 1, 1], [], []>, transpose_lhs_hint = false} : vector<512x32xf32>, vector<32x256xf32>, vector<512x256xf32> -> vector<512x256xf32>
    %add3A_525 = arith.addf %add3A_517, %dot_general3A_524 : vector<512x256xf32>
    %get3A_526 = arith.constant 6 : index
    %get3A_527 = arith.constant 0 : index
    %get3A_528 = arith.constant 0 : index
    %get3A_529 = vector.load %arg7[%get3A_526, %get3A_527, %get3A_528] : memref<8x32x256xf32, #tpu.memory_space<vmem>>, vector<1x32x256xf32>
    %get3A_530 = vector.shape_cast %get3A_529 : vector<1x32x256xf32> to vector<32x256xf32>
    %dot_general3A_531 = arith.constant dense<0.000000e+00> : vector<512x256xf32>
    %dot_general3A_532 = tpu.matmul %add3A_414, %get3A_530, %dot_general3A_531 {dimension_numbers = #tpu.dot_dimension_numbers<[1], [0], [0], [1], [0, 0, 1, 1], [], []>, transpose_lhs_hint = false} : vector<512x32xf32>, vector<32x256xf32>, vector<512x256xf32> -> vector<512x256xf32>
    %add3A_533 = arith.addf %add3A_525, %dot_general3A_532 : vector<512x256xf32>
    %get3A_534 = arith.constant 7 : index
    %get3A_535 = arith.constant 0 : index
    %get3A_536 = arith.constant 0 : index
    %get3A_537 = vector.load %arg7[%get3A_534, %get3A_535, %get3A_536] : memref<8x32x256xf32, #tpu.memory_space<vmem>>, vector<1x32x256xf32>
    %get3A_538 = vector.shape_cast %get3A_537 : vector<1x32x256xf32> to vector<32x256xf32>
    %dot_general3A_539 = arith.constant dense<0.000000e+00> : vector<512x256xf32>
    %dot_general3A_540 = tpu.matmul %add3A_470, %get3A_538, %dot_general3A_539 {dimension_numbers = #tpu.dot_dimension_numbers<[1], [0], [0], [1], [0, 0, 1, 1], [], []>, transpose_lhs_hint = false} : vector<512x32xf32>, vector<32x256xf32>, vector<512x256xf32> -> vector<512x256xf32>
    %add3A_541 = arith.addf %add3A_533, %dot_general3A_540 : vector<512x256xf32>
    %slice3A_542 = vector.extract_strided_slice %add3A_541 {offsets = [0, 0], sizes = [512, 128], strides = [1, 1]} : vector<512x256xf32> to vector<512x128xf32>
    %slice3A_543 = vector.extract_strided_slice %add3A_541 {offsets = [0, 128], sizes = [512, 128], strides = [1, 1]} : vector<512x256xf32> to vector<512x128xf32>
    %get3A_544 = arith.constant 0 : index
    %get3A_545 = arith.constant 0 : index
    %get3A_546 = vector.load %arg9[%get3A_544, %get3A_545] : memref<32x128xf32, #tpu.memory_space<vmem>>, vector<32x128xf32>
    %dot_general3A_547 = arith.constant dense<0.000000e+00> : vector<512x128xf32>
    %dot_general3A_548 = tpu.matmul %add3A_470, %get3A_546, %dot_general3A_547 {dimension_numbers = #tpu.dot_dimension_numbers<[1], [0], [0], [1], [0, 0, 1, 1], [], []>, transpose_lhs_hint = false} : vector<512x32xf32>, vector<32x128xf32>, vector<512x128xf32> -> vector<512x128xf32>
    %add3A_549 = arith.addf %slice3A_542, %dot_general3A_548 : vector<512x128xf32>
    %logistic3A_550 = arith.negf %slice3A_543 : vector<512x128xf32>
    %logistic3A_551 = math.exp %logistic3A_550 : vector<512x128xf32>
    %logistic3A_552 = arith.constant 1.000000e+00 : f32
    %logistic3A_553 = vector.broadcast %logistic3A_552 : f32 to vector<512x128xf32>
    %logistic3A_554 = arith.addf %logistic3A_553, %logistic3A_551 : vector<512x128xf32>
    %logistic3A_555 = arith.divf %logistic3A_553, %logistic3A_554 : vector<512x128xf32>
    %mul3A_556 = arith.mulf %add3A_549, %logistic3A_555 : vector<512x128xf32>
    %reduce_sum3A_557 = arith.constant dense<0.000000e+00> : vector<512xf32>
    %reduce_sum3A_558 = vector.multi_reduction <add>, %mul3A_556, %reduce_sum3A_557 [1] : vector<512x128xf32> to vector<512xf32>
    %broadcast_in_dim3A_559 = vector.shape_cast %reduce_sum3A_558 : vector<512xf32> to vector<512x1xf32>
    %div3A_560 = arith.constant 1.280000e+02 : f32
    %div3A_561 = vector.broadcast %div3A_560 : f32 to vector<512x1xf32>
    %div3A_562 = arith.divf %broadcast_in_dim3A_559, %div3A_561 : vector<512x1xf32>
    %sub3A_563 = vector.broadcast %div3A_562 : vector<512x1xf32> to vector<512x128xf32>
    %sub3A_564 = arith.subf %mul3A_556, %sub3A_563 : vector<512x128xf32>
    %integer_pow3A_565 = arith.mulf %sub3A_564, %sub3A_564 : vector<512x128xf32>
    %reduce_sum3A_566 = arith.constant dense<0.000000e+00> : vector<512xf32>
    %reduce_sum3A_567 = vector.multi_reduction <add>, %integer_pow3A_565, %reduce_sum3A_566 [1] : vector<512x128xf32> to vector<512xf32>
    %broadcast_in_dim3A_568 = vector.shape_cast %reduce_sum3A_567 : vector<512xf32> to vector<512x1xf32>
    %div3A_569 = arith.constant 1.280000e+02 : f32
    %div3A_570 = vector.broadcast %div3A_569 : f32 to vector<512x1xf32>
    %div3A_571 = arith.divf %broadcast_in_dim3A_568, %div3A_570 : vector<512x1xf32>
    %sub3A_572 = vector.broadcast %div3A_562 : vector<512x1xf32> to vector<512x128xf32>
    %sub3A_573 = arith.subf %mul3A_556, %sub3A_572 : vector<512x128xf32>
    %add3A_574 = arith.constant 9.99999974E-6 : f32
    %add3A_575 = vector.broadcast %add3A_574 : f32 to vector<512x1xf32>
    %add3A_576 = arith.addf %div3A_571, %add3A_575 : vector<512x1xf32>
    %rsqrt3A_577 = math.rsqrt %add3A_576 : vector<512x1xf32>
    %mul3A_578 = vector.broadcast %rsqrt3A_577 : vector<512x1xf32> to vector<512x128xf32>
    %mul3A_579 = arith.mulf %sub3A_573, %mul3A_578 : vector<512x128xf32>
    %get3A_580 = arith.constant 0 : index
    %get3A_581 = arith.constant 0 : index
    %get3A_582 = vector.load %arg10[%get3A_580, %get3A_581] : memref<1x128xf32, #tpu.memory_space<vmem>>, vector<1x128xf32>
    %mul3A_583 = vector.broadcast %get3A_582 : vector<1x128xf32> to vector<512x128xf32>
    %mul3A_584 = arith.mulf %mul3A_579, %mul3A_583 : vector<512x128xf32>
    %get3A_585 = arith.constant 0 : index
    %get3A_586 = arith.constant 0 : index
    %get3A_587 = vector.load %arg11[%get3A_585, %get3A_586] : memref<1x128xf32, #tpu.memory_space<vmem>>, vector<1x128xf32>
    %add3A_588 = vector.broadcast %get3A_587 : vector<1x128xf32> to vector<512x128xf32>
    %add3A_589 = arith.addf %mul3A_584, %add3A_588 : vector<512x128xf32>
    %get3A_590 = arith.constant 0 : index
    %get3A_591 = arith.constant 0 : index
    %get3A_592 = vector.load %arg12[%get3A_590, %get3A_591] : memref<128x128xf32, #tpu.memory_space<vmem>>, vector<128x128xf32>
    %dot_general3A_593 = arith.constant dense<0.000000e+00> : vector<512x128xf32>
    %dot_general3A_594 = tpu.matmul %add3A_589, %get3A_592, %dot_general3A_593 {dimension_numbers = #tpu.dot_dimension_numbers<[1], [0], [0], [1], [0, 0, 1, 1], [], []>, transpose_lhs_hint = false} : vector<512x128xf32>, vector<128x128xf32>, vector<512x128xf32> -> vector<512x128xf32>
    %get3A_595 = arith.constant 0 : index
    %get3A_596 = arith.constant 0 : index
    %get3A_597 = vector.load %arg13[%get3A_595, %get3A_596] : memref<1x128xf32, #tpu.memory_space<vmem>>, vector<1x128xf32>
    %add3A_598 = vector.broadcast %get3A_597 : vector<1x128xf32> to vector<512x128xf32>
    %add3A_599 = arith.addf %dot_general3A_594, %add3A_598 : vector<512x128xf32>
    %max3A_600 = arith.constant 0.000000e+00 : f32
    %max3A_601 = vector.broadcast %max3A_600 : f32 to vector<512x128xf32>
    %max3A_602 = arith.maximumf %add3A_599, %max3A_601 : vector<512x128xf32>
    %get3A_603 = arith.constant 0 : index
    %get3A_604 = arith.constant 0 : index
    %get3A_605 = vector.load %arg14[%get3A_603, %get3A_604] : memref<128x8xf32, #tpu.memory_space<vmem>>, vector<128x8xf32>
    %dot_general3A_606 = arith.constant dense<0.000000e+00> : vector<512x8xf32>
    %dot_general3A_607 = tpu.matmul %max3A_602, %get3A_605, %dot_general3A_606 {dimension_numbers = #tpu.dot_dimension_numbers<[1], [0], [0], [1], [0, 0, 1, 1], [], []>, transpose_lhs_hint = false} : vector<512x128xf32>, vector<128x8xf32>, vector<512x8xf32> -> vector<512x8xf32>
    %get3A_608 = arith.constant 0 : index
    %get3A_609 = arith.constant 0 : index
    %get3A_610 = vector.load %arg15[%get3A_608, %get3A_609] : memref<1x8xf32, #tpu.memory_space<vmem>>, vector<1x8xf32>
    %add3A_611 = vector.broadcast %get3A_610 : vector<1x8xf32> to vector<512x8xf32>
    %add3A_612 = arith.addf %dot_general3A_607, %add3A_611 : vector<512x8xf32>
    %swap3A = arith.constant 0 : index
    %swap3A_613 = arith.constant 0 : index
    %swap3A_614 = vector.load %arg16[%swap3A, %swap3A_613] : memref<512x8xf32, #tpu.memory_space<vmem>>, vector<512x8xf32>
    tpu.vector_store %arg16[%swap3A, %swap3A_613], %add3A_612 {strides = array<i32>} : memref<512x8xf32, #tpu.memory_space<vmem>>, vector<512x8xf32>,
    return
  }
  func.func @transform_0(%arg0: i32) -> (i32, i32, i32) {
    %c0_i32 = arith.constant 0 : i32
    %c0_i32_0 = arith.constant 0 : i32
    %c0_i32_1 = arith.constant 0 : i32
    return %c0_i32, %arg0, %c0_i32_0 : i32, i32, i32
  }
  func.func @transform_1(%arg0: i32) -> (i32, i32) {
    %c0_i32 = arith.constant 0 : i32
    %c0_i32_0 = arith.constant 0 : i32
    %c0_i32_1 = arith.constant 0 : i32
    return %c0_i32, %c0_i32_0 : i32, i32
  }
  func.func @transform_2(%arg0: i32) -> (i32, i32) {
    %c0_i32 = arith.constant 0 : i32
    %c0_i32_0 = arith.constant 0 : i32
    %c0_i32_1 = arith.constant 0 : i32
    return %c0_i32, %c0_i32_0 : i32, i32
  }
  func.func @transform_3(%arg0: i32) -> (i32, i32) {
    %c0_i32 = arith.constant 0 : i32
    %c0_i32_0 = arith.constant 0 : i32
    %c0_i32_1 = arith.constant 0 : i32
    return %c0_i32, %c0_i32_0 : i32, i32
  }
  func.func @transform_4(%arg0: i32) -> (i32, i32) {
    %c0_i32 = arith.constant 0 : i32
    %c0_i32_0 = arith.constant 0 : i32
    %c0_i32_1 = arith.constant 0 : i32
    return %c0_i32, %c0_i32_0 : i32, i32
  }
  func.func @transform_5(%arg0: i32) -> (i32, i32) {
    %c0_i32 = arith.constant 0 : i32
    %c0_i32_0 = arith.constant 0 : i32
    %c0_i32_1 = arith.constant 0 : i32
    return %c0_i32, %c0_i32_0 : i32, i32
  }
  func.func @transform_6(%arg0: i32) -> (i32, i32, i32) {
    %c0_i32 = arith.constant 0 : i32
    %c0_i32_0 = arith.constant 0 : i32
    %c0_i32_1 = arith.constant 0 : i32
    %c0_i32_2 = arith.constant 0 : i32
    return %c0_i32, %c0_i32_0, %c0_i32_1 : i32, i32, i32
  }
  func.func @transform_7(%arg0: i32) -> (i32, i32) {
    %c0_i32 = arith.constant 0 : i32
    %c0_i32_0 = arith.constant 0 : i32
    %c0_i32_1 = arith.constant 0 : i32
    return %c0_i32, %c0_i32_0 : i32, i32
  }
  func.func @transform_8(%arg0: i32) -> (i32, i32) {
    %c0_i32 = arith.constant 0 : i32
    %c0_i32_0 = arith.constant 0 : i32
    %c0_i32_1 = arith.constant 0 : i32
    return %c0_i32, %c0_i32_0 : i32, i32
  }
  func.func @transform_9(%arg0: i32) -> (i32, i32) {
    %c0_i32 = arith.constant 0 : i32
    %c0_i32_0 = arith.constant 0 : i32
    %c0_i32_1 = arith.constant 0 : i32
    return %c0_i32, %c0_i32_0 : i32, i32
  }
  func.func @transform_10(%arg0: i32) -> (i32, i32) {
    %c0_i32 = arith.constant 0 : i32
    %c0_i32_0 = arith.constant 0 : i32
    %c0_i32_1 = arith.constant 0 : i32
    return %c0_i32, %c0_i32_0 : i32, i32
  }
  func.func @transform_11(%arg0: i32) -> (i32, i32) {
    %c0_i32 = arith.constant 0 : i32
    %c0_i32_0 = arith.constant 0 : i32
    %c0_i32_1 = arith.constant 0 : i32
    return %c0_i32, %c0_i32_0 : i32, i32
  }
  func.func @transform_12(%arg0: i32) -> (i32, i32) {
    %c0_i32 = arith.constant 0 : i32
    %c0_i32_0 = arith.constant 0 : i32
    %c0_i32_1 = arith.constant 0 : i32
    return %c0_i32, %c0_i32_0 : i32, i32
  }
  func.func @transform_13(%arg0: i32) -> (i32, i32) {
    %c0_i32 = arith.constant 0 : i32
    %c0_i32_0 = arith.constant 0 : i32
    %c0_i32_1 = arith.constant 0 : i32
    return %c0_i32, %c0_i32_0 : i32, i32
  }
  func.func @transform_14(%arg0: i32) -> (i32, i32) {
    %c0_i32 = arith.constant 0 : i32
    %c0_i32_0 = arith.constant 0 : i32
    %c0_i32_1 = arith.constant 0 : i32
    return %c0_i32, %c0_i32_0 : i32, i32
  }
  func.func @transform_15(%arg0: i32) -> (i32, i32) {
    %c0_i32 = arith.constant 0 : i32
    %c0_i32_0 = arith.constant 0 : i32
    return %arg0, %c0_i32 : i32, i32
  }
}

</mosaic_0001>

<sc_bundles>
// kernel: kernel.6.cloned.1.call-start
scs
__scs_entry_jumppad:
0x0: {  	(pc) =	sbr.rel $0x88, $3  }
0x1: {  	(tag) =	ssettag $0x0;
	lr =	simm.s32 $0x1  }
0x2: {  	[smem:$0x3F86] =	sst lr;
	_ =	strace $0xD0000000  }
0x3: {  	_ = 	snop  }
0x4: {  	_ = 	snop  }
0x5: {  	_ = 	snop  }
0x6: {  	_ = 	snop  }
0x7: {  	_ = 	snop  }
__scs_overlays_trampoline_lowered:
0x8: {  	[smem:$0x3F95] =	sst s0  }
0x9: {  	[smem:$0x3F96] =	sst s1  }
0xa: {  	[smem:$0x3F97] =	sst s2  }
0xb: {  	[smem:$0x3F98] =	sst s3  }
0xc: {  	[smem:$0x3F99] =	sst s4  }
0xd: {  	[smem:$0x3F9A] =	sst s5  }
0xe: {  	[smem:$0x3F9B] =	sst s6  }
0xf: {  	[smem:$0x3F9C] =	sst s7  }
0x10: {  	[smem:$0x3F9D] =	sst s8  }
0x11: {  	[smem:$0x3F9E] =	sst s9;
	s0 =	simm.s32 @!p0 $0x0  }
0x12: {  	s1 =	sld [smem:$0x3F84];
	s0 =	simm.s32 @p0 $0x1  }
0x13: {  	[smem:$0x3F9F] =	sst s0;
	s0 =	simm.s32 @!p1 $0x0  }
0x14: {  	s2 =	sld [smem:$0x3F83];
	s0 =	simm.s32 @p1 $0x1  }
0x15: {  	[smem:$0x3FA0] =	sst s0;
	s0 =	simm.s32 @!p2 $0x0  }
0x16: {  	s3 =	sld [smem:$0x3FDB];
	s0 =	simm.s32 @p2 $0x1  }
0x17: {  	s4 =	simm.s32 $0x1BF5;
	[smem:$0x3FA2] =	sst s0  }
0x18: {  	s0 =	sld [smem:$0x3F85];
	_ =	swait.ge [sflag:s4], $0x0  }
0x19: {  	s7 =	sld [smem:$0x3F86]  }
0x1a: {  	s8 =	sadd.s32 $0xFFFFE003, lr  }
0x1b: {  	s9 =	sadd.s32 $0xFFFFFEF7, lr;
	s5 =	simm.s32 $0xFFFFFFFF;
	p2 =	slt.u32 s8, $0xFFFFF086  }
0x1c: {  	p1 =	slt.u32 s9, $0xF7A;
	s5 =	simm.s32 @!p2 $0x0  }
0x1d: {  	s5 =	simm.s32 @p1 $0x1;
	p0 =	seq.s32 s7, s2  }
0x1e: {  	s7 =	smul.u32 @!p0 $0xF7A, s2;
	p2 =	seq.s32 @!p0 s5, $0x0  }
0x1f: {  	s9 =	smul.u32 $0xF7A, s1;
	s8 =	simm.s32 @!p0 $0x1BF5;
	p2 =	por !p2, p0  }
0x20: {  	[sflag:s8] =	ssyncset.s32 @!p0 $0xFFFFF086;
	s6 =	sadd.s32 @!p0 s3, s7;
	s7 =	simm.s32 @!p0 $0x108  }
0x21: {  	s3 =	sadd.s32 s3, s9;
	s6 =	sadd.s32 @!p0 $0x88, s6;
	s7 =	simm.s32 @p2 $0x1082  }
0x22: {  	[simem:s7], [sflag:s8] =	dma.local @!p0 [hbm:s6], $0xF7A  }
0x23: {  	s9 =	sor.u32 $0xD0000000, s2;
	s6 =	simm.s32 $0x108;
	_ =	swait.ge @!p0 [sflag:s8], $0x0  }
0x24: {  	s3 =	sadd.s32 $0x88, s3;
	s6 =	simm.s32 @!p1 $0x1082;
	[sflag:s4] =	ssyncset.s32 $0xFFFFF086  }
0x25: {  	[simem:s6], [sflag:s4] =	dma.local [hbm:s3], $0xF7A  }
0x26: {  	[smem:$0x3F86] =	sst s1;
	(tag) =	ssettag s2;
	_ =	strace s9  }
0x27: {  	s1 =	sld [smem:$0x3F96]  }
0x28: {  	s2 =	sld [smem:$0x3F97]  }
0x29: {  	s4 =	sld [smem:$0x3F99]  }
0x2a: {  	p0 =	seq.s32 s5, $0x0;
	s5 =	sld [smem:$0x3F9A]  }
0x2b: {  	s6 =	sld [smem:$0x3F9B]  }
0x2c: {  	s7 =	sld [smem:$0x3F9C]  }
0x2d: {  	s3 =	simm.s32 $0x108;
	s8 =	sld [smem:$0x3F9D]  }
0x2e: {  	s3 =	simm.s32 @!p0 $0x1082;
	s9 =	sld [smem:$0x3F9E]  }
0x2f: {  	lr =	sadd.s32 s0, s3;
	s0 =	sld [smem:$0x3F95]  }
0x30: {  	s3 =	sld [smem:$0x3F98]  }
0x31: {  	[smem:$0x3FA1] =	sst s10  }
0x32: {  	s10 =	sld [smem:$0x3F9F];
	_ =	sdelay $0x3  }
0x33: {  	p0 =	seq.s32 s10, $0x1;
	s10 =	sld [smem:$0x3FA1];
	_ =	sdelay $0x3  }
0x34: {  	[smem:$0x3FA1] =	sst s10  }
0x35: {  	s10 =	sld [smem:$0x3FA0];
	_ =	sdelay $0x3  }
0x36: {  	p1 =	seq.s32 s10, $0x1;
	s10 =	sld [smem:$0x3FA1];
	_ =	sdelay $0x3  }
0x37: {  	[smem:$0x3FA1] =	sst s10  }
0x38: {  	s10 =	sld [smem:$0x3FA2]  }
0x39: {  	_ = 	snop;
	(pc) =	sbr.ind lr, $3  }
0x3a: {  	_ = 	snop  }
0x3b: {  	_ = 	snop  }
0x3c: {  	p2 =	seq.s32 s10, $0x1;
	s10 =	sld [smem:$0x3FA1]  }
0x3d: {  	_ =	shalt  }
0x3e: {  	_ =	shalt  }
0x3f: {  	_ =	shalt  }
0x40: {  	_ =	shalt  }
0x41: {  	_ =	shalt  }
0x42: {  	_ =	shalt  }
0x43: {  	_ =	shalt  }
0x44: {  	_ =	shalt  }
0x45: {  	_ =	shalt  }
0x46: {  	_ =	shalt  }
0x47: {  	_ =	shalt  }
0x48: {  	_ =	shalt  }
0x49: {  	_ =	shalt  }
0x4a: {  	_ =	shalt  }
0x4b: {  	_ =	shalt  }
0x4c: {  	_ =	shalt  }
0x4d: {  	_ =	shalt  }
0x4e: {  	_ =	shalt  }
0x4f: {  	_ =	shalt  }
0x50: {  	_ =	shalt  }
0x51: {  	_ =	shalt  }
0x52: {  	_ =	shalt  }
0x53: {  	_ =	shalt  }
0x54: {  	_ =	shalt  }
0x55: {  	_ =	shalt  }
0x56: {  	_ =	shalt  }
0x57: {  	_ =	shalt  }
0x58: {  	_ =	shalt  }
0x59: {  	_ =	shalt  }
0x5a: {  	_ =	shalt  }
0x5b: {  	_ =	shalt  }
0x5c: {  	_ =	shalt  }
0x5d: {  	_ =	shalt  }
0x5e: {  	_ =	shalt  }
0x5f: {  	_ =	shalt  }
0x60: {  	_ =	shalt  }
0x61: {  	_ =	shalt  }
0x62: {  	_ =	shalt  }
0x63: {  	_ =	shalt  }
0x64: {  	_ =	shalt  }
0x65: {  	_ =	shalt  }
0x66: {  	_ =	shalt  }
0x67: {  	_ =	shalt  }
0x68: {  	_ =	shalt  }
0x69: {  	_ =	shalt  }
0x6a: {  	_ =	shalt  }
0x6b: {  	_ =	shalt  }
0x6c: {  	_ =	shalt  }
0x6d: {  	_ =	shalt  }
0x6e: {  	_ =	shalt  }
0x6f: {  	_ =	shalt  }
0x70: {  	_ =	shalt  }
0x71: {  	_ =	shalt  }
0x72: {  	_ =	shalt  }
0x73: {  	_ =	shalt  }
0x74: {  	_ =	shalt  }
0x75: {  	_ =	shalt  }
0x76: {  	_ =	shalt  }
0x77: {  	_ =	shalt  }
0x78: {  	_ =	shalt  }
0x79: {  	_ =	shalt  }
0x7a: {  	_ =	shalt  }
0x7b: {  	_ =	shalt  }
0x7c: {  	_ =	shalt  }
0x7d: {  	_ =	shalt  }
0x7e: {  	_ =	shalt  }
0x7f: {  	_ =	shalt  }
0x80: {  	_ =	shalt  }
0x81: {  	_ =	shalt  }
0x82: {  	_ =	shalt  }
0x83: {  	_ =	shalt  }
0x84: {  	_ =	shalt  }
0x85: {  	_ =	shalt  }
0x86: {  	_ =	shalt  }
0x87: {  	_ =	shalt  }
.Lfunc_end0:
.L_simem_size_0:
called_computation_lowered:
.L_overlay_start_0:
0x88: {  	s2 =	sld [smem:$0x3FD9]  }
0x89: {  	s3 =	sld [smem:$0x3FFE];
	_ =	sdelay $0x1  }
0x8a: {  	s1 =	srdreg.scid  }
0x8b: {  	s0 =	sand.u32 $0x1, s1  }
0x8c: {  	s16 =	sshll.u32 s0, $0xA;
	s2 =	sadd.s32 s3, s2  }
0x8d: {  	s2 =	sadd.s32 s2, s16  }
0x8e: {  	[smem:$0x3FAD] =	sst s2  }
0x8f: {  	_ = 	snop  }
0x90: {  	(tm) =	ssettm $0x1  }
0x91: {  	s17 =	sld [smem:$0x3FFB];
	_ =	sdelay $0x3  }
0x92: {  	_ =	strace s17  }
0x93: {  	s2 =	sld [smem:$0x3FFC];
	_ =	sdelay $0x3  }
0x94: {  	_ =	strace s2  }
0x95: {  	s2 =	sld [smem:$0x3FFD];
	_ =	sdelay $0x3  }
0x96: {  	_ =	strace s2  }
0x97: {  	_ =	strace $0x8FFFFFFF  }
0x98: {  	s18 =	sld [smem:$0x3FDB];
	_ =	sdelay $0x1  }
0x99: {  	s19 =	simm.s32 $_scs_section_size  }
0x9a: {  	s4 =	simm.s32 $_size__tile_overlayer_lowered;
	s5 =	simm.s32 $_tile_overlayer_lowered  }
0x9b: {  	s22 =	simm.s32 $0x1BFF;
	s21 =	sshll.u32 s5, $0x1;
	s2 =	sadd.s32 s19, s18  }
0x9c: {  	s6 =	simm.s32 $0x0;
	s20 =	sshll.u32 s4, $0x1;
	s4 =	sadd.s32 s21, s2  }
0x9d: {  	[timem:s6], [sflag:s22] =	dma.local [hbm:s4], s20  }
0x9e: {  	_ =	swait.ge [sflag:s22], s20  }
0x9f: {  	s3 =	ssub.s32 $0x0, s20;
	[sflag:s22] =	ssyncset.done $0x0  }
0xa0: {  	[sflag:s22] =	ssyncadd.s32 s3;
	_ =	sdelay $0x1  }
0xa1: {  	s23 =	simm.s32 $0x1B8B  }
0xa2: {  	_ =	swait.ge [sflag:s23], $0x1  }
0xa3: {  	[sflag:s23] =	ssyncset.done $0x0  }
0xa4: {  	s25 =	simm.s32 $0x1B8E;
	s24 =	sld [smem:$0x3FFE];
	[sflag:s23] =	ssyncadd.s32 $0xFFFFFFFF  }
0xa5: {  	s26 =	simm.s32 $execute0_lowered;
	[smem:$0x3FD2] =	sst s25  }
0xa6: {  	s4 =	sshll.u32 s26, $0x1;
	_ =	strace $0x80000046;
	[dreg:$0x1] =	wrdreg $0xFFFFFFFF  }
0xa7: {  	s28 =	simm.s32 $_size_execute0_lowered;
	s2 =	sadd.s32 s2, s4;
	[dreg:$0x0] =	wrdreg $0x0  }
0xa8: {  	s4 =	sshll.u32 s28, $0x1;
	[dreg:$0x2] =	wrdreg s2  }
0xa9: {  	[dreg:$0x3] =	wrdreg s4  }
0xaa: {  	[dreg:$0x4] =	wrdreg $0xC0  }
0xab: {  	_ =	task [dreg:s6], $0x5FFFF  }
0xac: {  	[dreg:$0x1] =	wrdreg $0xFFFFFFFF  }
0xad: {  	[dreg:$0x0] =	wrdreg $0x60  }
0xae: {  	[dreg:$0x2] =	wrdreg s24  }
0xaf: {  	[dreg:$0x3] =	wrdreg $0x128000  }
0xb0: {  	[dreg:$0x4] =	wrdreg $0x9  }
0xb1: {  	_ =	task.clear_ibuf [dreg:s6], $0x5FFFF;
	_ =	strace $0x90000046  }
0xb2: {  	s29 =	simm.s32 $0x9;
	_ =	strace $0x80000048  }
0xb3: {  	_ =	swait.ge [sflag:s29], $0x1  }
0xb4: {  	[sflag:s29] =	ssyncadd.s32 $0xFFFFFFFF  }
0xb5: {  	_ =	strace $0x90000048  }
0xb6: {  	_ =	sfence  }
0xb7: {  	s30 =	sld [smem:$0x0];
	_ =	sdelay $0x2  }
0xb8: {  	s31 =	sshll.u32 s1, $0xD;
	s1 =	sshrl.u32 s1, $0x2  }
0xb9: {  	s3 =	sand.u32 $0x4000, s31;
	s1 =	sadd.s32 s1, s30  }
0xba: {  	s0 =	sor.u32 s3, s0;
	s1 =	sshll.u32 s1, $0x11  }
0xbb: {  	s0 =	sor.u32 s1, s0  }
0xbc: {  	s0 =	sadd.s32 $0x8F2B, s0  }
0xbd: {  	[sflag:s0] =	ssyncadd.remote.s32 $0x1  }
0xbe: {  	_ =	sfence.sel $0xFFFF  }
0xbf: {  	[dreg:$0x0] =	wrdreg $0xFFFFFFFF;
	(pc) =	sbr.abs _section_cstart, $3  }
0xc0: {  	[dreg:$0x1] =	wrdreg $0xFFFFFFFF  }
0xc1: {  	_ =	task.clear_ibuf [dreg:s6], $0x2FFFF;
	_ =	strace $0x9FFFFFFF  }
0xc2: {  	(tm) =	ssettm $0x7FFFFFFF  }
0xc3: {  	_ =	shalt  }
tec
execute0_lowered:
.L_overlay_start_1:
0x0: {  	(tag) =	ssettag $0x1  }
0x1: {  	s0 =	rddreg [dreg:$0x0]  }
0x2: {  	s1 =	rddreg [dreg:$0x1];
	s2 =	simm.s32 $0x0  }
0x3: {  	s24 =	stileid.u32;
	s7 =	srdreg.scid;
	s18 =	simm.s32 $0x5  }
0x4: {  	s20 =	simm.s32 $0x2C00;
	s22 =	simm.s32 $0x80;
	s23 =	simm.s32 $0xA800  }
0x5: {  	s28 =	simm.s32 $0x2;
	s29 =	simm.s32 $0x4;
	s30 =	simm.s32 $0x0  }
0x6: {  	[smem:$0x7FF] =	sst s2;
	s5 =	sadd.s32 $0x192600, s0;
	s6 =	smul.u32 $0x500, s24  }
0x7: {  	s4 =	sadd.s32 $0x2600, s0;
	s15 =	sadd.s32 $0x11A600, s0;
	s9 =	smul.u32 $0x140, s24  }
0x8: {  	s7 =	sand.u32 $0x1, s7;
	s11 =	smul.u32 $0x28000, s24;
	s24 =	simm.s32 $0xE800  }
0x9: {  	_ =	strace $0x80000047;
	s25 =	ssub.s32 $0x2, s7;
	s19 =	smul.u32 $0x1400, s7  }
0xa: {  	s10 =	sadd.s32 s6, s0;
	s0 =	sadd.s32 $0x8E600, s0;
	s26 =	sshrl.u32 s25, $0x1  }
0xb: {  	s11 =	sshrl.u32 s11, $0x2;
	s17 =	ssub.s32 s25, s26;
	s31 =	sadd.s32 $0x7A600, s10  }
0xc: {  	s7 =	sadd.s32 $0x84600, s10;
	s8 =	sadd.s32 $0x7F600, s10;
	s12 =	sadd.s32 s9, s19  }
0xd: {  	s9 =	sadd.s32 $0x89600, s10;
	s10 =	sadd.s32 s11, s1;
	s25 =	simm.s32 $0x1  }
0xe: {  	s26 =	simm.s32 $0x3;
	[dreg:$0x3] =	wrdreg s31;
	s16 =	sshll.u32 s12, $0x4  }
0xf: {  	s17 =	smax.u32 s17, $0x1;
	s11 =	sadd.s32 s15, s16;
	s14 =	sadd.s32 $0x28000, s16  }
0x10: {  	s12 =	sadd.s32 s0, s16;
	s16 =	sadd.s32 $0x50000, s16;
	s13 =	sadd.s32 s15, s14  }
0x11: {  	v1 =	vimm.s32 $0x0;
	v0 =	vmov s19;
	s14 =	sadd.s32 s0, s14;
	s15 =	sadd.s32 s15, s16;
	s16 =	sadd.s32 s0, s16  }
.LBB2_1:
0x12: {  	s0 =	simm.s32 $0x0;
	s2 =	rddreg [dreg:$0x3]  }
0x13: {  	[tilespmem:s0], [sflag:$0x5] =	stream.linear.gather [hbm4b:s2+s0], $0x2800, $0x38;
	[tilespmem:$0x1C840] =	vst v63  }
0x14: {  	_ =	swait.ge [sflag:s18], $0x2800  }
0x15: {  	[sflag:s18] =	ssyncset.done $0x0  }
0x16: {  	s31 =	simm.s32 $0x5800;
	[sflag:s18] =	ssyncadd.s32 $0xFFFFD800  }
0x17: {  	[tilespmem:s31], [sflag:$0x5] =	stream.linear.gather [hbm4b:s7+s0], $0x2800, $0x38;
	[tilespmem:$0x1C840] =	vst v63  }
0x18: {  	_ =	swait.ge [sflag:s18], $0x2800  }
0x19: {  	[sflag:s18] =	ssyncset.done $0x0  }
0x1a: {  	s0 =	simm.s32 $0x0;
	[sflag:s18] =	ssyncadd.s32 $0xFFFFD800  }
0x1b: {  	v2 =	vld [tilespmem:s0+$0x0];
	_ =	sdelay $0x1  }
0x1c: {  	v3 =	vld [tilespmem:s0+$0x10]  }
0x1d: {  	v4 =	vld [tilespmem:s0+$0x20]  }
0x1e: {  	v5 =	vld [tilespmem:s0+$0x30]  }
0x1f: {  	v7 =	vld [tilespmem:s0+$0x40];
	v2 =	vmul.u32 $0x3, v2  }
0x20: {  	v8 =	vld [tilespmem:s0+$0x50]  }
0x21: {  	v9 =	vld [tilespmem:s0+$0x60];
	[tilespmem:s0+$0x0] =	vst v2;
	v2 =	vmul.u32 $0x3, v3  }
0x22: {  	v10 =	vld [tilespmem:s0+$0x70];
	v3 =	vmul.u32 $0x3, v4  }
0x23: {  	v11 =	vld [tilespmem:s0+$0x5800];
	[tilespmem:s0+$0x10] =	vst v2;
	v2 =	vmul.u32 $0x3, v5  }
0x24: {  	v12 =	vld [tilespmem:s0+$0x5810];
	[tilespmem:s0+$0x20] =	vst v3;
	v3 =	vmul.u32 $0x3, v7  }
0x25: {  	v6 =	vld [tilespmem:s0+$0x5820];
	v5 =	vmul.u32 $0x3, v8;
	[tilespmem:s0+$0x30] =	vst v2  }
0x26: {  	v4 =	vld [tilespmem:s0+$0x5830];
	v7 =	vmul.u32 $0x3, v9;
	[tilespmem:s0+$0x40] =	vst v3  }
0x27: {  	v9 =	vmul.u32 $0x3, v10;
	v2 =	vld [tilespmem:s0+$0x5840];
	[tilespmem:s0+$0x50] =	vst v5  }
0x28: {  	v3 =	vld [tilespmem:s0+$0x5850];
	[tilespmem:s0+$0x60] =	vst v7;
	v7 =	vsub.s32 v11, v0  }
0x29: {  	s19 =	simm.s32 $0x200;
	v8 =	vsub.s32 v12, v0;
	v5 =	vld [tilespmem:s0+$0x5860];
	[tilespmem:s0+$0x70] =	vst v9;
	v7 =	vmin.u32 v7, $0x1400  }
.LBB2_2:
0x2a: {  	s21 =	sshra.s32 s19, $0x2;
	p0 =	sne.s32 s19, $0x9E00;
	[tilespmem:s0+$0x5800] =	vst v7;
	v7 =	vmin.u32 v8, $0x1400;
	v6 =	vsub.s32 v6, v0;
	v8 =	vld [tilespmem:s0+$0x5870]  }
0x2b: {  	v9 =	vld [tilespmem:s21+$0x0];
	[tilespmem:s0+$0x5810] =	vst v7;
	v6 =	vmin.u32 v6, $0x1400;
	v4 =	vsub.s32 v4, v0  }
0x2c: {  	v7 =	vld [tilespmem:s21+$0x10];
	[tilespmem:s0+$0x5820] =	vst v6;
	v4 =	vmin.u32 v4, $0x1400;
	v2 =	vsub.s32 v2, v0  }
0x2d: {  	v6 =	vld [tilespmem:s21+$0x20];
	[tilespmem:s0+$0x5830] =	vst v4;
	v2 =	vmin.u32 v2, $0x1400;
	v3 =	vsub.s32 v3, v0  }
0x2e: {  	v4 =	vld [tilespmem:s21+$0x30];
	[tilespmem:s0+$0x5840] =	vst v2;
	v2 =	vmin.u32 v3, $0x1400;
	v3 =	vsub.s32 v5, v0  }
0x2f: {  	v5 =	vld [tilespmem:s21+$0x40];
	[tilespmem:s0+$0x5850] =	vst v2;
	v2 =	vmin.u32 v3, $0x1400;
	v3 =	vsub.s32 v8, v0  }
0x30: {  	v8 =	vmul.u32 $0x3, v9;
	v9 =	vld [tilespmem:s21+$0x50];
	[tilespmem:s0+$0x5860] =	vst v2;
	v2 =	vmin.u32 v3, $0x1400  }
0x31: {  	v3 =	vmul.u32 $0x3, v7;
	v7 =	vld [tilespmem:s21+$0x60];
	[tilespmem:s0+$0x5870] =	vst v2;
	s0 =	smov.u32 s21  }
0x32: {  	[tilespmem:s0+$0x0] =	vst v8;
	v2 =	vmul.u32 $0x3, v6;
	v8 =	vld [tilespmem:s0+$0x70]  }
0x33: {  	v10 =	vld [tilespmem:s0+$0x5800];
	[tilespmem:s0+$0x10] =	vst v3;
	v3 =	vmul.u32 $0x3, v4  }
0x34: {  	v11 =	vld [tilespmem:s0+$0x5810];
	[tilespmem:s0+$0x20] =	vst v2;
	v2 =	vmul.u32 $0x3, v5  }
.Ltmp0:
0x35: {  	v6 =	vld [tilespmem:s0+$0x5820];
	[tilespmem:s0+$0x30] =	vst v3;
	v3 =	vmul.u32 $0x3, v9;
	(pc) =	sbr.rel @p0 .LBB2_2-.Ltmp0, $4  }
0x36: {  	v4 =	vld [tilespmem:s0+$0x5830];
	[tilespmem:s0+$0x40] =	vst v2;
	v5 =	vmul.u32 $0x3, v7  }
0x37: {  	v2 =	vld [tilespmem:s0+$0x5840];
	[tilespmem:s0+$0x50] =	vst v3;
	v9 =	vmul.u32 $0x3, v8  }
0x38: {  	v7 =	vsub.s32 v10, v0;
	v3 =	vld [tilespmem:s0+$0x5850];
	[tilespmem:s0+$0x60] =	vst v5  }
0x39: {  	s19 =	sadd.s32 $0x200, s19;
	v7 =	vmin.u32 v7, $0x1400;
	v8 =	vsub.s32 v11, v0;
	v5 =	vld [tilespmem:s0+$0x5860];
	[tilespmem:s0+$0x70] =	vst v9  }
0x3a: {  	[tilespmem:s0+$0x5800] =	vst v7;
	v7 =	vmin.u32 v8, $0x1400;
	v6 =	vsub.s32 v6, v0;
	v8 =	vld [tilespmem:s0+$0x5870]  }
0x3b: {  	[tilespmem:s0+$0x5810] =	vst v7;
	v6 =	vmin.u32 v6, $0x1400;
	v4 =	vsub.s32 v4, v0  }
0x3c: {  	[tilespmem:s0+$0x5820] =	vst v6;
	v4 =	vmin.u32 v4, $0x1400;
	v2 =	vsub.s32 v2, v0  }
0x3d: {  	[tilespmem:s0+$0x5830] =	vst v4;
	v2 =	vmin.u32 v2, $0x1400;
	v3 =	vsub.s32 v3, v0  }
0x3e: {  	[tilespmem:s0+$0x5840] =	vst v2;
	v2 =	vmin.u32 v3, $0x1400;
	v3 =	vsub.s32 v5, v0  }
0x3f: {  	[tilespmem:s0+$0x5850] =	vst v2;
	v2 =	vmin.u32 v3, $0x1400;
	v3 =	vsub.s32 v8, v0  }
0x40: {  	[tilespmem:s0+$0x5860] =	vst v2;
	v2 =	vmin.u32 v3, $0x1400  }
0x41: {  	[tilespmem:s0+$0x5870] =	vst v2  }
0x42: {  	[tilespmem:$0x2800] =	vst v1  }
0x43: {  	[tilespmem:$0x2810] =	vst v1  }
0x44: {  	[tilespmem:$0x2820] =	vst v1  }
0x45: {  	[tilespmem:$0x2830] =	vst v1  }
0x46: {  	[tilespmem:$0x2840] =	vst v1  }
0x47: {  	[tilespmem:$0x2850] =	vst v1  }
0x48: {  	[tilespmem:$0x2860] =	vst v1  }
0x49: {  	s31 =	simm.s32 $0x0;
	[tilespmem:$0x2870] =	vst v1  }
0x4a: {  	[tilespmem:s20], [sflag:$0x5] =	stream.linear.gather [hbm4b:s8+s31], $0x2800, $0x38;
	[tilespmem:$0x1C840] =	vst v63  }
0x4b: {  	_ =	swait.ge [sflag:s18], $0x2800  }
0x4c: {  	[sflag:s18] =	ssyncset.done $0x0  }
0x4d: {  	s2 =	simm.s32 $0x8000;
	[sflag:s18] =	ssyncadd.s32 $0xFFFFD800  }
0x4e: {  	[tilespmem:s2], [sflag:$0x5] =	stream.linear.gather [hbm4b:s9+s31], $0x2800, $0x38;
	[tilespmem:$0x1C840] =	vst v63  }
0x4f: {  	_ =	swait.ge [sflag:s18], $0x2800  }
0x50: {  	[sflag:s18] =	ssyncset.done $0x0  }
0x51: {  	s0 =	simm.s32 $0x0;
	[sflag:s18] =	ssyncadd.s32 $0xFFFFD800  }
0x52: {  	v2 =	vld [tilespmem:s0+$0x2C00];
	_ =	sdelay $0x1  }
0x53: {  	v3 =	vld [tilespmem:s0+$0x2C10]  }
0x54: {  	v4 =	vld [tilespmem:s0+$0x2C20]  }
0x55: {  	v5 =	vld [tilespmem:s0+$0x2C30]  }
0x56: {  	v7 =	vld [tilespmem:s0+$0x2C40];
	v2 =	vmul.u32 $0x3, v2  }
0x57: {  	v8 =	vld [tilespmem:s0+$0x2C50]  }
0x58: {  	v9 =	vld [tilespmem:s0+$0x2C60];
	[tilespmem:s0+$0x2C00] =	vst v2;
	v2 =	vmul.u32 $0x3, v3  }
0x59: {  	v10 =	vld [tilespmem:s0+$0x2C70];
	v3 =	vmul.u32 $0x3, v4  }
0x5a: {  	v11 =	vld [tilespmem:s0+$0x8000];
	[tilespmem:s0+$0x2C10] =	vst v2;
	v2 =	vmul.u32 $0x3, v5  }
0x5b: {  	v12 =	vld [tilespmem:s0+$0x8010];
	[tilespmem:s0+$0x2C20] =	vst v3;
	v3 =	vmul.u32 $0x3, v7  }
0x5c: {  	v6 =	vld [tilespmem:s0+$0x8020];
	v5 =	vmul.u32 $0x3, v8;
	[tilespmem:s0+$0x2C30] =	vst v2  }
0x5d: {  	v4 =	vld [tilespmem:s0+$0x8030];
	v7 =	vmul.u32 $0x3, v9;
	[tilespmem:s0+$0x2C40] =	vst v3  }
0x5e: {  	v9 =	vmul.u32 $0x3, v10;
	v2 =	vld [tilespmem:s0+$0x8040];
	[tilespmem:s0+$0x2C50] =	vst v5  }
0x5f: {  	v3 =	vld [tilespmem:s0+$0x8050];
	[tilespmem:s0+$0x2C60] =	vst v7;
	v7 =	vsub.s32 v11, v0  }
0x60: {  	s19 =	simm.s32 $0x200;
	v8 =	vsub.s32 v12, v0;
	v5 =	vld [tilespmem:s0+$0x8060];
	[tilespmem:s0+$0x2C70] =	vst v9;
	v7 =	vmin.u32 v7, $0x1400  }
.LBB2_4:
0x61: {  	s21 =	sshra.s32 s19, $0x2;
	p0 =	sne.s32 s19, $0x9E00;
	[tilespmem:s0+$0x8000] =	vst v7;
	v7 =	vmin.u32 v8, $0x1400;
	v6 =	vsub.s32 v6, v0;
	v8 =	vld [tilespmem:s0+$0x8070]  }
0x62: {  	v9 =	vld [tilespmem:s21+$0x2C00];
	[tilespmem:s0+$0x8010] =	vst v7;
	v6 =	vmin.u32 v6, $0x1400;
	v4 =	vsub.s32 v4, v0  }
0x63: {  	v7 =	vld [tilespmem:s21+$0x2C10];
	[tilespmem:s0+$0x8020] =	vst v6;
	v4 =	vmin.u32 v4, $0x1400;
	v2 =	vsub.s32 v2, v0  }
0x64: {  	v6 =	vld [tilespmem:s21+$0x2C20];
	[tilespmem:s0+$0x8030] =	vst v4;
	v2 =	vmin.u32 v2, $0x1400;
	v3 =	vsub.s32 v3, v0  }
0x65: {  	v4 =	vld [tilespmem:s21+$0x2C30];
	[tilespmem:s0+$0x8040] =	vst v2;
	v2 =	vmin.u32 v3, $0x1400;
	v3 =	vsub.s32 v5, v0  }
0x66: {  	v5 =	vld [tilespmem:s21+$0x2C40];
	[tilespmem:s0+$0x8050] =	vst v2;
	v2 =	vmin.u32 v3, $0x1400;
	v3 =	vsub.s32 v8, v0  }
0x67: {  	v8 =	vmul.u32 $0x3, v9;
	v9 =	vld [tilespmem:s21+$0x2C50];
	[tilespmem:s0+$0x8060] =	vst v2;
	v2 =	vmin.u32 v3, $0x1400  }
0x68: {  	v3 =	vmul.u32 $0x3, v7;
	v7 =	vld [tilespmem:s21+$0x2C60];
	[tilespmem:s0+$0x8070] =	vst v2;
	s0 =	smov.u32 s21  }
0x69: {  	[tilespmem:s0+$0x2C00] =	vst v8;
	v2 =	vmul.u32 $0x3, v6;
	v8 =	vld [tilespmem:s0+$0x2C70]  }
0x6a: {  	v10 =	vld [tilespmem:s0+$0x8000];
	[tilespmem:s0+$0x2C10] =	vst v3;
	v3 =	vmul.u32 $0x3, v4  }
0x6b: {  	v11 =	vld [tilespmem:s0+$0x8010];
	[tilespmem:s0+$0x2C20] =	vst v2;
	v2 =	vmul.u32 $0x3, v5  }
.Ltmp1:
0x6c: {  	v6 =	vld [tilespmem:s0+$0x8020];
	[tilespmem:s0+$0x2C30] =	vst v3;
	v3 =	vmul.u32 $0x3, v9;
	(pc) =	sbr.rel @p0 .LBB2_4-.Ltmp1, $4  }
0x6d: {  	v4 =	vld [tilespmem:s0+$0x8030];
	[tilespmem:s0+$0x2C40] =	vst v2;
	v5 =	vmul.u32 $0x3, v7  }
0x6e: {  	v2 =	vld [tilespmem:s0+$0x8040];
	[tilespmem:s0+$0x2C50] =	vst v3;
	v9 =	vmul.u32 $0x3, v8  }
0x6f: {  	v7 =	vsub.s32 v10, v0;
	v3 =	vld [tilespmem:s0+$0x8050];
	[tilespmem:s0+$0x2C60] =	vst v5  }
0x70: {  	s19 =	sadd.s32 $0x200, s19;
	v7 =	vmin.u32 v7, $0x1400;
	v8 =	vsub.s32 v11, v0;
	v5 =	vld [tilespmem:s0+$0x8060];
	[tilespmem:s0+$0x2C70] =	vst v9  }
0x71: {  	[tilespmem:s0+$0x8000] =	vst v7;
	v62 =	vmin.u32 v8, $0x1400;
	v6 =	vsub.s32 v6, v0;
	v63 =	vld [tilespmem:s0+$0x8070]  }
0x72: {  	[tilespmem:s0+$0x8010] =	vst v62;
	v6 =	vmin.u32 v6, $0x1400;
	v4 =	vsub.s32 v4, v0  }
0x73: {  	[tilespmem:s0+$0x8020] =	vst v6;
	v4 =	vmin.u32 v4, $0x1400;
	v2 =	vsub.s32 v2, v0  }
0x74: {  	[tilespmem:s0+$0x8030] =	vst v4;
	v2 =	vmin.u32 v2, $0x1400;
	v3 =	vsub.s32 v3, v0  }
0x75: {  	[tilespmem:s0+$0x8040] =	vst v2;
	v2 =	vmin.u32 v3, $0x1400;
	v3 =	vsub.s32 v5, v0  }
0x76: {  	[tilespmem:s0+$0x8050] =	vst v2;
	v2 =	vmin.u32 v3, $0x1400;
	v3 =	vsub.s32 v63, v0  }
0x77: {  	[tilespmem:s0+$0x8060] =	vst v2;
	v2 =	vmin.u32 v3, $0x1400  }
0x78: {  	[tilespmem:s0+$0x8070] =	vst v2  }
0x79: {  	[tilespmem:$0x5400] =	vst v1  }
0x7a: {  	[tilespmem:$0x5410] =	vst v1  }
0x7b: {  	[tilespmem:$0x5420] =	vst v1  }
0x7c: {  	[tilespmem:$0x5430] =	vst v1  }
0x7d: {  	[tilespmem:$0x5440] =	vst v1  }
0x7e: {  	s21 =	stileid.u32;
	[tilespmem:$0x5450] =	vst v1  }
0x7f: {  	s0 =	sshll.u32 s21, $0x6;
	[tilespmem:$0x5460] =	vst v1  }
0x80: {  	[tilespmem:$0x5470] =	vst v1;
	s31 =	sor.u32 $0x1C05, s0;
	s0 =	sshrl.u32 s10, $0x3  }
0x81: {  	[spmem:s0], [sflag:s31] =	dma.local [hbm:s11], $0x1400  }
0x82: {  	_ =	swait.ge [sflag:s18], $0x1400  }
0x83: {  	[sflag:s18] =	ssyncset.done $0x0  }
0x84: {  	[sflag:s18] =	ssyncadd.s32 $0xFFFFEC00  }
0x85: {  	s19 =	simm.s32 $0x0;
	[bflag:$0x0] =	sbarrier.arrive $0xFFFF  }
0x86: {  	[tilespmem:s23], [sflag:$0x1] =	stream.indirect.gather [hbm4b:s4+s22], $0x80, s19, s22, $0xb8;
	[tilespmem:$0x1C840] =	vst v63  }
0x87: {  	s2 =	simm.s32 $0x80  }
0x88: {  	[tilespmem:s24], [sflag:$0x2] =	stream.indirect.gather [hbm4b:s4+s22], $0x80, s2, s22, $0xb8;
	[tilespmem:$0x1C840] =	vst v63  }
0x89: {  	_ =	swait.ge [sflag:s25], $0x4000  }
0x8a: {  	[sflag:s25] =	ssyncset.done $0x0  }
0x8b: {  	s3 =	simm.s32 $0x5800;
	[sflag:s25] =	ssyncadd.s32 $0xFFFFC000  }
0x8c: {  	[spmem:s1] =	stream.indirect.scatter.add.f32 [tilespmem:s23], [sflag:$0x3], $0x80, s3, s22, $0xb8;
	[tilespmem:$0x1C840] =	vst v63  }
0x8d: {  	_ =	swait.ge [sflag:s26], $0x4000  }
0x8e: {  	[sflag:s26] =	ssyncset.done $0x0  }
0x8f: {  	s6 =	simm.s32 $0x100;
	[sflag:s26] =	ssyncadd.s32 $0xFFFFC000  }
0x90: {  	[tilespmem:s23], [sflag:$0x1] =	stream.indirect.gather [hbm4b:s4+s22], $0x80, s6, s22, $0xb8;
	[tilespmem:$0x1C840] =	vst v63  }
0x91: {  	_ =	swait.ge [sflag:s28], $0x4000  }
0x92: {  	[sflag:s28] =	ssyncset.done $0x0  }
0x93: {  	s21 =	simm.s32 $0x5880;
	[sflag:s28] =	ssyncadd.s32 $0xFFFFC000  }
0x94: {  	[spmem:s1] =	stream.indirect.scatter.add.f32 [tilespmem:s24], [sflag:$0x4], $0x80, s21, s22, $0xb8;
	[tilespmem:$0x1C840] =	vst v63  }
0x95: {  	_ =	swait.ge [sflag:s29], $0x4000  }
0x96: {  	s19 =	simm.s32 $0x100;
	s21 =	simm.s32 $0x800;
	[sflag:s29] =	ssyncset.done $0x0  }
.LBB2_6:
0x97: {  	s2 =	sadd.s32 $0x80, s19  }
0x98: {  	[sflag:s29] =	ssyncadd.s32 $0xFFFFC000;
	s3 =	smov.u32 s21;
	s6 =	sadd.s32 $0x400, s21  }
0x99: {  	[tilespmem:s24], [sflag:$0x2] =	stream.indirect.gather [hbm4b:s4+s22], $0x80, s2, s22, $0xb8;
	[tilespmem:$0x1C840] =	vst v63  }
0x9a: {  	p0 =	sne.s32 s21, $0x9C00;
	_ =	swait.ge [sflag:s25], $0x4000  }
0x9b: {  	[sflag:s25] =	ssyncset.done $0x0  }
0x9c: {  	s2 =	sadd.s32 $0x5800, s19;
	[sflag:s25] =	ssyncadd.s32 $0xFFFFC000  }
0x9d: {  	[spmem:s1] =	stream.indirect.scatter.add.f32 [tilespmem:s23], [sflag:$0x3], $0x80, s2, s22, $0xb8;
	[tilespmem:$0x1C840] =	vst v63  }
0x9e: {  	_ =	swait.ge [sflag:s26], $0x4000  }
0x9f: {  	[sflag:s26] =	ssyncset.done $0x0  }
0xa0: {  	s2 =	sadd.s32 $0x100, s19;
	[sflag:s26] =	ssyncadd.s32 $0xFFFFC000  }
0xa1: {  	[tilespmem:s23], [sflag:$0x1] =	stream.indirect.gather [hbm4b:s4+s22], $0x80, s2, s22, $0xb8;
	[tilespmem:$0x1C840] =	vst v63  }
0xa2: {  	_ =	swait.ge [sflag:s28], $0x4000  }
.Ltmp2:
0xa3: {  	[sflag:s28] =	ssyncset.done $0x0;
	(pc) =	sbr.rel @p0 .LBB2_6-.Ltmp2, $4  }
0xa4: {  	s2 =	sadd.s32 $0x5880, s19;
	[sflag:s28] =	ssyncadd.s32 $0xFFFFC000  }
0xa5: {  	[spmem:s1] =	stream.indirect.scatter.add.f32 [tilespmem:s24], [sflag:$0x4], $0x80, s2, s22, $0xb8;
	[tilespmem:$0x1C840] =	vst v63  }
0xa6: {  	_ =	swait.ge [sflag:s29], $0x4000  }
0xa7: {  	s21 =	smov.u32 s6;
	s19 =	sshra.s32 s3, $0x2;
	[sflag:s29] =	ssyncset.done $0x0  }
0xa8: {  	s2 =	sadd.s32 $0x80, s19;
	[sflag:s29] =	ssyncadd.s32 $0xFFFFC000  }
0xa9: {  	[tilespmem:s24], [sflag:$0x2] =	stream.indirect.gather [hbm4b:s4+s22], $0x80, s2, s22, $0xb8;
	[tilespmem:$0x1C840] =	vst v63  }
0xaa: {  	_ =	swait.ge [sflag:s25], $0x4000  }
0xab: {  	[sflag:s25] =	ssyncset.done $0x0  }
0xac: {  	s3 =	sadd.s32 $0x5800, s19;
	[sflag:s25] =	ssyncadd.s32 $0xFFFFC000  }
0xad: {  	[spmem:s1] =	stream.indirect.scatter.add.f32 [tilespmem:s23], [sflag:$0x3], $0x80, s3, s22, $0xb8;
	[tilespmem:$0x1C840] =	vst v63  }
0xae: {  	_ =	swait.ge [sflag:s26], $0x4000  }
0xaf: {  	[sflag:s26] =	ssyncset.done $0x0  }
0xb0: {  	s6 =	sadd.s32 $0x100, s19;
	[sflag:s26] =	ssyncadd.s32 $0xFFFFC000  }
0xb1: {  	[tilespmem:s23], [sflag:$0x1] =	stream.indirect.gather [hbm4b:s4+s22], $0x80, s6, s22, $0xb8;
	[tilespmem:$0x1C840] =	vst v63  }
0xb2: {  	_ =	swait.ge [sflag:s28], $0x4000  }
0xb3: {  	[sflag:s28] =	ssyncset.done $0x0  }
0xb4: {  	s21 =	sadd.s32 $0x5880, s19;
	[sflag:s28] =	ssyncadd.s32 $0xFFFFC000  }
0xb5: {  	[spmem:s1] =	stream.indirect.scatter.add.f32 [tilespmem:s24], [sflag:$0x4], $0x80, s21, s22, $0xb8;
	[tilespmem:$0x1C840] =	vst v63  }
0xb6: {  	_ =	swait.ge [sflag:s29], $0x4000  }
0xb7: {  	[sflag:s29] =	ssyncset.done $0x0  }
0xb8: {  	[sflag:s29] =	ssyncadd.s32 $0xFFFFC000  }
0xb9: {  	_ =	swait.ge [sflag:s25], $0x4000  }
0xba: {  	[sflag:s25] =	ssyncset.done $0x0  }
0xbb: {  	[sflag:s25] =	ssyncadd.s32 $0xFFFFC000  }
0xbc: {  	[tilespmem:s23], [sflag:$0x1] =	stream.indirect.gather [hbm4b:s5+s22], $0x80, s20, s22, $0xb8;
	[tilespmem:$0x1C840] =	vst v63  }
0xbd: {  	s3 =	simm.s32 $0x2C80  }
0xbe: {  	[tilespmem:s24], [sflag:$0x2] =	stream.indirect.gather [hbm4b:s5+s22], $0x80, s3, s22, $0xb8;
	[tilespmem:$0x1C840] =	vst v63  }
0xbf: {  	_ =	swait.ge [sflag:s25], $0x4000  }
0xc0: {  	[sflag:s25] =	ssyncset.done $0x0  }
0xc1: {  	s6 =	simm.s32 $0x8000;
	[sflag:s25] =	ssyncadd.s32 $0xFFFFC000  }
0xc2: {  	[spmem:s1] =	stream.indirect.scatter.add.f32 [tilespmem:s23], [sflag:$0x3], $0x80, s6, s22, $0xb8;
	[tilespmem:$0x1C840] =	vst v63  }
0xc3: {  	_ =	swait.ge [sflag:s26], $0x4000  }
0xc4: {  	[sflag:s26] =	ssyncset.done $0x0  }
0xc5: {  	s19 =	simm.s32 $0x2D00;
	[sflag:s26] =	ssyncadd.s32 $0xFFFFC000  }
0xc6: {  	[tilespmem:s23], [sflag:$0x1] =	stream.indirect.gather [hbm4b:s5+s22], $0x80, s19, s22, $0xb8;
	[tilespmem:$0x1C840] =	vst v63  }
0xc7: {  	_ =	swait.ge [sflag:s28], $0x4000  }
0xc8: {  	[sflag:s28] =	ssyncset.done $0x0  }
0xc9: {  	s21 =	simm.s32 $0x8080;
	[sflag:s28] =	ssyncadd.s32 $0xFFFFC000  }
0xca: {  	[spmem:s1] =	stream.indirect.scatter.add.f32 [tilespmem:s24], [sflag:$0x4], $0x80, s21, s22, $0xb8;
	[tilespmem:$0x1C840] =	vst v63  }
0xcb: {  	_ =	swait.ge [sflag:s29], $0x4000  }
0xcc: {  	s19 =	simm.s32 $0xFFFFD900;
	s21 =	simm.s32 $0xFFFF6800;
	[sflag:s29] =	ssyncset.done $0x0  }
.LBB2_8:
0xcd: {  	s2 =	sadd.s32 $0x5480, s19  }
0xce: {  	[sflag:s29] =	ssyncadd.s32 $0xFFFFC000;
	s3 =	smov.u32 s21;
	s6 =	sadd.s32 $0x400, s21  }
0xcf: {  	[tilespmem:s24], [sflag:$0x2] =	stream.indirect.gather [hbm4b:s5+s22], $0x80, s2, s22, $0xb8;
	[tilespmem:$0x1C840] =	vst v63  }
0xd0: {  	p0 =	sne.s32 s21, $0xFFFFFC00;
	_ =	swait.ge [sflag:s25], $0x4000  }
0xd1: {  	[sflag:s25] =	ssyncset.done $0x0  }
0xd2: {  	s2 =	sadd.s32 $0xA800, s19;
	[sflag:s25] =	ssyncadd.s32 $0xFFFFC000  }
0xd3: {  	[spmem:s1] =	stream.indirect.scatter.add.f32 [tilespmem:s23], [sflag:$0x3], $0x80, s2, s22, $0xb8;
	[tilespmem:$0x1C840] =	vst v63  }
0xd4: {  	_ =	swait.ge [sflag:s26], $0x4000  }
0xd5: {  	[sflag:s26] =	ssyncset.done $0x0  }
0xd6: {  	s2 =	sadd.s32 $0x5500, s19;
	[sflag:s26] =	ssyncadd.s32 $0xFFFFC000  }
0xd7: {  	[tilespmem:s23], [sflag:$0x1] =	stream.indirect.gather [hbm4b:s5+s22], $0x80, s2, s22, $0xb8;
	[tilespmem:$0x1C840] =	vst v63  }
0xd8: {  	_ =	swait.ge [sflag:s28], $0x4000  }
.Ltmp3:
0xd9: {  	[sflag:s28] =	ssyncset.done $0x0;
	(pc) =	sbr.rel @p0 .LBB2_8-.Ltmp3, $4  }
0xda: {  	s2 =	sadd.s32 $0xA880, s19;
	[sflag:s28] =	ssyncadd.s32 $0xFFFFC000  }
0xdb: {  	[spmem:s1] =	stream.indirect.scatter.add.f32 [tilespmem:s24], [sflag:$0x4], $0x80, s2, s22, $0xb8;
	[tilespmem:$0x1C840] =	vst v63  }
0xdc: {  	_ =	swait.ge [sflag:s29], $0x4000  }
0xdd: {  	s21 =	smov.u32 s6;
	s19 =	sshra.s32 s3, $0x2;
	[sflag:s29] =	ssyncset.done $0x0  }
0xde: {  	s2 =	sadd.s32 $0x5480, s19;
	[sflag:s29] =	ssyncadd.s32 $0xFFFFC000  }
0xdf: {  	[tilespmem:s24], [sflag:$0x2] =	stream.indirect.gather [hbm4b:s5+s22], $0x80, s2, s22, $0xb8;
	[tilespmem:$0x1C840] =	vst v63  }
0xe0: {  	_ =	swait.ge [sflag:s25], $0x4000  }
0xe1: {  	[sflag:s25] =	ssyncset.done $0x0  }
0xe2: {  	s3 =	sadd.s32 $0xA800, s19;
	[sflag:s25] =	ssyncadd.s32 $0xFFFFC000  }
0xe3: {  	[spmem:s1] =	stream.indirect.scatter.add.f32 [tilespmem:s23], [sflag:$0x3], $0x80, s3, s22, $0xb8;
	[tilespmem:$0x1C840] =	vst v63  }
0xe4: {  	_ =	swait.ge [sflag:s26], $0x4000  }
0xe5: {  	[sflag:s26] =	ssyncset.done $0x0  }
0xe6: {  	s6 =	sadd.s32 $0x5500, s19;
	[sflag:s26] =	ssyncadd.s32 $0xFFFFC000  }
0xe7: {  	[tilespmem:s23], [sflag:$0x1] =	stream.indirect.gather [hbm4b:s5+s22], $0x80, s6, s22, $0xb8;
	[tilespmem:$0x1C840] =	vst v63  }
0xe8: {  	_ =	swait.ge [sflag:s28], $0x4000  }
0xe9: {  	[sflag:s28] =	ssyncset.done $0x0  }
0xea: {  	s21 =	sadd.s32 $0xA880, s19;
	[sflag:s28] =	ssyncadd.s32 $0xFFFFC000  }
0xeb: {  	[spmem:s1] =	stream.indirect.scatter.add.f32 [tilespmem:s24], [sflag:$0x4], $0x80, s21, s22, $0xb8;
	[tilespmem:$0x1C840] =	vst v63  }
0xec: {  	_ =	swait.ge [sflag:s29], $0x4000  }
0xed: {  	[sflag:s29] =	ssyncset.done $0x0  }
0xee: {  	[sflag:s29] =	ssyncadd.s32 $0xFFFFC000  }
0xef: {  	_ =	swait.ge [sflag:s25], $0x4000  }
0xf0: {  	[sflag:s25] =	ssyncset.done $0x0  }
0xf1: {  	[sflag:s25] =	ssyncadd.s32 $0xFFFFC000  }
0xf2: {  	[bflag:$0x0] =	sbarrier.arrive $0xFFFF  }
0xf3: {  	[hbm:s12], [sflag:s31] =	dma.local [spmem:s0], $0x1400  }
0xf4: {  	_ =	swait.ge [sflag:s18], $0x1400  }
0xf5: {  	[sflag:s18] =	ssyncset.done $0x0  }
0xf6: {  	[sflag:s18] =	ssyncadd.s32 $0xFFFFEC00  }
0xf7: {  	s19 =	simm.s32 $0x0;
	[bflag:$0x0] =	sbarrier.arrive $0xFFFF  }
0xf8: {  	v2 =	vld [tilespmem:s19+$0x0]  }
0xf9: {  	v3 =	vld [tilespmem:s19+$0x10]  }
0xfa: {  	v4 =	vld [tilespmem:s19+$0x20]  }
0xfb: {  	v5 =	vld [tilespmem:s19+$0x30]  }
0xfc: {  	v6 =	vld [tilespmem:s19+$0x40]  }
0xfd: {  	v7 =	vld [tilespmem:s19+$0x50];
	v2 =	vadd.s32 $0x1, v2  }
0xfe: {  	v8 =	vld [tilespmem:s19+$0x60];
	[tilespmem:s19+$0x0] =	vst v2;
	v2 =	vadd.s32 $0x1, v3  }
0xff: {  	[tilespmem:s19+$0x10] =	vst v2;
	v2 =	vadd.s32 $0x1, v4;
	v4 =	vld [tilespmem:s19+$0x70]  }
0x100: {  	[tilespmem:s19+$0x20] =	vst v2;
	v2 =	vadd.s32 $0x1, v5;
	v5 =	vld [tilespmem:s19+$0x2C00]  }
0x101: {  	[tilespmem:s19+$0x30] =	vst v2;
	v2 =	vadd.s32 $0x1, v6;
	v6 =	vld [tilespmem:s19+$0x2C10]  }
0x102: {  	v3 =	vld [tilespmem:s19+$0x2C20];
	[tilespmem:s19+$0x40] =	vst v2;
	v2 =	vadd.s32 $0x1, v7  }
0x103: {  	v7 =	vadd.s32 $0x1, v8;
	[tilespmem:s19+$0x50] =	vst v2;
	v2 =	vld [tilespmem:s19+$0x2C30]  }
0x104: {  	[tilespmem:s19+$0x60] =	vst v7;
	v7 =	vadd.s32 $0x1, v4;
	v4 =	vld [tilespmem:s19+$0x2C40]  }
0x105: {  	[tilespmem:s19+$0x70] =	vst v7;
	v7 =	vadd.s32 $0x1, v5;
	v5 =	vld [tilespmem:s19+$0x2C50]  }
0x106: {  	s21 =	simm.s32 $0x200;
	[tilespmem:s19+$0x2C00] =	vst v7;
	v7 =	vadd.s32 $0x1, v6;
	v6 =	vld [tilespmem:s19+$0x2C60]  }
.LBB2_10:
0x107: {  	s2 =	sshra.s32 s21, $0x2;
	p0 =	sne.s32 s21, $0x9E00;
	[tilespmem:s19+$0x2C10] =	vst v7;
	v3 =	vadd.s32 $0x1, v3;
	v7 =	vld [tilespmem:s19+$0x2C70]  }
0x108: {  	v8 =	vld [tilespmem:s2+$0x0];
	[tilespmem:s19+$0x2C20] =	vst v3;
	v2 =	vadd.s32 $0x1, v2  }
0x109: {  	v3 =	vld [tilespmem:s2+$0x10];
	[tilespmem:s19+$0x2C30] =	vst v2;
	v2 =	vadd.s32 $0x1, v4  }
0x10a: {  	v4 =	vld [tilespmem:s2+$0x20];
	[tilespmem:s19+$0x2C40] =	vst v2;
	v2 =	vadd.s32 $0x1, v5  }
0x10b: {  	v5 =	vld [tilespmem:s2+$0x30];
	[tilespmem:s19+$0x2C50] =	vst v2;
	v2 =	vadd.s32 $0x1, v6  }
0x10c: {  	v6 =	vld [tilespmem:s2+$0x40];
	[tilespmem:s19+$0x2C60] =	vst v2;
	v2 =	vadd.s32 $0x1, v7  }
0x10d: {  	v7 =	vadd.s32 $0x1, v8;
	v8 =	vld [tilespmem:s2+$0x50];
	[tilespmem:s19+$0x2C70] =	vst v2;
	s19 =	smov.u32 s2  }
0x10e: {  	[tilespmem:s19+$0x0] =	vst v7;
	v2 =	vadd.s32 $0x1, v3;
	v7 =	vld [tilespmem:s19+$0x60]  }
0x10f: {  	[tilespmem:s19+$0x10] =	vst v2;
	v2 =	vadd.s32 $0x1, v4;
	v4 =	vld [tilespmem:s19+$0x70]  }
0x110: {  	[tilespmem:s19+$0x20] =	vst v2;
	v2 =	vadd.s32 $0x1, v5;
	v5 =	vld [tilespmem:s19+$0x2C00]  }
0x111: {  	[tilespmem:s19+$0x30] =	vst v2;
	v2 =	vadd.s32 $0x1, v6;
	v6 =	vld [tilespmem:s19+$0x2C10]  }
.Ltmp4:
0x112: {  	[tilespmem:s19+$0x40] =	vst v2;
	v2 =	vadd.s32 $0x1, v8;
	v3 =	vld [tilespmem:s19+$0x2C20];
	(pc) =	sbr.rel @p0 .LBB2_10-.Ltmp4, $4  }
0x113: {  	[tilespmem:s19+$0x50] =	vst v2;
	v7 =	vadd.s32 $0x1, v7;
	v2 =	vld [tilespmem:s19+$0x2C30]  }
0x114: {  	[tilespmem:s19+$0x60] =	vst v7;
	v7 =	vadd.s32 $0x1, v4;
	v4 =	vld [tilespmem:s19+$0x2C40]  }
0x115: {  	[tilespmem:s19+$0x70] =	vst v7;
	v7 =	vadd.s32 $0x1, v5;
	v5 =	vld [tilespmem:s19+$0x2C50]  }
0x116: {  	s21 =	sadd.s32 $0x200, s21;
	[tilespmem:s19+$0x2C00] =	vst v7;
	v7 =	vadd.s32 $0x1, v6;
	v6 =	vld [tilespmem:s19+$0x2C60]  }
0x117: {  	[tilespmem:s19+$0x2C10] =	vst v7;
	v3 =	vadd.s32 $0x1, v3;
	v63 =	vld [tilespmem:s19+$0x2C70]  }
0x118: {  	[tilespmem:s19+$0x2C20] =	vst v3;
	v2 =	vadd.s32 $0x1, v2  }
0x119: {  	[tilespmem:s19+$0x2C30] =	vst v2;
	v2 =	vadd.s32 $0x1, v4  }
0x11a: {  	[tilespmem:s19+$0x2C40] =	vst v2;
	v2 =	vadd.s32 $0x1, v5  }
0x11b: {  	[tilespmem:s19+$0x2C50] =	vst v2;
	v2 =	vadd.s32 $0x1, v6  }
0x11c: {  	[tilespmem:s19+$0x2C60] =	vst v2;
	v2 =	vadd.s32 $0x1, v63  }
0x11d: {  	[tilespmem:s19+$0x2C70] =	vst v2  }
0x11e: {  	[spmem:s0], [sflag:s31] =	dma.local [hbm:s13], $0x1400  }
0x11f: {  	_ =	swait.ge [sflag:s18], $0x1400  }
0x120: {  	[sflag:s18] =	ssyncset.done $0x0  }
0x121: {  	[sflag:s18] =	ssyncadd.s32 $0xFFFFEC00  }
0x122: {  	s2 =	simm.s32 $0x0;
	[bflag:$0x0] =	sbarrier.arrive $0xFFFF  }
0x123: {  	[tilespmem:s23], [sflag:$0x1] =	stream.indirect.gather [hbm4b:s4+s22], $0x80, s2, s22, $0xb8;
	[tilespmem:$0x1C840] =	vst v63  }
0x124: {  	s3 =	simm.s32 $0x80  }
0x125: {  	[tilespmem:s24], [sflag:$0x2] =	stream.indirect.gather [hbm4b:s4+s22], $0x80, s3, s22, $0xb8;
	[tilespmem:$0x1C840] =	vst v63  }
0x126: {  	_ =	swait.ge [sflag:s25], $0x4000  }
0x127: {  	[sflag:s25] =	ssyncset.done $0x0  }
0x128: {  	s6 =	simm.s32 $0x5800;
	[sflag:s25] =	ssyncadd.s32 $0xFFFFC000  }
0x129: {  	[spmem:s1] =	stream.indirect.scatter.add.f32 [tilespmem:s23], [sflag:$0x3], $0x80, s6, s22, $0xb8;
	[tilespmem:$0x1C840] =	vst v63  }
0x12a: {  	_ =	swait.ge [sflag:s26], $0x4000  }
0x12b: {  	[sflag:s26] =	ssyncset.done $0x0  }
0x12c: {  	s19 =	simm.s32 $0x100;
	[sflag:s26] =	ssyncadd.s32 $0xFFFFC000  }
0x12d: {  	[tilespmem:s23], [sflag:$0x1] =	stream.indirect.gather [hbm4b:s4+s22], $0x80, s19, s22, $0xb8;
	[tilespmem:$0x1C840] =	vst v63  }
0x12e: {  	_ =	swait.ge [sflag:s28], $0x4000  }
0x12f: {  	[sflag:s28] =	ssyncset.done $0x0  }
0x130: {  	s21 =	simm.s32 $0x5880;
	[sflag:s28] =	ssyncadd.s32 $0xFFFFC000  }
0x131: {  	[spmem:s1] =	stream.indirect.scatter.add.f32 [tilespmem:s24], [sflag:$0x4], $0x80, s21, s22, $0xb8;
	[tilespmem:$0x1C840] =	vst v63  }
0x132: {  	_ =	swait.ge [sflag:s29], $0x4000  }
0x133: {  	s19 =	simm.s32 $0x100;
	s21 =	simm.s32 $0x800;
	[sflag:s29] =	ssyncset.done $0x0  }
.LBB2_12:
0x134: {  	s2 =	sadd.s32 $0x80, s19  }
0x135: {  	[sflag:s29] =	ssyncadd.s32 $0xFFFFC000;
	s3 =	smov.u32 s21;
	s6 =	sadd.s32 $0x400, s21  }
0x136: {  	[tilespmem:s24], [sflag:$0x2] =	stream.indirect.gather [hbm4b:s4+s22], $0x80, s2, s22, $0xb8;
	[tilespmem:$0x1C840] =	vst v63  }
0x137: {  	p0 =	sne.s32 s21, $0x9C00;
	_ =	swait.ge [sflag:s25], $0x4000  }
0x138: {  	[sflag:s25] =	ssyncset.done $0x0  }
0x139: {  	s2 =	sadd.s32 $0x5800, s19;
	[sflag:s25] =	ssyncadd.s32 $0xFFFFC000  }
0x13a: {  	[spmem:s1] =	stream.indirect.scatter.add.f32 [tilespmem:s23], [sflag:$0x3], $0x80, s2, s22, $0xb8;
	[tilespmem:$0x1C840] =	vst v63  }
0x13b: {  	_ =	swait.ge [sflag:s26], $0x4000  }
0x13c: {  	[sflag:s26] =	ssyncset.done $0x0  }
0x13d: {  	s2 =	sadd.s32 $0x100, s19;
	[sflag:s26] =	ssyncadd.s32 $0xFFFFC000  }
0x13e: {  	[tilespmem:s23], [sflag:$0x1] =	stream.indirect.gather [hbm4b:s4+s22], $0x80, s2, s22, $0xb8;
	[tilespmem:$0x1C840] =	vst v63  }
0x13f: {  	_ =	swait.ge [sflag:s28], $0x4000  }
.Ltmp5:
0x140: {  	[sflag:s28] =	ssyncset.done $0x0;
	(pc) =	sbr.rel @p0 .LBB2_12-.Ltmp5, $4  }
0x141: {  	s2 =	sadd.s32 $0x5880, s19;
	[sflag:s28] =	ssyncadd.s32 $0xFFFFC000  }
0x142: {  	[spmem:s1] =	stream.indirect.scatter.add.f32 [tilespmem:s24], [sflag:$0x4], $0x80, s2, s22, $0xb8;
	[tilespmem:$0x1C840] =	vst v63  }
0x143: {  	_ =	swait.ge [sflag:s29], $0x4000  }
0x144: {  	s21 =	smov.u32 s6;
	s19 =	sshra.s32 s3, $0x2;
	[sflag:s29] =	ssyncset.done $0x0  }
0x145: {  	s2 =	sadd.s32 $0x80, s19;
	[sflag:s29] =	ssyncadd.s32 $0xFFFFC000  }
0x146: {  	[tilespmem:s24], [sflag:$0x2] =	stream.indirect.gather [hbm4b:s4+s22], $0x80, s2, s22, $0xb8;
	[tilespmem:$0x1C840] =	vst v63  }
0x147: {  	_ =	swait.ge [sflag:s25], $0x4000  }
0x148: {  	[sflag:s25] =	ssyncset.done $0x0  }
0x149: {  	s3 =	sadd.s32 $0x5800, s19;
	[sflag:s25] =	ssyncadd.s32 $0xFFFFC000  }
0x14a: {  	[spmem:s1] =	stream.indirect.scatter.add.f32 [tilespmem:s23], [sflag:$0x3], $0x80, s3, s22, $0xb8;
	[tilespmem:$0x1C840] =	vst v63  }
0x14b: {  	_ =	swait.ge [sflag:s26], $0x4000  }
0x14c: {  	[sflag:s26] =	ssyncset.done $0x0  }
0x14d: {  	s6 =	sadd.s32 $0x100, s19;
	[sflag:s26] =	ssyncadd.s32 $0xFFFFC000  }
0x14e: {  	[tilespmem:s23], [sflag:$0x1] =	stream.indirect.gather [hbm4b:s4+s22], $0x80, s6, s22, $0xb8;
	[tilespmem:$0x1C840] =	vst v63  }
0x14f: {  	_ =	swait.ge [sflag:s28], $0x4000  }
0x150: {  	[sflag:s28] =	ssyncset.done $0x0  }
0x151: {  	s21 =	sadd.s32 $0x5880, s19;
	[sflag:s28] =	ssyncadd.s32 $0xFFFFC000  }
0x152: {  	[spmem:s1] =	stream.indirect.scatter.add.f32 [tilespmem:s24], [sflag:$0x4], $0x80, s21, s22, $0xb8;
	[tilespmem:$0x1C840] =	vst v63  }
0x153: {  	_ =	swait.ge [sflag:s29], $0x4000  }
0x154: {  	[sflag:s29] =	ssyncset.done $0x0  }
0x155: {  	[sflag:s29] =	ssyncadd.s32 $0xFFFFC000  }
0x156: {  	_ =	swait.ge [sflag:s25], $0x4000  }
0x157: {  	[sflag:s25] =	ssyncset.done $0x0  }
0x158: {  	[sflag:s25] =	ssyncadd.s32 $0xFFFFC000  }
0x159: {  	[tilespmem:s23], [sflag:$0x1] =	stream.indirect.gather [hbm4b:s5+s22], $0x80, s20, s22, $0xb8;
	[tilespmem:$0x1C840] =	vst v63  }
0x15a: {  	s3 =	simm.s32 $0x2C80  }
0x15b: {  	[tilespmem:s24], [sflag:$0x2] =	stream.indirect.gather [hbm4b:s5+s22], $0x80, s3, s22, $0xb8;
	[tilespmem:$0x1C840] =	vst v63  }
0x15c: {  	_ =	swait.ge [sflag:s25], $0x4000  }
0x15d: {  	[sflag:s25] =	ssyncset.done $0x0  }
0x15e: {  	s6 =	simm.s32 $0x8000;
	[sflag:s25] =	ssyncadd.s32 $0xFFFFC000  }
0x15f: {  	[spmem:s1] =	stream.indirect.scatter.add.f32 [tilespmem:s23], [sflag:$0x3], $0x80, s6, s22, $0xb8;
	[tilespmem:$0x1C840] =	vst v63  }
0x160: {  	_ =	swait.ge [sflag:s26], $0x4000  }
0x161: {  	[sflag:s26] =	ssyncset.done $0x0  }
0x162: {  	s19 =	simm.s32 $0x2D00;
	[sflag:s26] =	ssyncadd.s32 $0xFFFFC000  }
0x163: {  	[tilespmem:s23], [sflag:$0x1] =	stream.indirect.gather [hbm4b:s5+s22], $0x80, s19, s22, $0xb8;
	[tilespmem:$0x1C840] =	vst v63  }
0x164: {  	_ =	swait.ge [sflag:s28], $0x4000  }
0x165: {  	[sflag:s28] =	ssyncset.done $0x0  }
0x166: {  	s21 =	simm.s32 $0x8080;
	[sflag:s28] =	ssyncadd.s32 $0xFFFFC000  }
0x167: {  	[spmem:s1] =	stream.indirect.scatter.add.f32 [tilespmem:s24], [sflag:$0x4], $0x80, s21, s22, $0xb8;
	[tilespmem:$0x1C840] =	vst v63  }
0x168: {  	_ =	swait.ge [sflag:s29], $0x4000  }
0x169: {  	s19 =	simm.s32 $0xFFFFD900;
	s21 =	simm.s32 $0xFFFF6800;
	[sflag:s29] =	ssyncset.done $0x0  }
.LBB2_14:
0x16a: {  	s2 =	sadd.s32 $0x5480, s19  }
0x16b: {  	[sflag:s29] =	ssyncadd.s32 $0xFFFFC000;
	s3 =	smov.u32 s21;
	s6 =	sadd.s32 $0x400, s21  }
0x16c: {  	[tilespmem:s24], [sflag:$0x2] =	stream.indirect.gather [hbm4b:s5+s22], $0x80, s2, s22, $0xb8;
	[tilespmem:$0x1C840] =	vst v63  }
0x16d: {  	p0 =	sne.s32 s21, $0xFFFFFC00;
	_ =	swait.ge [sflag:s25], $0x4000  }
0x16e: {  	[sflag:s25] =	ssyncset.done $0x0  }
0x16f: {  	s2 =	sadd.s32 $0xA800, s19;
	[sflag:s25] =	ssyncadd.s32 $0xFFFFC000  }
0x170: {  	[spmem:s1] =	stream.indirect.scatter.add.f32 [tilespmem:s23], [sflag:$0x3], $0x80, s2, s22, $0xb8;
	[tilespmem:$0x1C840] =	vst v63  }
0x171: {  	_ =	swait.ge [sflag:s26], $0x4000  }
0x172: {  	[sflag:s26] =	ssyncset.done $0x0  }
0x173: {  	s2 =	sadd.s32 $0x5500, s19;
	[sflag:s26] =	ssyncadd.s32 $0xFFFFC000  }
0x174: {  	[tilespmem:s23], [sflag:$0x1] =	stream.indirect.gather [hbm4b:s5+s22], $0x80, s2, s22, $0xb8;
	[tilespmem:$0x1C840] =	vst v63  }
0x175: {  	_ =	swait.ge [sflag:s28], $0x4000  }
.Ltmp6:
0x176: {  	[sflag:s28] =	ssyncset.done $0x0;
	(pc) =	sbr.rel @p0 .LBB2_14-.Ltmp6, $4  }
0x177: {  	s2 =	sadd.s32 $0xA880, s19;
	[sflag:s28] =	ssyncadd.s32 $0xFFFFC000  }
0x178: {  	[spmem:s1] =	stream.indirect.scatter.add.f32 [tilespmem:s24], [sflag:$0x4], $0x80, s2, s22, $0xb8;
	[tilespmem:$0x1C840] =	vst v63  }
0x179: {  	_ =	swait.ge [sflag:s29], $0x4000  }
0x17a: {  	s21 =	smov.u32 s6;
	s19 =	sshra.s32 s3, $0x2;
	[sflag:s29] =	ssyncset.done $0x0  }
0x17b: {  	s2 =	sadd.s32 $0x5480, s19;
	[sflag:s29] =	ssyncadd.s32 $0xFFFFC000  }
0x17c: {  	[tilespmem:s24], [sflag:$0x2] =	stream.indirect.gather [hbm4b:s5+s22], $0x80, s2, s22, $0xb8;
	[tilespmem:$0x1C840] =	vst v63  }
0x17d: {  	_ =	swait.ge [sflag:s25], $0x4000  }
0x17e: {  	[sflag:s25] =	ssyncset.done $0x0  }
0x17f: {  	s3 =	sadd.s32 $0xA800, s19;
	[sflag:s25] =	ssyncadd.s32 $0xFFFFC000  }
0x180: {  	[spmem:s1] =	stream.indirect.scatter.add.f32 [tilespmem:s23], [sflag:$0x3], $0x80, s3, s22, $0xb8;
	[tilespmem:$0x1C840] =	vst v63  }
0x181: {  	_ =	swait.ge [sflag:s26], $0x4000  }
0x182: {  	[sflag:s26] =	ssyncset.done $0x0  }
0x183: {  	s6 =	sadd.s32 $0x5500, s19;
	[sflag:s26] =	ssyncadd.s32 $0xFFFFC000  }
0x184: {  	[tilespmem:s23], [sflag:$0x1] =	stream.indirect.gather [hbm4b:s5+s22], $0x80, s6, s22, $0xb8;
	[tilespmem:$0x1C840] =	vst v63  }
0x185: {  	_ =	swait.ge [sflag:s28], $0x4000  }
0x186: {  	[sflag:s28] =	ssyncset.done $0x0  }
0x187: {  	s21 =	sadd.s32 $0xA880, s19;
	[sflag:s28] =	ssyncadd.s32 $0xFFFFC000  }
0x188: {  	[spmem:s1] =	stream.indirect.scatter.add.f32 [tilespmem:s24], [sflag:$0x4], $0x80, s21, s22, $0xb8;
	[tilespmem:$0x1C840] =	vst v63  }
0x189: {  	_ =	swait.ge [sflag:s29], $0x4000  }
0x18a: {  	[sflag:s29] =	ssyncset.done $0x0  }
0x18b: {  	[sflag:s29] =	ssyncadd.s32 $0xFFFFC000  }
0x18c: {  	_ =	swait.ge [sflag:s25], $0x4000  }
0x18d: {  	[sflag:s25] =	ssyncset.done $0x0  }
0x18e: {  	[sflag:s25] =	ssyncadd.s32 $0xFFFFC000  }
0x18f: {  	[bflag:$0x0] =	sbarrier.arrive $0xFFFF  }
0x190: {  	[hbm:s14], [sflag:s31] =	dma.local [spmem:s0], $0x1400  }
0x191: {  	_ =	swait.ge [sflag:s18], $0x1400  }
0x192: {  	[sflag:s18] =	ssyncset.done $0x0  }
0x193: {  	[sflag:s18] =	ssyncadd.s32 $0xFFFFEC00  }
0x194: {  	s19 =	simm.s32 $0x0;
	[bflag:$0x0] =	sbarrier.arrive $0xFFFF  }
0x195: {  	v2 =	vld [tilespmem:s19+$0x0]  }
0x196: {  	v3 =	vld [tilespmem:s19+$0x10]  }
0x197: {  	v4 =	vld [tilespmem:s19+$0x20]  }
0x198: {  	v5 =	vld [tilespmem:s19+$0x30]  }
0x199: {  	v6 =	vld [tilespmem:s19+$0x40]  }
0x19a: {  	v7 =	vld [tilespmem:s19+$0x50];
	v2 =	vadd.s32 $0x1, v2  }
0x19b: {  	v8 =	vld [tilespmem:s19+$0x60];
	[tilespmem:s19+$0x0] =	vst v2;
	v2 =	vadd.s32 $0x1, v3  }
0x19c: {  	[tilespmem:s19+$0x10] =	vst v2;
	v2 =	vadd.s32 $0x1, v4;
	v4 =	vld [tilespmem:s19+$0x70]  }
0x19d: {  	[tilespmem:s19+$0x20] =	vst v2;
	v2 =	vadd.s32 $0x1, v5;
	v5 =	vld [tilespmem:s19+$0x2C00]  }
0x19e: {  	[tilespmem:s19+$0x30] =	vst v2;
	v2 =	vadd.s32 $0x1, v6;
	v6 =	vld [tilespmem:s19+$0x2C10]  }
0x19f: {  	v3 =	vld [tilespmem:s19+$0x2C20];
	[tilespmem:s19+$0x40] =	vst v2;
	v2 =	vadd.s32 $0x1, v7  }
0x1a0: {  	v7 =	vadd.s32 $0x1, v8;
	[tilespmem:s19+$0x50] =	vst v2;
	v2 =	vld [tilespmem:s19+$0x2C30]  }
0x1a1: {  	[tilespmem:s19+$0x60] =	vst v7;
	v7 =	vadd.s32 $0x1, v4;
	v4 =	vld [tilespmem:s19+$0x2C40]  }
0x1a2: {  	[tilespmem:s19+$0x70] =	vst v7;
	v7 =	vadd.s32 $0x1, v5;
	v5 =	vld [tilespmem:s19+$0x2C50]  }
0x1a3: {  	s21 =	simm.s32 $0x200;
	[tilespmem:s19+$0x2C00] =	vst v7;
	v7 =	vadd.s32 $0x1, v6;
	v6 =	vld [tilespmem:s19+$0x2C60]  }
.LBB2_16:
0x1a4: {  	s2 =	sshra.s32 s21, $0x2;
	p0 =	sne.s32 s21, $0x9E00;
	[tilespmem:s19+$0x2C10] =	vst v7;
	v3 =	vadd.s32 $0x1, v3;
	v7 =	vld [tilespmem:s19+$0x2C70]  }
0x1a5: {  	v8 =	vld [tilespmem:s2+$0x0];
	[tilespmem:s19+$0x2C20] =	vst v3;
	v2 =	vadd.s32 $0x1, v2  }
0x1a6: {  	v3 =	vld [tilespmem:s2+$0x10];
	[tilespmem:s19+$0x2C30] =	vst v2;
	v2 =	vadd.s32 $0x1, v4  }
0x1a7: {  	v4 =	vld [tilespmem:s2+$0x20];
	[tilespmem:s19+$0x2C40] =	vst v2;
	v2 =	vadd.s32 $0x1, v5  }
0x1a8: {  	v5 =	vld [tilespmem:s2+$0x30];
	[tilespmem:s19+$0x2C50] =	vst v2;
	v2 =	vadd.s32 $0x1, v6  }
0x1a9: {  	v6 =	vld [tilespmem:s2+$0x40];
	[tilespmem:s19+$0x2C60] =	vst v2;
	v2 =	vadd.s32 $0x1, v7  }
0x1aa: {  	v7 =	vadd.s32 $0x1, v8;
	v8 =	vld [tilespmem:s2+$0x50];
	[tilespmem:s19+$0x2C70] =	vst v2;
	s19 =	smov.u32 s2  }
0x1ab: {  	[tilespmem:s19+$0x0] =	vst v7;
	v2 =	vadd.s32 $0x1, v3;
	v7 =	vld [tilespmem:s19+$0x60]  }
0x1ac: {  	[tilespmem:s19+$0x10] =	vst v2;
	v2 =	vadd.s32 $0x1, v4;
	v4 =	vld [tilespmem:s19+$0x70]  }
0x1ad: {  	[tilespmem:s19+$0x20] =	vst v2;
	v2 =	vadd.s32 $0x1, v5;
	v5 =	vld [tilespmem:s19+$0x2C00]  }
0x1ae: {  	[tilespmem:s19+$0x30] =	vst v2;
	v2 =	vadd.s32 $0x1, v6;
	v6 =	vld [tilespmem:s19+$0x2C10]  }
.Ltmp7:
0x1af: {  	[tilespmem:s19+$0x40] =	vst v2;
	v2 =	vadd.s32 $0x1, v8;
	v3 =	vld [tilespmem:s19+$0x2C20];
	(pc) =	sbr.rel @p0 .LBB2_16-.Ltmp7, $4  }
0x1b0: {  	[tilespmem:s19+$0x50] =	vst v2;
	v7 =	vadd.s32 $0x1, v7;
	v2 =	vld [tilespmem:s19+$0x2C30]  }
0x1b1: {  	[tilespmem:s19+$0x60] =	vst v7;
	v7 =	vadd.s32 $0x1, v4;
	v4 =	vld [tilespmem:s19+$0x2C40]  }
0x1b2: {  	[tilespmem:s19+$0x70] =	vst v7;
	v7 =	vadd.s32 $0x1, v5;
	v5 =	vld [tilespmem:s19+$0x2C50]  }
0x1b3: {  	s21 =	sadd.s32 $0x200, s21;
	[tilespmem:s19+$0x2C00] =	vst v7;
	v7 =	vadd.s32 $0x1, v6;
	v6 =	vld [tilespmem:s19+$0x2C60]  }
0x1b4: {  	[tilespmem:s19+$0x2C10] =	vst v7;
	v3 =	vadd.s32 $0x1, v3;
	v63 =	vld [tilespmem:s19+$0x2C70]  }
0x1b5: {  	[tilespmem:s19+$0x2C20] =	vst v3;
	v2 =	vadd.s32 $0x1, v2  }
0x1b6: {  	[tilespmem:s19+$0x2C30] =	vst v2;
	v2 =	vadd.s32 $0x1, v4  }
0x1b7: {  	[tilespmem:s19+$0x2C40] =	vst v2;
	v2 =	vadd.s32 $0x1, v5  }
0x1b8: {  	[tilespmem:s19+$0x2C50] =	vst v2;
	v2 =	vadd.s32 $0x1, v6  }
0x1b9: {  	[tilespmem:s19+$0x2C60] =	vst v2;
	v2 =	vadd.s32 $0x1, v63  }
0x1ba: {  	[tilespmem:s19+$0x2C70] =	vst v2  }
0x1bb: {  	[spmem:s0], [sflag:s31] =	dma.local [hbm:s15], $0x1400  }
0x1bc: {  	_ =	swait.ge [sflag:s18], $0x1400  }
0x1bd: {  	[sflag:s18] =	ssyncset.done $0x0  }
0x1be: {  	[sflag:s18] =	ssyncadd.s32 $0xFFFFEC00  }
0x1bf: {  	s2 =	simm.s32 $0x0;
	[bflag:$0x0] =	sbarrier.arrive $0xFFFF  }
0x1c0: {  	[tilespmem:s23], [sflag:$0x1] =	stream.indirect.gather [hbm4b:s4+s22], $0x80, s2, s22, $0xb8;
	[tilespmem:$0x1C840] =	vst v63  }
0x1c1: {  	s3 =	simm.s32 $0x80  }
0x1c2: {  	[tilespmem:s24], [sflag:$0x2] =	stream.indirect.gather [hbm4b:s4+s22], $0x80, s3, s22, $0xb8;
	[tilespmem:$0x1C840] =	vst v63  }
0x1c3: {  	_ =	swait.ge [sflag:s25], $0x4000  }
0x1c4: {  	[sflag:s25] =	ssyncset.done $0x0  }
0x1c5: {  	s6 =	simm.s32 $0x5800;
	[sflag:s25] =	ssyncadd.s32 $0xFFFFC000  }
0x1c6: {  	[spmem:s1] =	stream.indirect.scatter.add.f32 [tilespmem:s23], [sflag:$0x3], $0x80, s6, s22, $0xb8;
	[tilespmem:$0x1C840] =	vst v63  }
0x1c7: {  	_ =	swait.ge [sflag:s26], $0x4000  }
0x1c8: {  	[sflag:s26] =	ssyncset.done $0x0  }
0x1c9: {  	s19 =	simm.s32 $0x100;
	[sflag:s26] =	ssyncadd.s32 $0xFFFFC000  }
0x1ca: {  	[tilespmem:s23], [sflag:$0x1] =	stream.indirect.gather [hbm4b:s4+s22], $0x80, s19, s22, $0xb8;
	[tilespmem:$0x1C840] =	vst v63  }
0x1cb: {  	_ =	swait.ge [sflag:s28], $0x4000  }
0x1cc: {  	[sflag:s28] =	ssyncset.done $0x0  }
0x1cd: {  	s21 =	simm.s32 $0x5880;
	[sflag:s28] =	ssyncadd.s32 $0xFFFFC000  }
0x1ce: {  	[spmem:s1] =	stream.indirect.scatter.add.f32 [tilespmem:s24], [sflag:$0x4], $0x80, s21, s22, $0xb8;
	[tilespmem:$0x1C840] =	vst v63  }
0x1cf: {  	_ =	swait.ge [sflag:s29], $0x4000  }
0x1d0: {  	s19 =	simm.s32 $0x100;
	s21 =	simm.s32 $0x800;
	[sflag:s29] =	ssyncset.done $0x0  }
.LBB2_18:
0x1d1: {  	s2 =	sadd.s32 $0x80, s19  }
0x1d2: {  	[sflag:s29] =	ssyncadd.s32 $0xFFFFC000;
	s3 =	smov.u32 s21;
	s6 =	sadd.s32 $0x400, s21  }
0x1d3: {  	[tilespmem:s24], [sflag:$0x2] =	stream.indirect.gather [hbm4b:s4+s22], $0x80, s2, s22, $0xb8;
	[tilespmem:$0x1C840] =	vst v63  }
0x1d4: {  	p0 =	sne.s32 s21, $0x9C00;
	_ =	swait.ge [sflag:s25], $0x4000  }
0x1d5: {  	[sflag:s25] =	ssyncset.done $0x0  }
0x1d6: {  	s2 =	sadd.s32 $0x5800, s19;
	[sflag:s25] =	ssyncadd.s32 $0xFFFFC000  }
0x1d7: {  	[spmem:s1] =	stream.indirect.scatter.add.f32 [tilespmem:s23], [sflag:$0x3], $0x80, s2, s22, $0xb8;
	[tilespmem:$0x1C840] =	vst v63  }
0x1d8: {  	_ =	swait.ge [sflag:s26], $0x4000  }
0x1d9: {  	[sflag:s26] =	ssyncset.done $0x0  }
0x1da: {  	s2 =	sadd.s32 $0x100, s19;
	[sflag:s26] =	ssyncadd.s32 $0xFFFFC000  }
0x1db: {  	[tilespmem:s23], [sflag:$0x1] =	stream.indirect.gather [hbm4b:s4+s22], $0x80, s2, s22, $0xb8;
	[tilespmem:$0x1C840] =	vst v63  }
0x1dc: {  	_ =	swait.ge [sflag:s28], $0x4000  }
.Ltmp8:
0x1dd: {  	[sflag:s28] =	ssyncset.done $0x0;
	(pc) =	sbr.rel @p0 .LBB2_18-.Ltmp8, $4  }
0x1de: {  	s2 =	sadd.s32 $0x5880, s19;
	[sflag:s28] =	ssyncadd.s32 $0xFFFFC000  }
0x1df: {  	[spmem:s1] =	stream.indirect.scatter.add.f32 [tilespmem:s24], [sflag:$0x4], $0x80, s2, s22, $0xb8;
	[tilespmem:$0x1C840] =	vst v63  }
0x1e0: {  	_ =	swait.ge [sflag:s29], $0x4000  }
0x1e1: {  	s21 =	smov.u32 s6;
	s19 =	sshra.s32 s3, $0x2;
	[sflag:s29] =	ssyncset.done $0x0  }
0x1e2: {  	s2 =	sadd.s32 $0x80, s19;
	[sflag:s29] =	ssyncadd.s32 $0xFFFFC000  }
0x1e3: {  	[tilespmem:s24], [sflag:$0x2] =	stream.indirect.gather [hbm4b:s4+s22], $0x80, s2, s22, $0xb8;
	[tilespmem:$0x1C840] =	vst v63  }
0x1e4: {  	_ =	swait.ge [sflag:s25], $0x4000  }
0x1e5: {  	[sflag:s25] =	ssyncset.done $0x0  }
0x1e6: {  	s3 =	sadd.s32 $0x5800, s19;
	[sflag:s25] =	ssyncadd.s32 $0xFFFFC000  }
0x1e7: {  	[spmem:s1] =	stream.indirect.scatter.add.f32 [tilespmem:s23], [sflag:$0x3], $0x80, s3, s22, $0xb8;
	[tilespmem:$0x1C840] =	vst v63  }
0x1e8: {  	_ =	swait.ge [sflag:s26], $0x4000  }
0x1e9: {  	[sflag:s26] =	ssyncset.done $0x0  }
0x1ea: {  	s6 =	sadd.s32 $0x100, s19;
	[sflag:s26] =	ssyncadd.s32 $0xFFFFC000  }
0x1eb: {  	[tilespmem:s23], [sflag:$0x1] =	stream.indirect.gather [hbm4b:s4+s22], $0x80, s6, s22, $0xb8;
	[tilespmem:$0x1C840] =	vst v63  }
0x1ec: {  	_ =	swait.ge [sflag:s28], $0x4000  }
0x1ed: {  	[sflag:s28] =	ssyncset.done $0x0  }
0x1ee: {  	s21 =	sadd.s32 $0x5880, s19;
	[sflag:s28] =	ssyncadd.s32 $0xFFFFC000  }
0x1ef: {  	[spmem:s1] =	stream.indirect.scatter.add.f32 [tilespmem:s24], [sflag:$0x4], $0x80, s21, s22, $0xb8;
	[tilespmem:$0x1C840] =	vst v63  }
0x1f0: {  	_ =	swait.ge [sflag:s29], $0x4000  }
0x1f1: {  	[sflag:s29] =	ssyncset.done $0x0  }
0x1f2: {  	[sflag:s29] =	ssyncadd.s32 $0xFFFFC000  }
0x1f3: {  	_ =	swait.ge [sflag:s25], $0x4000  }
0x1f4: {  	[sflag:s25] =	ssyncset.done $0x0  }
0x1f5: {  	[sflag:s25] =	ssyncadd.s32 $0xFFFFC000  }
0x1f6: {  	[tilespmem:s23], [sflag:$0x1] =	stream.indirect.gather [hbm4b:s5+s22], $0x80, s20, s22, $0xb8;
	[tilespmem:$0x1C840] =	vst v63  }
0x1f7: {  	s3 =	simm.s32 $0x2C80  }
0x1f8: {  	[tilespmem:s24], [sflag:$0x2] =	stream.indirect.gather [hbm4b:s5+s22], $0x80, s3, s22, $0xb8;
	[tilespmem:$0x1C840] =	vst v63  }
0x1f9: {  	_ =	swait.ge [sflag:s25], $0x4000  }
0x1fa: {  	[sflag:s25] =	ssyncset.done $0x0  }
0x1fb: {  	s6 =	simm.s32 $0x8000;
	[sflag:s25] =	ssyncadd.s32 $0xFFFFC000  }
0x1fc: {  	[spmem:s1] =	stream.indirect.scatter.add.f32 [tilespmem:s23], [sflag:$0x3], $0x80, s6, s22, $0xb8;
	[tilespmem:$0x1C840] =	vst v63  }
0x1fd: {  	_ =	swait.ge [sflag:s26], $0x4000  }
0x1fe: {  	[sflag:s26] =	ssyncset.done $0x0  }
0x1ff: {  	s19 =	simm.s32 $0x2D00;
	[sflag:s26] =	ssyncadd.s32 $0xFFFFC000  }
0x200: {  	[tilespmem:s23], [sflag:$0x1] =	stream.indirect.gather [hbm4b:s5+s22], $0x80, s19, s22, $0xb8;
	[tilespmem:$0x1C840] =	vst v63  }
0x201: {  	_ =	swait.ge [sflag:s28], $0x4000  }
0x202: {  	[sflag:s28] =	ssyncset.done $0x0  }
0x203: {  	s21 =	simm.s32 $0x8080;
	[sflag:s28] =	ssyncadd.s32 $0xFFFFC000  }
0x204: {  	[spmem:s1] =	stream.indirect.scatter.add.f32 [tilespmem:s24], [sflag:$0x4], $0x80, s21, s22, $0xb8;
	[tilespmem:$0x1C840] =	vst v63  }
0x205: {  	_ =	swait.ge [sflag:s29], $0x4000  }
0x206: {  	s19 =	simm.s32 $0xFFFFD900;
	s21 =	simm.s32 $0xFFFF6800;
	[sflag:s29] =	ssyncset.done $0x0  }
.LBB2_20:
0x207: {  	s2 =	sadd.s32 $0x5480, s19  }
0x208: {  	[sflag:s29] =	ssyncadd.s32 $0xFFFFC000;
	s3 =	smov.u32 s21;
	s6 =	sadd.s32 $0x400, s21  }
0x209: {  	[tilespmem:s24], [sflag:$0x2] =	stream.indirect.gather [hbm4b:s5+s22], $0x80, s2, s22, $0xb8;
	[tilespmem:$0x1C840] =	vst v63  }
0x20a: {  	p0 =	sne.s32 s21, $0xFFFFFC00;
	_ =	swait.ge [sflag:s25], $0x4000  }
0x20b: {  	[sflag:s25] =	ssyncset.done $0x0  }
0x20c: {  	s2 =	sadd.s32 $0xA800, s19;
	[sflag:s25] =	ssyncadd.s32 $0xFFFFC000  }
0x20d: {  	[spmem:s1] =	stream.indirect.scatter.add.f32 [tilespmem:s23], [sflag:$0x3], $0x80, s2, s22, $0xb8;
	[tilespmem:$0x1C840] =	vst v63  }
0x20e: {  	_ =	swait.ge [sflag:s26], $0x4000  }
0x20f: {  	[sflag:s26] =	ssyncset.done $0x0  }
0x210: {  	s2 =	sadd.s32 $0x5500, s19;
	[sflag:s26] =	ssyncadd.s32 $0xFFFFC000  }
0x211: {  	[tilespmem:s23], [sflag:$0x1] =	stream.indirect.gather [hbm4b:s5+s22], $0x80, s2, s22, $0xb8;
	[tilespmem:$0x1C840] =	vst v63  }
0x212: {  	_ =	swait.ge [sflag:s28], $0x4000  }
.Ltmp9:
0x213: {  	[sflag:s28] =	ssyncset.done $0x0;
	(pc) =	sbr.rel @p0 .LBB2_20-.Ltmp9, $4  }
0x214: {  	s2 =	sadd.s32 $0xA880, s19;
	[sflag:s28] =	ssyncadd.s32 $0xFFFFC000  }
0x215: {  	[spmem:s1] =	stream.indirect.scatter.add.f32 [tilespmem:s24], [sflag:$0x4], $0x80, s2, s22, $0xb8;
	[tilespmem:$0x1C840] =	vst v63  }
0x216: {  	_ =	swait.ge [sflag:s29], $0x4000  }
0x217: {  	s21 =	smov.u32 s6;
	s19 =	sshra.s32 s3, $0x2;
	[sflag:s29] =	ssyncset.done $0x0  }
0x218: {  	s2 =	sadd.s32 $0x5480, s19;
	[sflag:s29] =	ssyncadd.s32 $0xFFFFC000  }
0x219: {  	[tilespmem:s24], [sflag:$0x2] =	stream.indirect.gather [hbm4b:s5+s22], $0x80, s2, s22, $0xb8;
	[tilespmem:$0x1C840] =	vst v63  }
0x21a: {  	_ =	swait.ge [sflag:s25], $0x4000  }
0x21b: {  	[sflag:s25] =	ssyncset.done $0x0  }
0x21c: {  	s3 =	sadd.s32 $0xA800, s19;
	[sflag:s25] =	ssyncadd.s32 $0xFFFFC000  }
0x21d: {  	[spmem:s1] =	stream.indirect.scatter.add.f32 [tilespmem:s23], [sflag:$0x3], $0x80, s3, s22, $0xb8;
	[tilespmem:$0x1C840] =	vst v63  }
0x21e: {  	_ =	swait.ge [sflag:s26], $0x4000  }
0x21f: {  	[sflag:s26] =	ssyncset.done $0x0  }
0x220: {  	s6 =	sadd.s32 $0x5500, s19;
	[sflag:s26] =	ssyncadd.s32 $0xFFFFC000  }
0x221: {  	[tilespmem:s23], [sflag:$0x1] =	stream.indirect.gather [hbm4b:s5+s22], $0x80, s6, s22, $0xb8;
	[tilespmem:$0x1C840] =	vst v63  }
0x222: {  	_ =	swait.ge [sflag:s28], $0x4000  }
0x223: {  	[sflag:s28] =	ssyncset.done $0x0  }
0x224: {  	s21 =	sadd.s32 $0xA880, s19;
	[sflag:s28] =	ssyncadd.s32 $0xFFFFC000  }
0x225: {  	[spmem:s1] =	stream.indirect.scatter.add.f32 [tilespmem:s24], [sflag:$0x4], $0x80, s21, s22, $0xb8;
	[tilespmem:$0x1C840] =	vst v63  }
0x226: {  	_ =	swait.ge [sflag:s29], $0x4000  }
0x227: {  	[sflag:s29] =	ssyncset.done $0x0  }
0x228: {  	[sflag:s29] =	ssyncadd.s32 $0xFFFFC000  }
0x229: {  	_ =	swait.ge [sflag:s25], $0x4000  }
0x22a: {  	s30 =	sadd.s32 $0x1, s30;
	[sflag:s25] =	ssyncset.done $0x0  }
0x22b: {  	p0 =	sne.s32 s30, s17;
	[sflag:s25] =	ssyncadd.s32 $0xFFFFC000  }
.Ltmp10:
0x22c: {  	[bflag:$0x0] =	sbarrier.arrive $0xFFFF;
	(pc) =	sbr.rel @p0 .LBB2_1-.Ltmp10, $4  }
0x22d: {  	[hbm:s16], [sflag:s31] =	dma.local [spmem:s0], $0x1400  }
0x22e: {  	_ =	swait.ge [sflag:s18], $0x1400  }
0x22f: {  	[sflag:s18] =	ssyncset.done $0x0  }
0x230: {  	[sflag:s18] =	ssyncadd.s32 $0xFFFFEC00  }
0x231: {  	_ =	sfence.sel $0x180000  }
0x232: {  	[bflag:$0x0] =	sbarrier.arrive $0xFFFF  }
0x233: {  	_ =	strace $0x90000047  }
0x234: {  	s0 =	stileid.u32;
	[bflag:$0x2] =	sbarrier.arrive $0xFFFF  }
0x235: {  	p0 =	sne.s32 s0, $0x0;
	s0 =	rddreg [dreg:$0x2]  }
0x236: {  	s0 =	sadd.s32 @!p0 $0x100000, s0  }
0x237: {  	[sflag:s0] =	ssyncadd.tile.s32 @!p0 $0x1;
	_ =	shalt  }
.Lfunc_end2:
_tile_overlayer_lowered:
.L_overlay_start_2:
0x238: {  	(tag) =	ssettag $0x2  }
0x239: {  	s0 =	rddreg [dreg:$0x0];
	s2 =	stileid.u32  }
0x23a: {  	s1 =	rddreg [dreg:$0x1];
	p0 =	sne.s32 s2, $0x0  }
0x23b: {  	s3 =	rddreg [dreg:$0x2];
	[bflag:$0x3] =	sbarrier.arrive $0xFFFF;
	s2 =	simm.s32 @!p0 $0x1C05  }
0x23c: {  	[timem:s3], [sflag:s2] =	dma.local @!p0 [hbm:s0], s1  }
0x23d: {  	s0 =	simm.s32 @!p0 $0x5  }
0x23e: {  	_ =	swait.ge @!p0 [sflag:s0], s1  }
0x23f: {  	s1 =	ssub.s32 @!p0 $0x0, s1;
	[sflag:s0] =	ssyncset.done @!p0 $0x0  }
0x240: {  	[sflag:s0] =	ssyncadd.s32 @!p0 s1  }
0x241: {  	[bflag:$0x3] =	sbarrier.arrive $0xFFFF  }
0x242: {  	_ =	shalt  }

</sc_bundles>
